<compile_context>
chip_gen: v7x
topology: tpu7x:2x2x1
jax: 0.10.2.dev20260603
libtpu: 0.0.44.dev20260713+nightly
codegen_flags: <defaults>
</compile_context>

<pallas_src>
import functools

import jax
import jax.numpy as jnp
from jax import lax
from jax.experimental import pallas as pl
from jax.experimental.pallas import tpu as pltpu
from jax.experimental.pallas import tpu_sc as plsc

L = 16
NW = 32
ROW = 128
CHUNK_ROWS = 6
NPHASE = 84


def _make_kernel(n_obs, n_points, n_cams):
    assert n_obs % ROW == 0
    n_rows = n_obs // ROW
    rows_base = n_rows // NW
    rows_extra = n_rows % NW
    chunk_obs = CHUNK_ROWS * ROW
    groups_per_chunk = chunk_obs // L
    assert (rows_base + 1 + CHUNK_ROWS - 1) // CHUNK_ROWS <= NPHASE
    assert NPHASE % 2 == 0

    mesh = plsc.VectorSubcoreMesh(core_axis_name="c", subcore_axis_name="s")

    plane_t = pltpu.VMEM((chunk_obs,), jnp.float32)
    buf_t = (
        [pltpu.VMEM((chunk_obs,), jnp.int32)] * 2
        + [plane_t] * 3
        + [plane_t] * 13
        + [pltpu.SemaphoreType.DMA] * 3
    )

    @functools.partial(
        pl.kernel,
        mesh=mesh,
        compiler_params=pltpu.CompilerParams(needs_layout_passes=False),
        out_type=tuple(jax.ShapeDtypeStruct((n_obs,), jnp.float32)
                       for _ in range(13)),
        scratch_types=[pltpu.VMEM((n_cams * 10,), jnp.float32)] + buf_t * 2,
    )
    def residual_kernel(cidx_hbm, pidx_hbm, ptx_hbm, pty_hbm, ptz_hbm,
                        cam_hbm, *rest):
        outs = rest[:13]
        cam_v = rest[13]
        bufs = rest[14:]
        A, B = bufs[:21], bufs[21:]
        w = lax.axis_index("s") * 2 + lax.axis_index("c")
        my_rows = rows_base + jnp.where(w < rows_extra, 1, 0)
        row_base = rows_base * w + jnp.minimum(w, rows_extra)

        pltpu.sync_copy(cam_hbm, cam_v)

        def base_ob(c):
            rb = row_base + jnp.minimum(c * CHUNK_ROWS, my_rows - CHUNK_ROWS)
            return rb * ROW

        def lin_issue(c, b):
            ob = base_ob(c)
            pltpu.async_copy(pidx_hbm.at[pl.ds(ob, chunk_obs)], b[0], b[18])
            pltpu.async_copy(cidx_hbm.at[pl.ds(ob, chunk_obs)], b[1], b[18])

        def lin_wait(b):
            pltpu.make_async_copy(
                pidx_hbm.at[pl.ds(0, chunk_obs)], b[0], b[18]).wait()
            pltpu.make_async_copy(
                cidx_hbm.at[pl.ds(0, chunk_obs)], b[1], b[18]).wait()

        def gather_fire(b):
            handles = []
            for j in range(CHUNK_ROWS):
                sl = pl.ds(j * ROW, ROW)
                idx = b[0].at[sl]
                for t, hbm in ((2, ptx_hbm), (3, pty_hbm), (4, ptz_hbm)):
                    handles.append(
                        pltpu.async_copy(hbm.at[idx], b[t].at[sl], b[19]))
            return handles

        def out_issue(c, b):
            ob = base_ob(c)
            for t in range(13):
                pltpu.async_copy(
                    b[5 + t], outs[t].at[pl.ds(ob, chunk_obs)], b[20])

        def out_wait(b):
            for t in range(13):
                pltpu.make_async_copy(
                    b[5 + t], outs[t].at[pl.ds(0, chunk_obs)], b[20]).wait()

        def stage_cam(b):
            def do_group(g, carry):
                sl = pl.ds(g * L, L)
                ci10 = b[1][sl] * 10
                for t in range(3):
                    b[5 + t][sl] = b[2 + t][sl]
                for t in range(10):
                    b[8 + t][sl] = plsc.load_gather(cam_v, [ci10 + t])
                return carry

            lax.fori_loop(0, groups_per_chunk, do_group, 0)

        def phase(c, cur, nxt, wait_out, comp):
            lin_wait(cur)
            handles = gather_fire(cur)
            if wait_out:
                out_wait(nxt)
            if comp:
                stage_cam(nxt)
                out_issue(c - 1, nxt)
            lin_issue(c + 1, nxt)
            for h in handles:
                h.wait()

        lin_issue(0, A)
        phase(jnp.int32(0), A, B, False, False)
        phase(jnp.int32(1), B, A, False, True)
        phase(jnp.int32(2), A, B, False, True)
        phase(jnp.int32(3), B, A, True, True)

        def pair(i, carry):
            c = 2 * i
            phase(c, A, B, True, True)
            phase(c + 1, B, A, True, True)
            return carry

        lax.fori_loop(2, NPHASE // 2, pair, 0)

        lin_wait(A)
        out_wait(B)
        stage_cam(B)
        out_issue(jnp.int32(NPHASE - 1), B)
        out_wait(A)
        out_wait(B)

    return residual_kernel


def kernel(observes, cidx, pidx, points, camera_params):
    n_obs = observes.shape[0]
    n_points, _ = points.shape
    n_cams, _ = camera_params.shape
    fn = _make_kernel(n_obs, n_points, n_cams)
    (px, py, pz, t0, t1, t2, qx, qy, qz, qw, fo, k1, k2) = fn(
        cidx.astype(jnp.int32), pidx.astype(jnp.int32),
        points[:, 0], points[:, 1], points[:, 2],
        camera_params.reshape(-1))

    two = jnp.float32(2.0)
    uvx = qy * pz - qz * py
    uvy = qz * px - qx * pz
    uvz = qx * py - qy * px
    uuvx = qy * uvz - qz * uvy
    uuvy = qz * uvx - qx * uvz
    uuvz = qx * uvy - qy * uvx
    cpx = (px + two * (qw * uvx + uuvx)) + t0
    cpy = (py + two * (qw * uvy + uuvy)) + t1
    cpz = (pz + two * (qw * uvz + uuvz)) + t2
    nx = (-cpx) / cpz
    ny = (-cpy) / cpz
    r2 = nx * nx + ny * ny
    dist = jnp.float32(1.0) + k1 * r2 + k2 * (r2 * r2)
    rx = fo * dist * nx - observes[:, 0]
    ry = fo * dist * ny - observes[:, 1]
    return jnp.stack([rx, ry], axis=-1)

# --- scband reference (transcript-rebuilt; emitter-appended) ---
"""Pipeline reference for scband-residual-5592047419436 (READ-ONLY COPY).

The authoritative reference and input builder live on the scoring server;
editing this copy changes nothing except your own understanding.
"""

import jax, jax.numpy as jnp
import numpy as np

N_POINTS = 1000000
N_CAMS = 10000
N_OBS = 2000000


def setup_inputs(seed: int = 0) -> dict:
    key = jax.random.key(seed)
    k1, k2, k3, k4, k5, k6, k7, k8 = jax.random.split(key, 8)
    observes = jax.random.normal(k1, (N_OBS, 2), dtype=jnp.float32)
    cidx = jax.random.randint(k2, (N_OBS,), 0, N_CAMS)
    pidx = jax.random.randint(k3, (N_OBS,), 0, N_POINTS)
    points = jax.random.normal(k4, (N_POINTS, 3), dtype=jnp.float32)
    t = jax.random.normal(k5, (N_CAMS, 3), dtype=jnp.float32)
    t = t.at[:, 2].add(5.0)  # keep depth away from zero
    q = jax.random.normal(k6, (N_CAMS, 4), dtype=jnp.float32)
    q = q / jnp.linalg.norm(q, axis=-1, keepdims=True)  # unit quaternion [qx,qy,qz,qw]
    focal = 1.0 + jax.random.uniform(k7, (N_CAMS, 1), dtype=jnp.float32)
    kd = jax.random.normal(k8, (N_CAMS, 2), dtype=jnp.float32) * 0.01
    camera_params = jnp.concatenate([t, q, focal, kd], axis=-1)  # [N_CAMS, 10]
    return {"observes": observes, "cidx": cidx, "pidx": pidx,
            "points": points, "camera_params": camera_params}


def _quat_rotate(q, p):
    # pypose SE3 layout: q = [qx, qy, qz, qw]; rotate p by unit quaternion q
    qv = q[..., :3]
    qw = q[..., 3:4]
    uv = jnp.cross(qv, p)
    uuv = jnp.cross(qv, uv)
    return p + 2.0 * (qw * uv + uuv)


def _project(pts, cam):
    # SE3 Act: R(q) @ p + t  with cam[..., :7] = [t(3), q(4)]
    t = cam[..., :3]
    q = cam[..., 3:7]
    cp = _quat_rotate(q, pts) + t
    normalized = -cp[..., :2] / cp[..., 2:3]
    r2 = jnp.sum(normalized * normalized, axis=-1, keepdims=True)
    focal = cam[..., 7:8]   # camera_params[..., [-3]]
    kk1 = cam[..., 8:9]     # camera_params[..., [-2]]
    kk2 = cam[..., 9:10]    # camera_params[..., [-1]]
    distortion = 1.0 + kk1 * r2 + kk2 * (r2 * r2)
    return focal * distortion * normalized


def reference(observes, cidx, pidx, points, camera_params):
    pts = jnp.take(points, pidx, axis=0)          # gather 3D points
    cam = jnp.take(camera_params, cidx, axis=0)   # gather camera params
    return _project(pts, cam) - observes

if __name__ == "__main__":
    import jax
    _d = setup_inputs()
    print(jax.jit(kernel)(*tuple(_d.values())))

</pallas_src>

<mosaic_0001>
#map = affine_map<(d0, d1) -> (0)>
module attributes {stable_mosaic.version = 14 : i64} {
  func.func @residual_kernel(%arg0: i32, %arg1: i32, %arg2: memref<2000000xi32, #tpu.memory_space<hbm>>, %arg3: memref<2000000xi32, #tpu.memory_space<hbm>>, %arg4: memref<1000000xf32, #tpu.memory_space<hbm>>, %arg5: memref<1000000xf32, #tpu.memory_space<hbm>>, %arg6: memref<1000000xf32, #tpu.memory_space<hbm>>, %arg7: memref<100000xf32, #tpu.memory_space<hbm>>, %arg8: memref<2000000xf32, #tpu.memory_space<hbm>>, %arg9: memref<2000000xf32, #tpu.memory_space<hbm>>, %arg10: memref<2000000xf32, #tpu.memory_space<hbm>>, %arg11: memref<2000000xf32, #tpu.memory_space<hbm>>, %arg12: memref<2000000xf32, #tpu.memory_space<hbm>>, %arg13: memref<2000000xf32, #tpu.memory_space<hbm>>, %arg14: memref<2000000xf32, #tpu.memory_space<hbm>>, %arg15: memref<2000000xf32, #tpu.memory_space<hbm>>, %arg16: memref<2000000xf32, #tpu.memory_space<hbm>>, %arg17: memref<2000000xf32, #tpu.memory_space<hbm>>, %arg18: memref<2000000xf32, #tpu.memory_space<hbm>>, %arg19: memref<2000000xf32, #tpu.memory_space<hbm>>, %arg20: memref<2000000xf32, #tpu.memory_space<hbm>>, %arg21: memref<100000xf32, #tpu.memory_space<vmem>>, %arg22: memref<768xi32, #tpu.memory_space<vmem>>, %arg23: memref<768xi32, #tpu.memory_space<vmem>>, %arg24: memref<768xf32, #tpu.memory_space<vmem>>, %arg25: memref<768xf32, #tpu.memory_space<vmem>>, %arg26: memref<768xf32, #tpu.memory_space<vmem>>, %arg27: memref<768xf32, #tpu.memory_space<vmem>>, %arg28: memref<768xf32, #tpu.memory_space<vmem>>, %arg29: memref<768xf32, #tpu.memory_space<vmem>>, %arg30: memref<768xf32, #tpu.memory_space<vmem>>, %arg31: memref<768xf32, #tpu.memory_space<vmem>>, %arg32: memref<768xf32, #tpu.memory_space<vmem>>, %arg33: memref<768xf32, #tpu.memory_space<vmem>>, %arg34: memref<768xf32, #tpu.memory_space<vmem>>, %arg35: memref<768xf32, #tpu.memory_space<vmem>>, %arg36: memref<768xf32, #tpu.memory_space<vmem>>, %arg37: memref<768xf32, #tpu.memory_space<vmem>>, %arg38: memref<768xf32, #tpu.memory_space<vmem>>, %arg39: memref<768xf32, #tpu.memory_space<vmem>>, %arg40: memref<!tpu.dma_semaphore, #tpu.memory_space<semaphore_mem>>, %arg41: memref<!tpu.dma_semaphore, #tpu.memory_space<semaphore_mem>>, %arg42: memref<!tpu.dma_semaphore, #tpu.memory_space<semaphore_mem>>, %arg43: memref<768xi32, #tpu.memory_space<vmem>>, %arg44: memref<768xi32, #tpu.memory_space<vmem>>, %arg45: memref<768xf32, #tpu.memory_space<vmem>>, %arg46: memref<768xf32, #tpu.memory_space<vmem>>, %arg47: memref<768xf32, #tpu.memory_space<vmem>>, %arg48: memref<768xf32, #tpu.memory_space<vmem>>, %arg49: memref<768xf32, #tpu.memory_space<vmem>>, %arg50: memref<768xf32, #tpu.memory_space<vmem>>, %arg51: memref<768xf32, #tpu.memory_space<vmem>>, %arg52: memref<768xf32, #tpu.memory_space<vmem>>, %arg53: memref<768xf32, #tpu.memory_space<vmem>>, %arg54: memref<768xf32, #tpu.memory_space<vmem>>, %arg55: memref<768xf32, #tpu.memory_space<vmem>>, %arg56: memref<768xf32, #tpu.memory_space<vmem>>, %arg57: memref<768xf32, #tpu.memory_space<vmem>>, %arg58: memref<768xf32, #tpu.memory_space<vmem>>, %arg59: memref<768xf32, #tpu.memory_space<vmem>>, %arg60: memref<768xf32, #tpu.memory_space<vmem>>, %arg61: memref<!tpu.dma_semaphore, #tpu.memory_space<semaphore_mem>>, %arg62: memref<!tpu.dma_semaphore, #tpu.memory_space<semaphore_mem>>, %arg63: memref<!tpu.dma_semaphore, #tpu.memory_space<semaphore_mem>>) attributes {dimension_semantics = [#tpu.dimension_semantics<core_parallel>, #tpu.dimension_semantics<subcore_parallel>], iteration_bounds = array<i64: 2, 16>, scalar_prefetch = 0 : i64, scratch_operands = 43 : i64, tpu.core_type = #tpu.core_type<sc_vector_subcore>, window_params = [{transform_indices = #map}, {transform_indices = #map}, {transform_indices = #map}, {transform_indices = #map}, {transform_indices = #map}, {transform_indices = #map}, {transform_indices = #map}, {transform_indices = #map}, {transform_indices = #map}, {transform_indices = #map}, {transform_indices = #map}, {transform_indices = #map}, {transform_indices = #map}, {transform_indices = #map}, {transform_indices = #map}, {transform_indices = #map}, {transform_indices = #map}, {transform_indices = #map}, {transform_indices = #map}]} {
    %mul3A = arith.constant 2 : i32
    %mul3A_0 = arith.muli %arg1, %mul3A : i32
    %add3A = arith.addi %mul3A_0, %arg0 : i32
    %lt3A = arith.constant 9 : i32
    %lt3A_1 = arith.cmpi slt, %add3A, %lt3A : i32
    %jit3A = arith.constant 1 : i32
    %jit3A_2 = arith.constant 0 : i32
    %select_n3A = arith.select %lt3A_1, %jit3A, %jit3A_2 : i32
    %add3A_3 = arith.constant 488 : i32
    %add3A_4 = arith.addi %add3A_3, %select_n3A : i32
    %mul3A_5 = arith.constant 488 : i32
    %mul3A_6 = arith.muli %mul3A_5, %add3A : i32
    %min3A = arith.constant 9 : i32
    %min3A_7 = arith.minsi %add3A, %min3A : i32
    %add3A_8 = arith.addi %mul3A_6, %min3A_7 : i32
    "tpu.region"() ({
      %run_scoped3A = tpu.sem_alloc : memref<!tpu.dma_semaphore, #tpu.memory_space<semaphore_mem>>
      tpu.enqueue_dma source(%arg7 : memref<100000xf32, #tpu.memory_space<hbm>>) target(%arg21 : memref<100000xf32, #tpu.memory_space<vmem>>) target_semaphore(%run_scoped3A : memref<!tpu.dma_semaphore, #tpu.memory_space<semaphore_mem>>)
      tpu.wait_dma2 semaphore(%run_scoped3A : memref<!tpu.dma_semaphore, #tpu.memory_space<semaphore_mem>>) src(%arg7 : memref<100000xf32, #tpu.memory_space<hbm>>) dst(%arg21 : memref<100000xf32, #tpu.memory_space<vmem>>)
      tpu.yield
    }) : () -> ()
    %sub3A = arith.constant 6 : i32
    %sub3A_9 = arith.subi %add3A_4, %sub3A : i32
    %min3A_10 = arith.constant 0 : i32
    %min3A_11 = arith.minsi %min3A_10, %sub3A_9 : i32
    %add3A_12 = arith.addi %add3A_8, %min3A_11 : i32
    %mul3A_13 = arith.constant 128 : i32
    %mul3A_14 = arith.muli %add3A_12, %mul3A_13 : i32
    %dma_start3A = tpu.memref_slice %arg3[%mul3A_14] : memref<2000000xi32, #tpu.memory_space<hbm>> -> memref<768xi32, #tpu.memory_space<hbm>>
    %dma_start3A_15 = tpu.memref_slice %arg3[%mul3A_14] : memref<2000000xi32, #tpu.memory_space<hbm>> -> memref<768xi32, #tpu.memory_space<hbm>>
    tpu.enqueue_dma source(%dma_start3A_15 : memref<768xi32, #tpu.memory_space<hbm>>) target(%arg22 : memref<768xi32, #tpu.memory_space<vmem>>) target_semaphore(%arg40 : memref<!tpu.dma_semaphore, #tpu.memory_space<semaphore_mem>>)
    %dma_start3A_16 = tpu.memref_slice %arg2[%mul3A_14] : memref<2000000xi32, #tpu.memory_space<hbm>> -> memref<768xi32, #tpu.memory_space<hbm>>
    %dma_start3A_17 = tpu.memref_slice %arg2[%mul3A_14] : memref<2000000xi32, #tpu.memory_space<hbm>> -> memref<768xi32, #tpu.memory_space<hbm>>
    tpu.enqueue_dma source(%dma_start3A_17 : memref<768xi32, #tpu.memory_space<hbm>>) target(%arg23 : memref<768xi32, #tpu.memory_space<vmem>>) target_semaphore(%arg40 : memref<!tpu.dma_semaphore, #tpu.memory_space<semaphore_mem>>)
    %dma_wait3A = arith.constant 0 : i32
    %dma_wait3A_18 = tpu.memref_slice %arg3[%dma_wait3A] : memref<2000000xi32, #tpu.memory_space<hbm>> -> memref<768xi32, #tpu.memory_space<hbm>>
    %dma_wait3A_19 = arith.constant 0 : i32
    %dma_wait3A_20 = tpu.memref_slice %arg3[%dma_wait3A_19] : memref<2000000xi32, #tpu.memory_space<hbm>> -> memref<768xi32, #tpu.memory_space<hbm>>
    tpu.wait_dma2 semaphore(%arg40 : memref<!tpu.dma_semaphore, #tpu.memory_space<semaphore_mem>>) src(%dma_wait3A_20 : memref<768xi32, #tpu.memory_space<hbm>>) dst(%arg22 : memref<768xi32, #tpu.memory_space<vmem>>)
    %dma_wait3A_21 = arith.constant 0 : i32
    %dma_wait3A_22 = tpu.memref_slice %arg2[%dma_wait3A_21] : memref<2000000xi32, #tpu.memory_space<hbm>> -> memref<768xi32, #tpu.memory_space<hbm>>
    %dma_wait3A_23 = arith.constant 0 : i32
    %dma_wait3A_24 = tpu.memref_slice %arg2[%dma_wait3A_23] : memref<2000000xi32, #tpu.memory_space<hbm>> -> memref<768xi32, #tpu.memory_space<hbm>>
    tpu.wait_dma2 semaphore(%arg40 : memref<!tpu.dma_semaphore, #tpu.memory_space<semaphore_mem>>) src(%dma_wait3A_24 : memref<768xi32, #tpu.memory_space<hbm>>) dst(%arg23 : memref<768xi32, #tpu.memory_space<vmem>>)
    %dma_start3A_25 = arith.constant 0 : i32
    %dma_start3A_26 = tpu.memref_slice %arg24[%dma_start3A_25] : memref<768xf32, #tpu.memory_space<vmem>> -> memref<128xf32, #tpu.memory_space<vmem>>
    %dma_start3A_27 = arith.constant 0 : i32
    %dma_start3A_28 = tpu.memref_slice %arg22[%dma_start3A_27] : memref<768xi32, #tpu.memory_space<vmem>> -> memref<128xi32, #tpu.memory_space<vmem>>
    %dma_start3A_29 = arith.constant 0 : i32
    %dma_start3A_30 = tpu.memref_slice %arg4[%dma_start3A_29] : memref<1000000xf32, #tpu.memory_space<hbm>> -> memref<1000000xf32, #tpu.memory_space<hbm>>
    tpu.enqueue_indirect_dma source(%dma_start3A_30 : memref<1000000xf32, #tpu.memory_space<hbm>>) target(%dma_start3A_26 : memref<128xf32, #tpu.memory_space<vmem>>) offsets(%dma_start3A_28 : memref<128xi32, #tpu.memory_space<vmem>>) semaphore(%arg41 : memref<!tpu.dma_semaphore, #tpu.memory_space<semaphore_mem>>)
    %dma_start3A_31 = arith.constant 0 : i32
    %dma_start3A_32 = tpu.memref_slice %arg25[%dma_start3A_31] : memref<768xf32, #tpu.memory_space<vmem>> -> memref<128xf32, #tpu.memory_space<vmem>>
    %dma_start3A_33 = arith.constant 0 : i32
    %dma_start3A_34 = tpu.memref_slice %arg22[%dma_start3A_33] : memref<768xi32, #tpu.memory_space<vmem>> -> memref<128xi32, #tpu.memory_space<vmem>>
    %dma_start3A_35 = arith.constant 0 : i32
    %dma_start3A_36 = tpu.memref_slice %arg5[%dma_start3A_35] : memref<1000000xf32, #tpu.memory_space<hbm>> -> memref<1000000xf32, #tpu.memory_space<hbm>>
    tpu.enqueue_indirect_dma source(%dma_start3A_36 : memref<1000000xf32, #tpu.memory_space<hbm>>) target(%dma_start3A_32 : memref<128xf32, #tpu.memory_space<vmem>>) offsets(%dma_start3A_34 : memref<128xi32, #tpu.memory_space<vmem>>) semaphore(%arg41 : memref<!tpu.dma_semaphore, #tpu.memory_space<semaphore_mem>>)
    %dma_start3A_37 = arith.constant 0 : i32
    %dma_start3A_38 = tpu.memref_slice %arg26[%dma_start3A_37] : memref<768xf32, #tpu.memory_space<vmem>> -> memref<128xf32, #tpu.memory_space<vmem>>
    %dma_start3A_39 = arith.constant 0 : i32
    %dma_start3A_40 = tpu.memref_slice %arg22[%dma_start3A_39] : memref<768xi32, #tpu.memory_space<vmem>> -> memref<128xi32, #tpu.memory_space<vmem>>
    %dma_start3A_41 = arith.constant 0 : i32
    %dma_start3A_42 = tpu.memref_slice %arg6[%dma_start3A_41] : memref<1000000xf32, #tpu.memory_space<hbm>> -> memref<1000000xf32, #tpu.memory_space<hbm>>
    tpu.enqueue_indirect_dma source(%dma_start3A_42 : memref<1000000xf32, #tpu.memory_space<hbm>>) target(%dma_start3A_38 : memref<128xf32, #tpu.memory_space<vmem>>) offsets(%dma_start3A_40 : memref<128xi32, #tpu.memory_space<vmem>>) semaphore(%arg41 : memref<!tpu.dma_semaphore, #tpu.memory_space<semaphore_mem>>)
    %dma_start3A_43 = arith.constant 128 : i32
    %dma_start3A_44 = tpu.memref_slice %arg24[%dma_start3A_43] : memref<768xf32, #tpu.memory_space<vmem>> -> memref<128xf32, #tpu.memory_space<vmem>>
    %dma_start3A_45 = arith.constant 128 : i32
    %dma_start3A_46 = tpu.memref_slice %arg22[%dma_start3A_45] : memref<768xi32, #tpu.memory_space<vmem>> -> memref<128xi32, #tpu.memory_space<vmem>>
    %dma_start3A_47 = arith.constant 0 : i32
    %dma_start3A_48 = tpu.memref_slice %arg4[%dma_start3A_47] : memref<1000000xf32, #tpu.memory_space<hbm>> -> memref<1000000xf32, #tpu.memory_space<hbm>>
    tpu.enqueue_indirect_dma source(%dma_start3A_48 : memref<1000000xf32, #tpu.memory_space<hbm>>) target(%dma_start3A_44 : memref<128xf32, #tpu.memory_space<vmem>>) offsets(%dma_start3A_46 : memref<128xi32, #tpu.memory_space<vmem>>) semaphore(%arg41 : memref<!tpu.dma_semaphore, #tpu.memory_space<semaphore_mem>>)
    %dma_start3A_49 = arith.constant 128 : i32
    %dma_start3A_50 = tpu.memref_slice %arg25[%dma_start3A_49] : memref<768xf32, #tpu.memory_space<vmem>> -> memref<128xf32, #tpu.memory_space<vmem>>
    %dma_start3A_51 = arith.constant 128 : i32
    %dma_start3A_52 = tpu.memref_slice %arg22[%dma_start3A_51] : memref<768xi32, #tpu.memory_space<vmem>> -> memref<128xi32, #tpu.memory_space<vmem>>
    %dma_start3A_53 = arith.constant 0 : i32
    %dma_start3A_54 = tpu.memref_slice %arg5[%dma_start3A_53] : memref<1000000xf32, #tpu.memory_space<hbm>> -> memref<1000000xf32, #tpu.memory_space<hbm>>
    tpu.enqueue_indirect_dma source(%dma_start3A_54 : memref<1000000xf32, #tpu.memory_space<hbm>>) target(%dma_start3A_50 : memref<128xf32, #tpu.memory_space<vmem>>) offsets(%dma_start3A_52 : memref<128xi32, #tpu.memory_space<vmem>>) semaphore(%arg41 : memref<!tpu.dma_semaphore, #tpu.memory_space<semaphore_mem>>)
    %dma_start3A_55 = arith.constant 128 : i32
    %dma_start3A_56 = tpu.memref_slice %arg26[%dma_start3A_55] : memref<768xf32, #tpu.memory_space<vmem>> -> memref<128xf32, #tpu.memory_space<vmem>>
    %dma_start3A_57 = arith.constant 128 : i32
    %dma_start3A_58 = tpu.memref_slice %arg22[%dma_start3A_57] : memref<768xi32, #tpu.memory_space<vmem>> -> memref<128xi32, #tpu.memory_space<vmem>>
    %dma_start3A_59 = arith.constant 0 : i32
    %dma_start3A_60 = tpu.memref_slice %arg6[%dma_start3A_59] : memref<1000000xf32, #tpu.memory_space<hbm>> -> memref<1000000xf32, #tpu.memory_space<hbm>>
    tpu.enqueue_indirect_dma source(%dma_start3A_60 : memref<1000000xf32, #tpu.memory_space<hbm>>) target(%dma_start3A_56 : memref<128xf32, #tpu.memory_space<vmem>>) offsets(%dma_start3A_58 : memref<128xi32, #tpu.memory_space<vmem>>) semaphore(%arg41 : memref<!tpu.dma_semaphore, #tpu.memory_space<semaphore_mem>>)
    %dma_start3A_61 = arith.constant 256 : i32
    %dma_start3A_62 = tpu.memref_slice %arg24[%dma_start3A_61] : memref<768xf32, #tpu.memory_space<vmem>> -> memref<128xf32, #tpu.memory_space<vmem>>
    %dma_start3A_63 = arith.constant 256 : i32
    %dma_start3A_64 = tpu.memref_slice %arg22[%dma_start3A_63] : memref<768xi32, #tpu.memory_space<vmem>> -> memref<128xi32, #tpu.memory_space<vmem>>
    %dma_start3A_65 = arith.constant 0 : i32
    %dma_start3A_66 = tpu.memref_slice %arg4[%dma_start3A_65] : memref<1000000xf32, #tpu.memory_space<hbm>> -> memref<1000000xf32, #tpu.memory_space<hbm>>
    tpu.enqueue_indirect_dma source(%dma_start3A_66 : memref<1000000xf32, #tpu.memory_space<hbm>>) target(%dma_start3A_62 : memref<128xf32, #tpu.memory_space<vmem>>) offsets(%dma_start3A_64 : memref<128xi32, #tpu.memory_space<vmem>>) semaphore(%arg41 : memref<!tpu.dma_semaphore, #tpu.memory_space<semaphore_mem>>)
    %dma_start3A_67 = arith.constant 256 : i32
    %dma_start3A_68 = tpu.memref_slice %arg25[%dma_start3A_67] : memref<768xf32, #tpu.memory_space<vmem>> -> memref<128xf32, #tpu.memory_space<vmem>>
    %dma_start3A_69 = arith.constant 256 : i32
    %dma_start3A_70 = tpu.memref_slice %arg22[%dma_start3A_69] : memref<768xi32, #tpu.memory_space<vmem>> -> memref<128xi32, #tpu.memory_space<vmem>>
    %dma_start3A_71 = arith.constant 0 : i32
    %dma_start3A_72 = tpu.memref_slice %arg5[%dma_start3A_71] : memref<1000000xf32, #tpu.memory_space<hbm>> -> memref<1000000xf32, #tpu.memory_space<hbm>>
    tpu.enqueue_indirect_dma source(%dma_start3A_72 : memref<1000000xf32, #tpu.memory_space<hbm>>) target(%dma_start3A_68 : memref<128xf32, #tpu.memory_space<vmem>>) offsets(%dma_start3A_70 : memref<128xi32, #tpu.memory_space<vmem>>) semaphore(%arg41 : memref<!tpu.dma_semaphore, #tpu.memory_space<semaphore_mem>>)
    %dma_start3A_73 = arith.constant 256 : i32
    %dma_start3A_74 = tpu.memref_slice %arg26[%dma_start3A_73] : memref<768xf32, #tpu.memory_space<vmem>> -> memref<128xf32, #tpu.memory_space<vmem>>
    %dma_start3A_75 = arith.constant 256 : i32
    %dma_start3A_76 = tpu.memref_slice %arg22[%dma_start3A_75] : memref<768xi32, #tpu.memory_space<vmem>> -> memref<128xi32, #tpu.memory_space<vmem>>
    %dma_start3A_77 = arith.constant 0 : i32
    %dma_start3A_78 = tpu.memref_slice %arg6[%dma_start3A_77] : memref<1000000xf32, #tpu.memory_space<hbm>> -> memref<1000000xf32, #tpu.memory_space<hbm>>
    tpu.enqueue_indirect_dma source(%dma_start3A_78 : memref<1000000xf32, #tpu.memory_space<hbm>>) target(%dma_start3A_74 : memref<128xf32, #tpu.memory_space<vmem>>) offsets(%dma_start3A_76 : memref<128xi32, #tpu.memory_space<vmem>>) semaphore(%arg41 : memref<!tpu.dma_semaphore, #tpu.memory_space<semaphore_mem>>)
    %dma_start3A_79 = arith.constant 384 : i32
    %dma_start3A_80 = tpu.memref_slice %arg24[%dma_start3A_79] : memref<768xf32, #tpu.memory_space<vmem>> -> memref<128xf32, #tpu.memory_space<vmem>>
    %dma_start3A_81 = arith.constant 384 : i32
    %dma_start3A_82 = tpu.memref_slice %arg22[%dma_start3A_81] : memref<768xi32, #tpu.memory_space<vmem>> -> memref<128xi32, #tpu.memory_space<vmem>>
    %dma_start3A_83 = arith.constant 0 : i32
    %dma_start3A_84 = tpu.memref_slice %arg4[%dma_start3A_83] : memref<1000000xf32, #tpu.memory_space<hbm>> -> memref<1000000xf32, #tpu.memory_space<hbm>>
    tpu.enqueue_indirect_dma source(%dma_start3A_84 : memref<1000000xf32, #tpu.memory_space<hbm>>) target(%dma_start3A_80 : memref<128xf32, #tpu.memory_space<vmem>>) offsets(%dma_start3A_82 : memref<128xi32, #tpu.memory_space<vmem>>) semaphore(%arg41 : memref<!tpu.dma_semaphore, #tpu.memory_space<semaphore_mem>>)
    %dma_start3A_85 = arith.constant 384 : i32
    %dma_start3A_86 = tpu.memref_slice %arg25[%dma_start3A_85] : memref<768xf32, #tpu.memory_space<vmem>> -> memref<128xf32, #tpu.memory_space<vmem>>
    %dma_start3A_87 = arith.constant 384 : i32
    %dma_start3A_88 = tpu.memref_slice %arg22[%dma_start3A_87] : memref<768xi32, #tpu.memory_space<vmem>> -> memref<128xi32, #tpu.memory_space<vmem>>
    %dma_start3A_89 = arith.constant 0 : i32
    %dma_start3A_90 = tpu.memref_slice %arg5[%dma_start3A_89] : memref<1000000xf32, #tpu.memory_space<hbm>> -> memref<1000000xf32, #tpu.memory_space<hbm>>
    tpu.enqueue_indirect_dma source(%dma_start3A_90 : memref<1000000xf32, #tpu.memory_space<hbm>>) target(%dma_start3A_86 : memref<128xf32, #tpu.memory_space<vmem>>) offsets(%dma_start3A_88 : memref<128xi32, #tpu.memory_space<vmem>>) semaphore(%arg41 : memref<!tpu.dma_semaphore, #tpu.memory_space<semaphore_mem>>)
    %dma_start3A_91 = arith.constant 384 : i32
    %dma_start3A_92 = tpu.memref_slice %arg26[%dma_start3A_91] : memref<768xf32, #tpu.memory_space<vmem>> -> memref<128xf32, #tpu.memory_space<vmem>>
    %dma_start3A_93 = arith.constant 384 : i32
    %dma_start3A_94 = tpu.memref_slice %arg22[%dma_start3A_93] : memref<768xi32, #tpu.memory_space<vmem>> -> memref<128xi32, #tpu.memory_space<vmem>>
    %dma_start3A_95 = arith.constant 0 : i32
    %dma_start3A_96 = tpu.memref_slice %arg6[%dma_start3A_95] : memref<1000000xf32, #tpu.memory_space<hbm>> -> memref<1000000xf32, #tpu.memory_space<hbm>>
    tpu.enqueue_indirect_dma source(%dma_start3A_96 : memref<1000000xf32, #tpu.memory_space<hbm>>) target(%dma_start3A_92 : memref<128xf32, #tpu.memory_space<vmem>>) offsets(%dma_start3A_94 : memref<128xi32, #tpu.memory_space<vmem>>) semaphore(%arg41 : memref<!tpu.dma_semaphore, #tpu.memory_space<semaphore_mem>>)
    %dma_start3A_97 = arith.constant 512 : i32
    %dma_start3A_98 = tpu.memref_slice %arg24[%dma_start3A_97] : memref<768xf32, #tpu.memory_space<vmem>> -> memref<128xf32, #tpu.memory_space<vmem>>
    %dma_start3A_99 = arith.constant 512 : i32
    %dma_start3A_100 = tpu.memref_slice %arg22[%dma_start3A_99] : memref<768xi32, #tpu.memory_space<vmem>> -> memref<128xi32, #tpu.memory_space<vmem>>
    %dma_start3A_101 = arith.constant 0 : i32
    %dma_start3A_102 = tpu.memref_slice %arg4[%dma_start3A_101] : memref<1000000xf32, #tpu.memory_space<hbm>> -> memref<1000000xf32, #tpu.memory_space<hbm>>
    tpu.enqueue_indirect_dma source(%dma_start3A_102 : memref<1000000xf32, #tpu.memory_space<hbm>>) target(%dma_start3A_98 : memref<128xf32, #tpu.memory_space<vmem>>) offsets(%dma_start3A_100 : memref<128xi32, #tpu.memory_space<vmem>>) semaphore(%arg41 : memref<!tpu.dma_semaphore, #tpu.memory_space<semaphore_mem>>)
    %dma_start3A_103 = arith.constant 512 : i32
    %dma_start3A_104 = tpu.memref_slice %arg25[%dma_start3A_103] : memref<768xf32, #tpu.memory_space<vmem>> -> memref<128xf32, #tpu.memory_space<vmem>>
    %dma_start3A_105 = arith.constant 512 : i32
    %dma_start3A_106 = tpu.memref_slice %arg22[%dma_start3A_105] : memref<768xi32, #tpu.memory_space<vmem>> -> memref<128xi32, #tpu.memory_space<vmem>>
    %dma_start3A_107 = arith.constant 0 : i32
    %dma_start3A_108 = tpu.memref_slice %arg5[%dma_start3A_107] : memref<1000000xf32, #tpu.memory_space<hbm>> -> memref<1000000xf32, #tpu.memory_space<hbm>>
    tpu.enqueue_indirect_dma source(%dma_start3A_108 : memref<1000000xf32, #tpu.memory_space<hbm>>) target(%dma_start3A_104 : memref<128xf32, #tpu.memory_space<vmem>>) offsets(%dma_start3A_106 : memref<128xi32, #tpu.memory_space<vmem>>) semaphore(%arg41 : memref<!tpu.dma_semaphore, #tpu.memory_space<semaphore_mem>>)
    %dma_start3A_109 = arith.constant 512 : i32
    %dma_start3A_110 = tpu.memref_slice %arg26[%dma_start3A_109] : memref<768xf32, #tpu.memory_space<vmem>> -> memref<128xf32, #tpu.memory_space<vmem>>
    %dma_start3A_111 = arith.constant 512 : i32
    %dma_start3A_112 = tpu.memref_slice %arg22[%dma_start3A_111] : memref<768xi32, #tpu.memory_space<vmem>> -> memref<128xi32, #tpu.memory_space<vmem>>
    %dma_start3A_113 = arith.constant 0 : i32
    %dma_start3A_114 = tpu.memref_slice %arg6[%dma_start3A_113] : memref<1000000xf32, #tpu.memory_space<hbm>> -> memref<1000000xf32, #tpu.memory_space<hbm>>
    tpu.enqueue_indirect_dma source(%dma_start3A_114 : memref<1000000xf32, #tpu.memory_space<hbm>>) target(%dma_start3A_110 : memref<128xf32, #tpu.memory_space<vmem>>) offsets(%dma_start3A_112 : memref<128xi32, #tpu.memory_space<vmem>>) semaphore(%arg41 : memref<!tpu.dma_semaphore, #tpu.memory_space<semaphore_mem>>)
    %dma_start3A_115 = arith.constant 640 : i32
    %dma_start3A_116 = tpu.memref_slice %arg24[%dma_start3A_115] : memref<768xf32, #tpu.memory_space<vmem>> -> memref<128xf32, #tpu.memory_space<vmem>>
    %dma_start3A_117 = arith.constant 640 : i32
    %dma_start3A_118 = tpu.memref_slice %arg22[%dma_start3A_117] : memref<768xi32, #tpu.memory_space<vmem>> -> memref<128xi32, #tpu.memory_space<vmem>>
    %dma_start3A_119 = arith.constant 0 : i32
    %dma_start3A_120 = tpu.memref_slice %arg4[%dma_start3A_119] : memref<1000000xf32, #tpu.memory_space<hbm>> -> memref<1000000xf32, #tpu.memory_space<hbm>>
    tpu.enqueue_indirect_dma source(%dma_start3A_120 : memref<1000000xf32, #tpu.memory_space<hbm>>) target(%dma_start3A_116 : memref<128xf32, #tpu.memory_space<vmem>>) offsets(%dma_start3A_118 : memref<128xi32, #tpu.memory_space<vmem>>) semaphore(%arg41 : memref<!tpu.dma_semaphore, #tpu.memory_space<semaphore_mem>>)
    %dma_start3A_121 = arith.constant 640 : i32
    %dma_start3A_122 = tpu.memref_slice %arg25[%dma_start3A_121] : memref<768xf32, #tpu.memory_space<vmem>> -> memref<128xf32, #tpu.memory_space<vmem>>
    %dma_start3A_123 = arith.constant 640 : i32
    %dma_start3A_124 = tpu.memref_slice %arg22[%dma_start3A_123] : memref<768xi32, #tpu.memory_space<vmem>> -> memref<128xi32, #tpu.memory_space<vmem>>
    %dma_start3A_125 = arith.constant 0 : i32
    %dma_start3A_126 = tpu.memref_slice %arg5[%dma_start3A_125] : memref<1000000xf32, #tpu.memory_space<hbm>> -> memref<1000000xf32, #tpu.memory_space<hbm>>
    tpu.enqueue_indirect_dma source(%dma_start3A_126 : memref<1000000xf32, #tpu.memory_space<hbm>>) target(%dma_start3A_122 : memref<128xf32, #tpu.memory_space<vmem>>) offsets(%dma_start3A_124 : memref<128xi32, #tpu.memory_space<vmem>>) semaphore(%arg41 : memref<!tpu.dma_semaphore, #tpu.memory_space<semaphore_mem>>)
    %dma_start3A_127 = arith.constant 640 : i32
    %dma_start3A_128 = tpu.memref_slice %arg26[%dma_start3A_127] : memref<768xf32, #tpu.memory_space<vmem>> -> memref<128xf32, #tpu.memory_space<vmem>>
    %dma_start3A_129 = arith.constant 640 : i32
    %dma_start3A_130 = tpu.memref_slice %arg22[%dma_start3A_129] : memref<768xi32, #tpu.memory_space<vmem>> -> memref<128xi32, #tpu.memory_space<vmem>>
    %dma_start3A_131 = arith.constant 0 : i32
    %dma_start3A_132 = tpu.memref_slice %arg6[%dma_start3A_131] : memref<1000000xf32, #tpu.memory_space<hbm>> -> memref<1000000xf32, #tpu.memory_space<hbm>>
    tpu.enqueue_indirect_dma source(%dma_start3A_132 : memref<1000000xf32, #tpu.memory_space<hbm>>) target(%dma_start3A_128 : memref<128xf32, #tpu.memory_space<vmem>>) offsets(%dma_start3A_130 : memref<128xi32, #tpu.memory_space<vmem>>) semaphore(%arg41 : memref<!tpu.dma_semaphore, #tpu.memory_space<semaphore_mem>>)
    %add3A_133 = arith.constant 0 : i32
    %add3A_134 = arith.constant 1 : i32
    %add3A_135 = arith.addi %add3A_133, %add3A_134 : i32
    %mul3A_136 = arith.constant 6 : i32
    %mul3A_137 = arith.muli %add3A_135, %mul3A_136 : i32
    %sub3A_138 = arith.constant 6 : i32
    %sub3A_139 = arith.subi %add3A_4, %sub3A_138 : i32
    %min3A_140 = arith.minsi %mul3A_137, %sub3A_139 : i32
    %add3A_141 = arith.addi %add3A_8, %min3A_140 : i32
    %mul3A_142 = arith.constant 128 : i32
    %mul3A_143 = arith.muli %add3A_141, %mul3A_142 : i32
    %dma_start3A_144 = tpu.memref_slice %arg3[%mul3A_143] : memref<2000000xi32, #tpu.memory_space<hbm>> -> memref<768xi32, #tpu.memory_space<hbm>>
    %dma_start3A_145 = tpu.memref_slice %arg3[%mul3A_143] : memref<2000000xi32, #tpu.memory_space<hbm>> -> memref<768xi32, #tpu.memory_space<hbm>>
    tpu.enqueue_dma source(%dma_start3A_145 : memref<768xi32, #tpu.memory_space<hbm>>) target(%arg43 : memref<768xi32, #tpu.memory_space<vmem>>) target_semaphore(%arg61 : memref<!tpu.dma_semaphore, #tpu.memory_space<semaphore_mem>>)
    %dma_start3A_146 = tpu.memref_slice %arg2[%mul3A_143] : memref<2000000xi32, #tpu.memory_space<hbm>> -> memref<768xi32, #tpu.memory_space<hbm>>
    %dma_start3A_147 = tpu.memref_slice %arg2[%mul3A_143] : memref<2000000xi32, #tpu.memory_space<hbm>> -> memref<768xi32, #tpu.memory_space<hbm>>
    tpu.enqueue_dma source(%dma_start3A_147 : memref<768xi32, #tpu.memory_space<hbm>>) target(%arg44 : memref<768xi32, #tpu.memory_space<vmem>>) target_semaphore(%arg61 : memref<!tpu.dma_semaphore, #tpu.memory_space<semaphore_mem>>)
    %dma_wait3A_148 = arith.constant 0 : i32
    %dma_wait3A_149 = tpu.memref_slice %arg24[%dma_wait3A_148] : memref<768xf32, #tpu.memory_space<vmem>> -> memref<128xf32, #tpu.memory_space<vmem>>
    %dma_wait3A_150 = arith.constant 0 : i32
    %dma_wait3A_151 = tpu.memref_slice %arg22[%dma_wait3A_150] : memref<768xi32, #tpu.memory_space<vmem>> -> memref<128xi32, #tpu.memory_space<vmem>>
    %dma_wait3A_152 = arith.constant 0 : i32
    %dma_wait3A_153 = tpu.memref_slice %arg4[%dma_wait3A_152] : memref<1000000xf32, #tpu.memory_space<hbm>> -> memref<1000000xf32, #tpu.memory_space<hbm>>
    tpu.wait_indirect_dma semaphore(%arg41 : memref<!tpu.dma_semaphore, #tpu.memory_space<semaphore_mem>>) src(%dma_wait3A_153 : memref<1000000xf32, #tpu.memory_space<hbm>>) dst(%dma_wait3A_149 : memref<128xf32, #tpu.memory_space<vmem>>)
    %dma_wait3A_154 = arith.constant 0 : i32
    %dma_wait3A_155 = tpu.memref_slice %arg25[%dma_wait3A_154] : memref<768xf32, #tpu.memory_space<vmem>> -> memref<128xf32, #tpu.memory_space<vmem>>
    %dma_wait3A_156 = arith.constant 0 : i32
    %dma_wait3A_157 = tpu.memref_slice %arg22[%dma_wait3A_156] : memref<768xi32, #tpu.memory_space<vmem>> -> memref<128xi32, #tpu.memory_space<vmem>>
    %dma_wait3A_158 = arith.constant 0 : i32
    %dma_wait3A_159 = tpu.memref_slice %arg5[%dma_wait3A_158] : memref<1000000xf32, #tpu.memory_space<hbm>> -> memref<1000000xf32, #tpu.memory_space<hbm>>
    tpu.wait_indirect_dma semaphore(%arg41 : memref<!tpu.dma_semaphore, #tpu.memory_space<semaphore_mem>>) src(%dma_wait3A_159 : memref<1000000xf32, #tpu.memory_space<hbm>>) dst(%dma_wait3A_155 : memref<128xf32, #tpu.memory_space<vmem>>)
    %dma_wait3A_160 = arith.constant 0 : i32
    %dma_wait3A_161 = tpu.memref_slice %arg26[%dma_wait3A_160] : memref<768xf32, #tpu.memory_space<vmem>> -> memref<128xf32, #tpu.memory_space<vmem>>
    %dma_wait3A_162 = arith.constant 0 : i32
    %dma_wait3A_163 = tpu.memref_slice %arg22[%dma_wait3A_162] : memref<768xi32, #tpu.memory_space<vmem>> -> memref<128xi32, #tpu.memory_space<vmem>>
    %dma_wait3A_164 = arith.constant 0 : i32
    %dma_wait3A_165 = tpu.memref_slice %arg6[%dma_wait3A_164] : memref<1000000xf32, #tpu.memory_space<hbm>> -> memref<1000000xf32, #tpu.memory_space<hbm>>
    tpu.wait_indirect_dma semaphore(%arg41 : memref<!tpu.dma_semaphore, #tpu.memory_space<semaphore_mem>>) src(%dma_wait3A_165 : memref<1000000xf32, #tpu.memory_space<hbm>>) dst(%dma_wait3A_161 : memref<128xf32, #tpu.memory_space<vmem>>)
    %dma_wait3A_166 = arith.constant 128 : i32
    %dma_wait3A_167 = tpu.memref_slice %arg24[%dma_wait3A_166] : memref<768xf32, #tpu.memory_space<vmem>> -> memref<128xf32, #tpu.memory_space<vmem>>
    %dma_wait3A_168 = arith.constant 128 : i32
    %dma_wait3A_169 = tpu.memref_slice %arg22[%dma_wait3A_168] : memref<768xi32, #tpu.memory_space<vmem>> -> memref<128xi32, #tpu.memory_space<vmem>>
    %dma_wait3A_170 = arith.constant 0 : i32
    %dma_wait3A_171 = tpu.memref_slice %arg4[%dma_wait3A_170] : memref<1000000xf32, #tpu.memory_space<hbm>> -> memref<1000000xf32, #tpu.memory_space<hbm>>
    tpu.wait_indirect_dma semaphore(%arg41 : memref<!tpu.dma_semaphore, #tpu.memory_space<semaphore_mem>>) src(%dma_wait3A_171 : memref<1000000xf32, #tpu.memory_space<hbm>>) dst(%dma_wait3A_167 : memref<128xf32, #tpu.memory_space<vmem>>)
    %dma_wait3A_172 = arith.constant 128 : i32
    %dma_wait3A_173 = tpu.memref_slice %arg25[%dma_wait3A_172] : memref<768xf32, #tpu.memory_space<vmem>> -> memref<128xf32, #tpu.memory_space<vmem>>
    %dma_wait3A_174 = arith.constant 128 : i32
    %dma_wait3A_175 = tpu.memref_slice %arg22[%dma_wait3A_174] : memref<768xi32, #tpu.memory_space<vmem>> -> memref<128xi32, #tpu.memory_space<vmem>>
    %dma_wait3A_176 = arith.constant 0 : i32
    %dma_wait3A_177 = tpu.memref_slice %arg5[%dma_wait3A_176] : memref<1000000xf32, #tpu.memory_space<hbm>> -> memref<1000000xf32, #tpu.memory_space<hbm>>
    tpu.wait_indirect_dma semaphore(%arg41 : memref<!tpu.dma_semaphore, #tpu.memory_space<semaphore_mem>>) src(%dma_wait3A_177 : memref<1000000xf32, #tpu.memory_space<hbm>>) dst(%dma_wait3A_173 : memref<128xf32, #tpu.memory_space<vmem>>)
    %dma_wait3A_178 = arith.constant 128 : i32
    %dma_wait3A_179 = tpu.memref_slice %arg26[%dma_wait3A_178] : memref<768xf32, #tpu.memory_space<vmem>> -> memref<128xf32, #tpu.memory_space<vmem>>
    %dma_wait3A_180 = arith.constant 128 : i32
    %dma_wait3A_181 = tpu.memref_slice %arg22[%dma_wait3A_180] : memref<768xi32, #tpu.memory_space<vmem>> -> memref<128xi32, #tpu.memory_space<vmem>>
    %dma_wait3A_182 = arith.constant 0 : i32
    %dma_wait3A_183 = tpu.memref_slice %arg6[%dma_wait3A_182] : memref<1000000xf32, #tpu.memory_space<hbm>> -> memref<1000000xf32, #tpu.memory_space<hbm>>
    tpu.wait_indirect_dma semaphore(%arg41 : memref<!tpu.dma_semaphore, #tpu.memory_space<semaphore_mem>>) src(%dma_wait3A_183 : memref<1000000xf32, #tpu.memory_space<hbm>>) dst(%dma_wait3A_179 : memref<128xf32, #tpu.memory_space<vmem>>)
    %dma_wait3A_184 = arith.constant 256 : i32
    %dma_wait3A_185 = tpu.memref_slice %arg24[%dma_wait3A_184] : memref<768xf32, #tpu.memory_space<vmem>> -> memref<128xf32, #tpu.memory_space<vmem>>
    %dma_wait3A_186 = arith.constant 256 : i32
    %dma_wait3A_187 = tpu.memref_slice %arg22[%dma_wait3A_186] : memref<768xi32, #tpu.memory_space<vmem>> -> memref<128xi32, #tpu.memory_space<vmem>>
    %dma_wait3A_188 = arith.constant 0 : i32
    %dma_wait3A_189 = tpu.memref_slice %arg4[%dma_wait3A_188] : memref<1000000xf32, #tpu.memory_space<hbm>> -> memref<1000000xf32, #tpu.memory_space<hbm>>
    tpu.wait_indirect_dma semaphore(%arg41 : memref<!tpu.dma_semaphore, #tpu.memory_space<semaphore_mem>>) src(%dma_wait3A_189 : memref<1000000xf32, #tpu.memory_space<hbm>>) dst(%dma_wait3A_185 : memref<128xf32, #tpu.memory_space<vmem>>)
    %dma_wait3A_190 = arith.constant 256 : i32
    %dma_wait3A_191 = tpu.memref_slice %arg25[%dma_wait3A_190] : memref<768xf32, #tpu.memory_space<vmem>> -> memref<128xf32, #tpu.memory_space<vmem>>
    %dma_wait3A_192 = arith.constant 256 : i32
    %dma_wait3A_193 = tpu.memref_slice %arg22[%dma_wait3A_192] : memref<768xi32, #tpu.memory_space<vmem>> -> memref<128xi32, #tpu.memory_space<vmem>>
    %dma_wait3A_194 = arith.constant 0 : i32
    %dma_wait3A_195 = tpu.memref_slice %arg5[%dma_wait3A_194] : memref<1000000xf32, #tpu.memory_space<hbm>> -> memref<1000000xf32, #tpu.memory_space<hbm>>
    tpu.wait_indirect_dma semaphore(%arg41 : memref<!tpu.dma_semaphore, #tpu.memory_space<semaphore_mem>>) src(%dma_wait3A_195 : memref<1000000xf32, #tpu.memory_space<hbm>>) dst(%dma_wait3A_191 : memref<128xf32, #tpu.memory_space<vmem>>)
    %dma_wait3A_196 = arith.constant 256 : i32
    %dma_wait3A_197 = tpu.memref_slice %arg26[%dma_wait3A_196] : memref<768xf32, #tpu.memory_space<vmem>> -> memref<128xf32, #tpu.memory_space<vmem>>
    %dma_wait3A_198 = arith.constant 256 : i32
    %dma_wait3A_199 = tpu.memref_slice %arg22[%dma_wait3A_198] : memref<768xi32, #tpu.memory_space<vmem>> -> memref<128xi32, #tpu.memory_space<vmem>>
    %dma_wait3A_200 = arith.constant 0 : i32
    %dma_wait3A_201 = tpu.memref_slice %arg6[%dma_wait3A_200] : memref<1000000xf32, #tpu.memory_space<hbm>> -> memref<1000000xf32, #tpu.memory_space<hbm>>
    tpu.wait_indirect_dma semaphore(%arg41 : memref<!tpu.dma_semaphore, #tpu.memory_space<semaphore_mem>>) src(%dma_wait3A_201 : memref<1000000xf32, #tpu.memory_space<hbm>>) dst(%dma_wait3A_197 : memref<128xf32, #tpu.memory_space<vmem>>)
    %dma_wait3A_202 = arith.constant 384 : i32
    %dma_wait3A_203 = tpu.memref_slice %arg24[%dma_wait3A_202] : memref<768xf32, #tpu.memory_space<vmem>> -> memref<128xf32, #tpu.memory_space<vmem>>
    %dma_wait3A_204 = arith.constant 384 : i32
    %dma_wait3A_205 = tpu.memref_slice %arg22[%dma_wait3A_204] : memref<768xi32, #tpu.memory_space<vmem>> -> memref<128xi32, #tpu.memory_space<vmem>>
    %dma_wait3A_206 = arith.constant 0 : i32
    %dma_wait3A_207 = tpu.memref_slice %arg4[%dma_wait3A_206] : memref<1000000xf32, #tpu.memory_space<hbm>> -> memref<1000000xf32, #tpu.memory_space<hbm>>
    tpu.wait_indirect_dma semaphore(%arg41 : memref<!tpu.dma_semaphore, #tpu.memory_space<semaphore_mem>>) src(%dma_wait3A_207 : memref<1000000xf32, #tpu.memory_space<hbm>>) dst(%dma_wait3A_203 : memref<128xf32, #tpu.memory_space<vmem>>)
    %dma_wait3A_208 = arith.constant 384 : i32
    %dma_wait3A_209 = tpu.memref_slice %arg25[%dma_wait3A_208] : memref<768xf32, #tpu.memory_space<vmem>> -> memref<128xf32, #tpu.memory_space<vmem>>
    %dma_wait3A_210 = arith.constant 384 : i32
    %dma_wait3A_211 = tpu.memref_slice %arg22[%dma_wait3A_210] : memref<768xi32, #tpu.memory_space<vmem>> -> memref<128xi32, #tpu.memory_space<vmem>>
    %dma_wait3A_212 = arith.constant 0 : i32
    %dma_wait3A_213 = tpu.memref_slice %arg5[%dma_wait3A_212] : memref<1000000xf32, #tpu.memory_space<hbm>> -> memref<1000000xf32, #tpu.memory_space<hbm>>
    tpu.wait_indirect_dma semaphore(%arg41 : memref<!tpu.dma_semaphore, #tpu.memory_space<semaphore_mem>>) src(%dma_wait3A_213 : memref<1000000xf32, #tpu.memory_space<hbm>>) dst(%dma_wait3A_209 : memref<128xf32, #tpu.memory_space<vmem>>)
    %dma_wait3A_214 = arith.constant 384 : i32
    %dma_wait3A_215 = tpu.memref_slice %arg26[%dma_wait3A_214] : memref<768xf32, #tpu.memory_space<vmem>> -> memref<128xf32, #tpu.memory_space<vmem>>
    %dma_wait3A_216 = arith.constant 384 : i32
    %dma_wait3A_217 = tpu.memref_slice %arg22[%dma_wait3A_216] : memref<768xi32, #tpu.memory_space<vmem>> -> memref<128xi32, #tpu.memory_space<vmem>>
    %dma_wait3A_218 = arith.constant 0 : i32
    %dma_wait3A_219 = tpu.memref_slice %arg6[%dma_wait3A_218] : memref<1000000xf32, #tpu.memory_space<hbm>> -> memref<1000000xf32, #tpu.memory_space<hbm>>
    tpu.wait_indirect_dma semaphore(%arg41 : memref<!tpu.dma_semaphore, #tpu.memory_space<semaphore_mem>>) src(%dma_wait3A_219 : memref<1000000xf32, #tpu.memory_space<hbm>>) dst(%dma_wait3A_215 : memref<128xf32, #tpu.memory_space<vmem>>)
    %dma_wait3A_220 = arith.constant 512 : i32
    %dma_wait3A_221 = tpu.memref_slice %arg24[%dma_wait3A_220] : memref<768xf32, #tpu.memory_space<vmem>> -> memref<128xf32, #tpu.memory_space<vmem>>
    %dma_wait3A_222 = arith.constant 512 : i32
    %dma_wait3A_223 = tpu.memref_slice %arg22[%dma_wait3A_222] : memref<768xi32, #tpu.memory_space<vmem>> -> memref<128xi32, #tpu.memory_space<vmem>>
    %dma_wait3A_224 = arith.constant 0 : i32
    %dma_wait3A_225 = tpu.memref_slice %arg4[%dma_wait3A_224] : memref<1000000xf32, #tpu.memory_space<hbm>> -> memref<1000000xf32, #tpu.memory_space<hbm>>
    tpu.wait_indirect_dma semaphore(%arg41 : memref<!tpu.dma_semaphore, #tpu.memory_space<semaphore_mem>>) src(%dma_wait3A_225 : memref<1000000xf32, #tpu.memory_space<hbm>>) dst(%dma_wait3A_221 : memref<128xf32, #tpu.memory_space<vmem>>)
    %dma_wait3A_226 = arith.constant 512 : i32
    %dma_wait3A_227 = tpu.memref_slice %arg25[%dma_wait3A_226] : memref<768xf32, #tpu.memory_space<vmem>> -> memref<128xf32, #tpu.memory_space<vmem>>
    %dma_wait3A_228 = arith.constant 512 : i32
    %dma_wait3A_229 = tpu.memref_slice %arg22[%dma_wait3A_228] : memref<768xi32, #tpu.memory_space<vmem>> -> memref<128xi32, #tpu.memory_space<vmem>>
    %dma_wait3A_230 = arith.constant 0 : i32
    %dma_wait3A_231 = tpu.memref_slice %arg5[%dma_wait3A_230] : memref<1000000xf32, #tpu.memory_space<hbm>> -> memref<1000000xf32, #tpu.memory_space<hbm>>
    tpu.wait_indirect_dma semaphore(%arg41 : memref<!tpu.dma_semaphore, #tpu.memory_space<semaphore_mem>>) src(%dma_wait3A_231 : memref<1000000xf32, #tpu.memory_space<hbm>>) dst(%dma_wait3A_227 : memref<128xf32, #tpu.memory_space<vmem>>)
    %dma_wait3A_232 = arith.constant 512 : i32
    %dma_wait3A_233 = tpu.memref_slice %arg26[%dma_wait3A_232] : memref<768xf32, #tpu.memory_space<vmem>> -> memref<128xf32, #tpu.memory_space<vmem>>
    %dma_wait3A_234 = arith.constant 512 : i32
    %dma_wait3A_235 = tpu.memref_slice %arg22[%dma_wait3A_234] : memref<768xi32, #tpu.memory_space<vmem>> -> memref<128xi32, #tpu.memory_space<vmem>>
    %dma_wait3A_236 = arith.constant 0 : i32
    %dma_wait3A_237 = tpu.memref_slice %arg6[%dma_wait3A_236] : memref<1000000xf32, #tpu.memory_space<hbm>> -> memref<1000000xf32, #tpu.memory_space<hbm>>
    tpu.wait_indirect_dma semaphore(%arg41 : memref<!tpu.dma_semaphore, #tpu.memory_space<semaphore_mem>>) src(%dma_wait3A_237 : memref<1000000xf32, #tpu.memory_space<hbm>>) dst(%dma_wait3A_233 : memref<128xf32, #tpu.memory_space<vmem>>)
    %dma_wait3A_238 = arith.constant 640 : i32
    %dma_wait3A_239 = tpu.memref_slice %arg24[%dma_wait3A_238] : memref<768xf32, #tpu.memory_space<vmem>> -> memref<128xf32, #tpu.memory_space<vmem>>
    %dma_wait3A_240 = arith.constant 640 : i32
    %dma_wait3A_241 = tpu.memref_slice %arg22[%dma_wait3A_240] : memref<768xi32, #tpu.memory_space<vmem>> -> memref<128xi32, #tpu.memory_space<vmem>>
    %dma_wait3A_242 = arith.constant 0 : i32
    %dma_wait3A_243 = tpu.memref_slice %arg4[%dma_wait3A_242] : memref<1000000xf32, #tpu.memory_space<hbm>> -> memref<1000000xf32, #tpu.memory_space<hbm>>
    tpu.wait_indirect_dma semaphore(%arg41 : memref<!tpu.dma_semaphore, #tpu.memory_space<semaphore_mem>>) src(%dma_wait3A_243 : memref<1000000xf32, #tpu.memory_space<hbm>>) dst(%dma_wait3A_239 : memref<128xf32, #tpu.memory_space<vmem>>)
    %dma_wait3A_244 = arith.constant 640 : i32
    %dma_wait3A_245 = tpu.memref_slice %arg25[%dma_wait3A_244] : memref<768xf32, #tpu.memory_space<vmem>> -> memref<128xf32, #tpu.memory_space<vmem>>
    %dma_wait3A_246 = arith.constant 640 : i32
    %dma_wait3A_247 = tpu.memref_slice %arg22[%dma_wait3A_246] : memref<768xi32, #tpu.memory_space<vmem>> -> memref<128xi32, #tpu.memory_space<vmem>>
    %dma_wait3A_248 = arith.constant 0 : i32
    %dma_wait3A_249 = tpu.memref_slice %arg5[%dma_wait3A_248] : memref<1000000xf32, #tpu.memory_space<hbm>> -> memref<1000000xf32, #tpu.memory_space<hbm>>
    tpu.wait_indirect_dma semaphore(%arg41 : memref<!tpu.dma_semaphore, #tpu.memory_space<semaphore_mem>>) src(%dma_wait3A_249 : memref<1000000xf32, #tpu.memory_space<hbm>>) dst(%dma_wait3A_245 : memref<128xf32, #tpu.memory_space<vmem>>)
    %dma_wait3A_250 = arith.constant 640 : i32
    %dma_wait3A_251 = tpu.memref_slice %arg26[%dma_wait3A_250] : memref<768xf32, #tpu.memory_space<vmem>> -> memref<128xf32, #tpu.memory_space<vmem>>
    %dma_wait3A_252 = arith.constant 640 : i32
    %dma_wait3A_253 = tpu.memref_slice %arg22[%dma_wait3A_252] : memref<768xi32, #tpu.memory_space<vmem>> -> memref<128xi32, #tpu.memory_space<vmem>>
    %dma_wait3A_254 = arith.constant 0 : i32
    %dma_wait3A_255 = tpu.memref_slice %arg6[%dma_wait3A_254] : memref<1000000xf32, #tpu.memory_space<hbm>> -> memref<1000000xf32, #tpu.memory_space<hbm>>
    tpu.wait_indirect_dma semaphore(%arg41 : memref<!tpu.dma_semaphore, #tpu.memory_space<semaphore_mem>>) src(%dma_wait3A_255 : memref<1000000xf32, #tpu.memory_space<hbm>>) dst(%dma_wait3A_251 : memref<128xf32, #tpu.memory_space<vmem>>)
    %dma_wait3A_256 = arith.constant 0 : i32
    %dma_wait3A_257 = tpu.memref_slice %arg3[%dma_wait3A_256] : memref<2000000xi32, #tpu.memory_space<hbm>> -> memref<768xi32, #tpu.memory_space<hbm>>
    %dma_wait3A_258 = arith.constant 0 : i32
    %dma_wait3A_259 = tpu.memref_slice %arg3[%dma_wait3A_258] : memref<2000000xi32, #tpu.memory_space<hbm>> -> memref<768xi32, #tpu.memory_space<hbm>>
    tpu.wait_dma2 semaphore(%arg61 : memref<!tpu.dma_semaphore, #tpu.memory_space<semaphore_mem>>) src(%dma_wait3A_259 : memref<768xi32, #tpu.memory_space<hbm>>) dst(%arg43 : memref<768xi32, #tpu.memory_space<vmem>>)
    %dma_wait3A_260 = arith.constant 0 : i32
    %dma_wait3A_261 = tpu.memref_slice %arg2[%dma_wait3A_260] : memref<2000000xi32, #tpu.memory_space<hbm>> -> memref<768xi32, #tpu.memory_space<hbm>>
    %dma_wait3A_262 = arith.constant 0 : i32
    %dma_wait3A_263 = tpu.memref_slice %arg2[%dma_wait3A_262] : memref<2000000xi32, #tpu.memory_space<hbm>> -> memref<768xi32, #tpu.memory_space<hbm>>
    tpu.wait_dma2 semaphore(%arg61 : memref<!tpu.dma_semaphore, #tpu.memory_space<semaphore_mem>>) src(%dma_wait3A_263 : memref<768xi32, #tpu.memory_space<hbm>>) dst(%arg44 : memref<768xi32, #tpu.memory_space<vmem>>)
    %dma_start3A_264 = arith.constant 0 : i32
    %dma_start3A_265 = tpu.memref_slice %arg45[%dma_start3A_264] : memref<768xf32, #tpu.memory_space<vmem>> -> memref<128xf32, #tpu.memory_space<vmem>>
    %dma_start3A_266 = arith.constant 0 : i32
    %dma_start3A_267 = tpu.memref_slice %arg43[%dma_start3A_266] : memref<768xi32, #tpu.memory_space<vmem>> -> memref<128xi32, #tpu.memory_space<vmem>>
    %dma_start3A_268 = arith.constant 0 : i32
    %dma_start3A_269 = tpu.memref_slice %arg4[%dma_start3A_268] : memref<1000000xf32, #tpu.memory_space<hbm>> -> memref<1000000xf32, #tpu.memory_space<hbm>>
    tpu.enqueue_indirect_dma source(%dma_start3A_269 : memref<1000000xf32, #tpu.memory_space<hbm>>) target(%dma_start3A_265 : memref<128xf32, #tpu.memory_space<vmem>>) offsets(%dma_start3A_267 : memref<128xi32, #tpu.memory_space<vmem>>) semaphore(%arg62 : memref<!tpu.dma_semaphore, #tpu.memory_space<semaphore_mem>>)
    %dma_start3A_270 = arith.constant 0 : i32
    %dma_start3A_271 = tpu.memref_slice %arg46[%dma_start3A_270] : memref<768xf32, #tpu.memory_space<vmem>> -> memref<128xf32, #tpu.memory_space<vmem>>
    %dma_start3A_272 = arith.constant 0 : i32
    %dma_start3A_273 = tpu.memref_slice %arg43[%dma_start3A_272] : memref<768xi32, #tpu.memory_space<vmem>> -> memref<128xi32, #tpu.memory_space<vmem>>
    %dma_start3A_274 = arith.constant 0 : i32
    %dma_start3A_275 = tpu.memref_slice %arg5[%dma_start3A_274] : memref<1000000xf32, #tpu.memory_space<hbm>> -> memref<1000000xf32, #tpu.memory_space<hbm>>
    tpu.enqueue_indirect_dma source(%dma_start3A_275 : memref<1000000xf32, #tpu.memory_space<hbm>>) target(%dma_start3A_271 : memref<128xf32, #tpu.memory_space<vmem>>) offsets(%dma_start3A_273 : memref<128xi32, #tpu.memory_space<vmem>>) semaphore(%arg62 : memref<!tpu.dma_semaphore, #tpu.memory_space<semaphore_mem>>)
    %dma_start3A_276 = arith.constant 0 : i32
    %dma_start3A_277 = tpu.memref_slice %arg47[%dma_start3A_276] : memref<768xf32, #tpu.memory_space<vmem>> -> memref<128xf32, #tpu.memory_space<vmem>>
    %dma_start3A_278 = arith.constant 0 : i32
    %dma_start3A_279 = tpu.memref_slice %arg43[%dma_start3A_278] : memref<768xi32, #tpu.memory_space<vmem>> -> memref<128xi32, #tpu.memory_space<vmem>>
    %dma_start3A_280 = arith.constant 0 : i32
    %dma_start3A_281 = tpu.memref_slice %arg6[%dma_start3A_280] : memref<1000000xf32, #tpu.memory_space<hbm>> -> memref<1000000xf32, #tpu.memory_space<hbm>>
    tpu.enqueue_indirect_dma source(%dma_start3A_281 : memref<1000000xf32, #tpu.memory_space<hbm>>) target(%dma_start3A_277 : memref<128xf32, #tpu.memory_space<vmem>>) offsets(%dma_start3A_279 : memref<128xi32, #tpu.memory_space<vmem>>) semaphore(%arg62 : memref<!tpu.dma_semaphore, #tpu.memory_space<semaphore_mem>>)
    %dma_start3A_282 = arith.constant 128 : i32
    %dma_start3A_283 = tpu.memref_slice %arg45[%dma_start3A_282] : memref<768xf32, #tpu.memory_space<vmem>> -> memref<128xf32, #tpu.memory_space<vmem>>
    %dma_start3A_284 = arith.constant 128 : i32
    %dma_start3A_285 = tpu.memref_slice %arg43[%dma_start3A_284] : memref<768xi32, #tpu.memory_space<vmem>> -> memref<128xi32, #tpu.memory_space<vmem>>
    %dma_start3A_286 = arith.constant 0 : i32
    %dma_start3A_287 = tpu.memref_slice %arg4[%dma_start3A_286] : memref<1000000xf32, #tpu.memory_space<hbm>> -> memref<1000000xf32, #tpu.memory_space<hbm>>
    tpu.enqueue_indirect_dma source(%dma_start3A_287 : memref<1000000xf32, #tpu.memory_space<hbm>>) target(%dma_start3A_283 : memref<128xf32, #tpu.memory_space<vmem>>) offsets(%dma_start3A_285 : memref<128xi32, #tpu.memory_space<vmem>>) semaphore(%arg62 : memref<!tpu.dma_semaphore, #tpu.memory_space<semaphore_mem>>)
    %dma_start3A_288 = arith.constant 128 : i32
    %dma_start3A_289 = tpu.memref_slice %arg46[%dma_start3A_288] : memref<768xf32, #tpu.memory_space<vmem>> -> memref<128xf32, #tpu.memory_space<vmem>>
    %dma_start3A_290 = arith.constant 128 : i32
    %dma_start3A_291 = tpu.memref_slice %arg43[%dma_start3A_290] : memref<768xi32, #tpu.memory_space<vmem>> -> memref<128xi32, #tpu.memory_space<vmem>>
    %dma_start3A_292 = arith.constant 0 : i32
    %dma_start3A_293 = tpu.memref_slice %arg5[%dma_start3A_292] : memref<1000000xf32, #tpu.memory_space<hbm>> -> memref<1000000xf32, #tpu.memory_space<hbm>>
    tpu.enqueue_indirect_dma source(%dma_start3A_293 : memref<1000000xf32, #tpu.memory_space<hbm>>) target(%dma_start3A_289 : memref<128xf32, #tpu.memory_space<vmem>>) offsets(%dma_start3A_291 : memref<128xi32, #tpu.memory_space<vmem>>) semaphore(%arg62 : memref<!tpu.dma_semaphore, #tpu.memory_space<semaphore_mem>>)
    %dma_start3A_294 = arith.constant 128 : i32
    %dma_start3A_295 = tpu.memref_slice %arg47[%dma_start3A_294] : memref<768xf32, #tpu.memory_space<vmem>> -> memref<128xf32, #tpu.memory_space<vmem>>
    %dma_start3A_296 = arith.constant 128 : i32
    %dma_start3A_297 = tpu.memref_slice %arg43[%dma_start3A_296] : memref<768xi32, #tpu.memory_space<vmem>> -> memref<128xi32, #tpu.memory_space<vmem>>
    %dma_start3A_298 = arith.constant 0 : i32
    %dma_start3A_299 = tpu.memref_slice %arg6[%dma_start3A_298] : memref<1000000xf32, #tpu.memory_space<hbm>> -> memref<1000000xf32, #tpu.memory_space<hbm>>
    tpu.enqueue_indirect_dma source(%dma_start3A_299 : memref<1000000xf32, #tpu.memory_space<hbm>>) target(%dma_start3A_295 : memref<128xf32, #tpu.memory_space<vmem>>) offsets(%dma_start3A_297 : memref<128xi32, #tpu.memory_space<vmem>>) semaphore(%arg62 : memref<!tpu.dma_semaphore, #tpu.memory_space<semaphore_mem>>)
    %dma_start3A_300 = arith.constant 256 : i32
    %dma_start3A_301 = tpu.memref_slice %arg45[%dma_start3A_300] : memref<768xf32, #tpu.memory_space<vmem>> -> memref<128xf32, #tpu.memory_space<vmem>>
    %dma_start3A_302 = arith.constant 256 : i32
    %dma_start3A_303 = tpu.memref_slice %arg43[%dma_start3A_302] : memref<768xi32, #tpu.memory_space<vmem>> -> memref<128xi32, #tpu.memory_space<vmem>>
    %dma_start3A_304 = arith.constant 0 : i32
    %dma_start3A_305 = tpu.memref_slice %arg4[%dma_start3A_304] : memref<1000000xf32, #tpu.memory_space<hbm>> -> memref<1000000xf32, #tpu.memory_space<hbm>>
    tpu.enqueue_indirect_dma source(%dma_start3A_305 : memref<1000000xf32, #tpu.memory_space<hbm>>) target(%dma_start3A_301 : memref<128xf32, #tpu.memory_space<vmem>>) offsets(%dma_start3A_303 : memref<128xi32, #tpu.memory_space<vmem>>) semaphore(%arg62 : memref<!tpu.dma_semaphore, #tpu.memory_space<semaphore_mem>>)
    %dma_start3A_306 = arith.constant 256 : i32
    %dma_start3A_307 = tpu.memref_slice %arg46[%dma_start3A_306] : memref<768xf32, #tpu.memory_space<vmem>> -> memref<128xf32, #tpu.memory_space<vmem>>
    %dma_start3A_308 = arith.constant 256 : i32
    %dma_start3A_309 = tpu.memref_slice %arg43[%dma_start3A_308] : memref<768xi32, #tpu.memory_space<vmem>> -> memref<128xi32, #tpu.memory_space<vmem>>
    %dma_start3A_310 = arith.constant 0 : i32
    %dma_start3A_311 = tpu.memref_slice %arg5[%dma_start3A_310] : memref<1000000xf32, #tpu.memory_space<hbm>> -> memref<1000000xf32, #tpu.memory_space<hbm>>
    tpu.enqueue_indirect_dma source(%dma_start3A_311 : memref<1000000xf32, #tpu.memory_space<hbm>>) target(%dma_start3A_307 : memref<128xf32, #tpu.memory_space<vmem>>) offsets(%dma_start3A_309 : memref<128xi32, #tpu.memory_space<vmem>>) semaphore(%arg62 : memref<!tpu.dma_semaphore, #tpu.memory_space<semaphore_mem>>)
    %dma_start3A_312 = arith.constant 256 : i32
    %dma_start3A_313 = tpu.memref_slice %arg47[%dma_start3A_312] : memref<768xf32, #tpu.memory_space<vmem>> -> memref<128xf32, #tpu.memory_space<vmem>>
    %dma_start3A_314 = arith.constant 256 : i32
    %dma_start3A_315 = tpu.memref_slice %arg43[%dma_start3A_314] : memref<768xi32, #tpu.memory_space<vmem>> -> memref<128xi32, #tpu.memory_space<vmem>>
    %dma_start3A_316 = arith.constant 0 : i32
    %dma_start3A_317 = tpu.memref_slice %arg6[%dma_start3A_316] : memref<1000000xf32, #tpu.memory_space<hbm>> -> memref<1000000xf32, #tpu.memory_space<hbm>>
    tpu.enqueue_indirect_dma source(%dma_start3A_317 : memref<1000000xf32, #tpu.memory_space<hbm>>) target(%dma_start3A_313 : memref<128xf32, #tpu.memory_space<vmem>>) offsets(%dma_start3A_315 : memref<128xi32, #tpu.memory_space<vmem>>) semaphore(%arg62 : memref<!tpu.dma_semaphore, #tpu.memory_space<semaphore_mem>>)
    %dma_start3A_318 = arith.constant 384 : i32
    %dma_start3A_319 = tpu.memref_slice %arg45[%dma_start3A_318] : memref<768xf32, #tpu.memory_space<vmem>> -> memref<128xf32, #tpu.memory_space<vmem>>
    %dma_start3A_320 = arith.constant 384 : i32
    %dma_start3A_321 = tpu.memref_slice %arg43[%dma_start3A_320] : memref<768xi32, #tpu.memory_space<vmem>> -> memref<128xi32, #tpu.memory_space<vmem>>
    %dma_start3A_322 = arith.constant 0 : i32
    %dma_start3A_323 = tpu.memref_slice %arg4[%dma_start3A_322] : memref<1000000xf32, #tpu.memory_space<hbm>> -> memref<1000000xf32, #tpu.memory_space<hbm>>
    tpu.enqueue_indirect_dma source(%dma_start3A_323 : memref<1000000xf32, #tpu.memory_space<hbm>>) target(%dma_start3A_319 : memref<128xf32, #tpu.memory_space<vmem>>) offsets(%dma_start3A_321 : memref<128xi32, #tpu.memory_space<vmem>>) semaphore(%arg62 : memref<!tpu.dma_semaphore, #tpu.memory_space<semaphore_mem>>)
    %dma_start3A_324 = arith.constant 384 : i32
    %dma_start3A_325 = tpu.memref_slice %arg46[%dma_start3A_324] : memref<768xf32, #tpu.memory_space<vmem>> -> memref<128xf32, #tpu.memory_space<vmem>>
    %dma_start3A_326 = arith.constant 384 : i32
    %dma_start3A_327 = tpu.memref_slice %arg43[%dma_start3A_326] : memref<768xi32, #tpu.memory_space<vmem>> -> memref<128xi32, #tpu.memory_space<vmem>>
    %dma_start3A_328 = arith.constant 0 : i32
    %dma_start3A_329 = tpu.memref_slice %arg5[%dma_start3A_328] : memref<1000000xf32, #tpu.memory_space<hbm>> -> memref<1000000xf32, #tpu.memory_space<hbm>>
    tpu.enqueue_indirect_dma source(%dma_start3A_329 : memref<1000000xf32, #tpu.memory_space<hbm>>) target(%dma_start3A_325 : memref<128xf32, #tpu.memory_space<vmem>>) offsets(%dma_start3A_327 : memref<128xi32, #tpu.memory_space<vmem>>) semaphore(%arg62 : memref<!tpu.dma_semaphore, #tpu.memory_space<semaphore_mem>>)
    %dma_start3A_330 = arith.constant 384 : i32
    %dma_start3A_331 = tpu.memref_slice %arg47[%dma_start3A_330] : memref<768xf32, #tpu.memory_space<vmem>> -> memref<128xf32, #tpu.memory_space<vmem>>
    %dma_start3A_332 = arith.constant 384 : i32
    %dma_start3A_333 = tpu.memref_slice %arg43[%dma_start3A_332] : memref<768xi32, #tpu.memory_space<vmem>> -> memref<128xi32, #tpu.memory_space<vmem>>
    %dma_start3A_334 = arith.constant 0 : i32
    %dma_start3A_335 = tpu.memref_slice %arg6[%dma_start3A_334] : memref<1000000xf32, #tpu.memory_space<hbm>> -> memref<1000000xf32, #tpu.memory_space<hbm>>
    tpu.enqueue_indirect_dma source(%dma_start3A_335 : memref<1000000xf32, #tpu.memory_space<hbm>>) target(%dma_start3A_331 : memref<128xf32, #tpu.memory_space<vmem>>) offsets(%dma_start3A_333 : memref<128xi32, #tpu.memory_space<vmem>>) semaphore(%arg62 : memref<!tpu.dma_semaphore, #tpu.memory_space<semaphore_mem>>)
    %dma_start3A_336 = arith.constant 512 : i32
    %dma_start3A_337 = tpu.memref_slice %arg45[%dma_start3A_336] : memref<768xf32, #tpu.memory_space<vmem>> -> memref<128xf32, #tpu.memory_space<vmem>>
    %dma_start3A_338 = arith.constant 512 : i32
    %dma_start3A_339 = tpu.memref_slice %arg43[%dma_start3A_338] : memref<768xi32, #tpu.memory_space<vmem>> -> memref<128xi32, #tpu.memory_space<vmem>>
    %dma_start3A_340 = arith.constant 0 : i32
    %dma_start3A_341 = tpu.memref_slice %arg4[%dma_start3A_340] : memref<1000000xf32, #tpu.memory_space<hbm>> -> memref<1000000xf32, #tpu.memory_space<hbm>>
    tpu.enqueue_indirect_dma source(%dma_start3A_341 : memref<1000000xf32, #tpu.memory_space<hbm>>) target(%dma_start3A_337 : memref<128xf32, #tpu.memory_space<vmem>>) offsets(%dma_start3A_339 : memref<128xi32, #tpu.memory_space<vmem>>) semaphore(%arg62 : memref<!tpu.dma_semaphore, #tpu.memory_space<semaphore_mem>>)
    %dma_start3A_342 = arith.constant 512 : i32
    %dma_start3A_343 = tpu.memref_slice %arg46[%dma_start3A_342] : memref<768xf32, #tpu.memory_space<vmem>> -> memref<128xf32, #tpu.memory_space<vmem>>
    %dma_start3A_344 = arith.constant 512 : i32
    %dma_start3A_345 = tpu.memref_slice %arg43[%dma_start3A_344] : memref<768xi32, #tpu.memory_space<vmem>> -> memref<128xi32, #tpu.memory_space<vmem>>
    %dma_start3A_346 = arith.constant 0 : i32
    %dma_start3A_347 = tpu.memref_slice %arg5[%dma_start3A_346] : memref<1000000xf32, #tpu.memory_space<hbm>> -> memref<1000000xf32, #tpu.memory_space<hbm>>
    tpu.enqueue_indirect_dma source(%dma_start3A_347 : memref<1000000xf32, #tpu.memory_space<hbm>>) target(%dma_start3A_343 : memref<128xf32, #tpu.memory_space<vmem>>) offsets(%dma_start3A_345 : memref<128xi32, #tpu.memory_space<vmem>>) semaphore(%arg62 : memref<!tpu.dma_semaphore, #tpu.memory_space<semaphore_mem>>)
    %dma_start3A_348 = arith.constant 512 : i32
    %dma_start3A_349 = tpu.memref_slice %arg47[%dma_start3A_348] : memref<768xf32, #tpu.memory_space<vmem>> -> memref<128xf32, #tpu.memory_space<vmem>>
    %dma_start3A_350 = arith.constant 512 : i32
    %dma_start3A_351 = tpu.memref_slice %arg43[%dma_start3A_350] : memref<768xi32, #tpu.memory_space<vmem>> -> memref<128xi32, #tpu.memory_space<vmem>>
    %dma_start3A_352 = arith.constant 0 : i32
    %dma_start3A_353 = tpu.memref_slice %arg6[%dma_start3A_352] : memref<1000000xf32, #tpu.memory_space<hbm>> -> memref<1000000xf32, #tpu.memory_space<hbm>>
    tpu.enqueue_indirect_dma source(%dma_start3A_353 : memref<1000000xf32, #tpu.memory_space<hbm>>) target(%dma_start3A_349 : memref<128xf32, #tpu.memory_space<vmem>>) offsets(%dma_start3A_351 : memref<128xi32, #tpu.memory_space<vmem>>) semaphore(%arg62 : memref<!tpu.dma_semaphore, #tpu.memory_space<semaphore_mem>>)
    %dma_start3A_354 = arith.constant 640 : i32
    %dma_start3A_355 = tpu.memref_slice %arg45[%dma_start3A_354] : memref<768xf32, #tpu.memory_space<vmem>> -> memref<128xf32, #tpu.memory_space<vmem>>
    %dma_start3A_356 = arith.constant 640 : i32
    %dma_start3A_357 = tpu.memref_slice %arg43[%dma_start3A_356] : memref<768xi32, #tpu.memory_space<vmem>> -> memref<128xi32, #tpu.memory_space<vmem>>
    %dma_start3A_358 = arith.constant 0 : i32
    %dma_start3A_359 = tpu.memref_slice %arg4[%dma_start3A_358] : memref<1000000xf32, #tpu.memory_space<hbm>> -> memref<1000000xf32, #tpu.memory_space<hbm>>
    tpu.enqueue_indirect_dma source(%dma_start3A_359 : memref<1000000xf32, #tpu.memory_space<hbm>>) target(%dma_start3A_355 : memref<128xf32, #tpu.memory_space<vmem>>) offsets(%dma_start3A_357 : memref<128xi32, #tpu.memory_space<vmem>>) semaphore(%arg62 : memref<!tpu.dma_semaphore, #tpu.memory_space<semaphore_mem>>)
    %dma_start3A_360 = arith.constant 640 : i32
    %dma_start3A_361 = tpu.memref_slice %arg46[%dma_start3A_360] : memref<768xf32, #tpu.memory_space<vmem>> -> memref<128xf32, #tpu.memory_space<vmem>>
    %dma_start3A_362 = arith.constant 640 : i32
    %dma_start3A_363 = tpu.memref_slice %arg43[%dma_start3A_362] : memref<768xi32, #tpu.memory_space<vmem>> -> memref<128xi32, #tpu.memory_space<vmem>>
    %dma_start3A_364 = arith.constant 0 : i32
    %dma_start3A_365 = tpu.memref_slice %arg5[%dma_start3A_364] : memref<1000000xf32, #tpu.memory_space<hbm>> -> memref<1000000xf32, #tpu.memory_space<hbm>>
    tpu.enqueue_indirect_dma source(%dma_start3A_365 : memref<1000000xf32, #tpu.memory_space<hbm>>) target(%dma_start3A_361 : memref<128xf32, #tpu.memory_space<vmem>>) offsets(%dma_start3A_363 : memref<128xi32, #tpu.memory_space<vmem>>) semaphore(%arg62 : memref<!tpu.dma_semaphore, #tpu.memory_space<semaphore_mem>>)
    %dma_start3A_366 = arith.constant 640 : i32
    %dma_start3A_367 = tpu.memref_slice %arg47[%dma_start3A_366] : memref<768xf32, #tpu.memory_space<vmem>> -> memref<128xf32, #tpu.memory_space<vmem>>
    %dma_start3A_368 = arith.constant 640 : i32
    %dma_start3A_369 = tpu.memref_slice %arg43[%dma_start3A_368] : memref<768xi32, #tpu.memory_space<vmem>> -> memref<128xi32, #tpu.memory_space<vmem>>
    %dma_start3A_370 = arith.constant 0 : i32
    %dma_start3A_371 = tpu.memref_slice %arg6[%dma_start3A_370] : memref<1000000xf32, #tpu.memory_space<hbm>> -> memref<1000000xf32, #tpu.memory_space<hbm>>
    tpu.enqueue_indirect_dma source(%dma_start3A_371 : memref<1000000xf32, #tpu.memory_space<hbm>>) target(%dma_start3A_367 : memref<128xf32, #tpu.memory_space<vmem>>) offsets(%dma_start3A_369 : memref<128xi32, #tpu.memory_space<vmem>>) semaphore(%arg62 : memref<!tpu.dma_semaphore, #tpu.memory_space<semaphore_mem>>)
    %scan3A = arith.constant 0 : i32
    %scan3A_372 = arith.constant 0 : i32
    %scan3A_373 = arith.constant 48 : i32
    %scan3A_374 = arith.addi %scan3A_372, %scan3A_373 : i32
    %scan3A_375 = arith.constant 1 : i32
    scf.for %scan3A_1364 = %scan3A_372 to %scan3A_374 step %scan3A_375  : i32 {
      %mul3A_1365 = arith.constant 16 : i32
      %mul3A_1366 = arith.muli %scan3A_1364, %mul3A_1365 : i32
      %get3A = arith.index_cast %mul3A_1366 : i32 to index
      %get3A_1367 = tpu.vector_load %arg23[%get3A] {strides = array<i32>} : memref<768xi32, #tpu.memory_space<vmem>>, vector<16xi32>,
      %mul3A_1368 = arith.constant 10 : i32
      %mul3A_1369 = vector.broadcast %mul3A_1368 : i32 to vector<16xi32>
      %mul3A_1370 = arith.muli %get3A_1367, %mul3A_1369 : vector<16xi32>
      %get3A_1371 = arith.index_cast %mul3A_1366 : i32 to index
      %get3A_1372 = tpu.vector_load %arg24[%get3A_1371] {strides = array<i32>} : memref<768xf32, #tpu.memory_space<vmem>>, vector<16xf32>,
      %swap3A = arith.index_cast %mul3A_1366 : i32 to index
      %swap3A_1373 = tpu.vector_load %arg27[%swap3A] {strides = array<i32>} : memref<768xf32, #tpu.memory_space<vmem>>, vector<16xf32>,
      tpu.vector_store %arg27[%swap3A], %get3A_1372 {strides = array<i32>} : memref<768xf32, #tpu.memory_space<vmem>>, vector<16xf32>,
      %get3A_1374 = arith.index_cast %mul3A_1366 : i32 to index
      %get3A_1375 = tpu.vector_load %arg25[%get3A_1374] {strides = array<i32>} : memref<768xf32, #tpu.memory_space<vmem>>, vector<16xf32>,
      %swap3A_1376 = arith.index_cast %mul3A_1366 : i32 to index
      %swap3A_1377 = tpu.vector_load %arg28[%swap3A_1376] {strides = array<i32>} : memref<768xf32, #tpu.memory_space<vmem>>, vector<16xf32>,
      tpu.vector_store %arg28[%swap3A_1376], %get3A_1375 {strides = array<i32>} : memref<768xf32, #tpu.memory_space<vmem>>, vector<16xf32>,
      %get3A_1378 = arith.index_cast %mul3A_1366 : i32 to index
      %get3A_1379 = tpu.vector_load %arg26[%get3A_1378] {strides = array<i32>} : memref<768xf32, #tpu.memory_space<vmem>>, vector<16xf32>,
      %swap3A_1380 = arith.index_cast %mul3A_1366 : i32 to index
      %swap3A_1381 = tpu.vector_load %arg29[%swap3A_1380] {strides = array<i32>} : memref<768xf32, #tpu.memory_space<vmem>>, vector<16xf32>,
      tpu.vector_store %arg29[%swap3A_1380], %get3A_1379 {strides = array<i32>} : memref<768xf32, #tpu.memory_space<vmem>>, vector<16xf32>,
      %add3A_1382 = arith.constant 0 : i32
      %add3A_1383 = vector.broadcast %add3A_1382 : i32 to vector<16xi32>
      %add3A_1384 = arith.addi %mul3A_1370, %add3A_1383 : vector<16xi32>
      %gather3A = tpu.vector_load_idx %arg21[%add3A_1384] : memref<100000xf32, #tpu.memory_space<vmem>>[vector<16xi32>], vector<16xf32>,
      %swap3A_1385 = arith.index_cast %mul3A_1366 : i32 to index
      %swap3A_1386 = tpu.vector_load %arg30[%swap3A_1385] {strides = array<i32>} : memref<768xf32, #tpu.memory_space<vmem>>, vector<16xf32>,
      tpu.vector_store %arg30[%swap3A_1385], %gather3A {strides = array<i32>} : memref<768xf32, #tpu.memory_space<vmem>>, vector<16xf32>,
      %add3A_1387 = arith.constant 1 : i32
      %add3A_1388 = vector.broadcast %add3A_1387 : i32 to vector<16xi32>
      %add3A_1389 = arith.addi %mul3A_1370, %add3A_1388 : vector<16xi32>
      %gather3A_1390 = tpu.vector_load_idx %arg21[%add3A_1389] : memref<100000xf32, #tpu.memory_space<vmem>>[vector<16xi32>], vector<16xf32>,
      %swap3A_1391 = arith.index_cast %mul3A_1366 : i32 to index
      %swap3A_1392 = tpu.vector_load %arg31[%swap3A_1391] {strides = array<i32>} : memref<768xf32, #tpu.memory_space<vmem>>, vector<16xf32>,
      tpu.vector_store %arg31[%swap3A_1391], %gather3A_1390 {strides = array<i32>} : memref<768xf32, #tpu.memory_space<vmem>>, vector<16xf32>,
      %add3A_1393 = arith.constant 2 : i32
      %add3A_1394 = vector.broadcast %add3A_1393 : i32 to vector<16xi32>
      %add3A_1395 = arith.addi %mul3A_1370, %add3A_1394 : vector<16xi32>
      %gather3A_1396 = tpu.vector_load_idx %arg21[%add3A_1395] : memref<100000xf32, #tpu.memory_space<vmem>>[vector<16xi32>], vector<16xf32>,
      %swap3A_1397 = arith.index_cast %mul3A_1366 : i32 to index
      %swap3A_1398 = tpu.vector_load %arg32[%swap3A_1397] {strides = array<i32>} : memref<768xf32, #tpu.memory_space<vmem>>, vector<16xf32>,
      tpu.vector_store %arg32[%swap3A_1397], %gather3A_1396 {strides = array<i32>} : memref<768xf32, #tpu.memory_space<vmem>>, vector<16xf32>,
      %add3A_1399 = arith.constant 3 : i32
      %add3A_1400 = vector.broadcast %add3A_1399 : i32 to vector<16xi32>
      %add3A_1401 = arith.addi %mul3A_1370, %add3A_1400 : vector<16xi32>
      %gather3A_1402 = tpu.vector_load_idx %arg21[%add3A_1401] : memref<100000xf32, #tpu.memory_space<vmem>>[vector<16xi32>], vector<16xf32>,
      %swap3A_1403 = arith.index_cast %mul3A_1366 : i32 to index
      %swap3A_1404 = tpu.vector_load %arg33[%swap3A_1403] {strides = array<i32>} : memref<768xf32, #tpu.memory_space<vmem>>, vector<16xf32>,
      tpu.vector_store %arg33[%swap3A_1403], %gather3A_1402 {strides = array<i32>} : memref<768xf32, #tpu.memory_space<vmem>>, vector<16xf32>,
      %add3A_1405 = arith.constant 4 : i32
      %add3A_1406 = vector.broadcast %add3A_1405 : i32 to vector<16xi32>
      %add3A_1407 = arith.addi %mul3A_1370, %add3A_1406 : vector<16xi32>
      %gather3A_1408 = tpu.vector_load_idx %arg21[%add3A_1407] : memref<100000xf32, #tpu.memory_space<vmem>>[vector<16xi32>], vector<16xf32>,
      %swap3A_1409 = arith.index_cast %mul3A_1366 : i32 to index
      %swap3A_1410 = tpu.vector_load %arg34[%swap3A_1409] {strides = array<i32>} : memref<768xf32, #tpu.memory_space<vmem>>, vector<16xf32>,
      tpu.vector_store %arg34[%swap3A_1409], %gather3A_1408 {strides = array<i32>} : memref<768xf32, #tpu.memory_space<vmem>>, vector<16xf32>,
      %add3A_1411 = arith.constant 5 : i32
      %add3A_1412 = vector.broadcast %add3A_1411 : i32 to vector<16xi32>
      %add3A_1413 = arith.addi %mul3A_1370, %add3A_1412 : vector<16xi32>
      %gather3A_1414 = tpu.vector_load_idx %arg21[%add3A_1413] : memref<100000xf32, #tpu.memory_space<vmem>>[vector<16xi32>], vector<16xf32>,
      %swap3A_1415 = arith.index_cast %mul3A_1366 : i32 to index
      %swap3A_1416 = tpu.vector_load %arg35[%swap3A_1415] {strides = array<i32>} : memref<768xf32, #tpu.memory_space<vmem>>, vector<16xf32>,
      tpu.vector_store %arg35[%swap3A_1415], %gather3A_1414 {strides = array<i32>} : memref<768xf32, #tpu.memory_space<vmem>>, vector<16xf32>,
      %add3A_1417 = arith.constant 6 : i32
      %add3A_1418 = vector.broadcast %add3A_1417 : i32 to vector<16xi32>
      %add3A_1419 = arith.addi %mul3A_1370, %add3A_1418 : vector<16xi32>
      %gather3A_1420 = tpu.vector_load_idx %arg21[%add3A_1419] : memref<100000xf32, #tpu.memory_space<vmem>>[vector<16xi32>], vector<16xf32>,
      %swap3A_1421 = arith.index_cast %mul3A_1366 : i32 to index
      %swap3A_1422 = tpu.vector_load %arg36[%swap3A_1421] {strides = array<i32>} : memref<768xf32, #tpu.memory_space<vmem>>, vector<16xf32>,
      tpu.vector_store %arg36[%swap3A_1421], %gather3A_1420 {strides = array<i32>} : memref<768xf32, #tpu.memory_space<vmem>>, vector<16xf32>,
      %add3A_1423 = arith.constant 7 : i32
      %add3A_1424 = vector.broadcast %add3A_1423 : i32 to vector<16xi32>
      %add3A_1425 = arith.addi %mul3A_1370, %add3A_1424 : vector<16xi32>
      %gather3A_1426 = tpu.vector_load_idx %arg21[%add3A_1425] : memref<100000xf32, #tpu.memory_space<vmem>>[vector<16xi32>], vector<16xf32>,
      %swap3A_1427 = arith.index_cast %mul3A_1366 : i32 to index
      %swap3A_1428 = tpu.vector_load %arg37[%swap3A_1427] {strides = array<i32>} : memref<768xf32, #tpu.memory_space<vmem>>, vector<16xf32>,
      tpu.vector_store %arg37[%swap3A_1427], %gather3A_1426 {strides = array<i32>} : memref<768xf32, #tpu.memory_space<vmem>>, vector<16xf32>,
      %add3A_1429 = arith.constant 8 : i32
      %add3A_1430 = vector.broadcast %add3A_1429 : i32 to vector<16xi32>
      %add3A_1431 = arith.addi %mul3A_1370, %add3A_1430 : vector<16xi32>
      %gather3A_1432 = tpu.vector_load_idx %arg21[%add3A_1431] : memref<100000xf32, #tpu.memory_space<vmem>>[vector<16xi32>], vector<16xf32>,
      %swap3A_1433 = arith.index_cast %mul3A_1366 : i32 to index
      %swap3A_1434 = tpu.vector_load %arg38[%swap3A_1433] {strides = array<i32>} : memref<768xf32, #tpu.memory_space<vmem>>, vector<16xf32>,
      tpu.vector_store %arg38[%swap3A_1433], %gather3A_1432 {strides = array<i32>} : memref<768xf32, #tpu.memory_space<vmem>>, vector<16xf32>,
      %add3A_1435 = arith.constant 9 : i32
      %add3A_1436 = vector.broadcast %add3A_1435 : i32 to vector<16xi32>
      %add3A_1437 = arith.addi %mul3A_1370, %add3A_1436 : vector<16xi32>
      %gather3A_1438 = tpu.vector_load_idx %arg21[%add3A_1437] : memref<100000xf32, #tpu.memory_space<vmem>>[vector<16xi32>], vector<16xf32>,
      %swap3A_1439 = arith.index_cast %mul3A_1366 : i32 to index
      %swap3A_1440 = tpu.vector_load %arg39[%swap3A_1439] {strides = array<i32>} : memref<768xf32, #tpu.memory_space<vmem>>, vector<16xf32>,
      tpu.vector_store %arg39[%swap3A_1439], %gather3A_1438 {strides = array<i32>} : memref<768xf32, #tpu.memory_space<vmem>>, vector<16xf32>,
    }
    %scan3A_376 = arith.constant 48 : i32
    %sub3A_377 = arith.constant 1 : i32
    %sub3A_378 = arith.constant 1 : i32
    %sub3A_379 = arith.subi %sub3A_377, %sub3A_378 : i32
    %mul3A_380 = arith.constant 6 : i32
    %mul3A_381 = arith.muli %sub3A_379, %mul3A_380 : i32
    %sub3A_382 = arith.constant 6 : i32
    %sub3A_383 = arith.subi %add3A_4, %sub3A_382 : i32
    %min3A_384 = arith.minsi %mul3A_381, %sub3A_383 : i32
    %add3A_385 = arith.addi %add3A_8, %min3A_384 : i32
    %mul3A_386 = arith.constant 128 : i32
    %mul3A_387 = arith.muli %add3A_385, %mul3A_386 : i32
    %dma_start3A_388 = tpu.memref_slice %arg8[%mul3A_387] : memref<2000000xf32, #tpu.memory_space<hbm>> -> memref<768xf32, #tpu.memory_space<hbm>>
    %dma_start3A_389 = tpu.memref_slice %arg8[%mul3A_387] : memref<2000000xf32, #tpu.memory_space<hbm>> -> memref<768xf32, #tpu.memory_space<hbm>>
    tpu.enqueue_dma source(%arg27 : memref<768xf32, #tpu.memory_space<vmem>>) target(%dma_start3A_389 : memref<768xf32, #tpu.memory_space<hbm>>) target_semaphore(%arg42 : memref<!tpu.dma_semaphore, #tpu.memory_space<semaphore_mem>>)
    %dma_start3A_390 = tpu.memref_slice %arg9[%mul3A_387] : memref<2000000xf32, #tpu.memory_space<hbm>> -> memref<768xf32, #tpu.memory_space<hbm>>
    %dma_start3A_391 = tpu.memref_slice %arg9[%mul3A_387] : memref<2000000xf32, #tpu.memory_space<hbm>> -> memref<768xf32, #tpu.memory_space<hbm>>
    tpu.enqueue_dma source(%arg28 : memref<768xf32, #tpu.memory_space<vmem>>) target(%dma_start3A_391 : memref<768xf32, #tpu.memory_space<hbm>>) target_semaphore(%arg42 : memref<!tpu.dma_semaphore, #tpu.memory_space<semaphore_mem>>)
    %dma_start3A_392 = tpu.memref_slice %arg10[%mul3A_387] : memref<2000000xf32, #tpu.memory_space<hbm>> -> memref<768xf32, #tpu.memory_space<hbm>>
    %dma_start3A_393 = tpu.memref_slice %arg10[%mul3A_387] : memref<2000000xf32, #tpu.memory_space<hbm>> -> memref<768xf32, #tpu.memory_space<hbm>>
    tpu.enqueue_dma source(%arg29 : memref<768xf32, #tpu.memory_space<vmem>>) target(%dma_start3A_393 : memref<768xf32, #tpu.memory_space<hbm>>) target_semaphore(%arg42 : memref<!tpu.dma_semaphore, #tpu.memory_space<semaphore_mem>>)
    %dma_start3A_394 = tpu.memref_slice %arg11[%mul3A_387] : memref<2000000xf32, #tpu.memory_space<hbm>> -> memref<768xf32, #tpu.memory_space<hbm>>
    %dma_start3A_395 = tpu.memref_slice %arg11[%mul3A_387] : memref<2000000xf32, #tpu.memory_space<hbm>> -> memref<768xf32, #tpu.memory_space<hbm>>
    tpu.enqueue_dma source(%arg30 : memref<768xf32, #tpu.memory_space<vmem>>) target(%dma_start3A_395 : memref<768xf32, #tpu.memory_space<hbm>>) target_semaphore(%arg42 : memref<!tpu.dma_semaphore, #tpu.memory_space<semaphore_mem>>)
    %dma_start3A_396 = tpu.memref_slice %arg12[%mul3A_387] : memref<2000000xf32, #tpu.memory_space<hbm>> -> memref<768xf32, #tpu.memory_space<hbm>>
    %dma_start3A_397 = tpu.memref_slice %arg12[%mul3A_387] : memref<2000000xf32, #tpu.memory_space<hbm>> -> memref<768xf32, #tpu.memory_space<hbm>>
    tpu.enqueue_dma source(%arg31 : memref<768xf32, #tpu.memory_space<vmem>>) target(%dma_start3A_397 : memref<768xf32, #tpu.memory_space<hbm>>) target_semaphore(%arg42 : memref<!tpu.dma_semaphore, #tpu.memory_space<semaphore_mem>>)
    %dma_start3A_398 = tpu.memref_slice %arg13[%mul3A_387] : memref<2000000xf32, #tpu.memory_space<hbm>> -> memref<768xf32, #tpu.memory_space<hbm>>
    %dma_start3A_399 = tpu.memref_slice %arg13[%mul3A_387] : memref<2000000xf32, #tpu.memory_space<hbm>> -> memref<768xf32, #tpu.memory_space<hbm>>
    tpu.enqueue_dma source(%arg32 : memref<768xf32, #tpu.memory_space<vmem>>) target(%dma_start3A_399 : memref<768xf32, #tpu.memory_space<hbm>>) target_semaphore(%arg42 : memref<!tpu.dma_semaphore, #tpu.memory_space<semaphore_mem>>)
    %dma_start3A_400 = tpu.memref_slice %arg14[%mul3A_387] : memref<2000000xf32, #tpu.memory_space<hbm>> -> memref<768xf32, #tpu.memory_space<hbm>>
    %dma_start3A_401 = tpu.memref_slice %arg14[%mul3A_387] : memref<2000000xf32, #tpu.memory_space<hbm>> -> memref<768xf32, #tpu.memory_space<hbm>>
    tpu.enqueue_dma source(%arg33 : memref<768xf32, #tpu.memory_space<vmem>>) target(%dma_start3A_401 : memref<768xf32, #tpu.memory_space<hbm>>) target_semaphore(%arg42 : memref<!tpu.dma_semaphore, #tpu.memory_space<semaphore_mem>>)
    %dma_start3A_402 = tpu.memref_slice %arg15[%mul3A_387] : memref<2000000xf32, #tpu.memory_space<hbm>> -> memref<768xf32, #tpu.memory_space<hbm>>
    %dma_start3A_403 = tpu.memref_slice %arg15[%mul3A_387] : memref<2000000xf32, #tpu.memory_space<hbm>> -> memref<768xf32, #tpu.memory_space<hbm>>
    tpu.enqueue_dma source(%arg34 : memref<768xf32, #tpu.memory_space<vmem>>) target(%dma_start3A_403 : memref<768xf32, #tpu.memory_space<hbm>>) target_semaphore(%arg42 : memref<!tpu.dma_semaphore, #tpu.memory_space<semaphore_mem>>)
    %dma_start3A_404 = tpu.memref_slice %arg16[%mul3A_387] : memref<2000000xf32, #tpu.memory_space<hbm>> -> memref<768xf32, #tpu.memory_space<hbm>>
    %dma_start3A_405 = tpu.memref_slice %arg16[%mul3A_387] : memref<2000000xf32, #tpu.memory_space<hbm>> -> memref<768xf32, #tpu.memory_space<hbm>>
    tpu.enqueue_dma source(%arg35 : memref<768xf32, #tpu.memory_space<vmem>>) target(%dma_start3A_405 : memref<768xf32, #tpu.memory_space<hbm>>) target_semaphore(%arg42 : memref<!tpu.dma_semaphore, #tpu.memory_space<semaphore_mem>>)
    %dma_start3A_406 = tpu.memref_slice %arg17[%mul3A_387] : memref<2000000xf32, #tpu.memory_space<hbm>> -> memref<768xf32, #tpu.memory_space<hbm>>
    %dma_start3A_407 = tpu.memref_slice %arg17[%mul3A_387] : memref<2000000xf32, #tpu.memory_space<hbm>> -> memref<768xf32, #tpu.memory_space<hbm>>
    tpu.enqueue_dma source(%arg36 : memref<768xf32, #tpu.memory_space<vmem>>) target(%dma_start3A_407 : memref<768xf32, #tpu.memory_space<hbm>>) target_semaphore(%arg42 : memref<!tpu.dma_semaphore, #tpu.memory_space<semaphore_mem>>)
    %dma_start3A_408 = tpu.memref_slice %arg18[%mul3A_387] : memref<2000000xf32, #tpu.memory_space<hbm>> -> memref<768xf32, #tpu.memory_space<hbm>>
    %dma_start3A_409 = tpu.memref_slice %arg18[%mul3A_387] : memref<2000000xf32, #tpu.memory_space<hbm>> -> memref<768xf32, #tpu.memory_space<hbm>>
    tpu.enqueue_dma source(%arg37 : memref<768xf32, #tpu.memory_space<vmem>>) target(%dma_start3A_409 : memref<768xf32, #tpu.memory_space<hbm>>) target_semaphore(%arg42 : memref<!tpu.dma_semaphore, #tpu.memory_space<semaphore_mem>>)
    %dma_start3A_410 = tpu.memref_slice %arg19[%mul3A_387] : memref<2000000xf32, #tpu.memory_space<hbm>> -> memref<768xf32, #tpu.memory_space<hbm>>
    %dma_start3A_411 = tpu.memref_slice %arg19[%mul3A_387] : memref<2000000xf32, #tpu.memory_space<hbm>> -> memref<768xf32, #tpu.memory_space<hbm>>
    tpu.enqueue_dma source(%arg38 : memref<768xf32, #tpu.memory_space<vmem>>) target(%dma_start3A_411 : memref<768xf32, #tpu.memory_space<hbm>>) target_semaphore(%arg42 : memref<!tpu.dma_semaphore, #tpu.memory_space<semaphore_mem>>)
    %dma_start3A_412 = tpu.memref_slice %arg20[%mul3A_387] : memref<2000000xf32, #tpu.memory_space<hbm>> -> memref<768xf32, #tpu.memory_space<hbm>>
    %dma_start3A_413 = tpu.memref_slice %arg20[%mul3A_387] : memref<2000000xf32, #tpu.memory_space<hbm>> -> memref<768xf32, #tpu.memory_space<hbm>>
    tpu.enqueue_dma source(%arg39 : memref<768xf32, #tpu.memory_space<vmem>>) target(%dma_start3A_413 : memref<768xf32, #tpu.memory_space<hbm>>) target_semaphore(%arg42 : memref<!tpu.dma_semaphore, #tpu.memory_space<semaphore_mem>>)
    %add3A_414 = arith.constant 1 : i32
    %add3A_415 = arith.constant 1 : i32
    %add3A_416 = arith.addi %add3A_414, %add3A_415 : i32
    %mul3A_417 = arith.constant 6 : i32
    %mul3A_418 = arith.muli %add3A_416, %mul3A_417 : i32
    %sub3A_419 = arith.constant 6 : i32
    %sub3A_420 = arith.subi %add3A_4, %sub3A_419 : i32
    %min3A_421 = arith.minsi %mul3A_418, %sub3A_420 : i32
    %add3A_422 = arith.addi %add3A_8, %min3A_421 : i32
    %mul3A_423 = arith.constant 128 : i32
    %mul3A_424 = arith.muli %add3A_422, %mul3A_423 : i32
    %dma_start3A_425 = tpu.memref_slice %arg3[%mul3A_424] : memref<2000000xi32, #tpu.memory_space<hbm>> -> memref<768xi32, #tpu.memory_space<hbm>>
    %dma_start3A_426 = tpu.memref_slice %arg3[%mul3A_424] : memref<2000000xi32, #tpu.memory_space<hbm>> -> memref<768xi32, #tpu.memory_space<hbm>>
    tpu.enqueue_dma source(%dma_start3A_426 : memref<768xi32, #tpu.memory_space<hbm>>) target(%arg22 : memref<768xi32, #tpu.memory_space<vmem>>) target_semaphore(%arg40 : memref<!tpu.dma_semaphore, #tpu.memory_space<semaphore_mem>>)
    %dma_start3A_427 = tpu.memref_slice %arg2[%mul3A_424] : memref<2000000xi32, #tpu.memory_space<hbm>> -> memref<768xi32, #tpu.memory_space<hbm>>
    %dma_start3A_428 = tpu.memref_slice %arg2[%mul3A_424] : memref<2000000xi32, #tpu.memory_space<hbm>> -> memref<768xi32, #tpu.memory_space<hbm>>
    tpu.enqueue_dma source(%dma_start3A_428 : memref<768xi32, #tpu.memory_space<hbm>>) target(%arg23 : memref<768xi32, #tpu.memory_space<vmem>>) target_semaphore(%arg40 : memref<!tpu.dma_semaphore, #tpu.memory_space<semaphore_mem>>)
    %dma_wait3A_429 = arith.constant 0 : i32
    %dma_wait3A_430 = tpu.memref_slice %arg45[%dma_wait3A_429] : memref<768xf32, #tpu.memory_space<vmem>> -> memref<128xf32, #tpu.memory_space<vmem>>
    %dma_wait3A_431 = arith.constant 0 : i32
    %dma_wait3A_432 = tpu.memref_slice %arg43[%dma_wait3A_431] : memref<768xi32, #tpu.memory_space<vmem>> -> memref<128xi32, #tpu.memory_space<vmem>>
    %dma_wait3A_433 = arith.constant 0 : i32
    %dma_wait3A_434 = tpu.memref_slice %arg4[%dma_wait3A_433] : memref<1000000xf32, #tpu.memory_space<hbm>> -> memref<1000000xf32, #tpu.memory_space<hbm>>
    tpu.wait_indirect_dma semaphore(%arg62 : memref<!tpu.dma_semaphore, #tpu.memory_space<semaphore_mem>>) src(%dma_wait3A_434 : memref<1000000xf32, #tpu.memory_space<hbm>>) dst(%dma_wait3A_430 : memref<128xf32, #tpu.memory_space<vmem>>)
    %dma_wait3A_435 = arith.constant 0 : i32
    %dma_wait3A_436 = tpu.memref_slice %arg46[%dma_wait3A_435] : memref<768xf32, #tpu.memory_space<vmem>> -> memref<128xf32, #tpu.memory_space<vmem>>
    %dma_wait3A_437 = arith.constant 0 : i32
    %dma_wait3A_438 = tpu.memref_slice %arg43[%dma_wait3A_437] : memref<768xi32, #tpu.memory_space<vmem>> -> memref<128xi32, #tpu.memory_space<vmem>>
    %dma_wait3A_439 = arith.constant 0 : i32
    %dma_wait3A_440 = tpu.memref_slice %arg5[%dma_wait3A_439] : memref<1000000xf32, #tpu.memory_space<hbm>> -> memref<1000000xf32, #tpu.memory_space<hbm>>
    tpu.wait_indirect_dma semaphore(%arg62 : memref<!tpu.dma_semaphore, #tpu.memory_space<semaphore_mem>>) src(%dma_wait3A_440 : memref<1000000xf32, #tpu.memory_space<hbm>>) dst(%dma_wait3A_436 : memref<128xf32, #tpu.memory_space<vmem>>)
    %dma_wait3A_441 = arith.constant 0 : i32
    %dma_wait3A_442 = tpu.memref_slice %arg47[%dma_wait3A_441] : memref<768xf32, #tpu.memory_space<vmem>> -> memref<128xf32, #tpu.memory_space<vmem>>
    %dma_wait3A_443 = arith.constant 0 : i32
    %dma_wait3A_444 = tpu.memref_slice %arg43[%dma_wait3A_443] : memref<768xi32, #tpu.memory_space<vmem>> -> memref<128xi32, #tpu.memory_space<vmem>>
    %dma_wait3A_445 = arith.constant 0 : i32
    %dma_wait3A_446 = tpu.memref_slice %arg6[%dma_wait3A_445] : memref<1000000xf32, #tpu.memory_space<hbm>> -> memref<1000000xf32, #tpu.memory_space<hbm>>
    tpu.wait_indirect_dma semaphore(%arg62 : memref<!tpu.dma_semaphore, #tpu.memory_space<semaphore_mem>>) src(%dma_wait3A_446 : memref<1000000xf32, #tpu.memory_space<hbm>>) dst(%dma_wait3A_442 : memref<128xf32, #tpu.memory_space<vmem>>)
    %dma_wait3A_447 = arith.constant 128 : i32
    %dma_wait3A_448 = tpu.memref_slice %arg45[%dma_wait3A_447] : memref<768xf32, #tpu.memory_space<vmem>> -> memref<128xf32, #tpu.memory_space<vmem>>
    %dma_wait3A_449 = arith.constant 128 : i32
    %dma_wait3A_450 = tpu.memref_slice %arg43[%dma_wait3A_449] : memref<768xi32, #tpu.memory_space<vmem>> -> memref<128xi32, #tpu.memory_space<vmem>>
    %dma_wait3A_451 = arith.constant 0 : i32
    %dma_wait3A_452 = tpu.memref_slice %arg4[%dma_wait3A_451] : memref<1000000xf32, #tpu.memory_space<hbm>> -> memref<1000000xf32, #tpu.memory_space<hbm>>
    tpu.wait_indirect_dma semaphore(%arg62 : memref<!tpu.dma_semaphore, #tpu.memory_space<semaphore_mem>>) src(%dma_wait3A_452 : memref<1000000xf32, #tpu.memory_space<hbm>>) dst(%dma_wait3A_448 : memref<128xf32, #tpu.memory_space<vmem>>)
    %dma_wait3A_453 = arith.constant 128 : i32
    %dma_wait3A_454 = tpu.memref_slice %arg46[%dma_wait3A_453] : memref<768xf32, #tpu.memory_space<vmem>> -> memref<128xf32, #tpu.memory_space<vmem>>
    %dma_wait3A_455 = arith.constant 128 : i32
    %dma_wait3A_456 = tpu.memref_slice %arg43[%dma_wait3A_455] : memref<768xi32, #tpu.memory_space<vmem>> -> memref<128xi32, #tpu.memory_space<vmem>>
    %dma_wait3A_457 = arith.constant 0 : i32
    %dma_wait3A_458 = tpu.memref_slice %arg5[%dma_wait3A_457] : memref<1000000xf32, #tpu.memory_space<hbm>> -> memref<1000000xf32, #tpu.memory_space<hbm>>
    tpu.wait_indirect_dma semaphore(%arg62 : memref<!tpu.dma_semaphore, #tpu.memory_space<semaphore_mem>>) src(%dma_wait3A_458 : memref<1000000xf32, #tpu.memory_space<hbm>>) dst(%dma_wait3A_454 : memref<128xf32, #tpu.memory_space<vmem>>)
    %dma_wait3A_459 = arith.constant 128 : i32
    %dma_wait3A_460 = tpu.memref_slice %arg47[%dma_wait3A_459] : memref<768xf32, #tpu.memory_space<vmem>> -> memref<128xf32, #tpu.memory_space<vmem>>
    %dma_wait3A_461 = arith.constant 128 : i32
    %dma_wait3A_462 = tpu.memref_slice %arg43[%dma_wait3A_461] : memref<768xi32, #tpu.memory_space<vmem>> -> memref<128xi32, #tpu.memory_space<vmem>>
    %dma_wait3A_463 = arith.constant 0 : i32
    %dma_wait3A_464 = tpu.memref_slice %arg6[%dma_wait3A_463] : memref<1000000xf32, #tpu.memory_space<hbm>> -> memref<1000000xf32, #tpu.memory_space<hbm>>
    tpu.wait_indirect_dma semaphore(%arg62 : memref<!tpu.dma_semaphore, #tpu.memory_space<semaphore_mem>>) src(%dma_wait3A_464 : memref<1000000xf32, #tpu.memory_space<hbm>>) dst(%dma_wait3A_460 : memref<128xf32, #tpu.memory_space<vmem>>)
    %dma_wait3A_465 = arith.constant 256 : i32
    %dma_wait3A_466 = tpu.memref_slice %arg45[%dma_wait3A_465] : memref<768xf32, #tpu.memory_space<vmem>> -> memref<128xf32, #tpu.memory_space<vmem>>
    %dma_wait3A_467 = arith.constant 256 : i32
    %dma_wait3A_468 = tpu.memref_slice %arg43[%dma_wait3A_467] : memref<768xi32, #tpu.memory_space<vmem>> -> memref<128xi32, #tpu.memory_space<vmem>>
    %dma_wait3A_469 = arith.constant 0 : i32
    %dma_wait3A_470 = tpu.memref_slice %arg4[%dma_wait3A_469] : memref<1000000xf32, #tpu.memory_space<hbm>> -> memref<1000000xf32, #tpu.memory_space<hbm>>
    tpu.wait_indirect_dma semaphore(%arg62 : memref<!tpu.dma_semaphore, #tpu.memory_space<semaphore_mem>>) src(%dma_wait3A_470 : memref<1000000xf32, #tpu.memory_space<hbm>>) dst(%dma_wait3A_466 : memref<128xf32, #tpu.memory_space<vmem>>)
    %dma_wait3A_471 = arith.constant 256 : i32
    %dma_wait3A_472 = tpu.memref_slice %arg46[%dma_wait3A_471] : memref<768xf32, #tpu.memory_space<vmem>> -> memref<128xf32, #tpu.memory_space<vmem>>
    %dma_wait3A_473 = arith.constant 256 : i32
    %dma_wait3A_474 = tpu.memref_slice %arg43[%dma_wait3A_473] : memref<768xi32, #tpu.memory_space<vmem>> -> memref<128xi32, #tpu.memory_space<vmem>>
    %dma_wait3A_475 = arith.constant 0 : i32
    %dma_wait3A_476 = tpu.memref_slice %arg5[%dma_wait3A_475] : memref<1000000xf32, #tpu.memory_space<hbm>> -> memref<1000000xf32, #tpu.memory_space<hbm>>
    tpu.wait_indirect_dma semaphore(%arg62 : memref<!tpu.dma_semaphore, #tpu.memory_space<semaphore_mem>>) src(%dma_wait3A_476 : memref<1000000xf32, #tpu.memory_space<hbm>>) dst(%dma_wait3A_472 : memref<128xf32, #tpu.memory_space<vmem>>)
    %dma_wait3A_477 = arith.constant 256 : i32
    %dma_wait3A_478 = tpu.memref_slice %arg47[%dma_wait3A_477] : memref<768xf32, #tpu.memory_space<vmem>> -> memref<128xf32, #tpu.memory_space<vmem>>
    %dma_wait3A_479 = arith.constant 256 : i32
    %dma_wait3A_480 = tpu.memref_slice %arg43[%dma_wait3A_479] : memref<768xi32, #tpu.memory_space<vmem>> -> memref<128xi32, #tpu.memory_space<vmem>>
    %dma_wait3A_481 = arith.constant 0 : i32
    %dma_wait3A_482 = tpu.memref_slice %arg6[%dma_wait3A_481] : memref<1000000xf32, #tpu.memory_space<hbm>> -> memref<1000000xf32, #tpu.memory_space<hbm>>
    tpu.wait_indirect_dma semaphore(%arg62 : memref<!tpu.dma_semaphore, #tpu.memory_space<semaphore_mem>>) src(%dma_wait3A_482 : memref<1000000xf32, #tpu.memory_space<hbm>>) dst(%dma_wait3A_478 : memref<128xf32, #tpu.memory_space<vmem>>)
    %dma_wait3A_483 = arith.constant 384 : i32
    %dma_wait3A_484 = tpu.memref_slice %arg45[%dma_wait3A_483] : memref<768xf32, #tpu.memory_space<vmem>> -> memref<128xf32, #tpu.memory_space<vmem>>
    %dma_wait3A_485 = arith.constant 384 : i32
    %dma_wait3A_486 = tpu.memref_slice %arg43[%dma_wait3A_485] : memref<768xi32, #tpu.memory_space<vmem>> -> memref<128xi32, #tpu.memory_space<vmem>>
    %dma_wait3A_487 = arith.constant 0 : i32
    %dma_wait3A_488 = tpu.memref_slice %arg4[%dma_wait3A_487] : memref<1000000xf32, #tpu.memory_space<hbm>> -> memref<1000000xf32, #tpu.memory_space<hbm>>
    tpu.wait_indirect_dma semaphore(%arg62 : memref<!tpu.dma_semaphore, #tpu.memory_space<semaphore_mem>>) src(%dma_wait3A_488 : memref<1000000xf32, #tpu.memory_space<hbm>>) dst(%dma_wait3A_484 : memref<128xf32, #tpu.memory_space<vmem>>)
    %dma_wait3A_489 = arith.constant 384 : i32
    %dma_wait3A_490 = tpu.memref_slice %arg46[%dma_wait3A_489] : memref<768xf32, #tpu.memory_space<vmem>> -> memref<128xf32, #tpu.memory_space<vmem>>
    %dma_wait3A_491 = arith.constant 384 : i32
    %dma_wait3A_492 = tpu.memref_slice %arg43[%dma_wait3A_491] : memref<768xi32, #tpu.memory_space<vmem>> -> memref<128xi32, #tpu.memory_space<vmem>>
    %dma_wait3A_493 = arith.constant 0 : i32
    %dma_wait3A_494 = tpu.memref_slice %arg5[%dma_wait3A_493] : memref<1000000xf32, #tpu.memory_space<hbm>> -> memref<1000000xf32, #tpu.memory_space<hbm>>
    tpu.wait_indirect_dma semaphore(%arg62 : memref<!tpu.dma_semaphore, #tpu.memory_space<semaphore_mem>>) src(%dma_wait3A_494 : memref<1000000xf32, #tpu.memory_space<hbm>>) dst(%dma_wait3A_490 : memref<128xf32, #tpu.memory_space<vmem>>)
    %dma_wait3A_495 = arith.constant 384 : i32
    %dma_wait3A_496 = tpu.memref_slice %arg47[%dma_wait3A_495] : memref<768xf32, #tpu.memory_space<vmem>> -> memref<128xf32, #tpu.memory_space<vmem>>
    %dma_wait3A_497 = arith.constant 384 : i32
    %dma_wait3A_498 = tpu.memref_slice %arg43[%dma_wait3A_497] : memref<768xi32, #tpu.memory_space<vmem>> -> memref<128xi32, #tpu.memory_space<vmem>>
    %dma_wait3A_499 = arith.constant 0 : i32
    %dma_wait3A_500 = tpu.memref_slice %arg6[%dma_wait3A_499] : memref<1000000xf32, #tpu.memory_space<hbm>> -> memref<1000000xf32, #tpu.memory_space<hbm>>
    tpu.wait_indirect_dma semaphore(%arg62 : memref<!tpu.dma_semaphore, #tpu.memory_space<semaphore_mem>>) src(%dma_wait3A_500 : memref<1000000xf32, #tpu.memory_space<hbm>>) dst(%dma_wait3A_496 : memref<128xf32, #tpu.memory_space<vmem>>)
    %dma_wait3A_501 = arith.constant 512 : i32
    %dma_wait3A_502 = tpu.memref_slice %arg45[%dma_wait3A_501] : memref<768xf32, #tpu.memory_space<vmem>> -> memref<128xf32, #tpu.memory_space<vmem>>
    %dma_wait3A_503 = arith.constant 512 : i32
    %dma_wait3A_504 = tpu.memref_slice %arg43[%dma_wait3A_503] : memref<768xi32, #tpu.memory_space<vmem>> -> memref<128xi32, #tpu.memory_space<vmem>>
    %dma_wait3A_505 = arith.constant 0 : i32
    %dma_wait3A_506 = tpu.memref_slice %arg4[%dma_wait3A_505] : memref<1000000xf32, #tpu.memory_space<hbm>> -> memref<1000000xf32, #tpu.memory_space<hbm>>
    tpu.wait_indirect_dma semaphore(%arg62 : memref<!tpu.dma_semaphore, #tpu.memory_space<semaphore_mem>>) src(%dma_wait3A_506 : memref<1000000xf32, #tpu.memory_space<hbm>>) dst(%dma_wait3A_502 : memref<128xf32, #tpu.memory_space<vmem>>)
    %dma_wait3A_507 = arith.constant 512 : i32
    %dma_wait3A_508 = tpu.memref_slice %arg46[%dma_wait3A_507] : memref<768xf32, #tpu.memory_space<vmem>> -> memref<128xf32, #tpu.memory_space<vmem>>
    %dma_wait3A_509 = arith.constant 512 : i32
    %dma_wait3A_510 = tpu.memref_slice %arg43[%dma_wait3A_509] : memref<768xi32, #tpu.memory_space<vmem>> -> memref<128xi32, #tpu.memory_space<vmem>>
    %dma_wait3A_511 = arith.constant 0 : i32
    %dma_wait3A_512 = tpu.memref_slice %arg5[%dma_wait3A_511] : memref<1000000xf32, #tpu.memory_space<hbm>> -> memref<1000000xf32, #tpu.memory_space<hbm>>
    tpu.wait_indirect_dma semaphore(%arg62 : memref<!tpu.dma_semaphore, #tpu.memory_space<semaphore_mem>>) src(%dma_wait3A_512 : memref<1000000xf32, #tpu.memory_space<hbm>>) dst(%dma_wait3A_508 : memref<128xf32, #tpu.memory_space<vmem>>)
    %dma_wait3A_513 = arith.constant 512 : i32
    %dma_wait3A_514 = tpu.memref_slice %arg47[%dma_wait3A_513] : memref<768xf32, #tpu.memory_space<vmem>> -> memref<128xf32, #tpu.memory_space<vmem>>
    %dma_wait3A_515 = arith.constant 512 : i32
    %dma_wait3A_516 = tpu.memref_slice %arg43[%dma_wait3A_515] : memref<768xi32, #tpu.memory_space<vmem>> -> memref<128xi32, #tpu.memory_space<vmem>>
    %dma_wait3A_517 = arith.constant 0 : i32
    %dma_wait3A_518 = tpu.memref_slice %arg6[%dma_wait3A_517] : memref<1000000xf32, #tpu.memory_space<hbm>> -> memref<1000000xf32, #tpu.memory_space<hbm>>
    tpu.wait_indirect_dma semaphore(%arg62 : memref<!tpu.dma_semaphore, #tpu.memory_space<semaphore_mem>>) src(%dma_wait3A_518 : memref<1000000xf32, #tpu.memory_space<hbm>>) dst(%dma_wait3A_514 : memref<128xf32, #tpu.memory_space<vmem>>)
    %dma_wait3A_519 = arith.constant 640 : i32
    %dma_wait3A_520 = tpu.memref_slice %arg45[%dma_wait3A_519] : memref<768xf32, #tpu.memory_space<vmem>> -> memref<128xf32, #tpu.memory_space<vmem>>
    %dma_wait3A_521 = arith.constant 640 : i32
    %dma_wait3A_522 = tpu.memref_slice %arg43[%dma_wait3A_521] : memref<768xi32, #tpu.memory_space<vmem>> -> memref<128xi32, #tpu.memory_space<vmem>>
    %dma_wait3A_523 = arith.constant 0 : i32
    %dma_wait3A_524 = tpu.memref_slice %arg4[%dma_wait3A_523] : memref<1000000xf32, #tpu.memory_space<hbm>> -> memref<1000000xf32, #tpu.memory_space<hbm>>
    tpu.wait_indirect_dma semaphore(%arg62 : memref<!tpu.dma_semaphore, #tpu.memory_space<semaphore_mem>>) src(%dma_wait3A_524 : memref<1000000xf32, #tpu.memory_space<hbm>>) dst(%dma_wait3A_520 : memref<128xf32, #tpu.memory_space<vmem>>)
    %dma_wait3A_525 = arith.constant 640 : i32
    %dma_wait3A_526 = tpu.memref_slice %arg46[%dma_wait3A_525] : memref<768xf32, #tpu.memory_space<vmem>> -> memref<128xf32, #tpu.memory_space<vmem>>
    %dma_wait3A_527 = arith.constant 640 : i32
    %dma_wait3A_528 = tpu.memref_slice %arg43[%dma_wait3A_527] : memref<768xi32, #tpu.memory_space<vmem>> -> memref<128xi32, #tpu.memory_space<vmem>>
    %dma_wait3A_529 = arith.constant 0 : i32
    %dma_wait3A_530 = tpu.memref_slice %arg5[%dma_wait3A_529] : memref<1000000xf32, #tpu.memory_space<hbm>> -> memref<1000000xf32, #tpu.memory_space<hbm>>
    tpu.wait_indirect_dma semaphore(%arg62 : memref<!tpu.dma_semaphore, #tpu.memory_space<semaphore_mem>>) src(%dma_wait3A_530 : memref<1000000xf32, #tpu.memory_space<hbm>>) dst(%dma_wait3A_526 : memref<128xf32, #tpu.memory_space<vmem>>)
    %dma_wait3A_531 = arith.constant 640 : i32
    %dma_wait3A_532 = tpu.memref_slice %arg47[%dma_wait3A_531] : memref<768xf32, #tpu.memory_space<vmem>> -> memref<128xf32, #tpu.memory_space<vmem>>
    %dma_wait3A_533 = arith.constant 640 : i32
    %dma_wait3A_534 = tpu.memref_slice %arg43[%dma_wait3A_533] : memref<768xi32, #tpu.memory_space<vmem>> -> memref<128xi32, #tpu.memory_space<vmem>>
    %dma_wait3A_535 = arith.constant 0 : i32
    %dma_wait3A_536 = tpu.memref_slice %arg6[%dma_wait3A_535] : memref<1000000xf32, #tpu.memory_space<hbm>> -> memref<1000000xf32, #tpu.memory_space<hbm>>
    tpu.wait_indirect_dma semaphore(%arg62 : memref<!tpu.dma_semaphore, #tpu.memory_space<semaphore_mem>>) src(%dma_wait3A_536 : memref<1000000xf32, #tpu.memory_space<hbm>>) dst(%dma_wait3A_532 : memref<128xf32, #tpu.memory_space<vmem>>)
    %dma_wait3A_537 = arith.constant 0 : i32
    %dma_wait3A_538 = tpu.memref_slice %arg3[%dma_wait3A_537] : memref<2000000xi32, #tpu.memory_space<hbm>> -> memref<768xi32, #tpu.memory_space<hbm>>
    %dma_wait3A_539 = arith.constant 0 : i32
    %dma_wait3A_540 = tpu.memref_slice %arg3[%dma_wait3A_539] : memref<2000000xi32, #tpu.memory_space<hbm>> -> memref<768xi32, #tpu.memory_space<hbm>>
    tpu.wait_dma2 semaphore(%arg40 : memref<!tpu.dma_semaphore, #tpu.memory_space<semaphore_mem>>) src(%dma_wait3A_540 : memref<768xi32, #tpu.memory_space<hbm>>) dst(%arg22 : memref<768xi32, #tpu.memory_space<vmem>>)
    %dma_wait3A_541 = arith.constant 0 : i32
    %dma_wait3A_542 = tpu.memref_slice %arg2[%dma_wait3A_541] : memref<2000000xi32, #tpu.memory_space<hbm>> -> memref<768xi32, #tpu.memory_space<hbm>>
    %dma_wait3A_543 = arith.constant 0 : i32
    %dma_wait3A_544 = tpu.memref_slice %arg2[%dma_wait3A_543] : memref<2000000xi32, #tpu.memory_space<hbm>> -> memref<768xi32, #tpu.memory_space<hbm>>
    tpu.wait_dma2 semaphore(%arg40 : memref<!tpu.dma_semaphore, #tpu.memory_space<semaphore_mem>>) src(%dma_wait3A_544 : memref<768xi32, #tpu.memory_space<hbm>>) dst(%arg23 : memref<768xi32, #tpu.memory_space<vmem>>)
    %dma_start3A_545 = arith.constant 0 : i32
    %dma_start3A_546 = tpu.memref_slice %arg24[%dma_start3A_545] : memref<768xf32, #tpu.memory_space<vmem>> -> memref<128xf32, #tpu.memory_space<vmem>>
    %dma_start3A_547 = arith.constant 0 : i32
    %dma_start3A_548 = tpu.memref_slice %arg22[%dma_start3A_547] : memref<768xi32, #tpu.memory_space<vmem>> -> memref<128xi32, #tpu.memory_space<vmem>>
    %dma_start3A_549 = arith.constant 0 : i32
    %dma_start3A_550 = tpu.memref_slice %arg4[%dma_start3A_549] : memref<1000000xf32, #tpu.memory_space<hbm>> -> memref<1000000xf32, #tpu.memory_space<hbm>>
    tpu.enqueue_indirect_dma source(%dma_start3A_550 : memref<1000000xf32, #tpu.memory_space<hbm>>) target(%dma_start3A_546 : memref<128xf32, #tpu.memory_space<vmem>>) offsets(%dma_start3A_548 : memref<128xi32, #tpu.memory_space<vmem>>) semaphore(%arg41 : memref<!tpu.dma_semaphore, #tpu.memory_space<semaphore_mem>>)
    %dma_start3A_551 = arith.constant 0 : i32
    %dma_start3A_552 = tpu.memref_slice %arg25[%dma_start3A_551] : memref<768xf32, #tpu.memory_space<vmem>> -> memref<128xf32, #tpu.memory_space<vmem>>
    %dma_start3A_553 = arith.constant 0 : i32
    %dma_start3A_554 = tpu.memref_slice %arg22[%dma_start3A_553] : memref<768xi32, #tpu.memory_space<vmem>> -> memref<128xi32, #tpu.memory_space<vmem>>
    %dma_start3A_555 = arith.constant 0 : i32
    %dma_start3A_556 = tpu.memref_slice %arg5[%dma_start3A_555] : memref<1000000xf32, #tpu.memory_space<hbm>> -> memref<1000000xf32, #tpu.memory_space<hbm>>
    tpu.enqueue_indirect_dma source(%dma_start3A_556 : memref<1000000xf32, #tpu.memory_space<hbm>>) target(%dma_start3A_552 : memref<128xf32, #tpu.memory_space<vmem>>) offsets(%dma_start3A_554 : memref<128xi32, #tpu.memory_space<vmem>>) semaphore(%arg41 : memref<!tpu.dma_semaphore, #tpu.memory_space<semaphore_mem>>)
    %dma_start3A_557 = arith.constant 0 : i32
    %dma_start3A_558 = tpu.memref_slice %arg26[%dma_start3A_557] : memref<768xf32, #tpu.memory_space<vmem>> -> memref<128xf32, #tpu.memory_space<vmem>>
    %dma_start3A_559 = arith.constant 0 : i32
    %dma_start3A_560 = tpu.memref_slice %arg22[%dma_start3A_559] : memref<768xi32, #tpu.memory_space<vmem>> -> memref<128xi32, #tpu.memory_space<vmem>>
    %dma_start3A_561 = arith.constant 0 : i32
    %dma_start3A_562 = tpu.memref_slice %arg6[%dma_start3A_561] : memref<1000000xf32, #tpu.memory_space<hbm>> -> memref<1000000xf32, #tpu.memory_space<hbm>>
    tpu.enqueue_indirect_dma source(%dma_start3A_562 : memref<1000000xf32, #tpu.memory_space<hbm>>) target(%dma_start3A_558 : memref<128xf32, #tpu.memory_space<vmem>>) offsets(%dma_start3A_560 : memref<128xi32, #tpu.memory_space<vmem>>) semaphore(%arg41 : memref<!tpu.dma_semaphore, #tpu.memory_space<semaphore_mem>>)
    %dma_start3A_563 = arith.constant 128 : i32
    %dma_start3A_564 = tpu.memref_slice %arg24[%dma_start3A_563] : memref<768xf32, #tpu.memory_space<vmem>> -> memref<128xf32, #tpu.memory_space<vmem>>
    %dma_start3A_565 = arith.constant 128 : i32
    %dma_start3A_566 = tpu.memref_slice %arg22[%dma_start3A_565] : memref<768xi32, #tpu.memory_space<vmem>> -> memref<128xi32, #tpu.memory_space<vmem>>
    %dma_start3A_567 = arith.constant 0 : i32
    %dma_start3A_568 = tpu.memref_slice %arg4[%dma_start3A_567] : memref<1000000xf32, #tpu.memory_space<hbm>> -> memref<1000000xf32, #tpu.memory_space<hbm>>
    tpu.enqueue_indirect_dma source(%dma_start3A_568 : memref<1000000xf32, #tpu.memory_space<hbm>>) target(%dma_start3A_564 : memref<128xf32, #tpu.memory_space<vmem>>) offsets(%dma_start3A_566 : memref<128xi32, #tpu.memory_space<vmem>>) semaphore(%arg41 : memref<!tpu.dma_semaphore, #tpu.memory_space<semaphore_mem>>)
    %dma_start3A_569 = arith.constant 128 : i32
    %dma_start3A_570 = tpu.memref_slice %arg25[%dma_start3A_569] : memref<768xf32, #tpu.memory_space<vmem>> -> memref<128xf32, #tpu.memory_space<vmem>>
    %dma_start3A_571 = arith.constant 128 : i32
    %dma_start3A_572 = tpu.memref_slice %arg22[%dma_start3A_571] : memref<768xi32, #tpu.memory_space<vmem>> -> memref<128xi32, #tpu.memory_space<vmem>>
    %dma_start3A_573 = arith.constant 0 : i32
    %dma_start3A_574 = tpu.memref_slice %arg5[%dma_start3A_573] : memref<1000000xf32, #tpu.memory_space<hbm>> -> memref<1000000xf32, #tpu.memory_space<hbm>>
    tpu.enqueue_indirect_dma source(%dma_start3A_574 : memref<1000000xf32, #tpu.memory_space<hbm>>) target(%dma_start3A_570 : memref<128xf32, #tpu.memory_space<vmem>>) offsets(%dma_start3A_572 : memref<128xi32, #tpu.memory_space<vmem>>) semaphore(%arg41 : memref<!tpu.dma_semaphore, #tpu.memory_space<semaphore_mem>>)
    %dma_start3A_575 = arith.constant 128 : i32
    %dma_start3A_576 = tpu.memref_slice %arg26[%dma_start3A_575] : memref<768xf32, #tpu.memory_space<vmem>> -> memref<128xf32, #tpu.memory_space<vmem>>
    %dma_start3A_577 = arith.constant 128 : i32
    %dma_start3A_578 = tpu.memref_slice %arg22[%dma_start3A_577] : memref<768xi32, #tpu.memory_space<vmem>> -> memref<128xi32, #tpu.memory_space<vmem>>
    %dma_start3A_579 = arith.constant 0 : i32
    %dma_start3A_580 = tpu.memref_slice %arg6[%dma_start3A_579] : memref<1000000xf32, #tpu.memory_space<hbm>> -> memref<1000000xf32, #tpu.memory_space<hbm>>
    tpu.enqueue_indirect_dma source(%dma_start3A_580 : memref<1000000xf32, #tpu.memory_space<hbm>>) target(%dma_start3A_576 : memref<128xf32, #tpu.memory_space<vmem>>) offsets(%dma_start3A_578 : memref<128xi32, #tpu.memory_space<vmem>>) semaphore(%arg41 : memref<!tpu.dma_semaphore, #tpu.memory_space<semaphore_mem>>)
    %dma_start3A_581 = arith.constant 256 : i32
    %dma_start3A_582 = tpu.memref_slice %arg24[%dma_start3A_581] : memref<768xf32, #tpu.memory_space<vmem>> -> memref<128xf32, #tpu.memory_space<vmem>>
    %dma_start3A_583 = arith.constant 256 : i32
    %dma_start3A_584 = tpu.memref_slice %arg22[%dma_start3A_583] : memref<768xi32, #tpu.memory_space<vmem>> -> memref<128xi32, #tpu.memory_space<vmem>>
    %dma_start3A_585 = arith.constant 0 : i32
    %dma_start3A_586 = tpu.memref_slice %arg4[%dma_start3A_585] : memref<1000000xf32, #tpu.memory_space<hbm>> -> memref<1000000xf32, #tpu.memory_space<hbm>>
    tpu.enqueue_indirect_dma source(%dma_start3A_586 : memref<1000000xf32, #tpu.memory_space<hbm>>) target(%dma_start3A_582 : memref<128xf32, #tpu.memory_space<vmem>>) offsets(%dma_start3A_584 : memref<128xi32, #tpu.memory_space<vmem>>) semaphore(%arg41 : memref<!tpu.dma_semaphore, #tpu.memory_space<semaphore_mem>>)
    %dma_start3A_587 = arith.constant 256 : i32
    %dma_start3A_588 = tpu.memref_slice %arg25[%dma_start3A_587] : memref<768xf32, #tpu.memory_space<vmem>> -> memref<128xf32, #tpu.memory_space<vmem>>
    %dma_start3A_589 = arith.constant 256 : i32
    %dma_start3A_590 = tpu.memref_slice %arg22[%dma_start3A_589] : memref<768xi32, #tpu.memory_space<vmem>> -> memref<128xi32, #tpu.memory_space<vmem>>
    %dma_start3A_591 = arith.constant 0 : i32
    %dma_start3A_592 = tpu.memref_slice %arg5[%dma_start3A_591] : memref<1000000xf32, #tpu.memory_space<hbm>> -> memref<1000000xf32, #tpu.memory_space<hbm>>
    tpu.enqueue_indirect_dma source(%dma_start3A_592 : memref<1000000xf32, #tpu.memory_space<hbm>>) target(%dma_start3A_588 : memref<128xf32, #tpu.memory_space<vmem>>) offsets(%dma_start3A_590 : memref<128xi32, #tpu.memory_space<vmem>>) semaphore(%arg41 : memref<!tpu.dma_semaphore, #tpu.memory_space<semaphore_mem>>)
    %dma_start3A_593 = arith.constant 256 : i32
    %dma_start3A_594 = tpu.memref_slice %arg26[%dma_start3A_593] : memref<768xf32, #tpu.memory_space<vmem>> -> memref<128xf32, #tpu.memory_space<vmem>>
    %dma_start3A_595 = arith.constant 256 : i32
    %dma_start3A_596 = tpu.memref_slice %arg22[%dma_start3A_595] : memref<768xi32, #tpu.memory_space<vmem>> -> memref<128xi32, #tpu.memory_space<vmem>>
    %dma_start3A_597 = arith.constant 0 : i32
    %dma_start3A_598 = tpu.memref_slice %arg6[%dma_start3A_597] : memref<1000000xf32, #tpu.memory_space<hbm>> -> memref<1000000xf32, #tpu.memory_space<hbm>>
    tpu.enqueue_indirect_dma source(%dma_start3A_598 : memref<1000000xf32, #tpu.memory_space<hbm>>) target(%dma_start3A_594 : memref<128xf32, #tpu.memory_space<vmem>>) offsets(%dma_start3A_596 : memref<128xi32, #tpu.memory_space<vmem>>) semaphore(%arg41 : memref<!tpu.dma_semaphore, #tpu.memory_space<semaphore_mem>>)
    %dma_start3A_599 = arith.constant 384 : i32
    %dma_start3A_600 = tpu.memref_slice %arg24[%dma_start3A_599] : memref<768xf32, #tpu.memory_space<vmem>> -> memref<128xf32, #tpu.memory_space<vmem>>
    %dma_start3A_601 = arith.constant 384 : i32
    %dma_start3A_602 = tpu.memref_slice %arg22[%dma_start3A_601] : memref<768xi32, #tpu.memory_space<vmem>> -> memref<128xi32, #tpu.memory_space<vmem>>
    %dma_start3A_603 = arith.constant 0 : i32
    %dma_start3A_604 = tpu.memref_slice %arg4[%dma_start3A_603] : memref<1000000xf32, #tpu.memory_space<hbm>> -> memref<1000000xf32, #tpu.memory_space<hbm>>
    tpu.enqueue_indirect_dma source(%dma_start3A_604 : memref<1000000xf32, #tpu.memory_space<hbm>>) target(%dma_start3A_600 : memref<128xf32, #tpu.memory_space<vmem>>) offsets(%dma_start3A_602 : memref<128xi32, #tpu.memory_space<vmem>>) semaphore(%arg41 : memref<!tpu.dma_semaphore, #tpu.memory_space<semaphore_mem>>)
    %dma_start3A_605 = arith.constant 384 : i32
    %dma_start3A_606 = tpu.memref_slice %arg25[%dma_start3A_605] : memref<768xf32, #tpu.memory_space<vmem>> -> memref<128xf32, #tpu.memory_space<vmem>>
    %dma_start3A_607 = arith.constant 384 : i32
    %dma_start3A_608 = tpu.memref_slice %arg22[%dma_start3A_607] : memref<768xi32, #tpu.memory_space<vmem>> -> memref<128xi32, #tpu.memory_space<vmem>>
    %dma_start3A_609 = arith.constant 0 : i32
    %dma_start3A_610 = tpu.memref_slice %arg5[%dma_start3A_609] : memref<1000000xf32, #tpu.memory_space<hbm>> -> memref<1000000xf32, #tpu.memory_space<hbm>>
    tpu.enqueue_indirect_dma source(%dma_start3A_610 : memref<1000000xf32, #tpu.memory_space<hbm>>) target(%dma_start3A_606 : memref<128xf32, #tpu.memory_space<vmem>>) offsets(%dma_start3A_608 : memref<128xi32, #tpu.memory_space<vmem>>) semaphore(%arg41 : memref<!tpu.dma_semaphore, #tpu.memory_space<semaphore_mem>>)
    %dma_start3A_611 = arith.constant 384 : i32
    %dma_start3A_612 = tpu.memref_slice %arg26[%dma_start3A_611] : memref<768xf32, #tpu.memory_space<vmem>> -> memref<128xf32, #tpu.memory_space<vmem>>
    %dma_start3A_613 = arith.constant 384 : i32
    %dma_start3A_614 = tpu.memref_slice %arg22[%dma_start3A_613] : memref<768xi32, #tpu.memory_space<vmem>> -> memref<128xi32, #tpu.memory_space<vmem>>
    %dma_start3A_615 = arith.constant 0 : i32
    %dma_start3A_616 = tpu.memref_slice %arg6[%dma_start3A_615] : memref<1000000xf32, #tpu.memory_space<hbm>> -> memref<1000000xf32, #tpu.memory_space<hbm>>
    tpu.enqueue_indirect_dma source(%dma_start3A_616 : memref<1000000xf32, #tpu.memory_space<hbm>>) target(%dma_start3A_612 : memref<128xf32, #tpu.memory_space<vmem>>) offsets(%dma_start3A_614 : memref<128xi32, #tpu.memory_space<vmem>>) semaphore(%arg41 : memref<!tpu.dma_semaphore, #tpu.memory_space<semaphore_mem>>)
    %dma_start3A_617 = arith.constant 512 : i32
    %dma_start3A_618 = tpu.memref_slice %arg24[%dma_start3A_617] : memref<768xf32, #tpu.memory_space<vmem>> -> memref<128xf32, #tpu.memory_space<vmem>>
    %dma_start3A_619 = arith.constant 512 : i32
    %dma_start3A_620 = tpu.memref_slice %arg22[%dma_start3A_619] : memref<768xi32, #tpu.memory_space<vmem>> -> memref<128xi32, #tpu.memory_space<vmem>>
    %dma_start3A_621 = arith.constant 0 : i32
    %dma_start3A_622 = tpu.memref_slice %arg4[%dma_start3A_621] : memref<1000000xf32, #tpu.memory_space<hbm>> -> memref<1000000xf32, #tpu.memory_space<hbm>>
    tpu.enqueue_indirect_dma source(%dma_start3A_622 : memref<1000000xf32, #tpu.memory_space<hbm>>) target(%dma_start3A_618 : memref<128xf32, #tpu.memory_space<vmem>>) offsets(%dma_start3A_620 : memref<128xi32, #tpu.memory_space<vmem>>) semaphore(%arg41 : memref<!tpu.dma_semaphore, #tpu.memory_space<semaphore_mem>>)
    %dma_start3A_623 = arith.constant 512 : i32
    %dma_start3A_624 = tpu.memref_slice %arg25[%dma_start3A_623] : memref<768xf32, #tpu.memory_space<vmem>> -> memref<128xf32, #tpu.memory_space<vmem>>
    %dma_start3A_625 = arith.constant 512 : i32
    %dma_start3A_626 = tpu.memref_slice %arg22[%dma_start3A_625] : memref<768xi32, #tpu.memory_space<vmem>> -> memref<128xi32, #tpu.memory_space<vmem>>
    %dma_start3A_627 = arith.constant 0 : i32
    %dma_start3A_628 = tpu.memref_slice %arg5[%dma_start3A_627] : memref<1000000xf32, #tpu.memory_space<hbm>> -> memref<1000000xf32, #tpu.memory_space<hbm>>
    tpu.enqueue_indirect_dma source(%dma_start3A_628 : memref<1000000xf32, #tpu.memory_space<hbm>>) target(%dma_start3A_624 : memref<128xf32, #tpu.memory_space<vmem>>) offsets(%dma_start3A_626 : memref<128xi32, #tpu.memory_space<vmem>>) semaphore(%arg41 : memref<!tpu.dma_semaphore, #tpu.memory_space<semaphore_mem>>)
    %dma_start3A_629 = arith.constant 512 : i32
    %dma_start3A_630 = tpu.memref_slice %arg26[%dma_start3A_629] : memref<768xf32, #tpu.memory_space<vmem>> -> memref<128xf32, #tpu.memory_space<vmem>>
    %dma_start3A_631 = arith.constant 512 : i32
    %dma_start3A_632 = tpu.memref_slice %arg22[%dma_start3A_631] : memref<768xi32, #tpu.memory_space<vmem>> -> memref<128xi32, #tpu.memory_space<vmem>>
    %dma_start3A_633 = arith.constant 0 : i32
    %dma_start3A_634 = tpu.memref_slice %arg6[%dma_start3A_633] : memref<1000000xf32, #tpu.memory_space<hbm>> -> memref<1000000xf32, #tpu.memory_space<hbm>>
    tpu.enqueue_indirect_dma source(%dma_start3A_634 : memref<1000000xf32, #tpu.memory_space<hbm>>) target(%dma_start3A_630 : memref<128xf32, #tpu.memory_space<vmem>>) offsets(%dma_start3A_632 : memref<128xi32, #tpu.memory_space<vmem>>) semaphore(%arg41 : memref<!tpu.dma_semaphore, #tpu.memory_space<semaphore_mem>>)
    %dma_start3A_635 = arith.constant 640 : i32
    %dma_start3A_636 = tpu.memref_slice %arg24[%dma_start3A_635] : memref<768xf32, #tpu.memory_space<vmem>> -> memref<128xf32, #tpu.memory_space<vmem>>
    %dma_start3A_637 = arith.constant 640 : i32
    %dma_start3A_638 = tpu.memref_slice %arg22[%dma_start3A_637] : memref<768xi32, #tpu.memory_space<vmem>> -> memref<128xi32, #tpu.memory_space<vmem>>
    %dma_start3A_639 = arith.constant 0 : i32
    %dma_start3A_640 = tpu.memref_slice %arg4[%dma_start3A_639] : memref<1000000xf32, #tpu.memory_space<hbm>> -> memref<1000000xf32, #tpu.memory_space<hbm>>
    tpu.enqueue_indirect_dma source(%dma_start3A_640 : memref<1000000xf32, #tpu.memory_space<hbm>>) target(%dma_start3A_636 : memref<128xf32, #tpu.memory_space<vmem>>) offsets(%dma_start3A_638 : memref<128xi32, #tpu.memory_space<vmem>>) semaphore(%arg41 : memref<!tpu.dma_semaphore, #tpu.memory_space<semaphore_mem>>)
    %dma_start3A_641 = arith.constant 640 : i32
    %dma_start3A_642 = tpu.memref_slice %arg25[%dma_start3A_641] : memref<768xf32, #tpu.memory_space<vmem>> -> memref<128xf32, #tpu.memory_space<vmem>>
    %dma_start3A_643 = arith.constant 640 : i32
    %dma_start3A_644 = tpu.memref_slice %arg22[%dma_start3A_643] : memref<768xi32, #tpu.memory_space<vmem>> -> memref<128xi32, #tpu.memory_space<vmem>>
    %dma_start3A_645 = arith.constant 0 : i32
    %dma_start3A_646 = tpu.memref_slice %arg5[%dma_start3A_645] : memref<1000000xf32, #tpu.memory_space<hbm>> -> memref<1000000xf32, #tpu.memory_space<hbm>>
    tpu.enqueue_indirect_dma source(%dma_start3A_646 : memref<1000000xf32, #tpu.memory_space<hbm>>) target(%dma_start3A_642 : memref<128xf32, #tpu.memory_space<vmem>>) offsets(%dma_start3A_644 : memref<128xi32, #tpu.memory_space<vmem>>) semaphore(%arg41 : memref<!tpu.dma_semaphore, #tpu.memory_space<semaphore_mem>>)
    %dma_start3A_647 = arith.constant 640 : i32
    %dma_start3A_648 = tpu.memref_slice %arg26[%dma_start3A_647] : memref<768xf32, #tpu.memory_space<vmem>> -> memref<128xf32, #tpu.memory_space<vmem>>
    %dma_start3A_649 = arith.constant 640 : i32
    %dma_start3A_650 = tpu.memref_slice %arg22[%dma_start3A_649] : memref<768xi32, #tpu.memory_space<vmem>> -> memref<128xi32, #tpu.memory_space<vmem>>
    %dma_start3A_651 = arith.constant 0 : i32
    %dma_start3A_652 = tpu.memref_slice %arg6[%dma_start3A_651] : memref<1000000xf32, #tpu.memory_space<hbm>> -> memref<1000000xf32, #tpu.memory_space<hbm>>
    tpu.enqueue_indirect_dma source(%dma_start3A_652 : memref<1000000xf32, #tpu.memory_space<hbm>>) target(%dma_start3A_648 : memref<128xf32, #tpu.memory_space<vmem>>) offsets(%dma_start3A_650 : memref<128xi32, #tpu.memory_space<vmem>>) semaphore(%arg41 : memref<!tpu.dma_semaphore, #tpu.memory_space<semaphore_mem>>)
    %scan3A_653 = arith.constant 0 : i32
    %scan3A_654 = arith.constant 0 : i32
    %scan3A_655 = arith.constant 48 : i32
    %scan3A_656 = arith.addi %scan3A_654, %scan3A_655 : i32
    %scan3A_657 = arith.constant 1 : i32
    scf.for %scan3A_1364 = %scan3A_654 to %scan3A_656 step %scan3A_657  : i32 {
      %mul3A_1365 = arith.constant 16 : i32
      %mul3A_1366 = arith.muli %scan3A_1364, %mul3A_1365 : i32
      %get3A = arith.index_cast %mul3A_1366 : i32 to index
      %get3A_1367 = tpu.vector_load %arg44[%get3A] {strides = array<i32>} : memref<768xi32, #tpu.memory_space<vmem>>, vector<16xi32>,
      %mul3A_1368 = arith.constant 10 : i32
      %mul3A_1369 = vector.broadcast %mul3A_1368 : i32 to vector<16xi32>
      %mul3A_1370 = arith.muli %get3A_1367, %mul3A_1369 : vector<16xi32>
      %get3A_1371 = arith.index_cast %mul3A_1366 : i32 to index
      %get3A_1372 = tpu.vector_load %arg45[%get3A_1371] {strides = array<i32>} : memref<768xf32, #tpu.memory_space<vmem>>, vector<16xf32>,
      %swap3A = arith.index_cast %mul3A_1366 : i32 to index
      %swap3A_1373 = tpu.vector_load %arg48[%swap3A] {strides = array<i32>} : memref<768xf32, #tpu.memory_space<vmem>>, vector<16xf32>,
      tpu.vector_store %arg48[%swap3A], %get3A_1372 {strides = array<i32>} : memref<768xf32, #tpu.memory_space<vmem>>, vector<16xf32>,
      %get3A_1374 = arith.index_cast %mul3A_1366 : i32 to index
      %get3A_1375 = tpu.vector_load %arg46[%get3A_1374] {strides = array<i32>} : memref<768xf32, #tpu.memory_space<vmem>>, vector<16xf32>,
      %swap3A_1376 = arith.index_cast %mul3A_1366 : i32 to index
      %swap3A_1377 = tpu.vector_load %arg49[%swap3A_1376] {strides = array<i32>} : memref<768xf32, #tpu.memory_space<vmem>>, vector<16xf32>,
      tpu.vector_store %arg49[%swap3A_1376], %get3A_1375 {strides = array<i32>} : memref<768xf32, #tpu.memory_space<vmem>>, vector<16xf32>,
      %get3A_1378 = arith.index_cast %mul3A_1366 : i32 to index
      %get3A_1379 = tpu.vector_load %arg47[%get3A_1378] {strides = array<i32>} : memref<768xf32, #tpu.memory_space<vmem>>, vector<16xf32>,
      %swap3A_1380 = arith.index_cast %mul3A_1366 : i32 to index
      %swap3A_1381 = tpu.vector_load %arg50[%swap3A_1380] {strides = array<i32>} : memref<768xf32, #tpu.memory_space<vmem>>, vector<16xf32>,
      tpu.vector_store %arg50[%swap3A_1380], %get3A_1379 {strides = array<i32>} : memref<768xf32, #tpu.memory_space<vmem>>, vector<16xf32>,
      %add3A_1382 = arith.constant 0 : i32
      %add3A_1383 = vector.broadcast %add3A_1382 : i32 to vector<16xi32>
      %add3A_1384 = arith.addi %mul3A_1370, %add3A_1383 : vector<16xi32>
      %gather3A = tpu.vector_load_idx %arg21[%add3A_1384] : memref<100000xf32, #tpu.memory_space<vmem>>[vector<16xi32>], vector<16xf32>,
      %swap3A_1385 = arith.index_cast %mul3A_1366 : i32 to index
      %swap3A_1386 = tpu.vector_load %arg51[%swap3A_1385] {strides = array<i32>} : memref<768xf32, #tpu.memory_space<vmem>>, vector<16xf32>,
      tpu.vector_store %arg51[%swap3A_1385], %gather3A {strides = array<i32>} : memref<768xf32, #tpu.memory_space<vmem>>, vector<16xf32>,
      %add3A_1387 = arith.constant 1 : i32
      %add3A_1388 = vector.broadcast %add3A_1387 : i32 to vector<16xi32>
      %add3A_1389 = arith.addi %mul3A_1370, %add3A_1388 : vector<16xi32>
      %gather3A_1390 = tpu.vector_load_idx %arg21[%add3A_1389] : memref<100000xf32, #tpu.memory_space<vmem>>[vector<16xi32>], vector<16xf32>,
      %swap3A_1391 = arith.index_cast %mul3A_1366 : i32 to index
      %swap3A_1392 = tpu.vector_load %arg52[%swap3A_1391] {strides = array<i32>} : memref<768xf32, #tpu.memory_space<vmem>>, vector<16xf32>,
      tpu.vector_store %arg52[%swap3A_1391], %gather3A_1390 {strides = array<i32>} : memref<768xf32, #tpu.memory_space<vmem>>, vector<16xf32>,
      %add3A_1393 = arith.constant 2 : i32
      %add3A_1394 = vector.broadcast %add3A_1393 : i32 to vector<16xi32>
      %add3A_1395 = arith.addi %mul3A_1370, %add3A_1394 : vector<16xi32>
      %gather3A_1396 = tpu.vector_load_idx %arg21[%add3A_1395] : memref<100000xf32, #tpu.memory_space<vmem>>[vector<16xi32>], vector<16xf32>,
      %swap3A_1397 = arith.index_cast %mul3A_1366 : i32 to index
      %swap3A_1398 = tpu.vector_load %arg53[%swap3A_1397] {strides = array<i32>} : memref<768xf32, #tpu.memory_space<vmem>>, vector<16xf32>,
      tpu.vector_store %arg53[%swap3A_1397], %gather3A_1396 {strides = array<i32>} : memref<768xf32, #tpu.memory_space<vmem>>, vector<16xf32>,
      %add3A_1399 = arith.constant 3 : i32
      %add3A_1400 = vector.broadcast %add3A_1399 : i32 to vector<16xi32>
      %add3A_1401 = arith.addi %mul3A_1370, %add3A_1400 : vector<16xi32>
      %gather3A_1402 = tpu.vector_load_idx %arg21[%add3A_1401] : memref<100000xf32, #tpu.memory_space<vmem>>[vector<16xi32>], vector<16xf32>,
      %swap3A_1403 = arith.index_cast %mul3A_1366 : i32 to index
      %swap3A_1404 = tpu.vector_load %arg54[%swap3A_1403] {strides = array<i32>} : memref<768xf32, #tpu.memory_space<vmem>>, vector<16xf32>,
      tpu.vector_store %arg54[%swap3A_1403], %gather3A_1402 {strides = array<i32>} : memref<768xf32, #tpu.memory_space<vmem>>, vector<16xf32>,
      %add3A_1405 = arith.constant 4 : i32
      %add3A_1406 = vector.broadcast %add3A_1405 : i32 to vector<16xi32>
      %add3A_1407 = arith.addi %mul3A_1370, %add3A_1406 : vector<16xi32>
      %gather3A_1408 = tpu.vector_load_idx %arg21[%add3A_1407] : memref<100000xf32, #tpu.memory_space<vmem>>[vector<16xi32>], vector<16xf32>,
      %swap3A_1409 = arith.index_cast %mul3A_1366 : i32 to index
      %swap3A_1410 = tpu.vector_load %arg55[%swap3A_1409] {strides = array<i32>} : memref<768xf32, #tpu.memory_space<vmem>>, vector<16xf32>,
      tpu.vector_store %arg55[%swap3A_1409], %gather3A_1408 {strides = array<i32>} : memref<768xf32, #tpu.memory_space<vmem>>, vector<16xf32>,
      %add3A_1411 = arith.constant 5 : i32
      %add3A_1412 = vector.broadcast %add3A_1411 : i32 to vector<16xi32>
      %add3A_1413 = arith.addi %mul3A_1370, %add3A_1412 : vector<16xi32>
      %gather3A_1414 = tpu.vector_load_idx %arg21[%add3A_1413] : memref<100000xf32, #tpu.memory_space<vmem>>[vector<16xi32>], vector<16xf32>,
      %swap3A_1415 = arith.index_cast %mul3A_1366 : i32 to index
      %swap3A_1416 = tpu.vector_load %arg56[%swap3A_1415] {strides = array<i32>} : memref<768xf32, #tpu.memory_space<vmem>>, vector<16xf32>,
      tpu.vector_store %arg56[%swap3A_1415], %gather3A_1414 {strides = array<i32>} : memref<768xf32, #tpu.memory_space<vmem>>, vector<16xf32>,
      %add3A_1417 = arith.constant 6 : i32
      %add3A_1418 = vector.broadcast %add3A_1417 : i32 to vector<16xi32>
      %add3A_1419 = arith.addi %mul3A_1370, %add3A_1418 : vector<16xi32>
      %gather3A_1420 = tpu.vector_load_idx %arg21[%add3A_1419] : memref<100000xf32, #tpu.memory_space<vmem>>[vector<16xi32>], vector<16xf32>,
      %swap3A_1421 = arith.index_cast %mul3A_1366 : i32 to index
      %swap3A_1422 = tpu.vector_load %arg57[%swap3A_1421] {strides = array<i32>} : memref<768xf32, #tpu.memory_space<vmem>>, vector<16xf32>,
      tpu.vector_store %arg57[%swap3A_1421], %gather3A_1420 {strides = array<i32>} : memref<768xf32, #tpu.memory_space<vmem>>, vector<16xf32>,
      %add3A_1423 = arith.constant 7 : i32
      %add3A_1424 = vector.broadcast %add3A_1423 : i32 to vector<16xi32>
      %add3A_1425 = arith.addi %mul3A_1370, %add3A_1424 : vector<16xi32>
      %gather3A_1426 = tpu.vector_load_idx %arg21[%add3A_1425] : memref<100000xf32, #tpu.memory_space<vmem>>[vector<16xi32>], vector<16xf32>,
      %swap3A_1427 = arith.index_cast %mul3A_1366 : i32 to index
      %swap3A_1428 = tpu.vector_load %arg58[%swap3A_1427] {strides = array<i32>} : memref<768xf32, #tpu.memory_space<vmem>>, vector<16xf32>,
      tpu.vector_store %arg58[%swap3A_1427], %gather3A_1426 {strides = array<i32>} : memref<768xf32, #tpu.memory_space<vmem>>, vector<16xf32>,
      %add3A_1429 = arith.constant 8 : i32
      %add3A_1430 = vector.broadcast %add3A_1429 : i32 to vector<16xi32>
      %add3A_1431 = arith.addi %mul3A_1370, %add3A_1430 : vector<16xi32>
      %gather3A_1432 = tpu.vector_load_idx %arg21[%add3A_1431] : memref<100000xf32, #tpu.memory_space<vmem>>[vector<16xi32>], vector<16xf32>,
      %swap3A_1433 = arith.index_cast %mul3A_1366 : i32 to index
      %swap3A_1434 = tpu.vector_load %arg59[%swap3A_1433] {strides = array<i32>} : memref<768xf32, #tpu.memory_space<vmem>>, vector<16xf32>,
      tpu.vector_store %arg59[%swap3A_1433], %gather3A_1432 {strides = array<i32>} : memref<768xf32, #tpu.memory_space<vmem>>, vector<16xf32>,
      %add3A_1435 = arith.constant 9 : i32
      %add3A_1436 = vector.broadcast %add3A_1435 : i32 to vector<16xi32>
      %add3A_1437 = arith.addi %mul3A_1370, %add3A_1436 : vector<16xi32>
      %gather3A_1438 = tpu.vector_load_idx %arg21[%add3A_1437] : memref<100000xf32, #tpu.memory_space<vmem>>[vector<16xi32>], vector<16xf32>,
      %swap3A_1439 = arith.index_cast %mul3A_1366 : i32 to index
      %swap3A_1440 = tpu.vector_load %arg60[%swap3A_1439] {strides = array<i32>} : memref<768xf32, #tpu.memory_space<vmem>>, vector<16xf32>,
      tpu.vector_store %arg60[%swap3A_1439], %gather3A_1438 {strides = array<i32>} : memref<768xf32, #tpu.memory_space<vmem>>, vector<16xf32>,
    }
    %scan3A_658 = arith.constant 48 : i32
    %sub3A_659 = arith.constant 2 : i32
    %sub3A_660 = arith.constant 1 : i32
    %sub3A_661 = arith.subi %sub3A_659, %sub3A_660 : i32
    %mul3A_662 = arith.constant 6 : i32
    %mul3A_663 = arith.muli %sub3A_661, %mul3A_662 : i32
    %sub3A_664 = arith.constant 6 : i32
    %sub3A_665 = arith.subi %add3A_4, %sub3A_664 : i32
    %min3A_666 = arith.minsi %mul3A_663, %sub3A_665 : i32
    %add3A_667 = arith.addi %add3A_8, %min3A_666 : i32
    %mul3A_668 = arith.constant 128 : i32
    %mul3A_669 = arith.muli %add3A_667, %mul3A_668 : i32
    %dma_start3A_670 = tpu.memref_slice %arg8[%mul3A_669] : memref<2000000xf32, #tpu.memory_space<hbm>> -> memref<768xf32, #tpu.memory_space<hbm>>
    %dma_start3A_671 = tpu.memref_slice %arg8[%mul3A_669] : memref<2000000xf32, #tpu.memory_space<hbm>> -> memref<768xf32, #tpu.memory_space<hbm>>
    tpu.enqueue_dma source(%arg48 : memref<768xf32, #tpu.memory_space<vmem>>) target(%dma_start3A_671 : memref<768xf32, #tpu.memory_space<hbm>>) target_semaphore(%arg63 : memref<!tpu.dma_semaphore, #tpu.memory_space<semaphore_mem>>)
    %dma_start3A_672 = tpu.memref_slice %arg9[%mul3A_669] : memref<2000000xf32, #tpu.memory_space<hbm>> -> memref<768xf32, #tpu.memory_space<hbm>>
    %dma_start3A_673 = tpu.memref_slice %arg9[%mul3A_669] : memref<2000000xf32, #tpu.memory_space<hbm>> -> memref<768xf32, #tpu.memory_space<hbm>>
    tpu.enqueue_dma source(%arg49 : memref<768xf32, #tpu.memory_space<vmem>>) target(%dma_start3A_673 : memref<768xf32, #tpu.memory_space<hbm>>) target_semaphore(%arg63 : memref<!tpu.dma_semaphore, #tpu.memory_space<semaphore_mem>>)
    %dma_start3A_674 = tpu.memref_slice %arg10[%mul3A_669] : memref<2000000xf32, #tpu.memory_space<hbm>> -> memref<768xf32, #tpu.memory_space<hbm>>
    %dma_start3A_675 = tpu.memref_slice %arg10[%mul3A_669] : memref<2000000xf32, #tpu.memory_space<hbm>> -> memref<768xf32, #tpu.memory_space<hbm>>
    tpu.enqueue_dma source(%arg50 : memref<768xf32, #tpu.memory_space<vmem>>) target(%dma_start3A_675 : memref<768xf32, #tpu.memory_space<hbm>>) target_semaphore(%arg63 : memref<!tpu.dma_semaphore, #tpu.memory_space<semaphore_mem>>)
    %dma_start3A_676 = tpu.memref_slice %arg11[%mul3A_669] : memref<2000000xf32, #tpu.memory_space<hbm>> -> memref<768xf32, #tpu.memory_space<hbm>>
    %dma_start3A_677 = tpu.memref_slice %arg11[%mul3A_669] : memref<2000000xf32, #tpu.memory_space<hbm>> -> memref<768xf32, #tpu.memory_space<hbm>>
    tpu.enqueue_dma source(%arg51 : memref<768xf32, #tpu.memory_space<vmem>>) target(%dma_start3A_677 : memref<768xf32, #tpu.memory_space<hbm>>) target_semaphore(%arg63 : memref<!tpu.dma_semaphore, #tpu.memory_space<semaphore_mem>>)
    %dma_start3A_678 = tpu.memref_slice %arg12[%mul3A_669] : memref<2000000xf32, #tpu.memory_space<hbm>> -> memref<768xf32, #tpu.memory_space<hbm>>
    %dma_start3A_679 = tpu.memref_slice %arg12[%mul3A_669] : memref<2000000xf32, #tpu.memory_space<hbm>> -> memref<768xf32, #tpu.memory_space<hbm>>
    tpu.enqueue_dma source(%arg52 : memref<768xf32, #tpu.memory_space<vmem>>) target(%dma_start3A_679 : memref<768xf32, #tpu.memory_space<hbm>>) target_semaphore(%arg63 : memref<!tpu.dma_semaphore, #tpu.memory_space<semaphore_mem>>)
    %dma_start3A_680 = tpu.memref_slice %arg13[%mul3A_669] : memref<2000000xf32, #tpu.memory_space<hbm>> -> memref<768xf32, #tpu.memory_space<hbm>>
    %dma_start3A_681 = tpu.memref_slice %arg13[%mul3A_669] : memref<2000000xf32, #tpu.memory_space<hbm>> -> memref<768xf32, #tpu.memory_space<hbm>>
    tpu.enqueue_dma source(%arg53 : memref<768xf32, #tpu.memory_space<vmem>>) target(%dma_start3A_681 : memref<768xf32, #tpu.memory_space<hbm>>) target_semaphore(%arg63 : memref<!tpu.dma_semaphore, #tpu.memory_space<semaphore_mem>>)
    %dma_start3A_682 = tpu.memref_slice %arg14[%mul3A_669] : memref<2000000xf32, #tpu.memory_space<hbm>> -> memref<768xf32, #tpu.memory_space<hbm>>
    %dma_start3A_683 = tpu.memref_slice %arg14[%mul3A_669] : memref<2000000xf32, #tpu.memory_space<hbm>> -> memref<768xf32, #tpu.memory_space<hbm>>
    tpu.enqueue_dma source(%arg54 : memref<768xf32, #tpu.memory_space<vmem>>) target(%dma_start3A_683 : memref<768xf32, #tpu.memory_space<hbm>>) target_semaphore(%arg63 : memref<!tpu.dma_semaphore, #tpu.memory_space<semaphore_mem>>)
    %dma_start3A_684 = tpu.memref_slice %arg15[%mul3A_669] : memref<2000000xf32, #tpu.memory_space<hbm>> -> memref<768xf32, #tpu.memory_space<hbm>>
    %dma_start3A_685 = tpu.memref_slice %arg15[%mul3A_669] : memref<2000000xf32, #tpu.memory_space<hbm>> -> memref<768xf32, #tpu.memory_space<hbm>>
    tpu.enqueue_dma source(%arg55 : memref<768xf32, #tpu.memory_space<vmem>>) target(%dma_start3A_685 : memref<768xf32, #tpu.memory_space<hbm>>) target_semaphore(%arg63 : memref<!tpu.dma_semaphore, #tpu.memory_space<semaphore_mem>>)
    %dma_start3A_686 = tpu.memref_slice %arg16[%mul3A_669] : memref<2000000xf32, #tpu.memory_space<hbm>> -> memref<768xf32, #tpu.memory_space<hbm>>
    %dma_start3A_687 = tpu.memref_slice %arg16[%mul3A_669] : memref<2000000xf32, #tpu.memory_space<hbm>> -> memref<768xf32, #tpu.memory_space<hbm>>
    tpu.enqueue_dma source(%arg56 : memref<768xf32, #tpu.memory_space<vmem>>) target(%dma_start3A_687 : memref<768xf32, #tpu.memory_space<hbm>>) target_semaphore(%arg63 : memref<!tpu.dma_semaphore, #tpu.memory_space<semaphore_mem>>)
    %dma_start3A_688 = tpu.memref_slice %arg17[%mul3A_669] : memref<2000000xf32, #tpu.memory_space<hbm>> -> memref<768xf32, #tpu.memory_space<hbm>>
    %dma_start3A_689 = tpu.memref_slice %arg17[%mul3A_669] : memref<2000000xf32, #tpu.memory_space<hbm>> -> memref<768xf32, #tpu.memory_space<hbm>>
    tpu.enqueue_dma source(%arg57 : memref<768xf32, #tpu.memory_space<vmem>>) target(%dma_start3A_689 : memref<768xf32, #tpu.memory_space<hbm>>) target_semaphore(%arg63 : memref<!tpu.dma_semaphore, #tpu.memory_space<semaphore_mem>>)
    %dma_start3A_690 = tpu.memref_slice %arg18[%mul3A_669] : memref<2000000xf32, #tpu.memory_space<hbm>> -> memref<768xf32, #tpu.memory_space<hbm>>
    %dma_start3A_691 = tpu.memref_slice %arg18[%mul3A_669] : memref<2000000xf32, #tpu.memory_space<hbm>> -> memref<768xf32, #tpu.memory_space<hbm>>
    tpu.enqueue_dma source(%arg58 : memref<768xf32, #tpu.memory_space<vmem>>) target(%dma_start3A_691 : memref<768xf32, #tpu.memory_space<hbm>>) target_semaphore(%arg63 : memref<!tpu.dma_semaphore, #tpu.memory_space<semaphore_mem>>)
    %dma_start3A_692 = tpu.memref_slice %arg19[%mul3A_669] : memref<2000000xf32, #tpu.memory_space<hbm>> -> memref<768xf32, #tpu.memory_space<hbm>>
    %dma_start3A_693 = tpu.memref_slice %arg19[%mul3A_669] : memref<2000000xf32, #tpu.memory_space<hbm>> -> memref<768xf32, #tpu.memory_space<hbm>>
    tpu.enqueue_dma source(%arg59 : memref<768xf32, #tpu.memory_space<vmem>>) target(%dma_start3A_693 : memref<768xf32, #tpu.memory_space<hbm>>) target_semaphore(%arg63 : memref<!tpu.dma_semaphore, #tpu.memory_space<semaphore_mem>>)
    %dma_start3A_694 = tpu.memref_slice %arg20[%mul3A_669] : memref<2000000xf32, #tpu.memory_space<hbm>> -> memref<768xf32, #tpu.memory_space<hbm>>
    %dma_start3A_695 = tpu.memref_slice %arg20[%mul3A_669] : memref<2000000xf32, #tpu.memory_space<hbm>> -> memref<768xf32, #tpu.memory_space<hbm>>
    tpu.enqueue_dma source(%arg60 : memref<768xf32, #tpu.memory_space<vmem>>) target(%dma_start3A_695 : memref<768xf32, #tpu.memory_space<hbm>>) target_semaphore(%arg63 : memref<!tpu.dma_semaphore, #tpu.memory_space<semaphore_mem>>)
    %add3A_696 = arith.constant 2 : i32
    %add3A_697 = arith.constant 1 : i32
    %add3A_698 = arith.addi %add3A_696, %add3A_697 : i32
    %mul3A_699 = arith.constant 6 : i32
    %mul3A_700 = arith.muli %add3A_698, %mul3A_699 : i32
    %sub3A_701 = arith.constant 6 : i32
    %sub3A_702 = arith.subi %add3A_4, %sub3A_701 : i32
    %min3A_703 = arith.minsi %mul3A_700, %sub3A_702 : i32
    %add3A_704 = arith.addi %add3A_8, %min3A_703 : i32
    %mul3A_705 = arith.constant 128 : i32
    %mul3A_706 = arith.muli %add3A_704, %mul3A_705 : i32
    %dma_start3A_707 = tpu.memref_slice %arg3[%mul3A_706] : memref<2000000xi32, #tpu.memory_space<hbm>> -> memref<768xi32, #tpu.memory_space<hbm>>
    %dma_start3A_708 = tpu.memref_slice %arg3[%mul3A_706] : memref<2000000xi32, #tpu.memory_space<hbm>> -> memref<768xi32, #tpu.memory_space<hbm>>
    tpu.enqueue_dma source(%dma_start3A_708 : memref<768xi32, #tpu.memory_space<hbm>>) target(%arg43 : memref<768xi32, #tpu.memory_space<vmem>>) target_semaphore(%arg61 : memref<!tpu.dma_semaphore, #tpu.memory_space<semaphore_mem>>)
    %dma_start3A_709 = tpu.memref_slice %arg2[%mul3A_706] : memref<2000000xi32, #tpu.memory_space<hbm>> -> memref<768xi32, #tpu.memory_space<hbm>>
    %dma_start3A_710 = tpu.memref_slice %arg2[%mul3A_706] : memref<2000000xi32, #tpu.memory_space<hbm>> -> memref<768xi32, #tpu.memory_space<hbm>>
    tpu.enqueue_dma source(%dma_start3A_710 : memref<768xi32, #tpu.memory_space<hbm>>) target(%arg44 : memref<768xi32, #tpu.memory_space<vmem>>) target_semaphore(%arg61 : memref<!tpu.dma_semaphore, #tpu.memory_space<semaphore_mem>>)
    %dma_wait3A_711 = arith.constant 0 : i32
    %dma_wait3A_712 = tpu.memref_slice %arg24[%dma_wait3A_711] : memref<768xf32, #tpu.memory_space<vmem>> -> memref<128xf32, #tpu.memory_space<vmem>>
    %dma_wait3A_713 = arith.constant 0 : i32
    %dma_wait3A_714 = tpu.memref_slice %arg22[%dma_wait3A_713] : memref<768xi32, #tpu.memory_space<vmem>> -> memref<128xi32, #tpu.memory_space<vmem>>
    %dma_wait3A_715 = arith.constant 0 : i32
    %dma_wait3A_716 = tpu.memref_slice %arg4[%dma_wait3A_715] : memref<1000000xf32, #tpu.memory_space<hbm>> -> memref<1000000xf32, #tpu.memory_space<hbm>>
    tpu.wait_indirect_dma semaphore(%arg41 : memref<!tpu.dma_semaphore, #tpu.memory_space<semaphore_mem>>) src(%dma_wait3A_716 : memref<1000000xf32, #tpu.memory_space<hbm>>) dst(%dma_wait3A_712 : memref<128xf32, #tpu.memory_space<vmem>>)
    %dma_wait3A_717 = arith.constant 0 : i32
    %dma_wait3A_718 = tpu.memref_slice %arg25[%dma_wait3A_717] : memref<768xf32, #tpu.memory_space<vmem>> -> memref<128xf32, #tpu.memory_space<vmem>>
    %dma_wait3A_719 = arith.constant 0 : i32
    %dma_wait3A_720 = tpu.memref_slice %arg22[%dma_wait3A_719] : memref<768xi32, #tpu.memory_space<vmem>> -> memref<128xi32, #tpu.memory_space<vmem>>
    %dma_wait3A_721 = arith.constant 0 : i32
    %dma_wait3A_722 = tpu.memref_slice %arg5[%dma_wait3A_721] : memref<1000000xf32, #tpu.memory_space<hbm>> -> memref<1000000xf32, #tpu.memory_space<hbm>>
    tpu.wait_indirect_dma semaphore(%arg41 : memref<!tpu.dma_semaphore, #tpu.memory_space<semaphore_mem>>) src(%dma_wait3A_722 : memref<1000000xf32, #tpu.memory_space<hbm>>) dst(%dma_wait3A_718 : memref<128xf32, #tpu.memory_space<vmem>>)
    %dma_wait3A_723 = arith.constant 0 : i32
    %dma_wait3A_724 = tpu.memref_slice %arg26[%dma_wait3A_723] : memref<768xf32, #tpu.memory_space<vmem>> -> memref<128xf32, #tpu.memory_space<vmem>>
    %dma_wait3A_725 = arith.constant 0 : i32
    %dma_wait3A_726 = tpu.memref_slice %arg22[%dma_wait3A_725] : memref<768xi32, #tpu.memory_space<vmem>> -> memref<128xi32, #tpu.memory_space<vmem>>
    %dma_wait3A_727 = arith.constant 0 : i32
    %dma_wait3A_728 = tpu.memref_slice %arg6[%dma_wait3A_727] : memref<1000000xf32, #tpu.memory_space<hbm>> -> memref<1000000xf32, #tpu.memory_space<hbm>>
    tpu.wait_indirect_dma semaphore(%arg41 : memref<!tpu.dma_semaphore, #tpu.memory_space<semaphore_mem>>) src(%dma_wait3A_728 : memref<1000000xf32, #tpu.memory_space<hbm>>) dst(%dma_wait3A_724 : memref<128xf32, #tpu.memory_space<vmem>>)
    %dma_wait3A_729 = arith.constant 128 : i32
    %dma_wait3A_730 = tpu.memref_slice %arg24[%dma_wait3A_729] : memref<768xf32, #tpu.memory_space<vmem>> -> memref<128xf32, #tpu.memory_space<vmem>>
    %dma_wait3A_731 = arith.constant 128 : i32
    %dma_wait3A_732 = tpu.memref_slice %arg22[%dma_wait3A_731] : memref<768xi32, #tpu.memory_space<vmem>> -> memref<128xi32, #tpu.memory_space<vmem>>
    %dma_wait3A_733 = arith.constant 0 : i32
    %dma_wait3A_734 = tpu.memref_slice %arg4[%dma_wait3A_733] : memref<1000000xf32, #tpu.memory_space<hbm>> -> memref<1000000xf32, #tpu.memory_space<hbm>>
    tpu.wait_indirect_dma semaphore(%arg41 : memref<!tpu.dma_semaphore, #tpu.memory_space<semaphore_mem>>) src(%dma_wait3A_734 : memref<1000000xf32, #tpu.memory_space<hbm>>) dst(%dma_wait3A_730 : memref<128xf32, #tpu.memory_space<vmem>>)
    %dma_wait3A_735 = arith.constant 128 : i32
    %dma_wait3A_736 = tpu.memref_slice %arg25[%dma_wait3A_735] : memref<768xf32, #tpu.memory_space<vmem>> -> memref<128xf32, #tpu.memory_space<vmem>>
    %dma_wait3A_737 = arith.constant 128 : i32
    %dma_wait3A_738 = tpu.memref_slice %arg22[%dma_wait3A_737] : memref<768xi32, #tpu.memory_space<vmem>> -> memref<128xi32, #tpu.memory_space<vmem>>
    %dma_wait3A_739 = arith.constant 0 : i32
    %dma_wait3A_740 = tpu.memref_slice %arg5[%dma_wait3A_739] : memref<1000000xf32, #tpu.memory_space<hbm>> -> memref<1000000xf32, #tpu.memory_space<hbm>>
    tpu.wait_indirect_dma semaphore(%arg41 : memref<!tpu.dma_semaphore, #tpu.memory_space<semaphore_mem>>) src(%dma_wait3A_740 : memref<1000000xf32, #tpu.memory_space<hbm>>) dst(%dma_wait3A_736 : memref<128xf32, #tpu.memory_space<vmem>>)
    %dma_wait3A_741 = arith.constant 128 : i32
    %dma_wait3A_742 = tpu.memref_slice %arg26[%dma_wait3A_741] : memref<768xf32, #tpu.memory_space<vmem>> -> memref<128xf32, #tpu.memory_space<vmem>>
    %dma_wait3A_743 = arith.constant 128 : i32
    %dma_wait3A_744 = tpu.memref_slice %arg22[%dma_wait3A_743] : memref<768xi32, #tpu.memory_space<vmem>> -> memref<128xi32, #tpu.memory_space<vmem>>
    %dma_wait3A_745 = arith.constant 0 : i32
    %dma_wait3A_746 = tpu.memref_slice %arg6[%dma_wait3A_745] : memref<1000000xf32, #tpu.memory_space<hbm>> -> memref<1000000xf32, #tpu.memory_space<hbm>>
    tpu.wait_indirect_dma semaphore(%arg41 : memref<!tpu.dma_semaphore, #tpu.memory_space<semaphore_mem>>) src(%dma_wait3A_746 : memref<1000000xf32, #tpu.memory_space<hbm>>) dst(%dma_wait3A_742 : memref<128xf32, #tpu.memory_space<vmem>>)
    %dma_wait3A_747 = arith.constant 256 : i32
    %dma_wait3A_748 = tpu.memref_slice %arg24[%dma_wait3A_747] : memref<768xf32, #tpu.memory_space<vmem>> -> memref<128xf32, #tpu.memory_space<vmem>>
    %dma_wait3A_749 = arith.constant 256 : i32
    %dma_wait3A_750 = tpu.memref_slice %arg22[%dma_wait3A_749] : memref<768xi32, #tpu.memory_space<vmem>> -> memref<128xi32, #tpu.memory_space<vmem>>
    %dma_wait3A_751 = arith.constant 0 : i32
    %dma_wait3A_752 = tpu.memref_slice %arg4[%dma_wait3A_751] : memref<1000000xf32, #tpu.memory_space<hbm>> -> memref<1000000xf32, #tpu.memory_space<hbm>>
    tpu.wait_indirect_dma semaphore(%arg41 : memref<!tpu.dma_semaphore, #tpu.memory_space<semaphore_mem>>) src(%dma_wait3A_752 : memref<1000000xf32, #tpu.memory_space<hbm>>) dst(%dma_wait3A_748 : memref<128xf32, #tpu.memory_space<vmem>>)
    %dma_wait3A_753 = arith.constant 256 : i32
    %dma_wait3A_754 = tpu.memref_slice %arg25[%dma_wait3A_753] : memref<768xf32, #tpu.memory_space<vmem>> -> memref<128xf32, #tpu.memory_space<vmem>>
    %dma_wait3A_755 = arith.constant 256 : i32
    %dma_wait3A_756 = tpu.memref_slice %arg22[%dma_wait3A_755] : memref<768xi32, #tpu.memory_space<vmem>> -> memref<128xi32, #tpu.memory_space<vmem>>
    %dma_wait3A_757 = arith.constant 0 : i32
    %dma_wait3A_758 = tpu.memref_slice %arg5[%dma_wait3A_757] : memref<1000000xf32, #tpu.memory_space<hbm>> -> memref<1000000xf32, #tpu.memory_space<hbm>>
    tpu.wait_indirect_dma semaphore(%arg41 : memref<!tpu.dma_semaphore, #tpu.memory_space<semaphore_mem>>) src(%dma_wait3A_758 : memref<1000000xf32, #tpu.memory_space<hbm>>) dst(%dma_wait3A_754 : memref<128xf32, #tpu.memory_space<vmem>>)
    %dma_wait3A_759 = arith.constant 256 : i32
    %dma_wait3A_760 = tpu.memref_slice %arg26[%dma_wait3A_759] : memref<768xf32, #tpu.memory_space<vmem>> -> memref<128xf32, #tpu.memory_space<vmem>>
    %dma_wait3A_761 = arith.constant 256 : i32
    %dma_wait3A_762 = tpu.memref_slice %arg22[%dma_wait3A_761] : memref<768xi32, #tpu.memory_space<vmem>> -> memref<128xi32, #tpu.memory_space<vmem>>
    %dma_wait3A_763 = arith.constant 0 : i32
    %dma_wait3A_764 = tpu.memref_slice %arg6[%dma_wait3A_763] : memref<1000000xf32, #tpu.memory_space<hbm>> -> memref<1000000xf32, #tpu.memory_space<hbm>>
    tpu.wait_indirect_dma semaphore(%arg41 : memref<!tpu.dma_semaphore, #tpu.memory_space<semaphore_mem>>) src(%dma_wait3A_764 : memref<1000000xf32, #tpu.memory_space<hbm>>) dst(%dma_wait3A_760 : memref<128xf32, #tpu.memory_space<vmem>>)
    %dma_wait3A_765 = arith.constant 384 : i32
    %dma_wait3A_766 = tpu.memref_slice %arg24[%dma_wait3A_765] : memref<768xf32, #tpu.memory_space<vmem>> -> memref<128xf32, #tpu.memory_space<vmem>>
    %dma_wait3A_767 = arith.constant 384 : i32
    %dma_wait3A_768 = tpu.memref_slice %arg22[%dma_wait3A_767] : memref<768xi32, #tpu.memory_space<vmem>> -> memref<128xi32, #tpu.memory_space<vmem>>
    %dma_wait3A_769 = arith.constant 0 : i32
    %dma_wait3A_770 = tpu.memref_slice %arg4[%dma_wait3A_769] : memref<1000000xf32, #tpu.memory_space<hbm>> -> memref<1000000xf32, #tpu.memory_space<hbm>>
    tpu.wait_indirect_dma semaphore(%arg41 : memref<!tpu.dma_semaphore, #tpu.memory_space<semaphore_mem>>) src(%dma_wait3A_770 : memref<1000000xf32, #tpu.memory_space<hbm>>) dst(%dma_wait3A_766 : memref<128xf32, #tpu.memory_space<vmem>>)
    %dma_wait3A_771 = arith.constant 384 : i32
    %dma_wait3A_772 = tpu.memref_slice %arg25[%dma_wait3A_771] : memref<768xf32, #tpu.memory_space<vmem>> -> memref<128xf32, #tpu.memory_space<vmem>>
    %dma_wait3A_773 = arith.constant 384 : i32
    %dma_wait3A_774 = tpu.memref_slice %arg22[%dma_wait3A_773] : memref<768xi32, #tpu.memory_space<vmem>> -> memref<128xi32, #tpu.memory_space<vmem>>
    %dma_wait3A_775 = arith.constant 0 : i32
    %dma_wait3A_776 = tpu.memref_slice %arg5[%dma_wait3A_775] : memref<1000000xf32, #tpu.memory_space<hbm>> -> memref<1000000xf32, #tpu.memory_space<hbm>>
    tpu.wait_indirect_dma semaphore(%arg41 : memref<!tpu.dma_semaphore, #tpu.memory_space<semaphore_mem>>) src(%dma_wait3A_776 : memref<1000000xf32, #tpu.memory_space<hbm>>) dst(%dma_wait3A_772 : memref<128xf32, #tpu.memory_space<vmem>>)
    %dma_wait3A_777 = arith.constant 384 : i32
    %dma_wait3A_778 = tpu.memref_slice %arg26[%dma_wait3A_777] : memref<768xf32, #tpu.memory_space<vmem>> -> memref<128xf32, #tpu.memory_space<vmem>>
    %dma_wait3A_779 = arith.constant 384 : i32
    %dma_wait3A_780 = tpu.memref_slice %arg22[%dma_wait3A_779] : memref<768xi32, #tpu.memory_space<vmem>> -> memref<128xi32, #tpu.memory_space<vmem>>
    %dma_wait3A_781 = arith.constant 0 : i32
    %dma_wait3A_782 = tpu.memref_slice %arg6[%dma_wait3A_781] : memref<1000000xf32, #tpu.memory_space<hbm>> -> memref<1000000xf32, #tpu.memory_space<hbm>>
    tpu.wait_indirect_dma semaphore(%arg41 : memref<!tpu.dma_semaphore, #tpu.memory_space<semaphore_mem>>) src(%dma_wait3A_782 : memref<1000000xf32, #tpu.memory_space<hbm>>) dst(%dma_wait3A_778 : memref<128xf32, #tpu.memory_space<vmem>>)
    %dma_wait3A_783 = arith.constant 512 : i32
    %dma_wait3A_784 = tpu.memref_slice %arg24[%dma_wait3A_783] : memref<768xf32, #tpu.memory_space<vmem>> -> memref<128xf32, #tpu.memory_space<vmem>>
    %dma_wait3A_785 = arith.constant 512 : i32
    %dma_wait3A_786 = tpu.memref_slice %arg22[%dma_wait3A_785] : memref<768xi32, #tpu.memory_space<vmem>> -> memref<128xi32, #tpu.memory_space<vmem>>
    %dma_wait3A_787 = arith.constant 0 : i32
    %dma_wait3A_788 = tpu.memref_slice %arg4[%dma_wait3A_787] : memref<1000000xf32, #tpu.memory_space<hbm>> -> memref<1000000xf32, #tpu.memory_space<hbm>>
    tpu.wait_indirect_dma semaphore(%arg41 : memref<!tpu.dma_semaphore, #tpu.memory_space<semaphore_mem>>) src(%dma_wait3A_788 : memref<1000000xf32, #tpu.memory_space<hbm>>) dst(%dma_wait3A_784 : memref<128xf32, #tpu.memory_space<vmem>>)
    %dma_wait3A_789 = arith.constant 512 : i32
    %dma_wait3A_790 = tpu.memref_slice %arg25[%dma_wait3A_789] : memref<768xf32, #tpu.memory_space<vmem>> -> memref<128xf32, #tpu.memory_space<vmem>>
    %dma_wait3A_791 = arith.constant 512 : i32
    %dma_wait3A_792 = tpu.memref_slice %arg22[%dma_wait3A_791] : memref<768xi32, #tpu.memory_space<vmem>> -> memref<128xi32, #tpu.memory_space<vmem>>
    %dma_wait3A_793 = arith.constant 0 : i32
    %dma_wait3A_794 = tpu.memref_slice %arg5[%dma_wait3A_793] : memref<1000000xf32, #tpu.memory_space<hbm>> -> memref<1000000xf32, #tpu.memory_space<hbm>>
    tpu.wait_indirect_dma semaphore(%arg41 : memref<!tpu.dma_semaphore, #tpu.memory_space<semaphore_mem>>) src(%dma_wait3A_794 : memref<1000000xf32, #tpu.memory_space<hbm>>) dst(%dma_wait3A_790 : memref<128xf32, #tpu.memory_space<vmem>>)
    %dma_wait3A_795 = arith.constant 512 : i32
    %dma_wait3A_796 = tpu.memref_slice %arg26[%dma_wait3A_795] : memref<768xf32, #tpu.memory_space<vmem>> -> memref<128xf32, #tpu.memory_space<vmem>>
    %dma_wait3A_797 = arith.constant 512 : i32
    %dma_wait3A_798 = tpu.memref_slice %arg22[%dma_wait3A_797] : memref<768xi32, #tpu.memory_space<vmem>> -> memref<128xi32, #tpu.memory_space<vmem>>
    %dma_wait3A_799 = arith.constant 0 : i32
    %dma_wait3A_800 = tpu.memref_slice %arg6[%dma_wait3A_799] : memref<1000000xf32, #tpu.memory_space<hbm>> -> memref<1000000xf32, #tpu.memory_space<hbm>>
    tpu.wait_indirect_dma semaphore(%arg41 : memref<!tpu.dma_semaphore, #tpu.memory_space<semaphore_mem>>) src(%dma_wait3A_800 : memref<1000000xf32, #tpu.memory_space<hbm>>) dst(%dma_wait3A_796 : memref<128xf32, #tpu.memory_space<vmem>>)
    %dma_wait3A_801 = arith.constant 640 : i32
    %dma_wait3A_802 = tpu.memref_slice %arg24[%dma_wait3A_801] : memref<768xf32, #tpu.memory_space<vmem>> -> memref<128xf32, #tpu.memory_space<vmem>>
    %dma_wait3A_803 = arith.constant 640 : i32
    %dma_wait3A_804 = tpu.memref_slice %arg22[%dma_wait3A_803] : memref<768xi32, #tpu.memory_space<vmem>> -> memref<128xi32, #tpu.memory_space<vmem>>
    %dma_wait3A_805 = arith.constant 0 : i32
    %dma_wait3A_806 = tpu.memref_slice %arg4[%dma_wait3A_805] : memref<1000000xf32, #tpu.memory_space<hbm>> -> memref<1000000xf32, #tpu.memory_space<hbm>>
    tpu.wait_indirect_dma semaphore(%arg41 : memref<!tpu.dma_semaphore, #tpu.memory_space<semaphore_mem>>) src(%dma_wait3A_806 : memref<1000000xf32, #tpu.memory_space<hbm>>) dst(%dma_wait3A_802 : memref<128xf32, #tpu.memory_space<vmem>>)
    %dma_wait3A_807 = arith.constant 640 : i32
    %dma_wait3A_808 = tpu.memref_slice %arg25[%dma_wait3A_807] : memref<768xf32, #tpu.memory_space<vmem>> -> memref<128xf32, #tpu.memory_space<vmem>>
    %dma_wait3A_809 = arith.constant 640 : i32
    %dma_wait3A_810 = tpu.memref_slice %arg22[%dma_wait3A_809] : memref<768xi32, #tpu.memory_space<vmem>> -> memref<128xi32, #tpu.memory_space<vmem>>
    %dma_wait3A_811 = arith.constant 0 : i32
    %dma_wait3A_812 = tpu.memref_slice %arg5[%dma_wait3A_811] : memref<1000000xf32, #tpu.memory_space<hbm>> -> memref<1000000xf32, #tpu.memory_space<hbm>>
    tpu.wait_indirect_dma semaphore(%arg41 : memref<!tpu.dma_semaphore, #tpu.memory_space<semaphore_mem>>) src(%dma_wait3A_812 : memref<1000000xf32, #tpu.memory_space<hbm>>) dst(%dma_wait3A_808 : memref<128xf32, #tpu.memory_space<vmem>>)
    %dma_wait3A_813 = arith.constant 640 : i32
    %dma_wait3A_814 = tpu.memref_slice %arg26[%dma_wait3A_813] : memref<768xf32, #tpu.memory_space<vmem>> -> memref<128xf32, #tpu.memory_space<vmem>>
    %dma_wait3A_815 = arith.constant 640 : i32
    %dma_wait3A_816 = tpu.memref_slice %arg22[%dma_wait3A_815] : memref<768xi32, #tpu.memory_space<vmem>> -> memref<128xi32, #tpu.memory_space<vmem>>
    %dma_wait3A_817 = arith.constant 0 : i32
    %dma_wait3A_818 = tpu.memref_slice %arg6[%dma_wait3A_817] : memref<1000000xf32, #tpu.memory_space<hbm>> -> memref<1000000xf32, #tpu.memory_space<hbm>>
    tpu.wait_indirect_dma semaphore(%arg41 : memref<!tpu.dma_semaphore, #tpu.memory_space<semaphore_mem>>) src(%dma_wait3A_818 : memref<1000000xf32, #tpu.memory_space<hbm>>) dst(%dma_wait3A_814 : memref<128xf32, #tpu.memory_space<vmem>>)
    %dma_wait3A_819 = arith.constant 0 : i32
    %dma_wait3A_820 = tpu.memref_slice %arg3[%dma_wait3A_819] : memref<2000000xi32, #tpu.memory_space<hbm>> -> memref<768xi32, #tpu.memory_space<hbm>>
    %dma_wait3A_821 = arith.constant 0 : i32
    %dma_wait3A_822 = tpu.memref_slice %arg3[%dma_wait3A_821] : memref<2000000xi32, #tpu.memory_space<hbm>> -> memref<768xi32, #tpu.memory_space<hbm>>
    tpu.wait_dma2 semaphore(%arg61 : memref<!tpu.dma_semaphore, #tpu.memory_space<semaphore_mem>>) src(%dma_wait3A_822 : memref<768xi32, #tpu.memory_space<hbm>>) dst(%arg43 : memref<768xi32, #tpu.memory_space<vmem>>)
    %dma_wait3A_823 = arith.constant 0 : i32
    %dma_wait3A_824 = tpu.memref_slice %arg2[%dma_wait3A_823] : memref<2000000xi32, #tpu.memory_space<hbm>> -> memref<768xi32, #tpu.memory_space<hbm>>
    %dma_wait3A_825 = arith.constant 0 : i32
    %dma_wait3A_826 = tpu.memref_slice %arg2[%dma_wait3A_825] : memref<2000000xi32, #tpu.memory_space<hbm>> -> memref<768xi32, #tpu.memory_space<hbm>>
    tpu.wait_dma2 semaphore(%arg61 : memref<!tpu.dma_semaphore, #tpu.memory_space<semaphore_mem>>) src(%dma_wait3A_826 : memref<768xi32, #tpu.memory_space<hbm>>) dst(%arg44 : memref<768xi32, #tpu.memory_space<vmem>>)
    %dma_start3A_827 = arith.constant 0 : i32
    %dma_start3A_828 = tpu.memref_slice %arg45[%dma_start3A_827] : memref<768xf32, #tpu.memory_space<vmem>> -> memref<128xf32, #tpu.memory_space<vmem>>
    %dma_start3A_829 = arith.constant 0 : i32
    %dma_start3A_830 = tpu.memref_slice %arg43[%dma_start3A_829] : memref<768xi32, #tpu.memory_space<vmem>> -> memref<128xi32, #tpu.memory_space<vmem>>
    %dma_start3A_831 = arith.constant 0 : i32
    %dma_start3A_832 = tpu.memref_slice %arg4[%dma_start3A_831] : memref<1000000xf32, #tpu.memory_space<hbm>> -> memref<1000000xf32, #tpu.memory_space<hbm>>
    tpu.enqueue_indirect_dma source(%dma_start3A_832 : memref<1000000xf32, #tpu.memory_space<hbm>>) target(%dma_start3A_828 : memref<128xf32, #tpu.memory_space<vmem>>) offsets(%dma_start3A_830 : memref<128xi32, #tpu.memory_space<vmem>>) semaphore(%arg62 : memref<!tpu.dma_semaphore, #tpu.memory_space<semaphore_mem>>)
    %dma_start3A_833 = arith.constant 0 : i32
    %dma_start3A_834 = tpu.memref_slice %arg46[%dma_start3A_833] : memref<768xf32, #tpu.memory_space<vmem>> -> memref<128xf32, #tpu.memory_space<vmem>>
    %dma_start3A_835 = arith.constant 0 : i32
    %dma_start3A_836 = tpu.memref_slice %arg43[%dma_start3A_835] : memref<768xi32, #tpu.memory_space<vmem>> -> memref<128xi32, #tpu.memory_space<vmem>>
    %dma_start3A_837 = arith.constant 0 : i32
    %dma_start3A_838 = tpu.memref_slice %arg5[%dma_start3A_837] : memref<1000000xf32, #tpu.memory_space<hbm>> -> memref<1000000xf32, #tpu.memory_space<hbm>>
    tpu.enqueue_indirect_dma source(%dma_start3A_838 : memref<1000000xf32, #tpu.memory_space<hbm>>) target(%dma_start3A_834 : memref<128xf32, #tpu.memory_space<vmem>>) offsets(%dma_start3A_836 : memref<128xi32, #tpu.memory_space<vmem>>) semaphore(%arg62 : memref<!tpu.dma_semaphore, #tpu.memory_space<semaphore_mem>>)
    %dma_start3A_839 = arith.constant 0 : i32
    %dma_start3A_840 = tpu.memref_slice %arg47[%dma_start3A_839] : memref<768xf32, #tpu.memory_space<vmem>> -> memref<128xf32, #tpu.memory_space<vmem>>
    %dma_start3A_841 = arith.constant 0 : i32
    %dma_start3A_842 = tpu.memref_slice %arg43[%dma_start3A_841] : memref<768xi32, #tpu.memory_space<vmem>> -> memref<128xi32, #tpu.memory_space<vmem>>
    %dma_start3A_843 = arith.constant 0 : i32
    %dma_start3A_844 = tpu.memref_slice %arg6[%dma_start3A_843] : memref<1000000xf32, #tpu.memory_space<hbm>> -> memref<1000000xf32, #tpu.memory_space<hbm>>
    tpu.enqueue_indirect_dma source(%dma_start3A_844 : memref<1000000xf32, #tpu.memory_space<hbm>>) target(%dma_start3A_840 : memref<128xf32, #tpu.memory_space<vmem>>) offsets(%dma_start3A_842 : memref<128xi32, #tpu.memory_space<vmem>>) semaphore(%arg62 : memref<!tpu.dma_semaphore, #tpu.memory_space<semaphore_mem>>)
    %dma_start3A_845 = arith.constant 128 : i32
    %dma_start3A_846 = tpu.memref_slice %arg45[%dma_start3A_845] : memref<768xf32, #tpu.memory_space<vmem>> -> memref<128xf32, #tpu.memory_space<vmem>>
    %dma_start3A_847 = arith.constant 128 : i32
    %dma_start3A_848 = tpu.memref_slice %arg43[%dma_start3A_847] : memref<768xi32, #tpu.memory_space<vmem>> -> memref<128xi32, #tpu.memory_space<vmem>>
    %dma_start3A_849 = arith.constant 0 : i32
    %dma_start3A_850 = tpu.memref_slice %arg4[%dma_start3A_849] : memref<1000000xf32, #tpu.memory_space<hbm>> -> memref<1000000xf32, #tpu.memory_space<hbm>>
    tpu.enqueue_indirect_dma source(%dma_start3A_850 : memref<1000000xf32, #tpu.memory_space<hbm>>) target(%dma_start3A_846 : memref<128xf32, #tpu.memory_space<vmem>>) offsets(%dma_start3A_848 : memref<128xi32, #tpu.memory_space<vmem>>) semaphore(%arg62 : memref<!tpu.dma_semaphore, #tpu.memory_space<semaphore_mem>>)
    %dma_start3A_851 = arith.constant 128 : i32
    %dma_start3A_852 = tpu.memref_slice %arg46[%dma_start3A_851] : memref<768xf32, #tpu.memory_space<vmem>> -> memref<128xf32, #tpu.memory_space<vmem>>
    %dma_start3A_853 = arith.constant 128 : i32
    %dma_start3A_854 = tpu.memref_slice %arg43[%dma_start3A_853] : memref<768xi32, #tpu.memory_space<vmem>> -> memref<128xi32, #tpu.memory_space<vmem>>
    %dma_start3A_855 = arith.constant 0 : i32
    %dma_start3A_856 = tpu.memref_slice %arg5[%dma_start3A_855] : memref<1000000xf32, #tpu.memory_space<hbm>> -> memref<1000000xf32, #tpu.memory_space<hbm>>
    tpu.enqueue_indirect_dma source(%dma_start3A_856 : memref<1000000xf32, #tpu.memory_space<hbm>>) target(%dma_start3A_852 : memref<128xf32, #tpu.memory_space<vmem>>) offsets(%dma_start3A_854 : memref<128xi32, #tpu.memory_space<vmem>>) semaphore(%arg62 : memref<!tpu.dma_semaphore, #tpu.memory_space<semaphore_mem>>)
    %dma_start3A_857 = arith.constant 128 : i32
    %dma_start3A_858 = tpu.memref_slice %arg47[%dma_start3A_857] : memref<768xf32, #tpu.memory_space<vmem>> -> memref<128xf32, #tpu.memory_space<vmem>>
    %dma_start3A_859 = arith.constant 128 : i32
    %dma_start3A_860 = tpu.memref_slice %arg43[%dma_start3A_859] : memref<768xi32, #tpu.memory_space<vmem>> -> memref<128xi32, #tpu.memory_space<vmem>>
    %dma_start3A_861 = arith.constant 0 : i32
    %dma_start3A_862 = tpu.memref_slice %arg6[%dma_start3A_861] : memref<1000000xf32, #tpu.memory_space<hbm>> -> memref<1000000xf32, #tpu.memory_space<hbm>>
    tpu.enqueue_indirect_dma source(%dma_start3A_862 : memref<1000000xf32, #tpu.memory_space<hbm>>) target(%dma_start3A_858 : memref<128xf32, #tpu.memory_space<vmem>>) offsets(%dma_start3A_860 : memref<128xi32, #tpu.memory_space<vmem>>) semaphore(%arg62 : memref<!tpu.dma_semaphore, #tpu.memory_space<semaphore_mem>>)
    %dma_start3A_863 = arith.constant 256 : i32
    %dma_start3A_864 = tpu.memref_slice %arg45[%dma_start3A_863] : memref<768xf32, #tpu.memory_space<vmem>> -> memref<128xf32, #tpu.memory_space<vmem>>
    %dma_start3A_865 = arith.constant 256 : i32
    %dma_start3A_866 = tpu.memref_slice %arg43[%dma_start3A_865] : memref<768xi32, #tpu.memory_space<vmem>> -> memref<128xi32, #tpu.memory_space<vmem>>
    %dma_start3A_867 = arith.constant 0 : i32
    %dma_start3A_868 = tpu.memref_slice %arg4[%dma_start3A_867] : memref<1000000xf32, #tpu.memory_space<hbm>> -> memref<1000000xf32, #tpu.memory_space<hbm>>
    tpu.enqueue_indirect_dma source(%dma_start3A_868 : memref<1000000xf32, #tpu.memory_space<hbm>>) target(%dma_start3A_864 : memref<128xf32, #tpu.memory_space<vmem>>) offsets(%dma_start3A_866 : memref<128xi32, #tpu.memory_space<vmem>>) semaphore(%arg62 : memref<!tpu.dma_semaphore, #tpu.memory_space<semaphore_mem>>)
    %dma_start3A_869 = arith.constant 256 : i32
    %dma_start3A_870 = tpu.memref_slice %arg46[%dma_start3A_869] : memref<768xf32, #tpu.memory_space<vmem>> -> memref<128xf32, #tpu.memory_space<vmem>>
    %dma_start3A_871 = arith.constant 256 : i32
    %dma_start3A_872 = tpu.memref_slice %arg43[%dma_start3A_871] : memref<768xi32, #tpu.memory_space<vmem>> -> memref<128xi32, #tpu.memory_space<vmem>>
    %dma_start3A_873 = arith.constant 0 : i32
    %dma_start3A_874 = tpu.memref_slice %arg5[%dma_start3A_873] : memref<1000000xf32, #tpu.memory_space<hbm>> -> memref<1000000xf32, #tpu.memory_space<hbm>>
    tpu.enqueue_indirect_dma source(%dma_start3A_874 : memref<1000000xf32, #tpu.memory_space<hbm>>) target(%dma_start3A_870 : memref<128xf32, #tpu.memory_space<vmem>>) offsets(%dma_start3A_872 : memref<128xi32, #tpu.memory_space<vmem>>) semaphore(%arg62 : memref<!tpu.dma_semaphore, #tpu.memory_space<semaphore_mem>>)
    %dma_start3A_875 = arith.constant 256 : i32
    %dma_start3A_876 = tpu.memref_slice %arg47[%dma_start3A_875] : memref<768xf32, #tpu.memory_space<vmem>> -> memref<128xf32, #tpu.memory_space<vmem>>
    %dma_start3A_877 = arith.constant 256 : i32
    %dma_start3A_878 = tpu.memref_slice %arg43[%dma_start3A_877] : memref<768xi32, #tpu.memory_space<vmem>> -> memref<128xi32, #tpu.memory_space<vmem>>
    %dma_start3A_879 = arith.constant 0 : i32
    %dma_start3A_880 = tpu.memref_slice %arg6[%dma_start3A_879] : memref<1000000xf32, #tpu.memory_space<hbm>> -> memref<1000000xf32, #tpu.memory_space<hbm>>
    tpu.enqueue_indirect_dma source(%dma_start3A_880 : memref<1000000xf32, #tpu.memory_space<hbm>>) target(%dma_start3A_876 : memref<128xf32, #tpu.memory_space<vmem>>) offsets(%dma_start3A_878 : memref<128xi32, #tpu.memory_space<vmem>>) semaphore(%arg62 : memref<!tpu.dma_semaphore, #tpu.memory_space<semaphore_mem>>)
    %dma_start3A_881 = arith.constant 384 : i32
    %dma_start3A_882 = tpu.memref_slice %arg45[%dma_start3A_881] : memref<768xf32, #tpu.memory_space<vmem>> -> memref<128xf32, #tpu.memory_space<vmem>>
    %dma_start3A_883 = arith.constant 384 : i32
    %dma_start3A_884 = tpu.memref_slice %arg43[%dma_start3A_883] : memref<768xi32, #tpu.memory_space<vmem>> -> memref<128xi32, #tpu.memory_space<vmem>>
    %dma_start3A_885 = arith.constant 0 : i32
    %dma_start3A_886 = tpu.memref_slice %arg4[%dma_start3A_885] : memref<1000000xf32, #tpu.memory_space<hbm>> -> memref<1000000xf32, #tpu.memory_space<hbm>>
    tpu.enqueue_indirect_dma source(%dma_start3A_886 : memref<1000000xf32, #tpu.memory_space<hbm>>) target(%dma_start3A_882 : memref<128xf32, #tpu.memory_space<vmem>>) offsets(%dma_start3A_884 : memref<128xi32, #tpu.memory_space<vmem>>) semaphore(%arg62 : memref<!tpu.dma_semaphore, #tpu.memory_space<semaphore_mem>>)
    %dma_start3A_887 = arith.constant 384 : i32
    %dma_start3A_888 = tpu.memref_slice %arg46[%dma_start3A_887] : memref<768xf32, #tpu.memory_space<vmem>> -> memref<128xf32, #tpu.memory_space<vmem>>
    %dma_start3A_889 = arith.constant 384 : i32
    %dma_start3A_890 = tpu.memref_slice %arg43[%dma_start3A_889] : memref<768xi32, #tpu.memory_space<vmem>> -> memref<128xi32, #tpu.memory_space<vmem>>
    %dma_start3A_891 = arith.constant 0 : i32
    %dma_start3A_892 = tpu.memref_slice %arg5[%dma_start3A_891] : memref<1000000xf32, #tpu.memory_space<hbm>> -> memref<1000000xf32, #tpu.memory_space<hbm>>
    tpu.enqueue_indirect_dma source(%dma_start3A_892 : memref<1000000xf32, #tpu.memory_space<hbm>>) target(%dma_start3A_888 : memref<128xf32, #tpu.memory_space<vmem>>) offsets(%dma_start3A_890 : memref<128xi32, #tpu.memory_space<vmem>>) semaphore(%arg62 : memref<!tpu.dma_semaphore, #tpu.memory_space<semaphore_mem>>)
    %dma_start3A_893 = arith.constant 384 : i32
    %dma_start3A_894 = tpu.memref_slice %arg47[%dma_start3A_893] : memref<768xf32, #tpu.memory_space<vmem>> -> memref<128xf32, #tpu.memory_space<vmem>>
    %dma_start3A_895 = arith.constant 384 : i32
    %dma_start3A_896 = tpu.memref_slice %arg43[%dma_start3A_895] : memref<768xi32, #tpu.memory_space<vmem>> -> memref<128xi32, #tpu.memory_space<vmem>>
    %dma_start3A_897 = arith.constant 0 : i32
    %dma_start3A_898 = tpu.memref_slice %arg6[%dma_start3A_897] : memref<1000000xf32, #tpu.memory_space<hbm>> -> memref<1000000xf32, #tpu.memory_space<hbm>>
    tpu.enqueue_indirect_dma source(%dma_start3A_898 : memref<1000000xf32, #tpu.memory_space<hbm>>) target(%dma_start3A_894 : memref<128xf32, #tpu.memory_space<vmem>>) offsets(%dma_start3A_896 : memref<128xi32, #tpu.memory_space<vmem>>) semaphore(%arg62 : memref<!tpu.dma_semaphore, #tpu.memory_space<semaphore_mem>>)
    %dma_start3A_899 = arith.constant 512 : i32
    %dma_start3A_900 = tpu.memref_slice %arg45[%dma_start3A_899] : memref<768xf32, #tpu.memory_space<vmem>> -> memref<128xf32, #tpu.memory_space<vmem>>
    %dma_start3A_901 = arith.constant 512 : i32
    %dma_start3A_902 = tpu.memref_slice %arg43[%dma_start3A_901] : memref<768xi32, #tpu.memory_space<vmem>> -> memref<128xi32, #tpu.memory_space<vmem>>
    %dma_start3A_903 = arith.constant 0 : i32
    %dma_start3A_904 = tpu.memref_slice %arg4[%dma_start3A_903] : memref<1000000xf32, #tpu.memory_space<hbm>> -> memref<1000000xf32, #tpu.memory_space<hbm>>
    tpu.enqueue_indirect_dma source(%dma_start3A_904 : memref<1000000xf32, #tpu.memory_space<hbm>>) target(%dma_start3A_900 : memref<128xf32, #tpu.memory_space<vmem>>) offsets(%dma_start3A_902 : memref<128xi32, #tpu.memory_space<vmem>>) semaphore(%arg62 : memref<!tpu.dma_semaphore, #tpu.memory_space<semaphore_mem>>)
    %dma_start3A_905 = arith.constant 512 : i32
    %dma_start3A_906 = tpu.memref_slice %arg46[%dma_start3A_905] : memref<768xf32, #tpu.memory_space<vmem>> -> memref<128xf32, #tpu.memory_space<vmem>>
    %dma_start3A_907 = arith.constant 512 : i32
    %dma_start3A_908 = tpu.memref_slice %arg43[%dma_start3A_907] : memref<768xi32, #tpu.memory_space<vmem>> -> memref<128xi32, #tpu.memory_space<vmem>>
    %dma_start3A_909 = arith.constant 0 : i32
    %dma_start3A_910 = tpu.memref_slice %arg5[%dma_start3A_909] : memref<1000000xf32, #tpu.memory_space<hbm>> -> memref<1000000xf32, #tpu.memory_space<hbm>>
    tpu.enqueue_indirect_dma source(%dma_start3A_910 : memref<1000000xf32, #tpu.memory_space<hbm>>) target(%dma_start3A_906 : memref<128xf32, #tpu.memory_space<vmem>>) offsets(%dma_start3A_908 : memref<128xi32, #tpu.memory_space<vmem>>) semaphore(%arg62 : memref<!tpu.dma_semaphore, #tpu.memory_space<semaphore_mem>>)
    %dma_start3A_911 = arith.constant 512 : i32
    %dma_start3A_912 = tpu.memref_slice %arg47[%dma_start3A_911] : memref<768xf32, #tpu.memory_space<vmem>> -> memref<128xf32, #tpu.memory_space<vmem>>
    %dma_start3A_913 = arith.constant 512 : i32
    %dma_start3A_914 = tpu.memref_slice %arg43[%dma_start3A_913] : memref<768xi32, #tpu.memory_space<vmem>> -> memref<128xi32, #tpu.memory_space<vmem>>
    %dma_start3A_915 = arith.constant 0 : i32
    %dma_start3A_916 = tpu.memref_slice %arg6[%dma_start3A_915] : memref<1000000xf32, #tpu.memory_space<hbm>> -> memref<1000000xf32, #tpu.memory_space<hbm>>
    tpu.enqueue_indirect_dma source(%dma_start3A_916 : memref<1000000xf32, #tpu.memory_space<hbm>>) target(%dma_start3A_912 : memref<128xf32, #tpu.memory_space<vmem>>) offsets(%dma_start3A_914 : memref<128xi32, #tpu.memory_space<vmem>>) semaphore(%arg62 : memref<!tpu.dma_semaphore, #tpu.memory_space<semaphore_mem>>)
    %dma_start3A_917 = arith.constant 640 : i32
    %dma_start3A_918 = tpu.memref_slice %arg45[%dma_start3A_917] : memref<768xf32, #tpu.memory_space<vmem>> -> memref<128xf32, #tpu.memory_space<vmem>>
    %dma_start3A_919 = arith.constant 640 : i32
    %dma_start3A_920 = tpu.memref_slice %arg43[%dma_start3A_919] : memref<768xi32, #tpu.memory_space<vmem>> -> memref<128xi32, #tpu.memory_space<vmem>>
    %dma_start3A_921 = arith.constant 0 : i32
    %dma_start3A_922 = tpu.memref_slice %arg4[%dma_start3A_921] : memref<1000000xf32, #tpu.memory_space<hbm>> -> memref<1000000xf32, #tpu.memory_space<hbm>>
    tpu.enqueue_indirect_dma source(%dma_start3A_922 : memref<1000000xf32, #tpu.memory_space<hbm>>) target(%dma_start3A_918 : memref<128xf32, #tpu.memory_space<vmem>>) offsets(%dma_start3A_920 : memref<128xi32, #tpu.memory_space<vmem>>) semaphore(%arg62 : memref<!tpu.dma_semaphore, #tpu.memory_space<semaphore_mem>>)
    %dma_start3A_923 = arith.constant 640 : i32
    %dma_start3A_924 = tpu.memref_slice %arg46[%dma_start3A_923] : memref<768xf32, #tpu.memory_space<vmem>> -> memref<128xf32, #tpu.memory_space<vmem>>
    %dma_start3A_925 = arith.constant 640 : i32
    %dma_start3A_926 = tpu.memref_slice %arg43[%dma_start3A_925] : memref<768xi32, #tpu.memory_space<vmem>> -> memref<128xi32, #tpu.memory_space<vmem>>
    %dma_start3A_927 = arith.constant 0 : i32
    %dma_start3A_928 = tpu.memref_slice %arg5[%dma_start3A_927] : memref<1000000xf32, #tpu.memory_space<hbm>> -> memref<1000000xf32, #tpu.memory_space<hbm>>
    tpu.enqueue_indirect_dma source(%dma_start3A_928 : memref<1000000xf32, #tpu.memory_space<hbm>>) target(%dma_start3A_924 : memref<128xf32, #tpu.memory_space<vmem>>) offsets(%dma_start3A_926 : memref<128xi32, #tpu.memory_space<vmem>>) semaphore(%arg62 : memref<!tpu.dma_semaphore, #tpu.memory_space<semaphore_mem>>)
    %dma_start3A_929 = arith.constant 640 : i32
    %dma_start3A_930 = tpu.memref_slice %arg47[%dma_start3A_929] : memref<768xf32, #tpu.memory_space<vmem>> -> memref<128xf32, #tpu.memory_space<vmem>>
    %dma_start3A_931 = arith.constant 640 : i32
    %dma_start3A_932 = tpu.memref_slice %arg43[%dma_start3A_931] : memref<768xi32, #tpu.memory_space<vmem>> -> memref<128xi32, #tpu.memory_space<vmem>>
    %dma_start3A_933 = arith.constant 0 : i32
    %dma_start3A_934 = tpu.memref_slice %arg6[%dma_start3A_933] : memref<1000000xf32, #tpu.memory_space<hbm>> -> memref<1000000xf32, #tpu.memory_space<hbm>>
    tpu.enqueue_indirect_dma source(%dma_start3A_934 : memref<1000000xf32, #tpu.memory_space<hbm>>) target(%dma_start3A_930 : memref<128xf32, #tpu.memory_space<vmem>>) offsets(%dma_start3A_932 : memref<128xi32, #tpu.memory_space<vmem>>) semaphore(%arg62 : memref<!tpu.dma_semaphore, #tpu.memory_space<semaphore_mem>>)
    %dma_wait3A_935 = arith.constant 0 : i32
    %dma_wait3A_936 = tpu.memref_slice %arg8[%dma_wait3A_935] : memref<2000000xf32, #tpu.memory_space<hbm>> -> memref<768xf32, #tpu.memory_space<hbm>>
    %dma_wait3A_937 = arith.constant 0 : i32
    %dma_wait3A_938 = tpu.memref_slice %arg8[%dma_wait3A_937] : memref<2000000xf32, #tpu.memory_space<hbm>> -> memref<768xf32, #tpu.memory_space<hbm>>
    tpu.wait_dma2 semaphore(%arg42 : memref<!tpu.dma_semaphore, #tpu.memory_space<semaphore_mem>>) src(%arg27 : memref<768xf32, #tpu.memory_space<vmem>>) dst(%dma_wait3A_938 : memref<768xf32, #tpu.memory_space<hbm>>)
    %dma_wait3A_939 = arith.constant 0 : i32
    %dma_wait3A_940 = tpu.memref_slice %arg9[%dma_wait3A_939] : memref<2000000xf32, #tpu.memory_space<hbm>> -> memref<768xf32, #tpu.memory_space<hbm>>
    %dma_wait3A_941 = arith.constant 0 : i32
    %dma_wait3A_942 = tpu.memref_slice %arg9[%dma_wait3A_941] : memref<2000000xf32, #tpu.memory_space<hbm>> -> memref<768xf32, #tpu.memory_space<hbm>>
    tpu.wait_dma2 semaphore(%arg42 : memref<!tpu.dma_semaphore, #tpu.memory_space<semaphore_mem>>) src(%arg28 : memref<768xf32, #tpu.memory_space<vmem>>) dst(%dma_wait3A_942 : memref<768xf32, #tpu.memory_space<hbm>>)
    %dma_wait3A_943 = arith.constant 0 : i32
    %dma_wait3A_944 = tpu.memref_slice %arg10[%dma_wait3A_943] : memref<2000000xf32, #tpu.memory_space<hbm>> -> memref<768xf32, #tpu.memory_space<hbm>>
    %dma_wait3A_945 = arith.constant 0 : i32
    %dma_wait3A_946 = tpu.memref_slice %arg10[%dma_wait3A_945] : memref<2000000xf32, #tpu.memory_space<hbm>> -> memref<768xf32, #tpu.memory_space<hbm>>
    tpu.wait_dma2 semaphore(%arg42 : memref<!tpu.dma_semaphore, #tpu.memory_space<semaphore_mem>>) src(%arg29 : memref<768xf32, #tpu.memory_space<vmem>>) dst(%dma_wait3A_946 : memref<768xf32, #tpu.memory_space<hbm>>)
    %dma_wait3A_947 = arith.constant 0 : i32
    %dma_wait3A_948 = tpu.memref_slice %arg11[%dma_wait3A_947] : memref<2000000xf32, #tpu.memory_space<hbm>> -> memref<768xf32, #tpu.memory_space<hbm>>
    %dma_wait3A_949 = arith.constant 0 : i32
    %dma_wait3A_950 = tpu.memref_slice %arg11[%dma_wait3A_949] : memref<2000000xf32, #tpu.memory_space<hbm>> -> memref<768xf32, #tpu.memory_space<hbm>>
    tpu.wait_dma2 semaphore(%arg42 : memref<!tpu.dma_semaphore, #tpu.memory_space<semaphore_mem>>) src(%arg30 : memref<768xf32, #tpu.memory_space<vmem>>) dst(%dma_wait3A_950 : memref<768xf32, #tpu.memory_space<hbm>>)
    %dma_wait3A_951 = arith.constant 0 : i32
    %dma_wait3A_952 = tpu.memref_slice %arg12[%dma_wait3A_951] : memref<2000000xf32, #tpu.memory_space<hbm>> -> memref<768xf32, #tpu.memory_space<hbm>>
    %dma_wait3A_953 = arith.constant 0 : i32
    %dma_wait3A_954 = tpu.memref_slice %arg12[%dma_wait3A_953] : memref<2000000xf32, #tpu.memory_space<hbm>> -> memref<768xf32, #tpu.memory_space<hbm>>
    tpu.wait_dma2 semaphore(%arg42 : memref<!tpu.dma_semaphore, #tpu.memory_space<semaphore_mem>>) src(%arg31 : memref<768xf32, #tpu.memory_space<vmem>>) dst(%dma_wait3A_954 : memref<768xf32, #tpu.memory_space<hbm>>)
    %dma_wait3A_955 = arith.constant 0 : i32
    %dma_wait3A_956 = tpu.memref_slice %arg13[%dma_wait3A_955] : memref<2000000xf32, #tpu.memory_space<hbm>> -> memref<768xf32, #tpu.memory_space<hbm>>
    %dma_wait3A_957 = arith.constant 0 : i32
    %dma_wait3A_958 = tpu.memref_slice %arg13[%dma_wait3A_957] : memref<2000000xf32, #tpu.memory_space<hbm>> -> memref<768xf32, #tpu.memory_space<hbm>>
    tpu.wait_dma2 semaphore(%arg42 : memref<!tpu.dma_semaphore, #tpu.memory_space<semaphore_mem>>) src(%arg32 : memref<768xf32, #tpu.memory_space<vmem>>) dst(%dma_wait3A_958 : memref<768xf32, #tpu.memory_space<hbm>>)
    %dma_wait3A_959 = arith.constant 0 : i32
    %dma_wait3A_960 = tpu.memref_slice %arg14[%dma_wait3A_959] : memref<2000000xf32, #tpu.memory_space<hbm>> -> memref<768xf32, #tpu.memory_space<hbm>>
    %dma_wait3A_961 = arith.constant 0 : i32
    %dma_wait3A_962 = tpu.memref_slice %arg14[%dma_wait3A_961] : memref<2000000xf32, #tpu.memory_space<hbm>> -> memref<768xf32, #tpu.memory_space<hbm>>
    tpu.wait_dma2 semaphore(%arg42 : memref<!tpu.dma_semaphore, #tpu.memory_space<semaphore_mem>>) src(%arg33 : memref<768xf32, #tpu.memory_space<vmem>>) dst(%dma_wait3A_962 : memref<768xf32, #tpu.memory_space<hbm>>)
    %dma_wait3A_963 = arith.constant 0 : i32
    %dma_wait3A_964 = tpu.memref_slice %arg15[%dma_wait3A_963] : memref<2000000xf32, #tpu.memory_space<hbm>> -> memref<768xf32, #tpu.memory_space<hbm>>
    %dma_wait3A_965 = arith.constant 0 : i32
    %dma_wait3A_966 = tpu.memref_slice %arg15[%dma_wait3A_965] : memref<2000000xf32, #tpu.memory_space<hbm>> -> memref<768xf32, #tpu.memory_space<hbm>>
    tpu.wait_dma2 semaphore(%arg42 : memref<!tpu.dma_semaphore, #tpu.memory_space<semaphore_mem>>) src(%arg34 : memref<768xf32, #tpu.memory_space<vmem>>) dst(%dma_wait3A_966 : memref<768xf32, #tpu.memory_space<hbm>>)
    %dma_wait3A_967 = arith.constant 0 : i32
    %dma_wait3A_968 = tpu.memref_slice %arg16[%dma_wait3A_967] : memref<2000000xf32, #tpu.memory_space<hbm>> -> memref<768xf32, #tpu.memory_space<hbm>>
    %dma_wait3A_969 = arith.constant 0 : i32
    %dma_wait3A_970 = tpu.memref_slice %arg16[%dma_wait3A_969] : memref<2000000xf32, #tpu.memory_space<hbm>> -> memref<768xf32, #tpu.memory_space<hbm>>
    tpu.wait_dma2 semaphore(%arg42 : memref<!tpu.dma_semaphore, #tpu.memory_space<semaphore_mem>>) src(%arg35 : memref<768xf32, #tpu.memory_space<vmem>>) dst(%dma_wait3A_970 : memref<768xf32, #tpu.memory_space<hbm>>)
    %dma_wait3A_971 = arith.constant 0 : i32
    %dma_wait3A_972 = tpu.memref_slice %arg17[%dma_wait3A_971] : memref<2000000xf32, #tpu.memory_space<hbm>> -> memref<768xf32, #tpu.memory_space<hbm>>
    %dma_wait3A_973 = arith.constant 0 : i32
    %dma_wait3A_974 = tpu.memref_slice %arg17[%dma_wait3A_973] : memref<2000000xf32, #tpu.memory_space<hbm>> -> memref<768xf32, #tpu.memory_space<hbm>>
    tpu.wait_dma2 semaphore(%arg42 : memref<!tpu.dma_semaphore, #tpu.memory_space<semaphore_mem>>) src(%arg36 : memref<768xf32, #tpu.memory_space<vmem>>) dst(%dma_wait3A_974 : memref<768xf32, #tpu.memory_space<hbm>>)
    %dma_wait3A_975 = arith.constant 0 : i32
    %dma_wait3A_976 = tpu.memref_slice %arg18[%dma_wait3A_975] : memref<2000000xf32, #tpu.memory_space<hbm>> -> memref<768xf32, #tpu.memory_space<hbm>>
    %dma_wait3A_977 = arith.constant 0 : i32
    %dma_wait3A_978 = tpu.memref_slice %arg18[%dma_wait3A_977] : memref<2000000xf32, #tpu.memory_space<hbm>> -> memref<768xf32, #tpu.memory_space<hbm>>
    tpu.wait_dma2 semaphore(%arg42 : memref<!tpu.dma_semaphore, #tpu.memory_space<semaphore_mem>>) src(%arg37 : memref<768xf32, #tpu.memory_space<vmem>>) dst(%dma_wait3A_978 : memref<768xf32, #tpu.memory_space<hbm>>)
    %dma_wait3A_979 = arith.constant 0 : i32
    %dma_wait3A_980 = tpu.memref_slice %arg19[%dma_wait3A_979] : memref<2000000xf32, #tpu.memory_space<hbm>> -> memref<768xf32, #tpu.memory_space<hbm>>
    %dma_wait3A_981 = arith.constant 0 : i32
    %dma_wait3A_982 = tpu.memref_slice %arg19[%dma_wait3A_981] : memref<2000000xf32, #tpu.memory_space<hbm>> -> memref<768xf32, #tpu.memory_space<hbm>>
    tpu.wait_dma2 semaphore(%arg42 : memref<!tpu.dma_semaphore, #tpu.memory_space<semaphore_mem>>) src(%arg38 : memref<768xf32, #tpu.memory_space<vmem>>) dst(%dma_wait3A_982 : memref<768xf32, #tpu.memory_space<hbm>>)
    %dma_wait3A_983 = arith.constant 0 : i32
    %dma_wait3A_984 = tpu.memref_slice %arg20[%dma_wait3A_983] : memref<2000000xf32, #tpu.memory_space<hbm>> -> memref<768xf32, #tpu.memory_space<hbm>>
    %dma_wait3A_985 = arith.constant 0 : i32
    %dma_wait3A_986 = tpu.memref_slice %arg20[%dma_wait3A_985] : memref<2000000xf32, #tpu.memory_space<hbm>> -> memref<768xf32, #tpu.memory_space<hbm>>
    tpu.wait_dma2 semaphore(%arg42 : memref<!tpu.dma_semaphore, #tpu.memory_space<semaphore_mem>>) src(%arg39 : memref<768xf32, #tpu.memory_space<vmem>>) dst(%dma_wait3A_986 : memref<768xf32, #tpu.memory_space<hbm>>)
    %scan3A_987 = arith.constant 0 : i32
    %scan3A_988 = arith.constant 0 : i32
    %scan3A_989 = arith.constant 48 : i32
    %scan3A_990 = arith.addi %scan3A_988, %scan3A_989 : i32
    %scan3A_991 = arith.constant 1 : i32
    scf.for %scan3A_1364 = %scan3A_988 to %scan3A_990 step %scan3A_991  : i32 {
      %mul3A_1365 = arith.constant 16 : i32
      %mul3A_1366 = arith.muli %scan3A_1364, %mul3A_1365 : i32
      %get3A = arith.index_cast %mul3A_1366 : i32 to index
      %get3A_1367 = tpu.vector_load %arg23[%get3A] {strides = array<i32>} : memref<768xi32, #tpu.memory_space<vmem>>, vector<16xi32>,
      %mul3A_1368 = arith.constant 10 : i32
      %mul3A_1369 = vector.broadcast %mul3A_1368 : i32 to vector<16xi32>
      %mul3A_1370 = arith.muli %get3A_1367, %mul3A_1369 : vector<16xi32>
      %get3A_1371 = arith.index_cast %mul3A_1366 : i32 to index
      %get3A_1372 = tpu.vector_load %arg24[%get3A_1371] {strides = array<i32>} : memref<768xf32, #tpu.memory_space<vmem>>, vector<16xf32>,
      %swap3A = arith.index_cast %mul3A_1366 : i32 to index
      %swap3A_1373 = tpu.vector_load %arg27[%swap3A] {strides = array<i32>} : memref<768xf32, #tpu.memory_space<vmem>>, vector<16xf32>,
      tpu.vector_store %arg27[%swap3A], %get3A_1372 {strides = array<i32>} : memref<768xf32, #tpu.memory_space<vmem>>, vector<16xf32>,
      %get3A_1374 = arith.index_cast %mul3A_1366 : i32 to index
      %get3A_1375 = tpu.vector_load %arg25[%get3A_1374] {strides = array<i32>} : memref<768xf32, #tpu.memory_space<vmem>>, vector<16xf32>,
      %swap3A_1376 = arith.index_cast %mul3A_1366 : i32 to index
      %swap3A_1377 = tpu.vector_load %arg28[%swap3A_1376] {strides = array<i32>} : memref<768xf32, #tpu.memory_space<vmem>>, vector<16xf32>,
      tpu.vector_store %arg28[%swap3A_1376], %get3A_1375 {strides = array<i32>} : memref<768xf32, #tpu.memory_space<vmem>>, vector<16xf32>,
      %get3A_1378 = arith.index_cast %mul3A_1366 : i32 to index
      %get3A_1379 = tpu.vector_load %arg26[%get3A_1378] {strides = array<i32>} : memref<768xf32, #tpu.memory_space<vmem>>, vector<16xf32>,
      %swap3A_1380 = arith.index_cast %mul3A_1366 : i32 to index
      %swap3A_1381 = tpu.vector_load %arg29[%swap3A_1380] {strides = array<i32>} : memref<768xf32, #tpu.memory_space<vmem>>, vector<16xf32>,
      tpu.vector_store %arg29[%swap3A_1380], %get3A_1379 {strides = array<i32>} : memref<768xf32, #tpu.memory_space<vmem>>, vector<16xf32>,
      %add3A_1382 = arith.constant 0 : i32
      %add3A_1383 = vector.broadcast %add3A_1382 : i32 to vector<16xi32>
      %add3A_1384 = arith.addi %mul3A_1370, %add3A_1383 : vector<16xi32>
      %gather3A = tpu.vector_load_idx %arg21[%add3A_1384] : memref<100000xf32, #tpu.memory_space<vmem>>[vector<16xi32>], vector<16xf32>,
      %swap3A_1385 = arith.index_cast %mul3A_1366 : i32 to index
      %swap3A_1386 = tpu.vector_load %arg30[%swap3A_1385] {strides = array<i32>} : memref<768xf32, #tpu.memory_space<vmem>>, vector<16xf32>,
      tpu.vector_store %arg30[%swap3A_1385], %gather3A {strides = array<i32>} : memref<768xf32, #tpu.memory_space<vmem>>, vector<16xf32>,
      %add3A_1387 = arith.constant 1 : i32
      %add3A_1388 = vector.broadcast %add3A_1387 : i32 to vector<16xi32>
      %add3A_1389 = arith.addi %mul3A_1370, %add3A_1388 : vector<16xi32>
      %gather3A_1390 = tpu.vector_load_idx %arg21[%add3A_1389] : memref<100000xf32, #tpu.memory_space<vmem>>[vector<16xi32>], vector<16xf32>,
      %swap3A_1391 = arith.index_cast %mul3A_1366 : i32 to index
      %swap3A_1392 = tpu.vector_load %arg31[%swap3A_1391] {strides = array<i32>} : memref<768xf32, #tpu.memory_space<vmem>>, vector<16xf32>,
      tpu.vector_store %arg31[%swap3A_1391], %gather3A_1390 {strides = array<i32>} : memref<768xf32, #tpu.memory_space<vmem>>, vector<16xf32>,
      %add3A_1393 = arith.constant 2 : i32
      %add3A_1394 = vector.broadcast %add3A_1393 : i32 to vector<16xi32>
      %add3A_1395 = arith.addi %mul3A_1370, %add3A_1394 : vector<16xi32>
      %gather3A_1396 = tpu.vector_load_idx %arg21[%add3A_1395] : memref<100000xf32, #tpu.memory_space<vmem>>[vector<16xi32>], vector<16xf32>,
      %swap3A_1397 = arith.index_cast %mul3A_1366 : i32 to index
      %swap3A_1398 = tpu.vector_load %arg32[%swap3A_1397] {strides = array<i32>} : memref<768xf32, #tpu.memory_space<vmem>>, vector<16xf32>,
      tpu.vector_store %arg32[%swap3A_1397], %gather3A_1396 {strides = array<i32>} : memref<768xf32, #tpu.memory_space<vmem>>, vector<16xf32>,
      %add3A_1399 = arith.constant 3 : i32
      %add3A_1400 = vector.broadcast %add3A_1399 : i32 to vector<16xi32>
      %add3A_1401 = arith.addi %mul3A_1370, %add3A_1400 : vector<16xi32>
      %gather3A_1402 = tpu.vector_load_idx %arg21[%add3A_1401] : memref<100000xf32, #tpu.memory_space<vmem>>[vector<16xi32>], vector<16xf32>,
      %swap3A_1403 = arith.index_cast %mul3A_1366 : i32 to index
      %swap3A_1404 = tpu.vector_load %arg33[%swap3A_1403] {strides = array<i32>} : memref<768xf32, #tpu.memory_space<vmem>>, vector<16xf32>,
      tpu.vector_store %arg33[%swap3A_1403], %gather3A_1402 {strides = array<i32>} : memref<768xf32, #tpu.memory_space<vmem>>, vector<16xf32>,
      %add3A_1405 = arith.constant 4 : i32
      %add3A_1406 = vector.broadcast %add3A_1405 : i32 to vector<16xi32>
      %add3A_1407 = arith.addi %mul3A_1370, %add3A_1406 : vector<16xi32>
      %gather3A_1408 = tpu.vector_load_idx %arg21[%add3A_1407] : memref<100000xf32, #tpu.memory_space<vmem>>[vector<16xi32>], vector<16xf32>,
      %swap3A_1409 = arith.index_cast %mul3A_1366 : i32 to index
      %swap3A_1410 = tpu.vector_load %arg34[%swap3A_1409] {strides = array<i32>} : memref<768xf32, #tpu.memory_space<vmem>>, vector<16xf32>,
      tpu.vector_store %arg34[%swap3A_1409], %gather3A_1408 {strides = array<i32>} : memref<768xf32, #tpu.memory_space<vmem>>, vector<16xf32>,
      %add3A_1411 = arith.constant 5 : i32
      %add3A_1412 = vector.broadcast %add3A_1411 : i32 to vector<16xi32>
      %add3A_1413 = arith.addi %mul3A_1370, %add3A_1412 : vector<16xi32>
      %gather3A_1414 = tpu.vector_load_idx %arg21[%add3A_1413] : memref<100000xf32, #tpu.memory_space<vmem>>[vector<16xi32>], vector<16xf32>,
      %swap3A_1415 = arith.index_cast %mul3A_1366 : i32 to index
      %swap3A_1416 = tpu.vector_load %arg35[%swap3A_1415] {strides = array<i32>} : memref<768xf32, #tpu.memory_space<vmem>>, vector<16xf32>,
      tpu.vector_store %arg35[%swap3A_1415], %gather3A_1414 {strides = array<i32>} : memref<768xf32, #tpu.memory_space<vmem>>, vector<16xf32>,
      %add3A_1417 = arith.constant 6 : i32
      %add3A_1418 = vector.broadcast %add3A_1417 : i32 to vector<16xi32>
      %add3A_1419 = arith.addi %mul3A_1370, %add3A_1418 : vector<16xi32>
      %gather3A_1420 = tpu.vector_load_idx %arg21[%add3A_1419] : memref<100000xf32, #tpu.memory_space<vmem>>[vector<16xi32>], vector<16xf32>,
      %swap3A_1421 = arith.index_cast %mul3A_1366 : i32 to index
      %swap3A_1422 = tpu.vector_load %arg36[%swap3A_1421] {strides = array<i32>} : memref<768xf32, #tpu.memory_space<vmem>>, vector<16xf32>,
      tpu.vector_store %arg36[%swap3A_1421], %gather3A_1420 {strides = array<i32>} : memref<768xf32, #tpu.memory_space<vmem>>, vector<16xf32>,
      %add3A_1423 = arith.constant 7 : i32
      %add3A_1424 = vector.broadcast %add3A_1423 : i32 to vector<16xi32>
      %add3A_1425 = arith.addi %mul3A_1370, %add3A_1424 : vector<16xi32>
      %gather3A_1426 = tpu.vector_load_idx %arg21[%add3A_1425] : memref<100000xf32, #tpu.memory_space<vmem>>[vector<16xi32>], vector<16xf32>,
      %swap3A_1427 = arith.index_cast %mul3A_1366 : i32 to index
      %swap3A_1428 = tpu.vector_load %arg37[%swap3A_1427] {strides = array<i32>} : memref<768xf32, #tpu.memory_space<vmem>>, vector<16xf32>,
      tpu.vector_store %arg37[%swap3A_1427], %gather3A_1426 {strides = array<i32>} : memref<768xf32, #tpu.memory_space<vmem>>, vector<16xf32>,
      %add3A_1429 = arith.constant 8 : i32
      %add3A_1430 = vector.broadcast %add3A_1429 : i32 to vector<16xi32>
      %add3A_1431 = arith.addi %mul3A_1370, %add3A_1430 : vector<16xi32>
      %gather3A_1432 = tpu.vector_load_idx %arg21[%add3A_1431] : memref<100000xf32, #tpu.memory_space<vmem>>[vector<16xi32>], vector<16xf32>,
      %swap3A_1433 = arith.index_cast %mul3A_1366 : i32 to index
      %swap3A_1434 = tpu.vector_load %arg38[%swap3A_1433] {strides = array<i32>} : memref<768xf32, #tpu.memory_space<vmem>>, vector<16xf32>,
      tpu.vector_store %arg38[%swap3A_1433], %gather3A_1432 {strides = array<i32>} : memref<768xf32, #tpu.memory_space<vmem>>, vector<16xf32>,
      %add3A_1435 = arith.constant 9 : i32
      %add3A_1436 = vector.broadcast %add3A_1435 : i32 to vector<16xi32>
      %add3A_1437 = arith.addi %mul3A_1370, %add3A_1436 : vector<16xi32>
      %gather3A_1438 = tpu.vector_load_idx %arg21[%add3A_1437] : memref<100000xf32, #tpu.memory_space<vmem>>[vector<16xi32>], vector<16xf32>,
      %swap3A_1439 = arith.index_cast %mul3A_1366 : i32 to index
      %swap3A_1440 = tpu.vector_load %arg39[%swap3A_1439] {strides = array<i32>} : memref<768xf32, #tpu.memory_space<vmem>>, vector<16xf32>,
      tpu.vector_store %arg39[%swap3A_1439], %gather3A_1438 {strides = array<i32>} : memref<768xf32, #tpu.memory_space<vmem>>, vector<16xf32>,
    }
    %scan3A_992 = arith.constant 48 : i32
    %sub3A_993 = arith.constant 3 : i32
    %sub3A_994 = arith.constant 1 : i32
    %sub3A_995 = arith.subi %sub3A_993, %sub3A_994 : i32
    %mul3A_996 = arith.constant 6 : i32
    %mul3A_997 = arith.muli %sub3A_995, %mul3A_996 : i32
    %sub3A_998 = arith.constant 6 : i32
    %sub3A_999 = arith.subi %add3A_4, %sub3A_998 : i32
    %min3A_1000 = arith.minsi %mul3A_997, %sub3A_999 : i32
    %add3A_1001 = arith.addi %add3A_8, %min3A_1000 : i32
    %mul3A_1002 = arith.constant 128 : i32
    %mul3A_1003 = arith.muli %add3A_1001, %mul3A_1002 : i32
    %dma_start3A_1004 = tpu.memref_slice %arg8[%mul3A_1003] : memref<2000000xf32, #tpu.memory_space<hbm>> -> memref<768xf32, #tpu.memory_space<hbm>>
    %dma_start3A_1005 = tpu.memref_slice %arg8[%mul3A_1003] : memref<2000000xf32, #tpu.memory_space<hbm>> -> memref<768xf32, #tpu.memory_space<hbm>>
    tpu.enqueue_dma source(%arg27 : memref<768xf32, #tpu.memory_space<vmem>>) target(%dma_start3A_1005 : memref<768xf32, #tpu.memory_space<hbm>>) target_semaphore(%arg42 : memref<!tpu.dma_semaphore, #tpu.memory_space<semaphore_mem>>)
    %dma_start3A_1006 = tpu.memref_slice %arg9[%mul3A_1003] : memref<2000000xf32, #tpu.memory_space<hbm>> -> memref<768xf32, #tpu.memory_space<hbm>>
    %dma_start3A_1007 = tpu.memref_slice %arg9[%mul3A_1003] : memref<2000000xf32, #tpu.memory_space<hbm>> -> memref<768xf32, #tpu.memory_space<hbm>>
    tpu.enqueue_dma source(%arg28 : memref<768xf32, #tpu.memory_space<vmem>>) target(%dma_start3A_1007 : memref<768xf32, #tpu.memory_space<hbm>>) target_semaphore(%arg42 : memref<!tpu.dma_semaphore, #tpu.memory_space<semaphore_mem>>)
    %dma_start3A_1008 = tpu.memref_slice %arg10[%mul3A_1003] : memref<2000000xf32, #tpu.memory_space<hbm>> -> memref<768xf32, #tpu.memory_space<hbm>>
    %dma_start3A_1009 = tpu.memref_slice %arg10[%mul3A_1003] : memref<2000000xf32, #tpu.memory_space<hbm>> -> memref<768xf32, #tpu.memory_space<hbm>>
    tpu.enqueue_dma source(%arg29 : memref<768xf32, #tpu.memory_space<vmem>>) target(%dma_start3A_1009 : memref<768xf32, #tpu.memory_space<hbm>>) target_semaphore(%arg42 : memref<!tpu.dma_semaphore, #tpu.memory_space<semaphore_mem>>)
    %dma_start3A_1010 = tpu.memref_slice %arg11[%mul3A_1003] : memref<2000000xf32, #tpu.memory_space<hbm>> -> memref<768xf32, #tpu.memory_space<hbm>>
    %dma_start3A_1011 = tpu.memref_slice %arg11[%mul3A_1003] : memref<2000000xf32, #tpu.memory_space<hbm>> -> memref<768xf32, #tpu.memory_space<hbm>>
    tpu.enqueue_dma source(%arg30 : memref<768xf32, #tpu.memory_space<vmem>>) target(%dma_start3A_1011 : memref<768xf32, #tpu.memory_space<hbm>>) target_semaphore(%arg42 : memref<!tpu.dma_semaphore, #tpu.memory_space<semaphore_mem>>)
    %dma_start3A_1012 = tpu.memref_slice %arg12[%mul3A_1003] : memref<2000000xf32, #tpu.memory_space<hbm>> -> memref<768xf32, #tpu.memory_space<hbm>>
    %dma_start3A_1013 = tpu.memref_slice %arg12[%mul3A_1003] : memref<2000000xf32, #tpu.memory_space<hbm>> -> memref<768xf32, #tpu.memory_space<hbm>>
    tpu.enqueue_dma source(%arg31 : memref<768xf32, #tpu.memory_space<vmem>>) target(%dma_start3A_1013 : memref<768xf32, #tpu.memory_space<hbm>>) target_semaphore(%arg42 : memref<!tpu.dma_semaphore, #tpu.memory_space<semaphore_mem>>)
    %dma_start3A_1014 = tpu.memref_slice %arg13[%mul3A_1003] : memref<2000000xf32, #tpu.memory_space<hbm>> -> memref<768xf32, #tpu.memory_space<hbm>>
    %dma_start3A_1015 = tpu.memref_slice %arg13[%mul3A_1003] : memref<2000000xf32, #tpu.memory_space<hbm>> -> memref<768xf32, #tpu.memory_space<hbm>>
    tpu.enqueue_dma source(%arg32 : memref<768xf32, #tpu.memory_space<vmem>>) target(%dma_start3A_1015 : memref<768xf32, #tpu.memory_space<hbm>>) target_semaphore(%arg42 : memref<!tpu.dma_semaphore, #tpu.memory_space<semaphore_mem>>)
    %dma_start3A_1016 = tpu.memref_slice %arg14[%mul3A_1003] : memref<2000000xf32, #tpu.memory_space<hbm>> -> memref<768xf32, #tpu.memory_space<hbm>>
    %dma_start3A_1017 = tpu.memref_slice %arg14[%mul3A_1003] : memref<2000000xf32, #tpu.memory_space<hbm>> -> memref<768xf32, #tpu.memory_space<hbm>>
    tpu.enqueue_dma source(%arg33 : memref<768xf32, #tpu.memory_space<vmem>>) target(%dma_start3A_1017 : memref<768xf32, #tpu.memory_space<hbm>>) target_semaphore(%arg42 : memref<!tpu.dma_semaphore, #tpu.memory_space<semaphore_mem>>)
    %dma_start3A_1018 = tpu.memref_slice %arg15[%mul3A_1003] : memref<2000000xf32, #tpu.memory_space<hbm>> -> memref<768xf32, #tpu.memory_space<hbm>>
    %dma_start3A_1019 = tpu.memref_slice %arg15[%mul3A_1003] : memref<2000000xf32, #tpu.memory_space<hbm>> -> memref<768xf32, #tpu.memory_space<hbm>>
    tpu.enqueue_dma source(%arg34 : memref<768xf32, #tpu.memory_space<vmem>>) target(%dma_start3A_1019 : memref<768xf32, #tpu.memory_space<hbm>>) target_semaphore(%arg42 : memref<!tpu.dma_semaphore, #tpu.memory_space<semaphore_mem>>)
    %dma_start3A_1020 = tpu.memref_slice %arg16[%mul3A_1003] : memref<2000000xf32, #tpu.memory_space<hbm>> -> memref<768xf32, #tpu.memory_space<hbm>>
    %dma_start3A_1021 = tpu.memref_slice %arg16[%mul3A_1003] : memref<2000000xf32, #tpu.memory_space<hbm>> -> memref<768xf32, #tpu.memory_space<hbm>>
    tpu.enqueue_dma source(%arg35 : memref<768xf32, #tpu.memory_space<vmem>>) target(%dma_start3A_1021 : memref<768xf32, #tpu.memory_space<hbm>>) target_semaphore(%arg42 : memref<!tpu.dma_semaphore, #tpu.memory_space<semaphore_mem>>)
    %dma_start3A_1022 = tpu.memref_slice %arg17[%mul3A_1003] : memref<2000000xf32, #tpu.memory_space<hbm>> -> memref<768xf32, #tpu.memory_space<hbm>>
    %dma_start3A_1023 = tpu.memref_slice %arg17[%mul3A_1003] : memref<2000000xf32, #tpu.memory_space<hbm>> -> memref<768xf32, #tpu.memory_space<hbm>>
    tpu.enqueue_dma source(%arg36 : memref<768xf32, #tpu.memory_space<vmem>>) target(%dma_start3A_1023 : memref<768xf32, #tpu.memory_space<hbm>>) target_semaphore(%arg42 : memref<!tpu.dma_semaphore, #tpu.memory_space<semaphore_mem>>)
    %dma_start3A_1024 = tpu.memref_slice %arg18[%mul3A_1003] : memref<2000000xf32, #tpu.memory_space<hbm>> -> memref<768xf32, #tpu.memory_space<hbm>>
    %dma_start3A_1025 = tpu.memref_slice %arg18[%mul3A_1003] : memref<2000000xf32, #tpu.memory_space<hbm>> -> memref<768xf32, #tpu.memory_space<hbm>>
    tpu.enqueue_dma source(%arg37 : memref<768xf32, #tpu.memory_space<vmem>>) target(%dma_start3A_1025 : memref<768xf32, #tpu.memory_space<hbm>>) target_semaphore(%arg42 : memref<!tpu.dma_semaphore, #tpu.memory_space<semaphore_mem>>)
    %dma_start3A_1026 = tpu.memref_slice %arg19[%mul3A_1003] : memref<2000000xf32, #tpu.memory_space<hbm>> -> memref<768xf32, #tpu.memory_space<hbm>>
    %dma_start3A_1027 = tpu.memref_slice %arg19[%mul3A_1003] : memref<2000000xf32, #tpu.memory_space<hbm>> -> memref<768xf32, #tpu.memory_space<hbm>>
    tpu.enqueue_dma source(%arg38 : memref<768xf32, #tpu.memory_space<vmem>>) target(%dma_start3A_1027 : memref<768xf32, #tpu.memory_space<hbm>>) target_semaphore(%arg42 : memref<!tpu.dma_semaphore, #tpu.memory_space<semaphore_mem>>)
    %dma_start3A_1028 = tpu.memref_slice %arg20[%mul3A_1003] : memref<2000000xf32, #tpu.memory_space<hbm>> -> memref<768xf32, #tpu.memory_space<hbm>>
    %dma_start3A_1029 = tpu.memref_slice %arg20[%mul3A_1003] : memref<2000000xf32, #tpu.memory_space<hbm>> -> memref<768xf32, #tpu.memory_space<hbm>>
    tpu.enqueue_dma source(%arg39 : memref<768xf32, #tpu.memory_space<vmem>>) target(%dma_start3A_1029 : memref<768xf32, #tpu.memory_space<hbm>>) target_semaphore(%arg42 : memref<!tpu.dma_semaphore, #tpu.memory_space<semaphore_mem>>)
    %add3A_1030 = arith.constant 3 : i32
    %add3A_1031 = arith.constant 1 : i32
    %add3A_1032 = arith.addi %add3A_1030, %add3A_1031 : i32
    %mul3A_1033 = arith.constant 6 : i32
    %mul3A_1034 = arith.muli %add3A_1032, %mul3A_1033 : i32
    %sub3A_1035 = arith.constant 6 : i32
    %sub3A_1036 = arith.subi %add3A_4, %sub3A_1035 : i32
    %min3A_1037 = arith.minsi %mul3A_1034, %sub3A_1036 : i32
    %add3A_1038 = arith.addi %add3A_8, %min3A_1037 : i32
    %mul3A_1039 = arith.constant 128 : i32
    %mul3A_1040 = arith.muli %add3A_1038, %mul3A_1039 : i32
    %dma_start3A_1041 = tpu.memref_slice %arg3[%mul3A_1040] : memref<2000000xi32, #tpu.memory_space<hbm>> -> memref<768xi32, #tpu.memory_space<hbm>>
    %dma_start3A_1042 = tpu.memref_slice %arg3[%mul3A_1040] : memref<2000000xi32, #tpu.memory_space<hbm>> -> memref<768xi32, #tpu.memory_space<hbm>>
    tpu.enqueue_dma source(%dma_start3A_1042 : memref<768xi32, #tpu.memory_space<hbm>>) target(%arg22 : memref<768xi32, #tpu.memory_space<vmem>>) target_semaphore(%arg40 : memref<!tpu.dma_semaphore, #tpu.memory_space<semaphore_mem>>)
    %dma_start3A_1043 = tpu.memref_slice %arg2[%mul3A_1040] : memref<2000000xi32, #tpu.memory_space<hbm>> -> memref<768xi32, #tpu.memory_space<hbm>>
    %dma_start3A_1044 = tpu.memref_slice %arg2[%mul3A_1040] : memref<2000000xi32, #tpu.memory_space<hbm>> -> memref<768xi32, #tpu.memory_space<hbm>>
    tpu.enqueue_dma source(%dma_start3A_1044 : memref<768xi32, #tpu.memory_space<hbm>>) target(%arg23 : memref<768xi32, #tpu.memory_space<vmem>>) target_semaphore(%arg40 : memref<!tpu.dma_semaphore, #tpu.memory_space<semaphore_mem>>)
    %dma_wait3A_1045 = arith.constant 0 : i32
    %dma_wait3A_1046 = tpu.memref_slice %arg45[%dma_wait3A_1045] : memref<768xf32, #tpu.memory_space<vmem>> -> memref<128xf32, #tpu.memory_space<vmem>>
    %dma_wait3A_1047 = arith.constant 0 : i32
    %dma_wait3A_1048 = tpu.memref_slice %arg43[%dma_wait3A_1047] : memref<768xi32, #tpu.memory_space<vmem>> -> memref<128xi32, #tpu.memory_space<vmem>>
    %dma_wait3A_1049 = arith.constant 0 : i32
    %dma_wait3A_1050 = tpu.memref_slice %arg4[%dma_wait3A_1049] : memref<1000000xf32, #tpu.memory_space<hbm>> -> memref<1000000xf32, #tpu.memory_space<hbm>>
    tpu.wait_indirect_dma semaphore(%arg62 : memref<!tpu.dma_semaphore, #tpu.memory_space<semaphore_mem>>) src(%dma_wait3A_1050 : memref<1000000xf32, #tpu.memory_space<hbm>>) dst(%dma_wait3A_1046 : memref<128xf32, #tpu.memory_space<vmem>>)
    %dma_wait3A_1051 = arith.constant 0 : i32
    %dma_wait3A_1052 = tpu.memref_slice %arg46[%dma_wait3A_1051] : memref<768xf32, #tpu.memory_space<vmem>> -> memref<128xf32, #tpu.memory_space<vmem>>
    %dma_wait3A_1053 = arith.constant 0 : i32
    %dma_wait3A_1054 = tpu.memref_slice %arg43[%dma_wait3A_1053] : memref<768xi32, #tpu.memory_space<vmem>> -> memref<128xi32, #tpu.memory_space<vmem>>
    %dma_wait3A_1055 = arith.constant 0 : i32
    %dma_wait3A_1056 = tpu.memref_slice %arg5[%dma_wait3A_1055] : memref<1000000xf32, #tpu.memory_space<hbm>> -> memref<1000000xf32, #tpu.memory_space<hbm>>
    tpu.wait_indirect_dma semaphore(%arg62 : memref<!tpu.dma_semaphore, #tpu.memory_space<semaphore_mem>>) src(%dma_wait3A_1056 : memref<1000000xf32, #tpu.memory_space<hbm>>) dst(%dma_wait3A_1052 : memref<128xf32, #tpu.memory_space<vmem>>)
    %dma_wait3A_1057 = arith.constant 0 : i32
    %dma_wait3A_1058 = tpu.memref_slice %arg47[%dma_wait3A_1057] : memref<768xf32, #tpu.memory_space<vmem>> -> memref<128xf32, #tpu.memory_space<vmem>>
    %dma_wait3A_1059 = arith.constant 0 : i32
    %dma_wait3A_1060 = tpu.memref_slice %arg43[%dma_wait3A_1059] : memref<768xi32, #tpu.memory_space<vmem>> -> memref<128xi32, #tpu.memory_space<vmem>>
    %dma_wait3A_1061 = arith.constant 0 : i32
    %dma_wait3A_1062 = tpu.memref_slice %arg6[%dma_wait3A_1061] : memref<1000000xf32, #tpu.memory_space<hbm>> -> memref<1000000xf32, #tpu.memory_space<hbm>>
    tpu.wait_indirect_dma semaphore(%arg62 : memref<!tpu.dma_semaphore, #tpu.memory_space<semaphore_mem>>) src(%dma_wait3A_1062 : memref<1000000xf32, #tpu.memory_space<hbm>>) dst(%dma_wait3A_1058 : memref<128xf32, #tpu.memory_space<vmem>>)
    %dma_wait3A_1063 = arith.constant 128 : i32
    %dma_wait3A_1064 = tpu.memref_slice %arg45[%dma_wait3A_1063] : memref<768xf32, #tpu.memory_space<vmem>> -> memref<128xf32, #tpu.memory_space<vmem>>
    %dma_wait3A_1065 = arith.constant 128 : i32
    %dma_wait3A_1066 = tpu.memref_slice %arg43[%dma_wait3A_1065] : memref<768xi32, #tpu.memory_space<vmem>> -> memref<128xi32, #tpu.memory_space<vmem>>
    %dma_wait3A_1067 = arith.constant 0 : i32
    %dma_wait3A_1068 = tpu.memref_slice %arg4[%dma_wait3A_1067] : memref<1000000xf32, #tpu.memory_space<hbm>> -> memref<1000000xf32, #tpu.memory_space<hbm>>
    tpu.wait_indirect_dma semaphore(%arg62 : memref<!tpu.dma_semaphore, #tpu.memory_space<semaphore_mem>>) src(%dma_wait3A_1068 : memref<1000000xf32, #tpu.memory_space<hbm>>) dst(%dma_wait3A_1064 : memref<128xf32, #tpu.memory_space<vmem>>)
    %dma_wait3A_1069 = arith.constant 128 : i32
    %dma_wait3A_1070 = tpu.memref_slice %arg46[%dma_wait3A_1069] : memref<768xf32, #tpu.memory_space<vmem>> -> memref<128xf32, #tpu.memory_space<vmem>>
    %dma_wait3A_1071 = arith.constant 128 : i32
    %dma_wait3A_1072 = tpu.memref_slice %arg43[%dma_wait3A_1071] : memref<768xi32, #tpu.memory_space<vmem>> -> memref<128xi32, #tpu.memory_space<vmem>>
    %dma_wait3A_1073 = arith.constant 0 : i32
    %dma_wait3A_1074 = tpu.memref_slice %arg5[%dma_wait3A_1073] : memref<1000000xf32, #tpu.memory_space<hbm>> -> memref<1000000xf32, #tpu.memory_space<hbm>>
    tpu.wait_indirect_dma semaphore(%arg62 : memref<!tpu.dma_semaphore, #tpu.memory_space<semaphore_mem>>) src(%dma_wait3A_1074 : memref<1000000xf32, #tpu.memory_space<hbm>>) dst(%dma_wait3A_1070 : memref<128xf32, #tpu.memory_space<vmem>>)
    %dma_wait3A_1075 = arith.constant 128 : i32
    %dma_wait3A_1076 = tpu.memref_slice %arg47[%dma_wait3A_1075] : memref<768xf32, #tpu.memory_space<vmem>> -> memref<128xf32, #tpu.memory_space<vmem>>
    %dma_wait3A_1077 = arith.constant 128 : i32
    %dma_wait3A_1078 = tpu.memref_slice %arg43[%dma_wait3A_1077] : memref<768xi32, #tpu.memory_space<vmem>> -> memref<128xi32, #tpu.memory_space<vmem>>
    %dma_wait3A_1079 = arith.constant 0 : i32
    %dma_wait3A_1080 = tpu.memref_slice %arg6[%dma_wait3A_1079] : memref<1000000xf32, #tpu.memory_space<hbm>> -> memref<1000000xf32, #tpu.memory_space<hbm>>
    tpu.wait_indirect_dma semaphore(%arg62 : memref<!tpu.dma_semaphore, #tpu.memory_space<semaphore_mem>>) src(%dma_wait3A_1080 : memref<1000000xf32, #tpu.memory_space<hbm>>) dst(%dma_wait3A_1076 : memref<128xf32, #tpu.memory_space<vmem>>)
    %dma_wait3A_1081 = arith.constant 256 : i32
    %dma_wait3A_1082 = tpu.memref_slice %arg45[%dma_wait3A_1081] : memref<768xf32, #tpu.memory_space<vmem>> -> memref<128xf32, #tpu.memory_space<vmem>>
    %dma_wait3A_1083 = arith.constant 256 : i32
    %dma_wait3A_1084 = tpu.memref_slice %arg43[%dma_wait3A_1083] : memref<768xi32, #tpu.memory_space<vmem>> -> memref<128xi32, #tpu.memory_space<vmem>>
    %dma_wait3A_1085 = arith.constant 0 : i32
    %dma_wait3A_1086 = tpu.memref_slice %arg4[%dma_wait3A_1085] : memref<1000000xf32, #tpu.memory_space<hbm>> -> memref<1000000xf32, #tpu.memory_space<hbm>>
    tpu.wait_indirect_dma semaphore(%arg62 : memref<!tpu.dma_semaphore, #tpu.memory_space<semaphore_mem>>) src(%dma_wait3A_1086 : memref<1000000xf32, #tpu.memory_space<hbm>>) dst(%dma_wait3A_1082 : memref<128xf32, #tpu.memory_space<vmem>>)
    %dma_wait3A_1087 = arith.constant 256 : i32
    %dma_wait3A_1088 = tpu.memref_slice %arg46[%dma_wait3A_1087] : memref<768xf32, #tpu.memory_space<vmem>> -> memref<128xf32, #tpu.memory_space<vmem>>
    %dma_wait3A_1089 = arith.constant 256 : i32
    %dma_wait3A_1090 = tpu.memref_slice %arg43[%dma_wait3A_1089] : memref<768xi32, #tpu.memory_space<vmem>> -> memref<128xi32, #tpu.memory_space<vmem>>
    %dma_wait3A_1091 = arith.constant 0 : i32
    %dma_wait3A_1092 = tpu.memref_slice %arg5[%dma_wait3A_1091] : memref<1000000xf32, #tpu.memory_space<hbm>> -> memref<1000000xf32, #tpu.memory_space<hbm>>
    tpu.wait_indirect_dma semaphore(%arg62 : memref<!tpu.dma_semaphore, #tpu.memory_space<semaphore_mem>>) src(%dma_wait3A_1092 : memref<1000000xf32, #tpu.memory_space<hbm>>) dst(%dma_wait3A_1088 : memref<128xf32, #tpu.memory_space<vmem>>)
    %dma_wait3A_1093 = arith.constant 256 : i32
    %dma_wait3A_1094 = tpu.memref_slice %arg47[%dma_wait3A_1093] : memref<768xf32, #tpu.memory_space<vmem>> -> memref<128xf32, #tpu.memory_space<vmem>>
    %dma_wait3A_1095 = arith.constant 256 : i32
    %dma_wait3A_1096 = tpu.memref_slice %arg43[%dma_wait3A_1095] : memref<768xi32, #tpu.memory_space<vmem>> -> memref<128xi32, #tpu.memory_space<vmem>>
    %dma_wait3A_1097 = arith.constant 0 : i32
    %dma_wait3A_1098 = tpu.memref_slice %arg6[%dma_wait3A_1097] : memref<1000000xf32, #tpu.memory_space<hbm>> -> memref<1000000xf32, #tpu.memory_space<hbm>>
    tpu.wait_indirect_dma semaphore(%arg62 : memref<!tpu.dma_semaphore, #tpu.memory_space<semaphore_mem>>) src(%dma_wait3A_1098 : memref<1000000xf32, #tpu.memory_space<hbm>>) dst(%dma_wait3A_1094 : memref<128xf32, #tpu.memory_space<vmem>>)
    %dma_wait3A_1099 = arith.constant 384 : i32
    %dma_wait3A_1100 = tpu.memref_slice %arg45[%dma_wait3A_1099] : memref<768xf32, #tpu.memory_space<vmem>> -> memref<128xf32, #tpu.memory_space<vmem>>
    %dma_wait3A_1101 = arith.constant 384 : i32
    %dma_wait3A_1102 = tpu.memref_slice %arg43[%dma_wait3A_1101] : memref<768xi32, #tpu.memory_space<vmem>> -> memref<128xi32, #tpu.memory_space<vmem>>
    %dma_wait3A_1103 = arith.constant 0 : i32
    %dma_wait3A_1104 = tpu.memref_slice %arg4[%dma_wait3A_1103] : memref<1000000xf32, #tpu.memory_space<hbm>> -> memref<1000000xf32, #tpu.memory_space<hbm>>
    tpu.wait_indirect_dma semaphore(%arg62 : memref<!tpu.dma_semaphore, #tpu.memory_space<semaphore_mem>>) src(%dma_wait3A_1104 : memref<1000000xf32, #tpu.memory_space<hbm>>) dst(%dma_wait3A_1100 : memref<128xf32, #tpu.memory_space<vmem>>)
    %dma_wait3A_1105 = arith.constant 384 : i32
    %dma_wait3A_1106 = tpu.memref_slice %arg46[%dma_wait3A_1105] : memref<768xf32, #tpu.memory_space<vmem>> -> memref<128xf32, #tpu.memory_space<vmem>>
    %dma_wait3A_1107 = arith.constant 384 : i32
    %dma_wait3A_1108 = tpu.memref_slice %arg43[%dma_wait3A_1107] : memref<768xi32, #tpu.memory_space<vmem>> -> memref<128xi32, #tpu.memory_space<vmem>>
    %dma_wait3A_1109 = arith.constant 0 : i32
    %dma_wait3A_1110 = tpu.memref_slice %arg5[%dma_wait3A_1109] : memref<1000000xf32, #tpu.memory_space<hbm>> -> memref<1000000xf32, #tpu.memory_space<hbm>>
    tpu.wait_indirect_dma semaphore(%arg62 : memref<!tpu.dma_semaphore, #tpu.memory_space<semaphore_mem>>) src(%dma_wait3A_1110 : memref<1000000xf32, #tpu.memory_space<hbm>>) dst(%dma_wait3A_1106 : memref<128xf32, #tpu.memory_space<vmem>>)
    %dma_wait3A_1111 = arith.constant 384 : i32
    %dma_wait3A_1112 = tpu.memref_slice %arg47[%dma_wait3A_1111] : memref<768xf32, #tpu.memory_space<vmem>> -> memref<128xf32, #tpu.memory_space<vmem>>
    %dma_wait3A_1113 = arith.constant 384 : i32
    %dma_wait3A_1114 = tpu.memref_slice %arg43[%dma_wait3A_1113] : memref<768xi32, #tpu.memory_space<vmem>> -> memref<128xi32, #tpu.memory_space<vmem>>
    %dma_wait3A_1115 = arith.constant 0 : i32
    %dma_wait3A_1116 = tpu.memref_slice %arg6[%dma_wait3A_1115] : memref<1000000xf32, #tpu.memory_space<hbm>> -> memref<1000000xf32, #tpu.memory_space<hbm>>
    tpu.wait_indirect_dma semaphore(%arg62 : memref<!tpu.dma_semaphore, #tpu.memory_space<semaphore_mem>>) src(%dma_wait3A_1116 : memref<1000000xf32, #tpu.memory_space<hbm>>) dst(%dma_wait3A_1112 : memref<128xf32, #tpu.memory_space<vmem>>)
    %dma_wait3A_1117 = arith.constant 512 : i32
    %dma_wait3A_1118 = tpu.memref_slice %arg45[%dma_wait3A_1117] : memref<768xf32, #tpu.memory_space<vmem>> -> memref<128xf32, #tpu.memory_space<vmem>>
    %dma_wait3A_1119 = arith.constant 512 : i32
    %dma_wait3A_1120 = tpu.memref_slice %arg43[%dma_wait3A_1119] : memref<768xi32, #tpu.memory_space<vmem>> -> memref<128xi32, #tpu.memory_space<vmem>>
    %dma_wait3A_1121 = arith.constant 0 : i32
    %dma_wait3A_1122 = tpu.memref_slice %arg4[%dma_wait3A_1121] : memref<1000000xf32, #tpu.memory_space<hbm>> -> memref<1000000xf32, #tpu.memory_space<hbm>>
    tpu.wait_indirect_dma semaphore(%arg62 : memref<!tpu.dma_semaphore, #tpu.memory_space<semaphore_mem>>) src(%dma_wait3A_1122 : memref<1000000xf32, #tpu.memory_space<hbm>>) dst(%dma_wait3A_1118 : memref<128xf32, #tpu.memory_space<vmem>>)
    %dma_wait3A_1123 = arith.constant 512 : i32
    %dma_wait3A_1124 = tpu.memref_slice %arg46[%dma_wait3A_1123] : memref<768xf32, #tpu.memory_space<vmem>> -> memref<128xf32, #tpu.memory_space<vmem>>
    %dma_wait3A_1125 = arith.constant 512 : i32
    %dma_wait3A_1126 = tpu.memref_slice %arg43[%dma_wait3A_1125] : memref<768xi32, #tpu.memory_space<vmem>> -> memref<128xi32, #tpu.memory_space<vmem>>
    %dma_wait3A_1127 = arith.constant 0 : i32
    %dma_wait3A_1128 = tpu.memref_slice %arg5[%dma_wait3A_1127] : memref<1000000xf32, #tpu.memory_space<hbm>> -> memref<1000000xf32, #tpu.memory_space<hbm>>
    tpu.wait_indirect_dma semaphore(%arg62 : memref<!tpu.dma_semaphore, #tpu.memory_space<semaphore_mem>>) src(%dma_wait3A_1128 : memref<1000000xf32, #tpu.memory_space<hbm>>) dst(%dma_wait3A_1124 : memref<128xf32, #tpu.memory_space<vmem>>)
    %dma_wait3A_1129 = arith.constant 512 : i32
    %dma_wait3A_1130 = tpu.memref_slice %arg47[%dma_wait3A_1129] : memref<768xf32, #tpu.memory_space<vmem>> -> memref<128xf32, #tpu.memory_space<vmem>>
    %dma_wait3A_1131 = arith.constant 512 : i32
    %dma_wait3A_1132 = tpu.memref_slice %arg43[%dma_wait3A_1131] : memref<768xi32, #tpu.memory_space<vmem>> -> memref<128xi32, #tpu.memory_space<vmem>>
    %dma_wait3A_1133 = arith.constant 0 : i32
    %dma_wait3A_1134 = tpu.memref_slice %arg6[%dma_wait3A_1133] : memref<1000000xf32, #tpu.memory_space<hbm>> -> memref<1000000xf32, #tpu.memory_space<hbm>>
    tpu.wait_indirect_dma semaphore(%arg62 : memref<!tpu.dma_semaphore, #tpu.memory_space<semaphore_mem>>) src(%dma_wait3A_1134 : memref<1000000xf32, #tpu.memory_space<hbm>>) dst(%dma_wait3A_1130 : memref<128xf32, #tpu.memory_space<vmem>>)
    %dma_wait3A_1135 = arith.constant 640 : i32
    %dma_wait3A_1136 = tpu.memref_slice %arg45[%dma_wait3A_1135] : memref<768xf32, #tpu.memory_space<vmem>> -> memref<128xf32, #tpu.memory_space<vmem>>
    %dma_wait3A_1137 = arith.constant 640 : i32
    %dma_wait3A_1138 = tpu.memref_slice %arg43[%dma_wait3A_1137] : memref<768xi32, #tpu.memory_space<vmem>> -> memref<128xi32, #tpu.memory_space<vmem>>
    %dma_wait3A_1139 = arith.constant 0 : i32
    %dma_wait3A_1140 = tpu.memref_slice %arg4[%dma_wait3A_1139] : memref<1000000xf32, #tpu.memory_space<hbm>> -> memref<1000000xf32, #tpu.memory_space<hbm>>
    tpu.wait_indirect_dma semaphore(%arg62 : memref<!tpu.dma_semaphore, #tpu.memory_space<semaphore_mem>>) src(%dma_wait3A_1140 : memref<1000000xf32, #tpu.memory_space<hbm>>) dst(%dma_wait3A_1136 : memref<128xf32, #tpu.memory_space<vmem>>)
    %dma_wait3A_1141 = arith.constant 640 : i32
    %dma_wait3A_1142 = tpu.memref_slice %arg46[%dma_wait3A_1141] : memref<768xf32, #tpu.memory_space<vmem>> -> memref<128xf32, #tpu.memory_space<vmem>>
    %dma_wait3A_1143 = arith.constant 640 : i32
    %dma_wait3A_1144 = tpu.memref_slice %arg43[%dma_wait3A_1143] : memref<768xi32, #tpu.memory_space<vmem>> -> memref<128xi32, #tpu.memory_space<vmem>>
    %dma_wait3A_1145 = arith.constant 0 : i32
    %dma_wait3A_1146 = tpu.memref_slice %arg5[%dma_wait3A_1145] : memref<1000000xf32, #tpu.memory_space<hbm>> -> memref<1000000xf32, #tpu.memory_space<hbm>>
    tpu.wait_indirect_dma semaphore(%arg62 : memref<!tpu.dma_semaphore, #tpu.memory_space<semaphore_mem>>) src(%dma_wait3A_1146 : memref<1000000xf32, #tpu.memory_space<hbm>>) dst(%dma_wait3A_1142 : memref<128xf32, #tpu.memory_space<vmem>>)
    %dma_wait3A_1147 = arith.constant 640 : i32
    %dma_wait3A_1148 = tpu.memref_slice %arg47[%dma_wait3A_1147] : memref<768xf32, #tpu.memory_space<vmem>> -> memref<128xf32, #tpu.memory_space<vmem>>
    %dma_wait3A_1149 = arith.constant 640 : i32
    %dma_wait3A_1150 = tpu.memref_slice %arg43[%dma_wait3A_1149] : memref<768xi32, #tpu.memory_space<vmem>> -> memref<128xi32, #tpu.memory_space<vmem>>
    %dma_wait3A_1151 = arith.constant 0 : i32
    %dma_wait3A_1152 = tpu.memref_slice %arg6[%dma_wait3A_1151] : memref<1000000xf32, #tpu.memory_space<hbm>> -> memref<1000000xf32, #tpu.memory_space<hbm>>
    tpu.wait_indirect_dma semaphore(%arg62 : memref<!tpu.dma_semaphore, #tpu.memory_space<semaphore_mem>>) src(%dma_wait3A_1152 : memref<1000000xf32, #tpu.memory_space<hbm>>) dst(%dma_wait3A_1148 : memref<128xf32, #tpu.memory_space<vmem>>)
    %scan3A_1153 = arith.constant 0 : i32
    %scan3A_1154 = arith.constant 2 : i32
    %scan3A_1155 = arith.constant 40 : i32
    %scan3A_1156 = arith.addi %scan3A_1154, %scan3A_1155 : i32
    %scan3A_1157 = arith.constant 1 : i32
    scf.for %scan3A_1364 = %scan3A_1154 to %scan3A_1156 step %scan3A_1157  : i32 {
      %mul3A_1365 = arith.constant 2 : i32
      %mul3A_1366 = arith.muli %mul3A_1365, %scan3A_1364 : i32
      %dma_wait3A_1367 = arith.constant 0 : i32
      %dma_wait3A_1368 = tpu.memref_slice %arg3[%dma_wait3A_1367] : memref<2000000xi32, #tpu.memory_space<hbm>> -> memref<768xi32, #tpu.memory_space<hbm>>
      %dma_wait3A_1369 = arith.constant 0 : i32
      %dma_wait3A_1370 = tpu.memref_slice %arg3[%dma_wait3A_1369] : memref<2000000xi32, #tpu.memory_space<hbm>> -> memref<768xi32, #tpu.memory_space<hbm>>
      tpu.wait_dma2 semaphore(%arg40 : memref<!tpu.dma_semaphore, #tpu.memory_space<semaphore_mem>>) src(%dma_wait3A_1370 : memref<768xi32, #tpu.memory_space<hbm>>) dst(%arg22 : memref<768xi32, #tpu.memory_space<vmem>>)
      %dma_wait3A_1371 = arith.constant 0 : i32
      %dma_wait3A_1372 = tpu.memref_slice %arg2[%dma_wait3A_1371] : memref<2000000xi32, #tpu.memory_space<hbm>> -> memref<768xi32, #tpu.memory_space<hbm>>
      %dma_wait3A_1373 = arith.constant 0 : i32
      %dma_wait3A_1374 = tpu.memref_slice %arg2[%dma_wait3A_1373] : memref<2000000xi32, #tpu.memory_space<hbm>> -> memref<768xi32, #tpu.memory_space<hbm>>
      tpu.wait_dma2 semaphore(%arg40 : memref<!tpu.dma_semaphore, #tpu.memory_space<semaphore_mem>>) src(%dma_wait3A_1374 : memref<768xi32, #tpu.memory_space<hbm>>) dst(%arg23 : memref<768xi32, #tpu.memory_space<vmem>>)
      %dma_start3A_1375 = arith.constant 0 : i32
      %dma_start3A_1376 = tpu.memref_slice %arg24[%dma_start3A_1375] : memref<768xf32, #tpu.memory_space<vmem>> -> memref<128xf32, #tpu.memory_space<vmem>>
      %dma_start3A_1377 = arith.constant 0 : i32
      %dma_start3A_1378 = tpu.memref_slice %arg22[%dma_start3A_1377] : memref<768xi32, #tpu.memory_space<vmem>> -> memref<128xi32, #tpu.memory_space<vmem>>
      %dma_start3A_1379 = arith.constant 0 : i32
      %dma_start3A_1380 = tpu.memref_slice %arg4[%dma_start3A_1379] : memref<1000000xf32, #tpu.memory_space<hbm>> -> memref<1000000xf32, #tpu.memory_space<hbm>>
      tpu.enqueue_indirect_dma source(%dma_start3A_1380 : memref<1000000xf32, #tpu.memory_space<hbm>>) target(%dma_start3A_1376 : memref<128xf32, #tpu.memory_space<vmem>>) offsets(%dma_start3A_1378 : memref<128xi32, #tpu.memory_space<vmem>>) semaphore(%arg41 : memref<!tpu.dma_semaphore, #tpu.memory_space<semaphore_mem>>)
      %dma_start3A_1381 = arith.constant 0 : i32
      %dma_start3A_1382 = tpu.memref_slice %arg25[%dma_start3A_1381] : memref<768xf32, #tpu.memory_space<vmem>> -> memref<128xf32, #tpu.memory_space<vmem>>
      %dma_start3A_1383 = arith.constant 0 : i32
      %dma_start3A_1384 = tpu.memref_slice %arg22[%dma_start3A_1383] : memref<768xi32, #tpu.memory_space<vmem>> -> memref<128xi32, #tpu.memory_space<vmem>>
      %dma_start3A_1385 = arith.constant 0 : i32
      %dma_start3A_1386 = tpu.memref_slice %arg5[%dma_start3A_1385] : memref<1000000xf32, #tpu.memory_space<hbm>> -> memref<1000000xf32, #tpu.memory_space<hbm>>
      tpu.enqueue_indirect_dma source(%dma_start3A_1386 : memref<1000000xf32, #tpu.memory_space<hbm>>) target(%dma_start3A_1382 : memref<128xf32, #tpu.memory_space<vmem>>) offsets(%dma_start3A_1384 : memref<128xi32, #tpu.memory_space<vmem>>) semaphore(%arg41 : memref<!tpu.dma_semaphore, #tpu.memory_space<semaphore_mem>>)
      %dma_start3A_1387 = arith.constant 0 : i32
      %dma_start3A_1388 = tpu.memref_slice %arg26[%dma_start3A_1387] : memref<768xf32, #tpu.memory_space<vmem>> -> memref<128xf32, #tpu.memory_space<vmem>>
      %dma_start3A_1389 = arith.constant 0 : i32
      %dma_start3A_1390 = tpu.memref_slice %arg22[%dma_start3A_1389] : memref<768xi32, #tpu.memory_space<vmem>> -> memref<128xi32, #tpu.memory_space<vmem>>
      %dma_start3A_1391 = arith.constant 0 : i32
      %dma_start3A_1392 = tpu.memref_slice %arg6[%dma_start3A_1391] : memref<1000000xf32, #tpu.memory_space<hbm>> -> memref<1000000xf32, #tpu.memory_space<hbm>>
      tpu.enqueue_indirect_dma source(%dma_start3A_1392 : memref<1000000xf32, #tpu.memory_space<hbm>>) target(%dma_start3A_1388 : memref<128xf32, #tpu.memory_space<vmem>>) offsets(%dma_start3A_1390 : memref<128xi32, #tpu.memory_space<vmem>>) semaphore(%arg41 : memref<!tpu.dma_semaphore, #tpu.memory_space<semaphore_mem>>)
      %dma_start3A_1393 = arith.constant 128 : i32
      %dma_start3A_1394 = tpu.memref_slice %arg24[%dma_start3A_1393] : memref<768xf32, #tpu.memory_space<vmem>> -> memref<128xf32, #tpu.memory_space<vmem>>
      %dma_start3A_1395 = arith.constant 128 : i32
      %dma_start3A_1396 = tpu.memref_slice %arg22[%dma_start3A_1395] : memref<768xi32, #tpu.memory_space<vmem>> -> memref<128xi32, #tpu.memory_space<vmem>>
      %dma_start3A_1397 = arith.constant 0 : i32
      %dma_start3A_1398 = tpu.memref_slice %arg4[%dma_start3A_1397] : memref<1000000xf32, #tpu.memory_space<hbm>> -> memref<1000000xf32, #tpu.memory_space<hbm>>
      tpu.enqueue_indirect_dma source(%dma_start3A_1398 : memref<1000000xf32, #tpu.memory_space<hbm>>) target(%dma_start3A_1394 : memref<128xf32, #tpu.memory_space<vmem>>) offsets(%dma_start3A_1396 : memref<128xi32, #tpu.memory_space<vmem>>) semaphore(%arg41 : memref<!tpu.dma_semaphore, #tpu.memory_space<semaphore_mem>>)
      %dma_start3A_1399 = arith.constant 128 : i32
      %dma_start3A_1400 = tpu.memref_slice %arg25[%dma_start3A_1399] : memref<768xf32, #tpu.memory_space<vmem>> -> memref<128xf32, #tpu.memory_space<vmem>>
      %dma_start3A_1401 = arith.constant 128 : i32
      %dma_start3A_1402 = tpu.memref_slice %arg22[%dma_start3A_1401] : memref<768xi32, #tpu.memory_space<vmem>> -> memref<128xi32, #tpu.memory_space<vmem>>
      %dma_start3A_1403 = arith.constant 0 : i32
      %dma_start3A_1404 = tpu.memref_slice %arg5[%dma_start3A_1403] : memref<1000000xf32, #tpu.memory_space<hbm>> -> memref<1000000xf32, #tpu.memory_space<hbm>>
      tpu.enqueue_indirect_dma source(%dma_start3A_1404 : memref<1000000xf32, #tpu.memory_space<hbm>>) target(%dma_start3A_1400 : memref<128xf32, #tpu.memory_space<vmem>>) offsets(%dma_start3A_1402 : memref<128xi32, #tpu.memory_space<vmem>>) semaphore(%arg41 : memref<!tpu.dma_semaphore, #tpu.memory_space<semaphore_mem>>)
      %dma_start3A_1405 = arith.constant 128 : i32
      %dma_start3A_1406 = tpu.memref_slice %arg26[%dma_start3A_1405] : memref<768xf32, #tpu.memory_space<vmem>> -> memref<128xf32, #tpu.memory_space<vmem>>
      %dma_start3A_1407 = arith.constant 128 : i32
      %dma_start3A_1408 = tpu.memref_slice %arg22[%dma_start3A_1407] : memref<768xi32, #tpu.memory_space<vmem>> -> memref<128xi32, #tpu.memory_space<vmem>>
      %dma_start3A_1409 = arith.constant 0 : i32
      %dma_start3A_1410 = tpu.memref_slice %arg6[%dma_start3A_1409] : memref<1000000xf32, #tpu.memory_space<hbm>> -> memref<1000000xf32, #tpu.memory_space<hbm>>
      tpu.enqueue_indirect_dma source(%dma_start3A_1410 : memref<1000000xf32, #tpu.memory_space<hbm>>) target(%dma_start3A_1406 : memref<128xf32, #tpu.memory_space<vmem>>) offsets(%dma_start3A_1408 : memref<128xi32, #tpu.memory_space<vmem>>) semaphore(%arg41 : memref<!tpu.dma_semaphore, #tpu.memory_space<semaphore_mem>>)
      %dma_start3A_1411 = arith.constant 256 : i32
      %dma_start3A_1412 = tpu.memref_slice %arg24[%dma_start3A_1411] : memref<768xf32, #tpu.memory_space<vmem>> -> memref<128xf32, #tpu.memory_space<vmem>>
      %dma_start3A_1413 = arith.constant 256 : i32
      %dma_start3A_1414 = tpu.memref_slice %arg22[%dma_start3A_1413] : memref<768xi32, #tpu.memory_space<vmem>> -> memref<128xi32, #tpu.memory_space<vmem>>
      %dma_start3A_1415 = arith.constant 0 : i32
      %dma_start3A_1416 = tpu.memref_slice %arg4[%dma_start3A_1415] : memref<1000000xf32, #tpu.memory_space<hbm>> -> memref<1000000xf32, #tpu.memory_space<hbm>>
      tpu.enqueue_indirect_dma source(%dma_start3A_1416 : memref<1000000xf32, #tpu.memory_space<hbm>>) target(%dma_start3A_1412 : memref<128xf32, #tpu.memory_space<vmem>>) offsets(%dma_start3A_1414 : memref<128xi32, #tpu.memory_space<vmem>>) semaphore(%arg41 : memref<!tpu.dma_semaphore, #tpu.memory_space<semaphore_mem>>)
      %dma_start3A_1417 = arith.constant 256 : i32
      %dma_start3A_1418 = tpu.memref_slice %arg25[%dma_start3A_1417] : memref<768xf32, #tpu.memory_space<vmem>> -> memref<128xf32, #tpu.memory_space<vmem>>
      %dma_start3A_1419 = arith.constant 256 : i32
      %dma_start3A_1420 = tpu.memref_slice %arg22[%dma_start3A_1419] : memref<768xi32, #tpu.memory_space<vmem>> -> memref<128xi32, #tpu.memory_space<vmem>>
      %dma_start3A_1421 = arith.constant 0 : i32
      %dma_start3A_1422 = tpu.memref_slice %arg5[%dma_start3A_1421] : memref<1000000xf32, #tpu.memory_space<hbm>> -> memref<1000000xf32, #tpu.memory_space<hbm>>
      tpu.enqueue_indirect_dma source(%dma_start3A_1422 : memref<1000000xf32, #tpu.memory_space<hbm>>) target(%dma_start3A_1418 : memref<128xf32, #tpu.memory_space<vmem>>) offsets(%dma_start3A_1420 : memref<128xi32, #tpu.memory_space<vmem>>) semaphore(%arg41 : memref<!tpu.dma_semaphore, #tpu.memory_space<semaphore_mem>>)
      %dma_start3A_1423 = arith.constant 256 : i32
      %dma_start3A_1424 = tpu.memref_slice %arg26[%dma_start3A_1423] : memref<768xf32, #tpu.memory_space<vmem>> -> memref<128xf32, #tpu.memory_space<vmem>>
      %dma_start3A_1425 = arith.constant 256 : i32
      %dma_start3A_1426 = tpu.memref_slice %arg22[%dma_start3A_1425] : memref<768xi32, #tpu.memory_space<vmem>> -> memref<128xi32, #tpu.memory_space<vmem>>
      %dma_start3A_1427 = arith.constant 0 : i32
      %dma_start3A_1428 = tpu.memref_slice %arg6[%dma_start3A_1427] : memref<1000000xf32, #tpu.memory_space<hbm>> -> memref<1000000xf32, #tpu.memory_space<hbm>>
      tpu.enqueue_indirect_dma source(%dma_start3A_1428 : memref<1000000xf32, #tpu.memory_space<hbm>>) target(%dma_start3A_1424 : memref<128xf32, #tpu.memory_space<vmem>>) offsets(%dma_start3A_1426 : memref<128xi32, #tpu.memory_space<vmem>>) semaphore(%arg41 : memref<!tpu.dma_semaphore, #tpu.memory_space<semaphore_mem>>)
      %dma_start3A_1429 = arith.constant 384 : i32
      %dma_start3A_1430 = tpu.memref_slice %arg24[%dma_start3A_1429] : memref<768xf32, #tpu.memory_space<vmem>> -> memref<128xf32, #tpu.memory_space<vmem>>
      %dma_start3A_1431 = arith.constant 384 : i32
      %dma_start3A_1432 = tpu.memref_slice %arg22[%dma_start3A_1431] : memref<768xi32, #tpu.memory_space<vmem>> -> memref<128xi32, #tpu.memory_space<vmem>>
      %dma_start3A_1433 = arith.constant 0 : i32
      %dma_start3A_1434 = tpu.memref_slice %arg4[%dma_start3A_1433] : memref<1000000xf32, #tpu.memory_space<hbm>> -> memref<1000000xf32, #tpu.memory_space<hbm>>
      tpu.enqueue_indirect_dma source(%dma_start3A_1434 : memref<1000000xf32, #tpu.memory_space<hbm>>) target(%dma_start3A_1430 : memref<128xf32, #tpu.memory_space<vmem>>) offsets(%dma_start3A_1432 : memref<128xi32, #tpu.memory_space<vmem>>) semaphore(%arg41 : memref<!tpu.dma_semaphore, #tpu.memory_space<semaphore_mem>>)
      %dma_start3A_1435 = arith.constant 384 : i32
      %dma_start3A_1436 = tpu.memref_slice %arg25[%dma_start3A_1435] : memref<768xf32, #tpu.memory_space<vmem>> -> memref<128xf32, #tpu.memory_space<vmem>>
      %dma_start3A_1437 = arith.constant 384 : i32
      %dma_start3A_1438 = tpu.memref_slice %arg22[%dma_start3A_1437] : memref<768xi32, #tpu.memory_space<vmem>> -> memref<128xi32, #tpu.memory_space<vmem>>
      %dma_start3A_1439 = arith.constant 0 : i32
      %dma_start3A_1440 = tpu.memref_slice %arg5[%dma_start3A_1439] : memref<1000000xf32, #tpu.memory_space<hbm>> -> memref<1000000xf32, #tpu.memory_space<hbm>>
      tpu.enqueue_indirect_dma source(%dma_start3A_1440 : memref<1000000xf32, #tpu.memory_space<hbm>>) target(%dma_start3A_1436 : memref<128xf32, #tpu.memory_space<vmem>>) offsets(%dma_start3A_1438 : memref<128xi32, #tpu.memory_space<vmem>>) semaphore(%arg41 : memref<!tpu.dma_semaphore, #tpu.memory_space<semaphore_mem>>)
      %dma_start3A_1441 = arith.constant 384 : i32
      %dma_start3A_1442 = tpu.memref_slice %arg26[%dma_start3A_1441] : memref<768xf32, #tpu.memory_space<vmem>> -> memref<128xf32, #tpu.memory_space<vmem>>
      %dma_start3A_1443 = arith.constant 384 : i32
      %dma_start3A_1444 = tpu.memref_slice %arg22[%dma_start3A_1443] : memref<768xi32, #tpu.memory_space<vmem>> -> memref<128xi32, #tpu.memory_space<vmem>>
      %dma_start3A_1445 = arith.constant 0 : i32
      %dma_start3A_1446 = tpu.memref_slice %arg6[%dma_start3A_1445] : memref<1000000xf32, #tpu.memory_space<hbm>> -> memref<1000000xf32, #tpu.memory_space<hbm>>
      tpu.enqueue_indirect_dma source(%dma_start3A_1446 : memref<1000000xf32, #tpu.memory_space<hbm>>) target(%dma_start3A_1442 : memref<128xf32, #tpu.memory_space<vmem>>) offsets(%dma_start3A_1444 : memref<128xi32, #tpu.memory_space<vmem>>) semaphore(%arg41 : memref<!tpu.dma_semaphore, #tpu.memory_space<semaphore_mem>>)
      %dma_start3A_1447 = arith.constant 512 : i32
      %dma_start3A_1448 = tpu.memref_slice %arg24[%dma_start3A_1447] : memref<768xf32, #tpu.memory_space<vmem>> -> memref<128xf32, #tpu.memory_space<vmem>>
      %dma_start3A_1449 = arith.constant 512 : i32
      %dma_start3A_1450 = tpu.memref_slice %arg22[%dma_start3A_1449] : memref<768xi32, #tpu.memory_space<vmem>> -> memref<128xi32, #tpu.memory_space<vmem>>
      %dma_start3A_1451 = arith.constant 0 : i32
      %dma_start3A_1452 = tpu.memref_slice %arg4[%dma_start3A_1451] : memref<1000000xf32, #tpu.memory_space<hbm>> -> memref<1000000xf32, #tpu.memory_space<hbm>>
      tpu.enqueue_indirect_dma source(%dma_start3A_1452 : memref<1000000xf32, #tpu.memory_space<hbm>>) target(%dma_start3A_1448 : memref<128xf32, #tpu.memory_space<vmem>>) offsets(%dma_start3A_1450 : memref<128xi32, #tpu.memory_space<vmem>>) semaphore(%arg41 : memref<!tpu.dma_semaphore, #tpu.memory_space<semaphore_mem>>)
      %dma_start3A_1453 = arith.constant 512 : i32
      %dma_start3A_1454 = tpu.memref_slice %arg25[%dma_start3A_1453] : memref<768xf32, #tpu.memory_space<vmem>> -> memref<128xf32, #tpu.memory_space<vmem>>
      %dma_start3A_1455 = arith.constant 512 : i32
      %dma_start3A_1456 = tpu.memref_slice %arg22[%dma_start3A_1455] : memref<768xi32, #tpu.memory_space<vmem>> -> memref<128xi32, #tpu.memory_space<vmem>>
      %dma_start3A_1457 = arith.constant 0 : i32
      %dma_start3A_1458 = tpu.memref_slice %arg5[%dma_start3A_1457] : memref<1000000xf32, #tpu.memory_space<hbm>> -> memref<1000000xf32, #tpu.memory_space<hbm>>
      tpu.enqueue_indirect_dma source(%dma_start3A_1458 : memref<1000000xf32, #tpu.memory_space<hbm>>) target(%dma_start3A_1454 : memref<128xf32, #tpu.memory_space<vmem>>) offsets(%dma_start3A_1456 : memref<128xi32, #tpu.memory_space<vmem>>) semaphore(%arg41 : memref<!tpu.dma_semaphore, #tpu.memory_space<semaphore_mem>>)
      %dma_start3A_1459 = arith.constant 512 : i32
      %dma_start3A_1460 = tpu.memref_slice %arg26[%dma_start3A_1459] : memref<768xf32, #tpu.memory_space<vmem>> -> memref<128xf32, #tpu.memory_space<vmem>>
      %dma_start3A_1461 = arith.constant 512 : i32
      %dma_start3A_1462 = tpu.memref_slice %arg22[%dma_start3A_1461] : memref<768xi32, #tpu.memory_space<vmem>> -> memref<128xi32, #tpu.memory_space<vmem>>
      %dma_start3A_1463 = arith.constant 0 : i32
      %dma_start3A_1464 = tpu.memref_slice %arg6[%dma_start3A_1463] : memref<1000000xf32, #tpu.memory_space<hbm>> -> memref<1000000xf32, #tpu.memory_space<hbm>>
      tpu.enqueue_indirect_dma source(%dma_start3A_1464 : memref<1000000xf32, #tpu.memory_space<hbm>>) target(%dma_start3A_1460 : memref<128xf32, #tpu.memory_space<vmem>>) offsets(%dma_start3A_1462 : memref<128xi32, #tpu.memory_space<vmem>>) semaphore(%arg41 : memref<!tpu.dma_semaphore, #tpu.memory_space<semaphore_mem>>)
      %dma_start3A_1465 = arith.constant 640 : i32
      %dma_start3A_1466 = tpu.memref_slice %arg24[%dma_start3A_1465] : memref<768xf32, #tpu.memory_space<vmem>> -> memref<128xf32, #tpu.memory_space<vmem>>
      %dma_start3A_1467 = arith.constant 640 : i32
      %dma_start3A_1468 = tpu.memref_slice %arg22[%dma_start3A_1467] : memref<768xi32, #tpu.memory_space<vmem>> -> memref<128xi32, #tpu.memory_space<vmem>>
      %dma_start3A_1469 = arith.constant 0 : i32
      %dma_start3A_1470 = tpu.memref_slice %arg4[%dma_start3A_1469] : memref<1000000xf32, #tpu.memory_space<hbm>> -> memref<1000000xf32, #tpu.memory_space<hbm>>
      tpu.enqueue_indirect_dma source(%dma_start3A_1470 : memref<1000000xf32, #tpu.memory_space<hbm>>) target(%dma_start3A_1466 : memref<128xf32, #tpu.memory_space<vmem>>) offsets(%dma_start3A_1468 : memref<128xi32, #tpu.memory_space<vmem>>) semaphore(%arg41 : memref<!tpu.dma_semaphore, #tpu.memory_space<semaphore_mem>>)
      %dma_start3A_1471 = arith.constant 640 : i32
      %dma_start3A_1472 = tpu.memref_slice %arg25[%dma_start3A_1471] : memref<768xf32, #tpu.memory_space<vmem>> -> memref<128xf32, #tpu.memory_space<vmem>>
      %dma_start3A_1473 = arith.constant 640 : i32
      %dma_start3A_1474 = tpu.memref_slice %arg22[%dma_start3A_1473] : memref<768xi32, #tpu.memory_space<vmem>> -> memref<128xi32, #tpu.memory_space<vmem>>
      %dma_start3A_1475 = arith.constant 0 : i32
      %dma_start3A_1476 = tpu.memref_slice %arg5[%dma_start3A_1475] : memref<1000000xf32, #tpu.memory_space<hbm>> -> memref<1000000xf32, #tpu.memory_space<hbm>>
      tpu.enqueue_indirect_dma source(%dma_start3A_1476 : memref<1000000xf32, #tpu.memory_space<hbm>>) target(%dma_start3A_1472 : memref<128xf32, #tpu.memory_space<vmem>>) offsets(%dma_start3A_1474 : memref<128xi32, #tpu.memory_space<vmem>>) semaphore(%arg41 : memref<!tpu.dma_semaphore, #tpu.memory_space<semaphore_mem>>)
      %dma_start3A_1477 = arith.constant 640 : i32
      %dma_start3A_1478 = tpu.memref_slice %arg26[%dma_start3A_1477] : memref<768xf32, #tpu.memory_space<vmem>> -> memref<128xf32, #tpu.memory_space<vmem>>
      %dma_start3A_1479 = arith.constant 640 : i32
      %dma_start3A_1480 = tpu.memref_slice %arg22[%dma_start3A_1479] : memref<768xi32, #tpu.memory_space<vmem>> -> memref<128xi32, #tpu.memory_space<vmem>>
      %dma_start3A_1481 = arith.constant 0 : i32
      %dma_start3A_1482 = tpu.memref_slice %arg6[%dma_start3A_1481] : memref<1000000xf32, #tpu.memory_space<hbm>> -> memref<1000000xf32, #tpu.memory_space<hbm>>
      tpu.enqueue_indirect_dma source(%dma_start3A_1482 : memref<1000000xf32, #tpu.memory_space<hbm>>) target(%dma_start3A_1478 : memref<128xf32, #tpu.memory_space<vmem>>) offsets(%dma_start3A_1480 : memref<128xi32, #tpu.memory_space<vmem>>) semaphore(%arg41 : memref<!tpu.dma_semaphore, #tpu.memory_space<semaphore_mem>>)
      %dma_wait3A_1483 = arith.constant 0 : i32
      %dma_wait3A_1484 = tpu.memref_slice %arg8[%dma_wait3A_1483] : memref<2000000xf32, #tpu.memory_space<hbm>> -> memref<768xf32, #tpu.memory_space<hbm>>
      %dma_wait3A_1485 = arith.constant 0 : i32
      %dma_wait3A_1486 = tpu.memref_slice %arg8[%dma_wait3A_1485] : memref<2000000xf32, #tpu.memory_space<hbm>> -> memref<768xf32, #tpu.memory_space<hbm>>
      tpu.wait_dma2 semaphore(%arg63 : memref<!tpu.dma_semaphore, #tpu.memory_space<semaphore_mem>>) src(%arg48 : memref<768xf32, #tpu.memory_space<vmem>>) dst(%dma_wait3A_1486 : memref<768xf32, #tpu.memory_space<hbm>>)
      %dma_wait3A_1487 = arith.constant 0 : i32
      %dma_wait3A_1488 = tpu.memref_slice %arg9[%dma_wait3A_1487] : memref<2000000xf32, #tpu.memory_space<hbm>> -> memref<768xf32, #tpu.memory_space<hbm>>
      %dma_wait3A_1489 = arith.constant 0 : i32
      %dma_wait3A_1490 = tpu.memref_slice %arg9[%dma_wait3A_1489] : memref<2000000xf32, #tpu.memory_space<hbm>> -> memref<768xf32, #tpu.memory_space<hbm>>
      tpu.wait_dma2 semaphore(%arg63 : memref<!tpu.dma_semaphore, #tpu.memory_space<semaphore_mem>>) src(%arg49 : memref<768xf32, #tpu.memory_space<vmem>>) dst(%dma_wait3A_1490 : memref<768xf32, #tpu.memory_space<hbm>>)
      %dma_wait3A_1491 = arith.constant 0 : i32
      %dma_wait3A_1492 = tpu.memref_slice %arg10[%dma_wait3A_1491] : memref<2000000xf32, #tpu.memory_space<hbm>> -> memref<768xf32, #tpu.memory_space<hbm>>
      %dma_wait3A_1493 = arith.constant 0 : i32
      %dma_wait3A_1494 = tpu.memref_slice %arg10[%dma_wait3A_1493] : memref<2000000xf32, #tpu.memory_space<hbm>> -> memref<768xf32, #tpu.memory_space<hbm>>
      tpu.wait_dma2 semaphore(%arg63 : memref<!tpu.dma_semaphore, #tpu.memory_space<semaphore_mem>>) src(%arg50 : memref<768xf32, #tpu.memory_space<vmem>>) dst(%dma_wait3A_1494 : memref<768xf32, #tpu.memory_space<hbm>>)
      %dma_wait3A_1495 = arith.constant 0 : i32
      %dma_wait3A_1496 = tpu.memref_slice %arg11[%dma_wait3A_1495] : memref<2000000xf32, #tpu.memory_space<hbm>> -> memref<768xf32, #tpu.memory_space<hbm>>
      %dma_wait3A_1497 = arith.constant 0 : i32
      %dma_wait3A_1498 = tpu.memref_slice %arg11[%dma_wait3A_1497] : memref<2000000xf32, #tpu.memory_space<hbm>> -> memref<768xf32, #tpu.memory_space<hbm>>
      tpu.wait_dma2 semaphore(%arg63 : memref<!tpu.dma_semaphore, #tpu.memory_space<semaphore_mem>>) src(%arg51 : memref<768xf32, #tpu.memory_space<vmem>>) dst(%dma_wait3A_1498 : memref<768xf32, #tpu.memory_space<hbm>>)
      %dma_wait3A_1499 = arith.constant 0 : i32
      %dma_wait3A_1500 = tpu.memref_slice %arg12[%dma_wait3A_1499] : memref<2000000xf32, #tpu.memory_space<hbm>> -> memref<768xf32, #tpu.memory_space<hbm>>
      %dma_wait3A_1501 = arith.constant 0 : i32
      %dma_wait3A_1502 = tpu.memref_slice %arg12[%dma_wait3A_1501] : memref<2000000xf32, #tpu.memory_space<hbm>> -> memref<768xf32, #tpu.memory_space<hbm>>
      tpu.wait_dma2 semaphore(%arg63 : memref<!tpu.dma_semaphore, #tpu.memory_space<semaphore_mem>>) src(%arg52 : memref<768xf32, #tpu.memory_space<vmem>>) dst(%dma_wait3A_1502 : memref<768xf32, #tpu.memory_space<hbm>>)
      %dma_wait3A_1503 = arith.constant 0 : i32
      %dma_wait3A_1504 = tpu.memref_slice %arg13[%dma_wait3A_1503] : memref<2000000xf32, #tpu.memory_space<hbm>> -> memref<768xf32, #tpu.memory_space<hbm>>
      %dma_wait3A_1505 = arith.constant 0 : i32
      %dma_wait3A_1506 = tpu.memref_slice %arg13[%dma_wait3A_1505] : memref<2000000xf32, #tpu.memory_space<hbm>> -> memref<768xf32, #tpu.memory_space<hbm>>
      tpu.wait_dma2 semaphore(%arg63 : memref<!tpu.dma_semaphore, #tpu.memory_space<semaphore_mem>>) src(%arg53 : memref<768xf32, #tpu.memory_space<vmem>>) dst(%dma_wait3A_1506 : memref<768xf32, #tpu.memory_space<hbm>>)
      %dma_wait3A_1507 = arith.constant 0 : i32
      %dma_wait3A_1508 = tpu.memref_slice %arg14[%dma_wait3A_1507] : memref<2000000xf32, #tpu.memory_space<hbm>> -> memref<768xf32, #tpu.memory_space<hbm>>
      %dma_wait3A_1509 = arith.constant 0 : i32
      %dma_wait3A_1510 = tpu.memref_slice %arg14[%dma_wait3A_1509] : memref<2000000xf32, #tpu.memory_space<hbm>> -> memref<768xf32, #tpu.memory_space<hbm>>
      tpu.wait_dma2 semaphore(%arg63 : memref<!tpu.dma_semaphore, #tpu.memory_space<semaphore_mem>>) src(%arg54 : memref<768xf32, #tpu.memory_space<vmem>>) dst(%dma_wait3A_1510 : memref<768xf32, #tpu.memory_space<hbm>>)
      %dma_wait3A_1511 = arith.constant 0 : i32
      %dma_wait3A_1512 = tpu.memref_slice %arg15[%dma_wait3A_1511] : memref<2000000xf32, #tpu.memory_space<hbm>> -> memref<768xf32, #tpu.memory_space<hbm>>
      %dma_wait3A_1513 = arith.constant 0 : i32
      %dma_wait3A_1514 = tpu.memref_slice %arg15[%dma_wait3A_1513] : memref<2000000xf32, #tpu.memory_space<hbm>> -> memref<768xf32, #tpu.memory_space<hbm>>
      tpu.wait_dma2 semaphore(%arg63 : memref<!tpu.dma_semaphore, #tpu.memory_space<semaphore_mem>>) src(%arg55 : memref<768xf32, #tpu.memory_space<vmem>>) dst(%dma_wait3A_1514 : memref<768xf32, #tpu.memory_space<hbm>>)
      %dma_wait3A_1515 = arith.constant 0 : i32
      %dma_wait3A_1516 = tpu.memref_slice %arg16[%dma_wait3A_1515] : memref<2000000xf32, #tpu.memory_space<hbm>> -> memref<768xf32, #tpu.memory_space<hbm>>
      %dma_wait3A_1517 = arith.constant 0 : i32
      %dma_wait3A_1518 = tpu.memref_slice %arg16[%dma_wait3A_1517] : memref<2000000xf32, #tpu.memory_space<hbm>> -> memref<768xf32, #tpu.memory_space<hbm>>
      tpu.wait_dma2 semaphore(%arg63 : memref<!tpu.dma_semaphore, #tpu.memory_space<semaphore_mem>>) src(%arg56 : memref<768xf32, #tpu.memory_space<vmem>>) dst(%dma_wait3A_1518 : memref<768xf32, #tpu.memory_space<hbm>>)
      %dma_wait3A_1519 = arith.constant 0 : i32
      %dma_wait3A_1520 = tpu.memref_slice %arg17[%dma_wait3A_1519] : memref<2000000xf32, #tpu.memory_space<hbm>> -> memref<768xf32, #tpu.memory_space<hbm>>
      %dma_wait3A_1521 = arith.constant 0 : i32
      %dma_wait3A_1522 = tpu.memref_slice %arg17[%dma_wait3A_1521] : memref<2000000xf32, #tpu.memory_space<hbm>> -> memref<768xf32, #tpu.memory_space<hbm>>
      tpu.wait_dma2 semaphore(%arg63 : memref<!tpu.dma_semaphore, #tpu.memory_space<semaphore_mem>>) src(%arg57 : memref<768xf32, #tpu.memory_space<vmem>>) dst(%dma_wait3A_1522 : memref<768xf32, #tpu.memory_space<hbm>>)
      %dma_wait3A_1523 = arith.constant 0 : i32
      %dma_wait3A_1524 = tpu.memref_slice %arg18[%dma_wait3A_1523] : memref<2000000xf32, #tpu.memory_space<hbm>> -> memref<768xf32, #tpu.memory_space<hbm>>
      %dma_wait3A_1525 = arith.constant 0 : i32
      %dma_wait3A_1526 = tpu.memref_slice %arg18[%dma_wait3A_1525] : memref<2000000xf32, #tpu.memory_space<hbm>> -> memref<768xf32, #tpu.memory_space<hbm>>
      tpu.wait_dma2 semaphore(%arg63 : memref<!tpu.dma_semaphore, #tpu.memory_space<semaphore_mem>>) src(%arg58 : memref<768xf32, #tpu.memory_space<vmem>>) dst(%dma_wait3A_1526 : memref<768xf32, #tpu.memory_space<hbm>>)
      %dma_wait3A_1527 = arith.constant 0 : i32
      %dma_wait3A_1528 = tpu.memref_slice %arg19[%dma_wait3A_1527] : memref<2000000xf32, #tpu.memory_space<hbm>> -> memref<768xf32, #tpu.memory_space<hbm>>
      %dma_wait3A_1529 = arith.constant 0 : i32
      %dma_wait3A_1530 = tpu.memref_slice %arg19[%dma_wait3A_1529] : memref<2000000xf32, #tpu.memory_space<hbm>> -> memref<768xf32, #tpu.memory_space<hbm>>
      tpu.wait_dma2 semaphore(%arg63 : memref<!tpu.dma_semaphore, #tpu.memory_space<semaphore_mem>>) src(%arg59 : memref<768xf32, #tpu.memory_space<vmem>>) dst(%dma_wait3A_1530 : memref<768xf32, #tpu.memory_space<hbm>>)
      %dma_wait3A_1531 = arith.constant 0 : i32
      %dma_wait3A_1532 = tpu.memref_slice %arg20[%dma_wait3A_1531] : memref<2000000xf32, #tpu.memory_space<hbm>> -> memref<768xf32, #tpu.memory_space<hbm>>
      %dma_wait3A_1533 = arith.constant 0 : i32
      %dma_wait3A_1534 = tpu.memref_slice %arg20[%dma_wait3A_1533] : memref<2000000xf32, #tpu.memory_space<hbm>> -> memref<768xf32, #tpu.memory_space<hbm>>
      tpu.wait_dma2 semaphore(%arg63 : memref<!tpu.dma_semaphore, #tpu.memory_space<semaphore_mem>>) src(%arg60 : memref<768xf32, #tpu.memory_space<vmem>>) dst(%dma_wait3A_1534 : memref<768xf32, #tpu.memory_space<hbm>>)
      %scan3A_1535 = arith.constant 0 : i32
      %scan3A_1536 = arith.constant 0 : i32
      %scan3A_1537 = arith.constant 48 : i32
      %scan3A_1538 = arith.addi %scan3A_1536, %scan3A_1537 : i32
      %scan3A_1539 = arith.constant 1 : i32
      scf.for %scan3A_2033 = %scan3A_1536 to %scan3A_1538 step %scan3A_1539  : i32 {
        %mul3A_2034 = arith.constant 16 : i32
        %mul3A_2035 = arith.muli %scan3A_2033, %mul3A_2034 : i32
        %get3A = arith.index_cast %mul3A_2035 : i32 to index
        %get3A_2036 = tpu.vector_load %arg44[%get3A] {strides = array<i32>} : memref<768xi32, #tpu.memory_space<vmem>>, vector<16xi32>,
        %mul3A_2037 = arith.constant 10 : i32
        %mul3A_2038 = vector.broadcast %mul3A_2037 : i32 to vector<16xi32>
        %mul3A_2039 = arith.muli %get3A_2036, %mul3A_2038 : vector<16xi32>
        %get3A_2040 = arith.index_cast %mul3A_2035 : i32 to index
        %get3A_2041 = tpu.vector_load %arg45[%get3A_2040] {strides = array<i32>} : memref<768xf32, #tpu.memory_space<vmem>>, vector<16xf32>,
        %swap3A = arith.index_cast %mul3A_2035 : i32 to index
        %swap3A_2042 = tpu.vector_load %arg48[%swap3A] {strides = array<i32>} : memref<768xf32, #tpu.memory_space<vmem>>, vector<16xf32>,
        tpu.vector_store %arg48[%swap3A], %get3A_2041 {strides = array<i32>} : memref<768xf32, #tpu.memory_space<vmem>>, vector<16xf32>,
        %get3A_2043 = arith.index_cast %mul3A_2035 : i32 to index
        %get3A_2044 = tpu.vector_load %arg46[%get3A_2043] {strides = array<i32>} : memref<768xf32, #tpu.memory_space<vmem>>, vector<16xf32>,
        %swap3A_2045 = arith.index_cast %mul3A_2035 : i32 to index
        %swap3A_2046 = tpu.vector_load %arg49[%swap3A_2045] {strides = array<i32>} : memref<768xf32, #tpu.memory_space<vmem>>, vector<16xf32>,
        tpu.vector_store %arg49[%swap3A_2045], %get3A_2044 {strides = array<i32>} : memref<768xf32, #tpu.memory_space<vmem>>, vector<16xf32>,
        %get3A_2047 = arith.index_cast %mul3A_2035 : i32 to index
        %get3A_2048 = tpu.vector_load %arg47[%get3A_2047] {strides = array<i32>} : memref<768xf32, #tpu.memory_space<vmem>>, vector<16xf32>,
        %swap3A_2049 = arith.index_cast %mul3A_2035 : i32 to index
        %swap3A_2050 = tpu.vector_load %arg50[%swap3A_2049] {strides = array<i32>} : memref<768xf32, #tpu.memory_space<vmem>>, vector<16xf32>,
        tpu.vector_store %arg50[%swap3A_2049], %get3A_2048 {strides = array<i32>} : memref<768xf32, #tpu.memory_space<vmem>>, vector<16xf32>,
        %add3A_2051 = arith.constant 0 : i32
        %add3A_2052 = vector.broadcast %add3A_2051 : i32 to vector<16xi32>
        %add3A_2053 = arith.addi %mul3A_2039, %add3A_2052 : vector<16xi32>
        %gather3A = tpu.vector_load_idx %arg21[%add3A_2053] : memref<100000xf32, #tpu.memory_space<vmem>>[vector<16xi32>], vector<16xf32>,
        %swap3A_2054 = arith.index_cast %mul3A_2035 : i32 to index
        %swap3A_2055 = tpu.vector_load %arg51[%swap3A_2054] {strides = array<i32>} : memref<768xf32, #tpu.memory_space<vmem>>, vector<16xf32>,
        tpu.vector_store %arg51[%swap3A_2054], %gather3A {strides = array<i32>} : memref<768xf32, #tpu.memory_space<vmem>>, vector<16xf32>,
        %add3A_2056 = arith.constant 1 : i32
        %add3A_2057 = vector.broadcast %add3A_2056 : i32 to vector<16xi32>
        %add3A_2058 = arith.addi %mul3A_2039, %add3A_2057 : vector<16xi32>
        %gather3A_2059 = tpu.vector_load_idx %arg21[%add3A_2058] : memref<100000xf32, #tpu.memory_space<vmem>>[vector<16xi32>], vector<16xf32>,
        %swap3A_2060 = arith.index_cast %mul3A_2035 : i32 to index
        %swap3A_2061 = tpu.vector_load %arg52[%swap3A_2060] {strides = array<i32>} : memref<768xf32, #tpu.memory_space<vmem>>, vector<16xf32>,
        tpu.vector_store %arg52[%swap3A_2060], %gather3A_2059 {strides = array<i32>} : memref<768xf32, #tpu.memory_space<vmem>>, vector<16xf32>,
        %add3A_2062 = arith.constant 2 : i32
        %add3A_2063 = vector.broadcast %add3A_2062 : i32 to vector<16xi32>
        %add3A_2064 = arith.addi %mul3A_2039, %add3A_2063 : vector<16xi32>
        %gather3A_2065 = tpu.vector_load_idx %arg21[%add3A_2064] : memref<100000xf32, #tpu.memory_space<vmem>>[vector<16xi32>], vector<16xf32>,
        %swap3A_2066 = arith.index_cast %mul3A_2035 : i32 to index
        %swap3A_2067 = tpu.vector_load %arg53[%swap3A_2066] {strides = array<i32>} : memref<768xf32, #tpu.memory_space<vmem>>, vector<16xf32>,
        tpu.vector_store %arg53[%swap3A_2066], %gather3A_2065 {strides = array<i32>} : memref<768xf32, #tpu.memory_space<vmem>>, vector<16xf32>,
        %add3A_2068 = arith.constant 3 : i32
        %add3A_2069 = vector.broadcast %add3A_2068 : i32 to vector<16xi32>
        %add3A_2070 = arith.addi %mul3A_2039, %add3A_2069 : vector<16xi32>
        %gather3A_2071 = tpu.vector_load_idx %arg21[%add3A_2070] : memref<100000xf32, #tpu.memory_space<vmem>>[vector<16xi32>], vector<16xf32>,
        %swap3A_2072 = arith.index_cast %mul3A_2035 : i32 to index
        %swap3A_2073 = tpu.vector_load %arg54[%swap3A_2072] {strides = array<i32>} : memref<768xf32, #tpu.memory_space<vmem>>, vector<16xf32>,
        tpu.vector_store %arg54[%swap3A_2072], %gather3A_2071 {strides = array<i32>} : memref<768xf32, #tpu.memory_space<vmem>>, vector<16xf32>,
        %add3A_2074 = arith.constant 4 : i32
        %add3A_2075 = vector.broadcast %add3A_2074 : i32 to vector<16xi32>
        %add3A_2076 = arith.addi %mul3A_2039, %add3A_2075 : vector<16xi32>
        %gather3A_2077 = tpu.vector_load_idx %arg21[%add3A_2076] : memref<100000xf32, #tpu.memory_space<vmem>>[vector<16xi32>], vector<16xf32>,
        %swap3A_2078 = arith.index_cast %mul3A_2035 : i32 to index
        %swap3A_2079 = tpu.vector_load %arg55[%swap3A_2078] {strides = array<i32>} : memref<768xf32, #tpu.memory_space<vmem>>, vector<16xf32>,
        tpu.vector_store %arg55[%swap3A_2078], %gather3A_2077 {strides = array<i32>} : memref<768xf32, #tpu.memory_space<vmem>>, vector<16xf32>,
        %add3A_2080 = arith.constant 5 : i32
        %add3A_2081 = vector.broadcast %add3A_2080 : i32 to vector<16xi32>
        %add3A_2082 = arith.addi %mul3A_2039, %add3A_2081 : vector<16xi32>
        %gather3A_2083 = tpu.vector_load_idx %arg21[%add3A_2082] : memref<100000xf32, #tpu.memory_space<vmem>>[vector<16xi32>], vector<16xf32>,
        %swap3A_2084 = arith.index_cast %mul3A_2035 : i32 to index
        %swap3A_2085 = tpu.vector_load %arg56[%swap3A_2084] {strides = array<i32>} : memref<768xf32, #tpu.memory_space<vmem>>, vector<16xf32>,
        tpu.vector_store %arg56[%swap3A_2084], %gather3A_2083 {strides = array<i32>} : memref<768xf32, #tpu.memory_space<vmem>>, vector<16xf32>,
        %add3A_2086 = arith.constant 6 : i32
        %add3A_2087 = vector.broadcast %add3A_2086 : i32 to vector<16xi32>
        %add3A_2088 = arith.addi %mul3A_2039, %add3A_2087 : vector<16xi32>
        %gather3A_2089 = tpu.vector_load_idx %arg21[%add3A_2088] : memref<100000xf32, #tpu.memory_space<vmem>>[vector<16xi32>], vector<16xf32>,
        %swap3A_2090 = arith.index_cast %mul3A_2035 : i32 to index
        %swap3A_2091 = tpu.vector_load %arg57[%swap3A_2090] {strides = array<i32>} : memref<768xf32, #tpu.memory_space<vmem>>, vector<16xf32>,
        tpu.vector_store %arg57[%swap3A_2090], %gather3A_2089 {strides = array<i32>} : memref<768xf32, #tpu.memory_space<vmem>>, vector<16xf32>,
        %add3A_2092 = arith.constant 7 : i32
        %add3A_2093 = vector.broadcast %add3A_2092 : i32 to vector<16xi32>
        %add3A_2094 = arith.addi %mul3A_2039, %add3A_2093 : vector<16xi32>
        %gather3A_2095 = tpu.vector_load_idx %arg21[%add3A_2094] : memref<100000xf32, #tpu.memory_space<vmem>>[vector<16xi32>], vector<16xf32>,
        %swap3A_2096 = arith.index_cast %mul3A_2035 : i32 to index
        %swap3A_2097 = tpu.vector_load %arg58[%swap3A_2096] {strides = array<i32>} : memref<768xf32, #tpu.memory_space<vmem>>, vector<16xf32>,
        tpu.vector_store %arg58[%swap3A_2096], %gather3A_2095 {strides = array<i32>} : memref<768xf32, #tpu.memory_space<vmem>>, vector<16xf32>,
        %add3A_2098 = arith.constant 8 : i32
        %add3A_2099 = vector.broadcast %add3A_2098 : i32 to vector<16xi32>
        %add3A_2100 = arith.addi %mul3A_2039, %add3A_2099 : vector<16xi32>
        %gather3A_2101 = tpu.vector_load_idx %arg21[%add3A_2100] : memref<100000xf32, #tpu.memory_space<vmem>>[vector<16xi32>], vector<16xf32>,
        %swap3A_2102 = arith.index_cast %mul3A_2035 : i32 to index
        %swap3A_2103 = tpu.vector_load %arg59[%swap3A_2102] {strides = array<i32>} : memref<768xf32, #tpu.memory_space<vmem>>, vector<16xf32>,
        tpu.vector_store %arg59[%swap3A_2102], %gather3A_2101 {strides = array<i32>} : memref<768xf32, #tpu.memory_space<vmem>>, vector<16xf32>,
        %add3A_2104 = arith.constant 9 : i32
        %add3A_2105 = vector.broadcast %add3A_2104 : i32 to vector<16xi32>
        %add3A_2106 = arith.addi %mul3A_2039, %add3A_2105 : vector<16xi32>
        %gather3A_2107 = tpu.vector_load_idx %arg21[%add3A_2106] : memref<100000xf32, #tpu.memory_space<vmem>>[vector<16xi32>], vector<16xf32>,
        %swap3A_2108 = arith.index_cast %mul3A_2035 : i32 to index
        %swap3A_2109 = tpu.vector_load %arg60[%swap3A_2108] {strides = array<i32>} : memref<768xf32, #tpu.memory_space<vmem>>, vector<16xf32>,
        tpu.vector_store %arg60[%swap3A_2108], %gather3A_2107 {strides = array<i32>} : memref<768xf32, #tpu.memory_space<vmem>>, vector<16xf32>,
      }
      %scan3A_1540 = arith.constant 48 : i32
      %sub3A_1541 = arith.constant 1 : i32
      %sub3A_1542 = arith.subi %mul3A_1366, %sub3A_1541 : i32
      %mul3A_1543 = arith.constant 6 : i32
      %mul3A_1544 = arith.muli %sub3A_1542, %mul3A_1543 : i32
      %sub3A_1545 = arith.constant 6 : i32
      %sub3A_1546 = arith.subi %add3A_4, %sub3A_1545 : i32
      %min3A_1547 = arith.minsi %mul3A_1544, %sub3A_1546 : i32
      %add3A_1548 = arith.addi %add3A_8, %min3A_1547 : i32
      %mul3A_1549 = arith.constant 128 : i32
      %mul3A_1550 = arith.muli %add3A_1548, %mul3A_1549 : i32
      %dma_start3A_1551 = tpu.memref_slice %arg8[%mul3A_1550] : memref<2000000xf32, #tpu.memory_space<hbm>> -> memref<768xf32, #tpu.memory_space<hbm>>
      %dma_start3A_1552 = tpu.memref_slice %arg8[%mul3A_1550] : memref<2000000xf32, #tpu.memory_space<hbm>> -> memref<768xf32, #tpu.memory_space<hbm>>
      tpu.enqueue_dma source(%arg48 : memref<768xf32, #tpu.memory_space<vmem>>) target(%dma_start3A_1552 : memref<768xf32, #tpu.memory_space<hbm>>) target_semaphore(%arg63 : memref<!tpu.dma_semaphore, #tpu.memory_space<semaphore_mem>>)
      %dma_start3A_1553 = tpu.memref_slice %arg9[%mul3A_1550] : memref<2000000xf32, #tpu.memory_space<hbm>> -> memref<768xf32, #tpu.memory_space<hbm>>
      %dma_start3A_1554 = tpu.memref_slice %arg9[%mul3A_1550] : memref<2000000xf32, #tpu.memory_space<hbm>> -> memref<768xf32, #tpu.memory_space<hbm>>
      tpu.enqueue_dma source(%arg49 : memref<768xf32, #tpu.memory_space<vmem>>) target(%dma_start3A_1554 : memref<768xf32, #tpu.memory_space<hbm>>) target_semaphore(%arg63 : memref<!tpu.dma_semaphore, #tpu.memory_space<semaphore_mem>>)
      %dma_start3A_1555 = tpu.memref_slice %arg10[%mul3A_1550] : memref<2000000xf32, #tpu.memory_space<hbm>> -> memref<768xf32, #tpu.memory_space<hbm>>
      %dma_start3A_1556 = tpu.memref_slice %arg10[%mul3A_1550] : memref<2000000xf32, #tpu.memory_space<hbm>> -> memref<768xf32, #tpu.memory_space<hbm>>
      tpu.enqueue_dma source(%arg50 : memref<768xf32, #tpu.memory_space<vmem>>) target(%dma_start3A_1556 : memref<768xf32, #tpu.memory_space<hbm>>) target_semaphore(%arg63 : memref<!tpu.dma_semaphore, #tpu.memory_space<semaphore_mem>>)
      %dma_start3A_1557 = tpu.memref_slice %arg11[%mul3A_1550] : memref<2000000xf32, #tpu.memory_space<hbm>> -> memref<768xf32, #tpu.memory_space<hbm>>
      %dma_start3A_1558 = tpu.memref_slice %arg11[%mul3A_1550] : memref<2000000xf32, #tpu.memory_space<hbm>> -> memref<768xf32, #tpu.memory_space<hbm>>
      tpu.enqueue_dma source(%arg51 : memref<768xf32, #tpu.memory_space<vmem>>) target(%dma_start3A_1558 : memref<768xf32, #tpu.memory_space<hbm>>) target_semaphore(%arg63 : memref<!tpu.dma_semaphore, #tpu.memory_space<semaphore_mem>>)
      %dma_start3A_1559 = tpu.memref_slice %arg12[%mul3A_1550] : memref<2000000xf32, #tpu.memory_space<hbm>> -> memref<768xf32, #tpu.memory_space<hbm>>
      %dma_start3A_1560 = tpu.memref_slice %arg12[%mul3A_1550] : memref<2000000xf32, #tpu.memory_space<hbm>> -> memref<768xf32, #tpu.memory_space<hbm>>
      tpu.enqueue_dma source(%arg52 : memref<768xf32, #tpu.memory_space<vmem>>) target(%dma_start3A_1560 : memref<768xf32, #tpu.memory_space<hbm>>) target_semaphore(%arg63 : memref<!tpu.dma_semaphore, #tpu.memory_space<semaphore_mem>>)
      %dma_start3A_1561 = tpu.memref_slice %arg13[%mul3A_1550] : memref<2000000xf32, #tpu.memory_space<hbm>> -> memref<768xf32, #tpu.memory_space<hbm>>
      %dma_start3A_1562 = tpu.memref_slice %arg13[%mul3A_1550] : memref<2000000xf32, #tpu.memory_space<hbm>> -> memref<768xf32, #tpu.memory_space<hbm>>
      tpu.enqueue_dma source(%arg53 : memref<768xf32, #tpu.memory_space<vmem>>) target(%dma_start3A_1562 : memref<768xf32, #tpu.memory_space<hbm>>) target_semaphore(%arg63 : memref<!tpu.dma_semaphore, #tpu.memory_space<semaphore_mem>>)
      %dma_start3A_1563 = tpu.memref_slice %arg14[%mul3A_1550] : memref<2000000xf32, #tpu.memory_space<hbm>> -> memref<768xf32, #tpu.memory_space<hbm>>
      %dma_start3A_1564 = tpu.memref_slice %arg14[%mul3A_1550] : memref<2000000xf32, #tpu.memory_space<hbm>> -> memref<768xf32, #tpu.memory_space<hbm>>
      tpu.enqueue_dma source(%arg54 : memref<768xf32, #tpu.memory_space<vmem>>) target(%dma_start3A_1564 : memref<768xf32, #tpu.memory_space<hbm>>) target_semaphore(%arg63 : memref<!tpu.dma_semaphore, #tpu.memory_space<semaphore_mem>>)
      %dma_start3A_1565 = tpu.memref_slice %arg15[%mul3A_1550] : memref<2000000xf32, #tpu.memory_space<hbm>> -> memref<768xf32, #tpu.memory_space<hbm>>
      %dma_start3A_1566 = tpu.memref_slice %arg15[%mul3A_1550] : memref<2000000xf32, #tpu.memory_space<hbm>> -> memref<768xf32, #tpu.memory_space<hbm>>
      tpu.enqueue_dma source(%arg55 : memref<768xf32, #tpu.memory_space<vmem>>) target(%dma_start3A_1566 : memref<768xf32, #tpu.memory_space<hbm>>) target_semaphore(%arg63 : memref<!tpu.dma_semaphore, #tpu.memory_space<semaphore_mem>>)
      %dma_start3A_1567 = tpu.memref_slice %arg16[%mul3A_1550] : memref<2000000xf32, #tpu.memory_space<hbm>> -> memref<768xf32, #tpu.memory_space<hbm>>
      %dma_start3A_1568 = tpu.memref_slice %arg16[%mul3A_1550] : memref<2000000xf32, #tpu.memory_space<hbm>> -> memref<768xf32, #tpu.memory_space<hbm>>
      tpu.enqueue_dma source(%arg56 : memref<768xf32, #tpu.memory_space<vmem>>) target(%dma_start3A_1568 : memref<768xf32, #tpu.memory_space<hbm>>) target_semaphore(%arg63 : memref<!tpu.dma_semaphore, #tpu.memory_space<semaphore_mem>>)
      %dma_start3A_1569 = tpu.memref_slice %arg17[%mul3A_1550] : memref<2000000xf32, #tpu.memory_space<hbm>> -> memref<768xf32, #tpu.memory_space<hbm>>
      %dma_start3A_1570 = tpu.memref_slice %arg17[%mul3A_1550] : memref<2000000xf32, #tpu.memory_space<hbm>> -> memref<768xf32, #tpu.memory_space<hbm>>
      tpu.enqueue_dma source(%arg57 : memref<768xf32, #tpu.memory_space<vmem>>) target(%dma_start3A_1570 : memref<768xf32, #tpu.memory_space<hbm>>) target_semaphore(%arg63 : memref<!tpu.dma_semaphore, #tpu.memory_space<semaphore_mem>>)
      %dma_start3A_1571 = tpu.memref_slice %arg18[%mul3A_1550] : memref<2000000xf32, #tpu.memory_space<hbm>> -> memref<768xf32, #tpu.memory_space<hbm>>
      %dma_start3A_1572 = tpu.memref_slice %arg18[%mul3A_1550] : memref<2000000xf32, #tpu.memory_space<hbm>> -> memref<768xf32, #tpu.memory_space<hbm>>
      tpu.enqueue_dma source(%arg58 : memref<768xf32, #tpu.memory_space<vmem>>) target(%dma_start3A_1572 : memref<768xf32, #tpu.memory_space<hbm>>) target_semaphore(%arg63 : memref<!tpu.dma_semaphore, #tpu.memory_space<semaphore_mem>>)
      %dma_start3A_1573 = tpu.memref_slice %arg19[%mul3A_1550] : memref<2000000xf32, #tpu.memory_space<hbm>> -> memref<768xf32, #tpu.memory_space<hbm>>
      %dma_start3A_1574 = tpu.memref_slice %arg19[%mul3A_1550] : memref<2000000xf32, #tpu.memory_space<hbm>> -> memref<768xf32, #tpu.memory_space<hbm>>
      tpu.enqueue_dma source(%arg59 : memref<768xf32, #tpu.memory_space<vmem>>) target(%dma_start3A_1574 : memref<768xf32, #tpu.memory_space<hbm>>) target_semaphore(%arg63 : memref<!tpu.dma_semaphore, #tpu.memory_space<semaphore_mem>>)
      %dma_start3A_1575 = tpu.memref_slice %arg20[%mul3A_1550] : memref<2000000xf32, #tpu.memory_space<hbm>> -> memref<768xf32, #tpu.memory_space<hbm>>
      %dma_start3A_1576 = tpu.memref_slice %arg20[%mul3A_1550] : memref<2000000xf32, #tpu.memory_space<hbm>> -> memref<768xf32, #tpu.memory_space<hbm>>
      tpu.enqueue_dma source(%arg60 : memref<768xf32, #tpu.memory_space<vmem>>) target(%dma_start3A_1576 : memref<768xf32, #tpu.memory_space<hbm>>) target_semaphore(%arg63 : memref<!tpu.dma_semaphore, #tpu.memory_space<semaphore_mem>>)
      %add3A_1577 = arith.constant 1 : i32
      %add3A_1578 = arith.addi %mul3A_1366, %add3A_1577 : i32
      %mul3A_1579 = arith.constant 6 : i32
      %mul3A_1580 = arith.muli %add3A_1578, %mul3A_1579 : i32
      %sub3A_1581 = arith.constant 6 : i32
      %sub3A_1582 = arith.subi %add3A_4, %sub3A_1581 : i32
      %min3A_1583 = arith.minsi %mul3A_1580, %sub3A_1582 : i32
      %add3A_1584 = arith.addi %add3A_8, %min3A_1583 : i32
      %mul3A_1585 = arith.constant 128 : i32
      %mul3A_1586 = arith.muli %add3A_1584, %mul3A_1585 : i32
      %dma_start3A_1587 = tpu.memref_slice %arg3[%mul3A_1586] : memref<2000000xi32, #tpu.memory_space<hbm>> -> memref<768xi32, #tpu.memory_space<hbm>>
      %dma_start3A_1588 = tpu.memref_slice %arg3[%mul3A_1586] : memref<2000000xi32, #tpu.memory_space<hbm>> -> memref<768xi32, #tpu.memory_space<hbm>>
      tpu.enqueue_dma source(%dma_start3A_1588 : memref<768xi32, #tpu.memory_space<hbm>>) target(%arg43 : memref<768xi32, #tpu.memory_space<vmem>>) target_semaphore(%arg61 : memref<!tpu.dma_semaphore, #tpu.memory_space<semaphore_mem>>)
      %dma_start3A_1589 = tpu.memref_slice %arg2[%mul3A_1586] : memref<2000000xi32, #tpu.memory_space<hbm>> -> memref<768xi32, #tpu.memory_space<hbm>>
      %dma_start3A_1590 = tpu.memref_slice %arg2[%mul3A_1586] : memref<2000000xi32, #tpu.memory_space<hbm>> -> memref<768xi32, #tpu.memory_space<hbm>>
      tpu.enqueue_dma source(%dma_start3A_1590 : memref<768xi32, #tpu.memory_space<hbm>>) target(%arg44 : memref<768xi32, #tpu.memory_space<vmem>>) target_semaphore(%arg61 : memref<!tpu.dma_semaphore, #tpu.memory_space<semaphore_mem>>)
      %dma_wait3A_1591 = arith.constant 0 : i32
      %dma_wait3A_1592 = tpu.memref_slice %arg24[%dma_wait3A_1591] : memref<768xf32, #tpu.memory_space<vmem>> -> memref<128xf32, #tpu.memory_space<vmem>>
      %dma_wait3A_1593 = arith.constant 0 : i32
      %dma_wait3A_1594 = tpu.memref_slice %arg22[%dma_wait3A_1593] : memref<768xi32, #tpu.memory_space<vmem>> -> memref<128xi32, #tpu.memory_space<vmem>>
      %dma_wait3A_1595 = arith.constant 0 : i32
      %dma_wait3A_1596 = tpu.memref_slice %arg4[%dma_wait3A_1595] : memref<1000000xf32, #tpu.memory_space<hbm>> -> memref<1000000xf32, #tpu.memory_space<hbm>>
      tpu.wait_indirect_dma semaphore(%arg41 : memref<!tpu.dma_semaphore, #tpu.memory_space<semaphore_mem>>) src(%dma_wait3A_1596 : memref<1000000xf32, #tpu.memory_space<hbm>>) dst(%dma_wait3A_1592 : memref<128xf32, #tpu.memory_space<vmem>>)
      %dma_wait3A_1597 = arith.constant 0 : i32
      %dma_wait3A_1598 = tpu.memref_slice %arg25[%dma_wait3A_1597] : memref<768xf32, #tpu.memory_space<vmem>> -> memref<128xf32, #tpu.memory_space<vmem>>
      %dma_wait3A_1599 = arith.constant 0 : i32
      %dma_wait3A_1600 = tpu.memref_slice %arg22[%dma_wait3A_1599] : memref<768xi32, #tpu.memory_space<vmem>> -> memref<128xi32, #tpu.memory_space<vmem>>
      %dma_wait3A_1601 = arith.constant 0 : i32
      %dma_wait3A_1602 = tpu.memref_slice %arg5[%dma_wait3A_1601] : memref<1000000xf32, #tpu.memory_space<hbm>> -> memref<1000000xf32, #tpu.memory_space<hbm>>
      tpu.wait_indirect_dma semaphore(%arg41 : memref<!tpu.dma_semaphore, #tpu.memory_space<semaphore_mem>>) src(%dma_wait3A_1602 : memref<1000000xf32, #tpu.memory_space<hbm>>) dst(%dma_wait3A_1598 : memref<128xf32, #tpu.memory_space<vmem>>)
      %dma_wait3A_1603 = arith.constant 0 : i32
      %dma_wait3A_1604 = tpu.memref_slice %arg26[%dma_wait3A_1603] : memref<768xf32, #tpu.memory_space<vmem>> -> memref<128xf32, #tpu.memory_space<vmem>>
      %dma_wait3A_1605 = arith.constant 0 : i32
      %dma_wait3A_1606 = tpu.memref_slice %arg22[%dma_wait3A_1605] : memref<768xi32, #tpu.memory_space<vmem>> -> memref<128xi32, #tpu.memory_space<vmem>>
      %dma_wait3A_1607 = arith.constant 0 : i32
      %dma_wait3A_1608 = tpu.memref_slice %arg6[%dma_wait3A_1607] : memref<1000000xf32, #tpu.memory_space<hbm>> -> memref<1000000xf32, #tpu.memory_space<hbm>>
      tpu.wait_indirect_dma semaphore(%arg41 : memref<!tpu.dma_semaphore, #tpu.memory_space<semaphore_mem>>) src(%dma_wait3A_1608 : memref<1000000xf32, #tpu.memory_space<hbm>>) dst(%dma_wait3A_1604 : memref<128xf32, #tpu.memory_space<vmem>>)
      %dma_wait3A_1609 = arith.constant 128 : i32
      %dma_wait3A_1610 = tpu.memref_slice %arg24[%dma_wait3A_1609] : memref<768xf32, #tpu.memory_space<vmem>> -> memref<128xf32, #tpu.memory_space<vmem>>
      %dma_wait3A_1611 = arith.constant 128 : i32
      %dma_wait3A_1612 = tpu.memref_slice %arg22[%dma_wait3A_1611] : memref<768xi32, #tpu.memory_space<vmem>> -> memref<128xi32, #tpu.memory_space<vmem>>
      %dma_wait3A_1613 = arith.constant 0 : i32
      %dma_wait3A_1614 = tpu.memref_slice %arg4[%dma_wait3A_1613] : memref<1000000xf32, #tpu.memory_space<hbm>> -> memref<1000000xf32, #tpu.memory_space<hbm>>
      tpu.wait_indirect_dma semaphore(%arg41 : memref<!tpu.dma_semaphore, #tpu.memory_space<semaphore_mem>>) src(%dma_wait3A_1614 : memref<1000000xf32, #tpu.memory_space<hbm>>) dst(%dma_wait3A_1610 : memref<128xf32, #tpu.memory_space<vmem>>)
      %dma_wait3A_1615 = arith.constant 128 : i32
      %dma_wait3A_1616 = tpu.memref_slice %arg25[%dma_wait3A_1615] : memref<768xf32, #tpu.memory_space<vmem>> -> memref<128xf32, #tpu.memory_space<vmem>>
      %dma_wait3A_1617 = arith.constant 128 : i32
      %dma_wait3A_1618 = tpu.memref_slice %arg22[%dma_wait3A_1617] : memref<768xi32, #tpu.memory_space<vmem>> -> memref<128xi32, #tpu.memory_space<vmem>>
      %dma_wait3A_1619 = arith.constant 0 : i32
      %dma_wait3A_1620 = tpu.memref_slice %arg5[%dma_wait3A_1619] : memref<1000000xf32, #tpu.memory_space<hbm>> -> memref<1000000xf32, #tpu.memory_space<hbm>>
      tpu.wait_indirect_dma semaphore(%arg41 : memref<!tpu.dma_semaphore, #tpu.memory_space<semaphore_mem>>) src(%dma_wait3A_1620 : memref<1000000xf32, #tpu.memory_space<hbm>>) dst(%dma_wait3A_1616 : memref<128xf32, #tpu.memory_space<vmem>>)
      %dma_wait3A_1621 = arith.constant 128 : i32
      %dma_wait3A_1622 = tpu.memref_slice %arg26[%dma_wait3A_1621] : memref<768xf32, #tpu.memory_space<vmem>> -> memref<128xf32, #tpu.memory_space<vmem>>
      %dma_wait3A_1623 = arith.constant 128 : i32
      %dma_wait3A_1624 = tpu.memref_slice %arg22[%dma_wait3A_1623] : memref<768xi32, #tpu.memory_space<vmem>> -> memref<128xi32, #tpu.memory_space<vmem>>
      %dma_wait3A_1625 = arith.constant 0 : i32
      %dma_wait3A_1626 = tpu.memref_slice %arg6[%dma_wait3A_1625] : memref<1000000xf32, #tpu.memory_space<hbm>> -> memref<1000000xf32, #tpu.memory_space<hbm>>
      tpu.wait_indirect_dma semaphore(%arg41 : memref<!tpu.dma_semaphore, #tpu.memory_space<semaphore_mem>>) src(%dma_wait3A_1626 : memref<1000000xf32, #tpu.memory_space<hbm>>) dst(%dma_wait3A_1622 : memref<128xf32, #tpu.memory_space<vmem>>)
      %dma_wait3A_1627 = arith.constant 256 : i32
      %dma_wait3A_1628 = tpu.memref_slice %arg24[%dma_wait3A_1627] : memref<768xf32, #tpu.memory_space<vmem>> -> memref<128xf32, #tpu.memory_space<vmem>>
      %dma_wait3A_1629 = arith.constant 256 : i32
      %dma_wait3A_1630 = tpu.memref_slice %arg22[%dma_wait3A_1629] : memref<768xi32, #tpu.memory_space<vmem>> -> memref<128xi32, #tpu.memory_space<vmem>>
      %dma_wait3A_1631 = arith.constant 0 : i32
      %dma_wait3A_1632 = tpu.memref_slice %arg4[%dma_wait3A_1631] : memref<1000000xf32, #tpu.memory_space<hbm>> -> memref<1000000xf32, #tpu.memory_space<hbm>>
      tpu.wait_indirect_dma semaphore(%arg41 : memref<!tpu.dma_semaphore, #tpu.memory_space<semaphore_mem>>) src(%dma_wait3A_1632 : memref<1000000xf32, #tpu.memory_space<hbm>>) dst(%dma_wait3A_1628 : memref<128xf32, #tpu.memory_space<vmem>>)
      %dma_wait3A_1633 = arith.constant 256 : i32
      %dma_wait3A_1634 = tpu.memref_slice %arg25[%dma_wait3A_1633] : memref<768xf32, #tpu.memory_space<vmem>> -> memref<128xf32, #tpu.memory_space<vmem>>
      %dma_wait3A_1635 = arith.constant 256 : i32
      %dma_wait3A_1636 = tpu.memref_slice %arg22[%dma_wait3A_1635] : memref<768xi32, #tpu.memory_space<vmem>> -> memref<128xi32, #tpu.memory_space<vmem>>
      %dma_wait3A_1637 = arith.constant 0 : i32
      %dma_wait3A_1638 = tpu.memref_slice %arg5[%dma_wait3A_1637] : memref<1000000xf32, #tpu.memory_space<hbm>> -> memref<1000000xf32, #tpu.memory_space<hbm>>
      tpu.wait_indirect_dma semaphore(%arg41 : memref<!tpu.dma_semaphore, #tpu.memory_space<semaphore_mem>>) src(%dma_wait3A_1638 : memref<1000000xf32, #tpu.memory_space<hbm>>) dst(%dma_wait3A_1634 : memref<128xf32, #tpu.memory_space<vmem>>)
      %dma_wait3A_1639 = arith.constant 256 : i32
      %dma_wait3A_1640 = tpu.memref_slice %arg26[%dma_wait3A_1639] : memref<768xf32, #tpu.memory_space<vmem>> -> memref<128xf32, #tpu.memory_space<vmem>>
      %dma_wait3A_1641 = arith.constant 256 : i32
      %dma_wait3A_1642 = tpu.memref_slice %arg22[%dma_wait3A_1641] : memref<768xi32, #tpu.memory_space<vmem>> -> memref<128xi32, #tpu.memory_space<vmem>>
      %dma_wait3A_1643 = arith.constant 0 : i32
      %dma_wait3A_1644 = tpu.memref_slice %arg6[%dma_wait3A_1643] : memref<1000000xf32, #tpu.memory_space<hbm>> -> memref<1000000xf32, #tpu.memory_space<hbm>>
      tpu.wait_indirect_dma semaphore(%arg41 : memref<!tpu.dma_semaphore, #tpu.memory_space<semaphore_mem>>) src(%dma_wait3A_1644 : memref<1000000xf32, #tpu.memory_space<hbm>>) dst(%dma_wait3A_1640 : memref<128xf32, #tpu.memory_space<vmem>>)
      %dma_wait3A_1645 = arith.constant 384 : i32
      %dma_wait3A_1646 = tpu.memref_slice %arg24[%dma_wait3A_1645] : memref<768xf32, #tpu.memory_space<vmem>> -> memref<128xf32, #tpu.memory_space<vmem>>
      %dma_wait3A_1647 = arith.constant 384 : i32
      %dma_wait3A_1648 = tpu.memref_slice %arg22[%dma_wait3A_1647] : memref<768xi32, #tpu.memory_space<vmem>> -> memref<128xi32, #tpu.memory_space<vmem>>
      %dma_wait3A_1649 = arith.constant 0 : i32
      %dma_wait3A_1650 = tpu.memref_slice %arg4[%dma_wait3A_1649] : memref<1000000xf32, #tpu.memory_space<hbm>> -> memref<1000000xf32, #tpu.memory_space<hbm>>
      tpu.wait_indirect_dma semaphore(%arg41 : memref<!tpu.dma_semaphore, #tpu.memory_space<semaphore_mem>>) src(%dma_wait3A_1650 : memref<1000000xf32, #tpu.memory_space<hbm>>) dst(%dma_wait3A_1646 : memref<128xf32, #tpu.memory_space<vmem>>)
      %dma_wait3A_1651 = arith.constant 384 : i32
      %dma_wait3A_1652 = tpu.memref_slice %arg25[%dma_wait3A_1651] : memref<768xf32, #tpu.memory_space<vmem>> -> memref<128xf32, #tpu.memory_space<vmem>>
      %dma_wait3A_1653 = arith.constant 384 : i32
      %dma_wait3A_1654 = tpu.memref_slice %arg22[%dma_wait3A_1653] : memref<768xi32, #tpu.memory_space<vmem>> -> memref<128xi32, #tpu.memory_space<vmem>>
      %dma_wait3A_1655 = arith.constant 0 : i32
      %dma_wait3A_1656 = tpu.memref_slice %arg5[%dma_wait3A_1655] : memref<1000000xf32, #tpu.memory_space<hbm>> -> memref<1000000xf32, #tpu.memory_space<hbm>>
      tpu.wait_indirect_dma semaphore(%arg41 : memref<!tpu.dma_semaphore, #tpu.memory_space<semaphore_mem>>) src(%dma_wait3A_1656 : memref<1000000xf32, #tpu.memory_space<hbm>>) dst(%dma_wait3A_1652 : memref<128xf32, #tpu.memory_space<vmem>>)
      %dma_wait3A_1657 = arith.constant 384 : i32
      %dma_wait3A_1658 = tpu.memref_slice %arg26[%dma_wait3A_1657] : memref<768xf32, #tpu.memory_space<vmem>> -> memref<128xf32, #tpu.memory_space<vmem>>
      %dma_wait3A_1659 = arith.constant 384 : i32
      %dma_wait3A_1660 = tpu.memref_slice %arg22[%dma_wait3A_1659] : memref<768xi32, #tpu.memory_space<vmem>> -> memref<128xi32, #tpu.memory_space<vmem>>
      %dma_wait3A_1661 = arith.constant 0 : i32
      %dma_wait3A_1662 = tpu.memref_slice %arg6[%dma_wait3A_1661] : memref<1000000xf32, #tpu.memory_space<hbm>> -> memref<1000000xf32, #tpu.memory_space<hbm>>
      tpu.wait_indirect_dma semaphore(%arg41 : memref<!tpu.dma_semaphore, #tpu.memory_space<semaphore_mem>>) src(%dma_wait3A_1662 : memref<1000000xf32, #tpu.memory_space<hbm>>) dst(%dma_wait3A_1658 : memref<128xf32, #tpu.memory_space<vmem>>)
      %dma_wait3A_1663 = arith.constant 512 : i32
      %dma_wait3A_1664 = tpu.memref_slice %arg24[%dma_wait3A_1663] : memref<768xf32, #tpu.memory_space<vmem>> -> memref<128xf32, #tpu.memory_space<vmem>>
      %dma_wait3A_1665 = arith.constant 512 : i32
      %dma_wait3A_1666 = tpu.memref_slice %arg22[%dma_wait3A_1665] : memref<768xi32, #tpu.memory_space<vmem>> -> memref<128xi32, #tpu.memory_space<vmem>>
      %dma_wait3A_1667 = arith.constant 0 : i32
      %dma_wait3A_1668 = tpu.memref_slice %arg4[%dma_wait3A_1667] : memref<1000000xf32, #tpu.memory_space<hbm>> -> memref<1000000xf32, #tpu.memory_space<hbm>>
      tpu.wait_indirect_dma semaphore(%arg41 : memref<!tpu.dma_semaphore, #tpu.memory_space<semaphore_mem>>) src(%dma_wait3A_1668 : memref<1000000xf32, #tpu.memory_space<hbm>>) dst(%dma_wait3A_1664 : memref<128xf32, #tpu.memory_space<vmem>>)
      %dma_wait3A_1669 = arith.constant 512 : i32
      %dma_wait3A_1670 = tpu.memref_slice %arg25[%dma_wait3A_1669] : memref<768xf32, #tpu.memory_space<vmem>> -> memref<128xf32, #tpu.memory_space<vmem>>
      %dma_wait3A_1671 = arith.constant 512 : i32
      %dma_wait3A_1672 = tpu.memref_slice %arg22[%dma_wait3A_1671] : memref<768xi32, #tpu.memory_space<vmem>> -> memref<128xi32, #tpu.memory_space<vmem>>
      %dma_wait3A_1673 = arith.constant 0 : i32
      %dma_wait3A_1674 = tpu.memref_slice %arg5[%dma_wait3A_1673] : memref<1000000xf32, #tpu.memory_space<hbm>> -> memref<1000000xf32, #tpu.memory_space<hbm>>
      tpu.wait_indirect_dma semaphore(%arg41 : memref<!tpu.dma_semaphore, #tpu.memory_space<semaphore_mem>>) src(%dma_wait3A_1674 : memref<1000000xf32, #tpu.memory_space<hbm>>) dst(%dma_wait3A_1670 : memref<128xf32, #tpu.memory_space<vmem>>)
      %dma_wait3A_1675 = arith.constant 512 : i32
      %dma_wait3A_1676 = tpu.memref_slice %arg26[%dma_wait3A_1675] : memref<768xf32, #tpu.memory_space<vmem>> -> memref<128xf32, #tpu.memory_space<vmem>>
      %dma_wait3A_1677 = arith.constant 512 : i32
      %dma_wait3A_1678 = tpu.memref_slice %arg22[%dma_wait3A_1677] : memref<768xi32, #tpu.memory_space<vmem>> -> memref<128xi32, #tpu.memory_space<vmem>>
      %dma_wait3A_1679 = arith.constant 0 : i32
      %dma_wait3A_1680 = tpu.memref_slice %arg6[%dma_wait3A_1679] : memref<1000000xf32, #tpu.memory_space<hbm>> -> memref<1000000xf32, #tpu.memory_space<hbm>>
      tpu.wait_indirect_dma semaphore(%arg41 : memref<!tpu.dma_semaphore, #tpu.memory_space<semaphore_mem>>) src(%dma_wait3A_1680 : memref<1000000xf32, #tpu.memory_space<hbm>>) dst(%dma_wait3A_1676 : memref<128xf32, #tpu.memory_space<vmem>>)
      %dma_wait3A_1681 = arith.constant 640 : i32
      %dma_wait3A_1682 = tpu.memref_slice %arg24[%dma_wait3A_1681] : memref<768xf32, #tpu.memory_space<vmem>> -> memref<128xf32, #tpu.memory_space<vmem>>
      %dma_wait3A_1683 = arith.constant 640 : i32
      %dma_wait3A_1684 = tpu.memref_slice %arg22[%dma_wait3A_1683] : memref<768xi32, #tpu.memory_space<vmem>> -> memref<128xi32, #tpu.memory_space<vmem>>
      %dma_wait3A_1685 = arith.constant 0 : i32
      %dma_wait3A_1686 = tpu.memref_slice %arg4[%dma_wait3A_1685] : memref<1000000xf32, #tpu.memory_space<hbm>> -> memref<1000000xf32, #tpu.memory_space<hbm>>
      tpu.wait_indirect_dma semaphore(%arg41 : memref<!tpu.dma_semaphore, #tpu.memory_space<semaphore_mem>>) src(%dma_wait3A_1686 : memref<1000000xf32, #tpu.memory_space<hbm>>) dst(%dma_wait3A_1682 : memref<128xf32, #tpu.memory_space<vmem>>)
      %dma_wait3A_1687 = arith.constant 640 : i32
      %dma_wait3A_1688 = tpu.memref_slice %arg25[%dma_wait3A_1687] : memref<768xf32, #tpu.memory_space<vmem>> -> memref<128xf32, #tpu.memory_space<vmem>>
      %dma_wait3A_1689 = arith.constant 640 : i32
      %dma_wait3A_1690 = tpu.memref_slice %arg22[%dma_wait3A_1689] : memref<768xi32, #tpu.memory_space<vmem>> -> memref<128xi32, #tpu.memory_space<vmem>>
      %dma_wait3A_1691 = arith.constant 0 : i32
      %dma_wait3A_1692 = tpu.memref_slice %arg5[%dma_wait3A_1691] : memref<1000000xf32, #tpu.memory_space<hbm>> -> memref<1000000xf32, #tpu.memory_space<hbm>>
      tpu.wait_indirect_dma semaphore(%arg41 : memref<!tpu.dma_semaphore, #tpu.memory_space<semaphore_mem>>) src(%dma_wait3A_1692 : memref<1000000xf32, #tpu.memory_space<hbm>>) dst(%dma_wait3A_1688 : memref<128xf32, #tpu.memory_space<vmem>>)
      %dma_wait3A_1693 = arith.constant 640 : i32
      %dma_wait3A_1694 = tpu.memref_slice %arg26[%dma_wait3A_1693] : memref<768xf32, #tpu.memory_space<vmem>> -> memref<128xf32, #tpu.memory_space<vmem>>
      %dma_wait3A_1695 = arith.constant 640 : i32
      %dma_wait3A_1696 = tpu.memref_slice %arg22[%dma_wait3A_1695] : memref<768xi32, #tpu.memory_space<vmem>> -> memref<128xi32, #tpu.memory_space<vmem>>
      %dma_wait3A_1697 = arith.constant 0 : i32
      %dma_wait3A_1698 = tpu.memref_slice %arg6[%dma_wait3A_1697] : memref<1000000xf32, #tpu.memory_space<hbm>> -> memref<1000000xf32, #tpu.memory_space<hbm>>
      tpu.wait_indirect_dma semaphore(%arg41 : memref<!tpu.dma_semaphore, #tpu.memory_space<semaphore_mem>>) src(%dma_wait3A_1698 : memref<1000000xf32, #tpu.memory_space<hbm>>) dst(%dma_wait3A_1694 : memref<128xf32, #tpu.memory_space<vmem>>)
      %add3A_1699 = arith.constant 1 : i32
      %add3A_1700 = arith.addi %mul3A_1366, %add3A_1699 : i32
      %dma_wait3A_1701 = arith.constant 0 : i32
      %dma_wait3A_1702 = tpu.memref_slice %arg3[%dma_wait3A_1701] : memref<2000000xi32, #tpu.memory_space<hbm>> -> memref<768xi32, #tpu.memory_space<hbm>>
      %dma_wait3A_1703 = arith.constant 0 : i32
      %dma_wait3A_1704 = tpu.memref_slice %arg3[%dma_wait3A_1703] : memref<2000000xi32, #tpu.memory_space<hbm>> -> memref<768xi32, #tpu.memory_space<hbm>>
      tpu.wait_dma2 semaphore(%arg61 : memref<!tpu.dma_semaphore, #tpu.memory_space<semaphore_mem>>) src(%dma_wait3A_1704 : memref<768xi32, #tpu.memory_space<hbm>>) dst(%arg43 : memref<768xi32, #tpu.memory_space<vmem>>)
      %dma_wait3A_1705 = arith.constant 0 : i32
      %dma_wait3A_1706 = tpu.memref_slice %arg2[%dma_wait3A_1705] : memref<2000000xi32, #tpu.memory_space<hbm>> -> memref<768xi32, #tpu.memory_space<hbm>>
      %dma_wait3A_1707 = arith.constant 0 : i32
      %dma_wait3A_1708 = tpu.memref_slice %arg2[%dma_wait3A_1707] : memref<2000000xi32, #tpu.memory_space<hbm>> -> memref<768xi32, #tpu.memory_space<hbm>>
      tpu.wait_dma2 semaphore(%arg61 : memref<!tpu.dma_semaphore, #tpu.memory_space<semaphore_mem>>) src(%dma_wait3A_1708 : memref<768xi32, #tpu.memory_space<hbm>>) dst(%arg44 : memref<768xi32, #tpu.memory_space<vmem>>)
      %dma_start3A_1709 = arith.constant 0 : i32
      %dma_start3A_1710 = tpu.memref_slice %arg45[%dma_start3A_1709] : memref<768xf32, #tpu.memory_space<vmem>> -> memref<128xf32, #tpu.memory_space<vmem>>
      %dma_start3A_1711 = arith.constant 0 : i32
      %dma_start3A_1712 = tpu.memref_slice %arg43[%dma_start3A_1711] : memref<768xi32, #tpu.memory_space<vmem>> -> memref<128xi32, #tpu.memory_space<vmem>>
      %dma_start3A_1713 = arith.constant 0 : i32
      %dma_start3A_1714 = tpu.memref_slice %arg4[%dma_start3A_1713] : memref<1000000xf32, #tpu.memory_space<hbm>> -> memref<1000000xf32, #tpu.memory_space<hbm>>
      tpu.enqueue_indirect_dma source(%dma_start3A_1714 : memref<1000000xf32, #tpu.memory_space<hbm>>) target(%dma_start3A_1710 : memref<128xf32, #tpu.memory_space<vmem>>) offsets(%dma_start3A_1712 : memref<128xi32, #tpu.memory_space<vmem>>) semaphore(%arg62 : memref<!tpu.dma_semaphore, #tpu.memory_space<semaphore_mem>>)
      %dma_start3A_1715 = arith.constant 0 : i32
      %dma_start3A_1716 = tpu.memref_slice %arg46[%dma_start3A_1715] : memref<768xf32, #tpu.memory_space<vmem>> -> memref<128xf32, #tpu.memory_space<vmem>>
      %dma_start3A_1717 = arith.constant 0 : i32
      %dma_start3A_1718 = tpu.memref_slice %arg43[%dma_start3A_1717] : memref<768xi32, #tpu.memory_space<vmem>> -> memref<128xi32, #tpu.memory_space<vmem>>
      %dma_start3A_1719 = arith.constant 0 : i32
      %dma_start3A_1720 = tpu.memref_slice %arg5[%dma_start3A_1719] : memref<1000000xf32, #tpu.memory_space<hbm>> -> memref<1000000xf32, #tpu.memory_space<hbm>>
      tpu.enqueue_indirect_dma source(%dma_start3A_1720 : memref<1000000xf32, #tpu.memory_space<hbm>>) target(%dma_start3A_1716 : memref<128xf32, #tpu.memory_space<vmem>>) offsets(%dma_start3A_1718 : memref<128xi32, #tpu.memory_space<vmem>>) semaphore(%arg62 : memref<!tpu.dma_semaphore, #tpu.memory_space<semaphore_mem>>)
      %dma_start3A_1721 = arith.constant 0 : i32
      %dma_start3A_1722 = tpu.memref_slice %arg47[%dma_start3A_1721] : memref<768xf32, #tpu.memory_space<vmem>> -> memref<128xf32, #tpu.memory_space<vmem>>
      %dma_start3A_1723 = arith.constant 0 : i32
      %dma_start3A_1724 = tpu.memref_slice %arg43[%dma_start3A_1723] : memref<768xi32, #tpu.memory_space<vmem>> -> memref<128xi32, #tpu.memory_space<vmem>>
      %dma_start3A_1725 = arith.constant 0 : i32
      %dma_start3A_1726 = tpu.memref_slice %arg6[%dma_start3A_1725] : memref<1000000xf32, #tpu.memory_space<hbm>> -> memref<1000000xf32, #tpu.memory_space<hbm>>
      tpu.enqueue_indirect_dma source(%dma_start3A_1726 : memref<1000000xf32, #tpu.memory_space<hbm>>) target(%dma_start3A_1722 : memref<128xf32, #tpu.memory_space<vmem>>) offsets(%dma_start3A_1724 : memref<128xi32, #tpu.memory_space<vmem>>) semaphore(%arg62 : memref<!tpu.dma_semaphore, #tpu.memory_space<semaphore_mem>>)
      %dma_start3A_1727 = arith.constant 128 : i32
      %dma_start3A_1728 = tpu.memref_slice %arg45[%dma_start3A_1727] : memref<768xf32, #tpu.memory_space<vmem>> -> memref<128xf32, #tpu.memory_space<vmem>>
      %dma_start3A_1729 = arith.constant 128 : i32
      %dma_start3A_1730 = tpu.memref_slice %arg43[%dma_start3A_1729] : memref<768xi32, #tpu.memory_space<vmem>> -> memref<128xi32, #tpu.memory_space<vmem>>
      %dma_start3A_1731 = arith.constant 0 : i32
      %dma_start3A_1732 = tpu.memref_slice %arg4[%dma_start3A_1731] : memref<1000000xf32, #tpu.memory_space<hbm>> -> memref<1000000xf32, #tpu.memory_space<hbm>>
      tpu.enqueue_indirect_dma source(%dma_start3A_1732 : memref<1000000xf32, #tpu.memory_space<hbm>>) target(%dma_start3A_1728 : memref<128xf32, #tpu.memory_space<vmem>>) offsets(%dma_start3A_1730 : memref<128xi32, #tpu.memory_space<vmem>>) semaphore(%arg62 : memref<!tpu.dma_semaphore, #tpu.memory_space<semaphore_mem>>)
      %dma_start3A_1733 = arith.constant 128 : i32
      %dma_start3A_1734 = tpu.memref_slice %arg46[%dma_start3A_1733] : memref<768xf32, #tpu.memory_space<vmem>> -> memref<128xf32, #tpu.memory_space<vmem>>
      %dma_start3A_1735 = arith.constant 128 : i32
      %dma_start3A_1736 = tpu.memref_slice %arg43[%dma_start3A_1735] : memref<768xi32, #tpu.memory_space<vmem>> -> memref<128xi32, #tpu.memory_space<vmem>>
      %dma_start3A_1737 = arith.constant 0 : i32
      %dma_start3A_1738 = tpu.memref_slice %arg5[%dma_start3A_1737] : memref<1000000xf32, #tpu.memory_space<hbm>> -> memref<1000000xf32, #tpu.memory_space<hbm>>
      tpu.enqueue_indirect_dma source(%dma_start3A_1738 : memref<1000000xf32, #tpu.memory_space<hbm>>) target(%dma_start3A_1734 : memref<128xf32, #tpu.memory_space<vmem>>) offsets(%dma_start3A_1736 : memref<128xi32, #tpu.memory_space<vmem>>) semaphore(%arg62 : memref<!tpu.dma_semaphore, #tpu.memory_space<semaphore_mem>>)
      %dma_start3A_1739 = arith.constant 128 : i32
      %dma_start3A_1740 = tpu.memref_slice %arg47[%dma_start3A_1739] : memref<768xf32, #tpu.memory_space<vmem>> -> memref<128xf32, #tpu.memory_space<vmem>>
      %dma_start3A_1741 = arith.constant 128 : i32
      %dma_start3A_1742 = tpu.memref_slice %arg43[%dma_start3A_1741] : memref<768xi32, #tpu.memory_space<vmem>> -> memref<128xi32, #tpu.memory_space<vmem>>
      %dma_start3A_1743 = arith.constant 0 : i32
      %dma_start3A_1744 = tpu.memref_slice %arg6[%dma_start3A_1743] : memref<1000000xf32, #tpu.memory_space<hbm>> -> memref<1000000xf32, #tpu.memory_space<hbm>>
      tpu.enqueue_indirect_dma source(%dma_start3A_1744 : memref<1000000xf32, #tpu.memory_space<hbm>>) target(%dma_start3A_1740 : memref<128xf32, #tpu.memory_space<vmem>>) offsets(%dma_start3A_1742 : memref<128xi32, #tpu.memory_space<vmem>>) semaphore(%arg62 : memref<!tpu.dma_semaphore, #tpu.memory_space<semaphore_mem>>)
      %dma_start3A_1745 = arith.constant 256 : i32
      %dma_start3A_1746 = tpu.memref_slice %arg45[%dma_start3A_1745] : memref<768xf32, #tpu.memory_space<vmem>> -> memref<128xf32, #tpu.memory_space<vmem>>
      %dma_start3A_1747 = arith.constant 256 : i32
      %dma_start3A_1748 = tpu.memref_slice %arg43[%dma_start3A_1747] : memref<768xi32, #tpu.memory_space<vmem>> -> memref<128xi32, #tpu.memory_space<vmem>>
      %dma_start3A_1749 = arith.constant 0 : i32
      %dma_start3A_1750 = tpu.memref_slice %arg4[%dma_start3A_1749] : memref<1000000xf32, #tpu.memory_space<hbm>> -> memref<1000000xf32, #tpu.memory_space<hbm>>
      tpu.enqueue_indirect_dma source(%dma_start3A_1750 : memref<1000000xf32, #tpu.memory_space<hbm>>) target(%dma_start3A_1746 : memref<128xf32, #tpu.memory_space<vmem>>) offsets(%dma_start3A_1748 : memref<128xi32, #tpu.memory_space<vmem>>) semaphore(%arg62 : memref<!tpu.dma_semaphore, #tpu.memory_space<semaphore_mem>>)
      %dma_start3A_1751 = arith.constant 256 : i32
      %dma_start3A_1752 = tpu.memref_slice %arg46[%dma_start3A_1751] : memref<768xf32, #tpu.memory_space<vmem>> -> memref<128xf32, #tpu.memory_space<vmem>>
      %dma_start3A_1753 = arith.constant 256 : i32
      %dma_start3A_1754 = tpu.memref_slice %arg43[%dma_start3A_1753] : memref<768xi32, #tpu.memory_space<vmem>> -> memref<128xi32, #tpu.memory_space<vmem>>
      %dma_start3A_1755 = arith.constant 0 : i32
      %dma_start3A_1756 = tpu.memref_slice %arg5[%dma_start3A_1755] : memref<1000000xf32, #tpu.memory_space<hbm>> -> memref<1000000xf32, #tpu.memory_space<hbm>>
      tpu.enqueue_indirect_dma source(%dma_start3A_1756 : memref<1000000xf32, #tpu.memory_space<hbm>>) target(%dma_start3A_1752 : memref<128xf32, #tpu.memory_space<vmem>>) offsets(%dma_start3A_1754 : memref<128xi32, #tpu.memory_space<vmem>>) semaphore(%arg62 : memref<!tpu.dma_semaphore, #tpu.memory_space<semaphore_mem>>)
      %dma_start3A_1757 = arith.constant 256 : i32
      %dma_start3A_1758 = tpu.memref_slice %arg47[%dma_start3A_1757] : memref<768xf32, #tpu.memory_space<vmem>> -> memref<128xf32, #tpu.memory_space<vmem>>
      %dma_start3A_1759 = arith.constant 256 : i32
      %dma_start3A_1760 = tpu.memref_slice %arg43[%dma_start3A_1759] : memref<768xi32, #tpu.memory_space<vmem>> -> memref<128xi32, #tpu.memory_space<vmem>>
      %dma_start3A_1761 = arith.constant 0 : i32
      %dma_start3A_1762 = tpu.memref_slice %arg6[%dma_start3A_1761] : memref<1000000xf32, #tpu.memory_space<hbm>> -> memref<1000000xf32, #tpu.memory_space<hbm>>
      tpu.enqueue_indirect_dma source(%dma_start3A_1762 : memref<1000000xf32, #tpu.memory_space<hbm>>) target(%dma_start3A_1758 : memref<128xf32, #tpu.memory_space<vmem>>) offsets(%dma_start3A_1760 : memref<128xi32, #tpu.memory_space<vmem>>) semaphore(%arg62 : memref<!tpu.dma_semaphore, #tpu.memory_space<semaphore_mem>>)
      %dma_start3A_1763 = arith.constant 384 : i32
      %dma_start3A_1764 = tpu.memref_slice %arg45[%dma_start3A_1763] : memref<768xf32, #tpu.memory_space<vmem>> -> memref<128xf32, #tpu.memory_space<vmem>>
      %dma_start3A_1765 = arith.constant 384 : i32
      %dma_start3A_1766 = tpu.memref_slice %arg43[%dma_start3A_1765] : memref<768xi32, #tpu.memory_space<vmem>> -> memref<128xi32, #tpu.memory_space<vmem>>
      %dma_start3A_1767 = arith.constant 0 : i32
      %dma_start3A_1768 = tpu.memref_slice %arg4[%dma_start3A_1767] : memref<1000000xf32, #tpu.memory_space<hbm>> -> memref<1000000xf32, #tpu.memory_space<hbm>>
      tpu.enqueue_indirect_dma source(%dma_start3A_1768 : memref<1000000xf32, #tpu.memory_space<hbm>>) target(%dma_start3A_1764 : memref<128xf32, #tpu.memory_space<vmem>>) offsets(%dma_start3A_1766 : memref<128xi32, #tpu.memory_space<vmem>>) semaphore(%arg62 : memref<!tpu.dma_semaphore, #tpu.memory_space<semaphore_mem>>)
      %dma_start3A_1769 = arith.constant 384 : i32
      %dma_start3A_1770 = tpu.memref_slice %arg46[%dma_start3A_1769] : memref<768xf32, #tpu.memory_space<vmem>> -> memref<128xf32, #tpu.memory_space<vmem>>
      %dma_start3A_1771 = arith.constant 384 : i32
      %dma_start3A_1772 = tpu.memref_slice %arg43[%dma_start3A_1771] : memref<768xi32, #tpu.memory_space<vmem>> -> memref<128xi32, #tpu.memory_space<vmem>>
      %dma_start3A_1773 = arith.constant 0 : i32
      %dma_start3A_1774 = tpu.memref_slice %arg5[%dma_start3A_1773] : memref<1000000xf32, #tpu.memory_space<hbm>> -> memref<1000000xf32, #tpu.memory_space<hbm>>
      tpu.enqueue_indirect_dma source(%dma_start3A_1774 : memref<1000000xf32, #tpu.memory_space<hbm>>) target(%dma_start3A_1770 : memref<128xf32, #tpu.memory_space<vmem>>) offsets(%dma_start3A_1772 : memref<128xi32, #tpu.memory_space<vmem>>) semaphore(%arg62 : memref<!tpu.dma_semaphore, #tpu.memory_space<semaphore_mem>>)
      %dma_start3A_1775 = arith.constant 384 : i32
      %dma_start3A_1776 = tpu.memref_slice %arg47[%dma_start3A_1775] : memref<768xf32, #tpu.memory_space<vmem>> -> memref<128xf32, #tpu.memory_space<vmem>>
      %dma_start3A_1777 = arith.constant 384 : i32
      %dma_start3A_1778 = tpu.memref_slice %arg43[%dma_start3A_1777] : memref<768xi32, #tpu.memory_space<vmem>> -> memref<128xi32, #tpu.memory_space<vmem>>
      %dma_start3A_1779 = arith.constant 0 : i32
      %dma_start3A_1780 = tpu.memref_slice %arg6[%dma_start3A_1779] : memref<1000000xf32, #tpu.memory_space<hbm>> -> memref<1000000xf32, #tpu.memory_space<hbm>>
      tpu.enqueue_indirect_dma source(%dma_start3A_1780 : memref<1000000xf32, #tpu.memory_space<hbm>>) target(%dma_start3A_1776 : memref<128xf32, #tpu.memory_space<vmem>>) offsets(%dma_start3A_1778 : memref<128xi32, #tpu.memory_space<vmem>>) semaphore(%arg62 : memref<!tpu.dma_semaphore, #tpu.memory_space<semaphore_mem>>)
      %dma_start3A_1781 = arith.constant 512 : i32
      %dma_start3A_1782 = tpu.memref_slice %arg45[%dma_start3A_1781] : memref<768xf32, #tpu.memory_space<vmem>> -> memref<128xf32, #tpu.memory_space<vmem>>
      %dma_start3A_1783 = arith.constant 512 : i32
      %dma_start3A_1784 = tpu.memref_slice %arg43[%dma_start3A_1783] : memref<768xi32, #tpu.memory_space<vmem>> -> memref<128xi32, #tpu.memory_space<vmem>>
      %dma_start3A_1785 = arith.constant 0 : i32
      %dma_start3A_1786 = tpu.memref_slice %arg4[%dma_start3A_1785] : memref<1000000xf32, #tpu.memory_space<hbm>> -> memref<1000000xf32, #tpu.memory_space<hbm>>
      tpu.enqueue_indirect_dma source(%dma_start3A_1786 : memref<1000000xf32, #tpu.memory_space<hbm>>) target(%dma_start3A_1782 : memref<128xf32, #tpu.memory_space<vmem>>) offsets(%dma_start3A_1784 : memref<128xi32, #tpu.memory_space<vmem>>) semaphore(%arg62 : memref<!tpu.dma_semaphore, #tpu.memory_space<semaphore_mem>>)
      %dma_start3A_1787 = arith.constant 512 : i32
      %dma_start3A_1788 = tpu.memref_slice %arg46[%dma_start3A_1787] : memref<768xf32, #tpu.memory_space<vmem>> -> memref<128xf32, #tpu.memory_space<vmem>>
      %dma_start3A_1789 = arith.constant 512 : i32
      %dma_start3A_1790 = tpu.memref_slice %arg43[%dma_start3A_1789] : memref<768xi32, #tpu.memory_space<vmem>> -> memref<128xi32, #tpu.memory_space<vmem>>
      %dma_start3A_1791 = arith.constant 0 : i32
      %dma_start3A_1792 = tpu.memref_slice %arg5[%dma_start3A_1791] : memref<1000000xf32, #tpu.memory_space<hbm>> -> memref<1000000xf32, #tpu.memory_space<hbm>>
      tpu.enqueue_indirect_dma source(%dma_start3A_1792 : memref<1000000xf32, #tpu.memory_space<hbm>>) target(%dma_start3A_1788 : memref<128xf32, #tpu.memory_space<vmem>>) offsets(%dma_start3A_1790 : memref<128xi32, #tpu.memory_space<vmem>>) semaphore(%arg62 : memref<!tpu.dma_semaphore, #tpu.memory_space<semaphore_mem>>)
      %dma_start3A_1793 = arith.constant 512 : i32
      %dma_start3A_1794 = tpu.memref_slice %arg47[%dma_start3A_1793] : memref<768xf32, #tpu.memory_space<vmem>> -> memref<128xf32, #tpu.memory_space<vmem>>
      %dma_start3A_1795 = arith.constant 512 : i32
      %dma_start3A_1796 = tpu.memref_slice %arg43[%dma_start3A_1795] : memref<768xi32, #tpu.memory_space<vmem>> -> memref<128xi32, #tpu.memory_space<vmem>>
      %dma_start3A_1797 = arith.constant 0 : i32
      %dma_start3A_1798 = tpu.memref_slice %arg6[%dma_start3A_1797] : memref<1000000xf32, #tpu.memory_space<hbm>> -> memref<1000000xf32, #tpu.memory_space<hbm>>
      tpu.enqueue_indirect_dma source(%dma_start3A_1798 : memref<1000000xf32, #tpu.memory_space<hbm>>) target(%dma_start3A_1794 : memref<128xf32, #tpu.memory_space<vmem>>) offsets(%dma_start3A_1796 : memref<128xi32, #tpu.memory_space<vmem>>) semaphore(%arg62 : memref<!tpu.dma_semaphore, #tpu.memory_space<semaphore_mem>>)
      %dma_start3A_1799 = arith.constant 640 : i32
      %dma_start3A_1800 = tpu.memref_slice %arg45[%dma_start3A_1799] : memref<768xf32, #tpu.memory_space<vmem>> -> memref<128xf32, #tpu.memory_space<vmem>>
      %dma_start3A_1801 = arith.constant 640 : i32
      %dma_start3A_1802 = tpu.memref_slice %arg43[%dma_start3A_1801] : memref<768xi32, #tpu.memory_space<vmem>> -> memref<128xi32, #tpu.memory_space<vmem>>
      %dma_start3A_1803 = arith.constant 0 : i32
      %dma_start3A_1804 = tpu.memref_slice %arg4[%dma_start3A_1803] : memref<1000000xf32, #tpu.memory_space<hbm>> -> memref<1000000xf32, #tpu.memory_space<hbm>>
      tpu.enqueue_indirect_dma source(%dma_start3A_1804 : memref<1000000xf32, #tpu.memory_space<hbm>>) target(%dma_start3A_1800 : memref<128xf32, #tpu.memory_space<vmem>>) offsets(%dma_start3A_1802 : memref<128xi32, #tpu.memory_space<vmem>>) semaphore(%arg62 : memref<!tpu.dma_semaphore, #tpu.memory_space<semaphore_mem>>)
      %dma_start3A_1805 = arith.constant 640 : i32
      %dma_start3A_1806 = tpu.memref_slice %arg46[%dma_start3A_1805] : memref<768xf32, #tpu.memory_space<vmem>> -> memref<128xf32, #tpu.memory_space<vmem>>
      %dma_start3A_1807 = arith.constant 640 : i32
      %dma_start3A_1808 = tpu.memref_slice %arg43[%dma_start3A_1807] : memref<768xi32, #tpu.memory_space<vmem>> -> memref<128xi32, #tpu.memory_space<vmem>>
      %dma_start3A_1809 = arith.constant 0 : i32
      %dma_start3A_1810 = tpu.memref_slice %arg5[%dma_start3A_1809] : memref<1000000xf32, #tpu.memory_space<hbm>> -> memref<1000000xf32, #tpu.memory_space<hbm>>
      tpu.enqueue_indirect_dma source(%dma_start3A_1810 : memref<1000000xf32, #tpu.memory_space<hbm>>) target(%dma_start3A_1806 : memref<128xf32, #tpu.memory_space<vmem>>) offsets(%dma_start3A_1808 : memref<128xi32, #tpu.memory_space<vmem>>) semaphore(%arg62 : memref<!tpu.dma_semaphore, #tpu.memory_space<semaphore_mem>>)
      %dma_start3A_1811 = arith.constant 640 : i32
      %dma_start3A_1812 = tpu.memref_slice %arg47[%dma_start3A_1811] : memref<768xf32, #tpu.memory_space<vmem>> -> memref<128xf32, #tpu.memory_space<vmem>>
      %dma_start3A_1813 = arith.constant 640 : i32
      %dma_start3A_1814 = tpu.memref_slice %arg43[%dma_start3A_1813] : memref<768xi32, #tpu.memory_space<vmem>> -> memref<128xi32, #tpu.memory_space<vmem>>
      %dma_start3A_1815 = arith.constant 0 : i32
      %dma_start3A_1816 = tpu.memref_slice %arg6[%dma_start3A_1815] : memref<1000000xf32, #tpu.memory_space<hbm>> -> memref<1000000xf32, #tpu.memory_space<hbm>>
      tpu.enqueue_indirect_dma source(%dma_start3A_1816 : memref<1000000xf32, #tpu.memory_space<hbm>>) target(%dma_start3A_1812 : memref<128xf32, #tpu.memory_space<vmem>>) offsets(%dma_start3A_1814 : memref<128xi32, #tpu.memory_space<vmem>>) semaphore(%arg62 : memref<!tpu.dma_semaphore, #tpu.memory_space<semaphore_mem>>)
      %dma_wait3A_1817 = arith.constant 0 : i32
      %dma_wait3A_1818 = tpu.memref_slice %arg8[%dma_wait3A_1817] : memref<2000000xf32, #tpu.memory_space<hbm>> -> memref<768xf32, #tpu.memory_space<hbm>>
      %dma_wait3A_1819 = arith.constant 0 : i32
      %dma_wait3A_1820 = tpu.memref_slice %arg8[%dma_wait3A_1819] : memref<2000000xf32, #tpu.memory_space<hbm>> -> memref<768xf32, #tpu.memory_space<hbm>>
      tpu.wait_dma2 semaphore(%arg42 : memref<!tpu.dma_semaphore, #tpu.memory_space<semaphore_mem>>) src(%arg27 : memref<768xf32, #tpu.memory_space<vmem>>) dst(%dma_wait3A_1820 : memref<768xf32, #tpu.memory_space<hbm>>)
      %dma_wait3A_1821 = arith.constant 0 : i32
      %dma_wait3A_1822 = tpu.memref_slice %arg9[%dma_wait3A_1821] : memref<2000000xf32, #tpu.memory_space<hbm>> -> memref<768xf32, #tpu.memory_space<hbm>>
      %dma_wait3A_1823 = arith.constant 0 : i32
      %dma_wait3A_1824 = tpu.memref_slice %arg9[%dma_wait3A_1823] : memref<2000000xf32, #tpu.memory_space<hbm>> -> memref<768xf32, #tpu.memory_space<hbm>>
      tpu.wait_dma2 semaphore(%arg42 : memref<!tpu.dma_semaphore, #tpu.memory_space<semaphore_mem>>) src(%arg28 : memref<768xf32, #tpu.memory_space<vmem>>) dst(%dma_wait3A_1824 : memref<768xf32, #tpu.memory_space<hbm>>)
      %dma_wait3A_1825 = arith.constant 0 : i32
      %dma_wait3A_1826 = tpu.memref_slice %arg10[%dma_wait3A_1825] : memref<2000000xf32, #tpu.memory_space<hbm>> -> memref<768xf32, #tpu.memory_space<hbm>>
      %dma_wait3A_1827 = arith.constant 0 : i32
      %dma_wait3A_1828 = tpu.memref_slice %arg10[%dma_wait3A_1827] : memref<2000000xf32, #tpu.memory_space<hbm>> -> memref<768xf32, #tpu.memory_space<hbm>>
      tpu.wait_dma2 semaphore(%arg42 : memref<!tpu.dma_semaphore, #tpu.memory_space<semaphore_mem>>) src(%arg29 : memref<768xf32, #tpu.memory_space<vmem>>) dst(%dma_wait3A_1828 : memref<768xf32, #tpu.memory_space<hbm>>)
      %dma_wait3A_1829 = arith.constant 0 : i32
      %dma_wait3A_1830 = tpu.memref_slice %arg11[%dma_wait3A_1829] : memref<2000000xf32, #tpu.memory_space<hbm>> -> memref<768xf32, #tpu.memory_space<hbm>>
      %dma_wait3A_1831 = arith.constant 0 : i32
      %dma_wait3A_1832 = tpu.memref_slice %arg11[%dma_wait3A_1831] : memref<2000000xf32, #tpu.memory_space<hbm>> -> memref<768xf32, #tpu.memory_space<hbm>>
      tpu.wait_dma2 semaphore(%arg42 : memref<!tpu.dma_semaphore, #tpu.memory_space<semaphore_mem>>) src(%arg30 : memref<768xf32, #tpu.memory_space<vmem>>) dst(%dma_wait3A_1832 : memref<768xf32, #tpu.memory_space<hbm>>)
      %dma_wait3A_1833 = arith.constant 0 : i32
      %dma_wait3A_1834 = tpu.memref_slice %arg12[%dma_wait3A_1833] : memref<2000000xf32, #tpu.memory_space<hbm>> -> memref<768xf32, #tpu.memory_space<hbm>>
      %dma_wait3A_1835 = arith.constant 0 : i32
      %dma_wait3A_1836 = tpu.memref_slice %arg12[%dma_wait3A_1835] : memref<2000000xf32, #tpu.memory_space<hbm>> -> memref<768xf32, #tpu.memory_space<hbm>>
      tpu.wait_dma2 semaphore(%arg42 : memref<!tpu.dma_semaphore, #tpu.memory_space<semaphore_mem>>) src(%arg31 : memref<768xf32, #tpu.memory_space<vmem>>) dst(%dma_wait3A_1836 : memref<768xf32, #tpu.memory_space<hbm>>)
      %dma_wait3A_1837 = arith.constant 0 : i32
      %dma_wait3A_1838 = tpu.memref_slice %arg13[%dma_wait3A_1837] : memref<2000000xf32, #tpu.memory_space<hbm>> -> memref<768xf32, #tpu.memory_space<hbm>>
      %dma_wait3A_1839 = arith.constant 0 : i32
      %dma_wait3A_1840 = tpu.memref_slice %arg13[%dma_wait3A_1839] : memref<2000000xf32, #tpu.memory_space<hbm>> -> memref<768xf32, #tpu.memory_space<hbm>>
      tpu.wait_dma2 semaphore(%arg42 : memref<!tpu.dma_semaphore, #tpu.memory_space<semaphore_mem>>) src(%arg32 : memref<768xf32, #tpu.memory_space<vmem>>) dst(%dma_wait3A_1840 : memref<768xf32, #tpu.memory_space<hbm>>)
      %dma_wait3A_1841 = arith.constant 0 : i32
      %dma_wait3A_1842 = tpu.memref_slice %arg14[%dma_wait3A_1841] : memref<2000000xf32, #tpu.memory_space<hbm>> -> memref<768xf32, #tpu.memory_space<hbm>>
      %dma_wait3A_1843 = arith.constant 0 : i32
      %dma_wait3A_1844 = tpu.memref_slice %arg14[%dma_wait3A_1843] : memref<2000000xf32, #tpu.memory_space<hbm>> -> memref<768xf32, #tpu.memory_space<hbm>>
      tpu.wait_dma2 semaphore(%arg42 : memref<!tpu.dma_semaphore, #tpu.memory_space<semaphore_mem>>) src(%arg33 : memref<768xf32, #tpu.memory_space<vmem>>) dst(%dma_wait3A_1844 : memref<768xf32, #tpu.memory_space<hbm>>)
      %dma_wait3A_1845 = arith.constant 0 : i32
      %dma_wait3A_1846 = tpu.memref_slice %arg15[%dma_wait3A_1845] : memref<2000000xf32, #tpu.memory_space<hbm>> -> memref<768xf32, #tpu.memory_space<hbm>>
      %dma_wait3A_1847 = arith.constant 0 : i32
      %dma_wait3A_1848 = tpu.memref_slice %arg15[%dma_wait3A_1847] : memref<2000000xf32, #tpu.memory_space<hbm>> -> memref<768xf32, #tpu.memory_space<hbm>>
      tpu.wait_dma2 semaphore(%arg42 : memref<!tpu.dma_semaphore, #tpu.memory_space<semaphore_mem>>) src(%arg34 : memref<768xf32, #tpu.memory_space<vmem>>) dst(%dma_wait3A_1848 : memref<768xf32, #tpu.memory_space<hbm>>)
      %dma_wait3A_1849 = arith.constant 0 : i32
      %dma_wait3A_1850 = tpu.memref_slice %arg16[%dma_wait3A_1849] : memref<2000000xf32, #tpu.memory_space<hbm>> -> memref<768xf32, #tpu.memory_space<hbm>>
      %dma_wait3A_1851 = arith.constant 0 : i32
      %dma_wait3A_1852 = tpu.memref_slice %arg16[%dma_wait3A_1851] : memref<2000000xf32, #tpu.memory_space<hbm>> -> memref<768xf32, #tpu.memory_space<hbm>>
      tpu.wait_dma2 semaphore(%arg42 : memref<!tpu.dma_semaphore, #tpu.memory_space<semaphore_mem>>) src(%arg35 : memref<768xf32, #tpu.memory_space<vmem>>) dst(%dma_wait3A_1852 : memref<768xf32, #tpu.memory_space<hbm>>)
      %dma_wait3A_1853 = arith.constant 0 : i32
      %dma_wait3A_1854 = tpu.memref_slice %arg17[%dma_wait3A_1853] : memref<2000000xf32, #tpu.memory_space<hbm>> -> memref<768xf32, #tpu.memory_space<hbm>>
      %dma_wait3A_1855 = arith.constant 0 : i32
      %dma_wait3A_1856 = tpu.memref_slice %arg17[%dma_wait3A_1855] : memref<2000000xf32, #tpu.memory_space<hbm>> -> memref<768xf32, #tpu.memory_space<hbm>>
      tpu.wait_dma2 semaphore(%arg42 : memref<!tpu.dma_semaphore, #tpu.memory_space<semaphore_mem>>) src(%arg36 : memref<768xf32, #tpu.memory_space<vmem>>) dst(%dma_wait3A_1856 : memref<768xf32, #tpu.memory_space<hbm>>)
      %dma_wait3A_1857 = arith.constant 0 : i32
      %dma_wait3A_1858 = tpu.memref_slice %arg18[%dma_wait3A_1857] : memref<2000000xf32, #tpu.memory_space<hbm>> -> memref<768xf32, #tpu.memory_space<hbm>>
      %dma_wait3A_1859 = arith.constant 0 : i32
      %dma_wait3A_1860 = tpu.memref_slice %arg18[%dma_wait3A_1859] : memref<2000000xf32, #tpu.memory_space<hbm>> -> memref<768xf32, #tpu.memory_space<hbm>>
      tpu.wait_dma2 semaphore(%arg42 : memref<!tpu.dma_semaphore, #tpu.memory_space<semaphore_mem>>) src(%arg37 : memref<768xf32, #tpu.memory_space<vmem>>) dst(%dma_wait3A_1860 : memref<768xf32, #tpu.memory_space<hbm>>)
      %dma_wait3A_1861 = arith.constant 0 : i32
      %dma_wait3A_1862 = tpu.memref_slice %arg19[%dma_wait3A_1861] : memref<2000000xf32, #tpu.memory_space<hbm>> -> memref<768xf32, #tpu.memory_space<hbm>>
      %dma_wait3A_1863 = arith.constant 0 : i32
      %dma_wait3A_1864 = tpu.memref_slice %arg19[%dma_wait3A_1863] : memref<2000000xf32, #tpu.memory_space<hbm>> -> memref<768xf32, #tpu.memory_space<hbm>>
      tpu.wait_dma2 semaphore(%arg42 : memref<!tpu.dma_semaphore, #tpu.memory_space<semaphore_mem>>) src(%arg38 : memref<768xf32, #tpu.memory_space<vmem>>) dst(%dma_wait3A_1864 : memref<768xf32, #tpu.memory_space<hbm>>)
      %dma_wait3A_1865 = arith.constant 0 : i32
      %dma_wait3A_1866 = tpu.memref_slice %arg20[%dma_wait3A_1865] : memref<2000000xf32, #tpu.memory_space<hbm>> -> memref<768xf32, #tpu.memory_space<hbm>>
      %dma_wait3A_1867 = arith.constant 0 : i32
      %dma_wait3A_1868 = tpu.memref_slice %arg20[%dma_wait3A_1867] : memref<2000000xf32, #tpu.memory_space<hbm>> -> memref<768xf32, #tpu.memory_space<hbm>>
      tpu.wait_dma2 semaphore(%arg42 : memref<!tpu.dma_semaphore, #tpu.memory_space<semaphore_mem>>) src(%arg39 : memref<768xf32, #tpu.memory_space<vmem>>) dst(%dma_wait3A_1868 : memref<768xf32, #tpu.memory_space<hbm>>)
      %scan3A_1869 = arith.constant 0 : i32
      %scan3A_1870 = arith.constant 0 : i32
      %scan3A_1871 = arith.constant 48 : i32
      %scan3A_1872 = arith.addi %scan3A_1870, %scan3A_1871 : i32
      %scan3A_1873 = arith.constant 1 : i32
      scf.for %scan3A_2033 = %scan3A_1870 to %scan3A_1872 step %scan3A_1873  : i32 {
        %mul3A_2034 = arith.constant 16 : i32
        %mul3A_2035 = arith.muli %scan3A_2033, %mul3A_2034 : i32
        %get3A = arith.index_cast %mul3A_2035 : i32 to index
        %get3A_2036 = tpu.vector_load %arg23[%get3A] {strides = array<i32>} : memref<768xi32, #tpu.memory_space<vmem>>, vector<16xi32>,
        %mul3A_2037 = arith.constant 10 : i32
        %mul3A_2038 = vector.broadcast %mul3A_2037 : i32 to vector<16xi32>
        %mul3A_2039 = arith.muli %get3A_2036, %mul3A_2038 : vector<16xi32>
        %get3A_2040 = arith.index_cast %mul3A_2035 : i32 to index
        %get3A_2041 = tpu.vector_load %arg24[%get3A_2040] {strides = array<i32>} : memref<768xf32, #tpu.memory_space<vmem>>, vector<16xf32>,
        %swap3A = arith.index_cast %mul3A_2035 : i32 to index
        %swap3A_2042 = tpu.vector_load %arg27[%swap3A] {strides = array<i32>} : memref<768xf32, #tpu.memory_space<vmem>>, vector<16xf32>,
        tpu.vector_store %arg27[%swap3A], %get3A_2041 {strides = array<i32>} : memref<768xf32, #tpu.memory_space<vmem>>, vector<16xf32>,
        %get3A_2043 = arith.index_cast %mul3A_2035 : i32 to index
        %get3A_2044 = tpu.vector_load %arg25[%get3A_2043] {strides = array<i32>} : memref<768xf32, #tpu.memory_space<vmem>>, vector<16xf32>,
        %swap3A_2045 = arith.index_cast %mul3A_2035 : i32 to index
        %swap3A_2046 = tpu.vector_load %arg28[%swap3A_2045] {strides = array<i32>} : memref<768xf32, #tpu.memory_space<vmem>>, vector<16xf32>,
        tpu.vector_store %arg28[%swap3A_2045], %get3A_2044 {strides = array<i32>} : memref<768xf32, #tpu.memory_space<vmem>>, vector<16xf32>,
        %get3A_2047 = arith.index_cast %mul3A_2035 : i32 to index
        %get3A_2048 = tpu.vector_load %arg26[%get3A_2047] {strides = array<i32>} : memref<768xf32, #tpu.memory_space<vmem>>, vector<16xf32>,
        %swap3A_2049 = arith.index_cast %mul3A_2035 : i32 to index
        %swap3A_2050 = tpu.vector_load %arg29[%swap3A_2049] {strides = array<i32>} : memref<768xf32, #tpu.memory_space<vmem>>, vector<16xf32>,
        tpu.vector_store %arg29[%swap3A_2049], %get3A_2048 {strides = array<i32>} : memref<768xf32, #tpu.memory_space<vmem>>, vector<16xf32>,
        %add3A_2051 = arith.constant 0 : i32
        %add3A_2052 = vector.broadcast %add3A_2051 : i32 to vector<16xi32>
        %add3A_2053 = arith.addi %mul3A_2039, %add3A_2052 : vector<16xi32>
        %gather3A = tpu.vector_load_idx %arg21[%add3A_2053] : memref<100000xf32, #tpu.memory_space<vmem>>[vector<16xi32>], vector<16xf32>,
        %swap3A_2054 = arith.index_cast %mul3A_2035 : i32 to index
        %swap3A_2055 = tpu.vector_load %arg30[%swap3A_2054] {strides = array<i32>} : memref<768xf32, #tpu.memory_space<vmem>>, vector<16xf32>,
        tpu.vector_store %arg30[%swap3A_2054], %gather3A {strides = array<i32>} : memref<768xf32, #tpu.memory_space<vmem>>, vector<16xf32>,
        %add3A_2056 = arith.constant 1 : i32
        %add3A_2057 = vector.broadcast %add3A_2056 : i32 to vector<16xi32>
        %add3A_2058 = arith.addi %mul3A_2039, %add3A_2057 : vector<16xi32>
        %gather3A_2059 = tpu.vector_load_idx %arg21[%add3A_2058] : memref<100000xf32, #tpu.memory_space<vmem>>[vector<16xi32>], vector<16xf32>,
        %swap3A_2060 = arith.index_cast %mul3A_2035 : i32 to index
        %swap3A_2061 = tpu.vector_load %arg31[%swap3A_2060] {strides = array<i32>} : memref<768xf32, #tpu.memory_space<vmem>>, vector<16xf32>,
        tpu.vector_store %arg31[%swap3A_2060], %gather3A_2059 {strides = array<i32>} : memref<768xf32, #tpu.memory_space<vmem>>, vector<16xf32>,
        %add3A_2062 = arith.constant 2 : i32
        %add3A_2063 = vector.broadcast %add3A_2062 : i32 to vector<16xi32>
        %add3A_2064 = arith.addi %mul3A_2039, %add3A_2063 : vector<16xi32>
        %gather3A_2065 = tpu.vector_load_idx %arg21[%add3A_2064] : memref<100000xf32, #tpu.memory_space<vmem>>[vector<16xi32>], vector<16xf32>,
        %swap3A_2066 = arith.index_cast %mul3A_2035 : i32 to index
        %swap3A_2067 = tpu.vector_load %arg32[%swap3A_2066] {strides = array<i32>} : memref<768xf32, #tpu.memory_space<vmem>>, vector<16xf32>,
        tpu.vector_store %arg32[%swap3A_2066], %gather3A_2065 {strides = array<i32>} : memref<768xf32, #tpu.memory_space<vmem>>, vector<16xf32>,
        %add3A_2068 = arith.constant 3 : i32
        %add3A_2069 = vector.broadcast %add3A_2068 : i32 to vector<16xi32>
        %add3A_2070 = arith.addi %mul3A_2039, %add3A_2069 : vector<16xi32>
        %gather3A_2071 = tpu.vector_load_idx %arg21[%add3A_2070] : memref<100000xf32, #tpu.memory_space<vmem>>[vector<16xi32>], vector<16xf32>,
        %swap3A_2072 = arith.index_cast %mul3A_2035 : i32 to index
        %swap3A_2073 = tpu.vector_load %arg33[%swap3A_2072] {strides = array<i32>} : memref<768xf32, #tpu.memory_space<vmem>>, vector<16xf32>,
        tpu.vector_store %arg33[%swap3A_2072], %gather3A_2071 {strides = array<i32>} : memref<768xf32, #tpu.memory_space<vmem>>, vector<16xf32>,
        %add3A_2074 = arith.constant 4 : i32
        %add3A_2075 = vector.broadcast %add3A_2074 : i32 to vector<16xi32>
        %add3A_2076 = arith.addi %mul3A_2039, %add3A_2075 : vector<16xi32>
        %gather3A_2077 = tpu.vector_load_idx %arg21[%add3A_2076] : memref<100000xf32, #tpu.memory_space<vmem>>[vector<16xi32>], vector<16xf32>,
        %swap3A_2078 = arith.index_cast %mul3A_2035 : i32 to index
        %swap3A_2079 = tpu.vector_load %arg34[%swap3A_2078] {strides = array<i32>} : memref<768xf32, #tpu.memory_space<vmem>>, vector<16xf32>,
        tpu.vector_store %arg34[%swap3A_2078], %gather3A_2077 {strides = array<i32>} : memref<768xf32, #tpu.memory_space<vmem>>, vector<16xf32>,
        %add3A_2080 = arith.constant 5 : i32
        %add3A_2081 = vector.broadcast %add3A_2080 : i32 to vector<16xi32>
        %add3A_2082 = arith.addi %mul3A_2039, %add3A_2081 : vector<16xi32>
        %gather3A_2083 = tpu.vector_load_idx %arg21[%add3A_2082] : memref<100000xf32, #tpu.memory_space<vmem>>[vector<16xi32>], vector<16xf32>,
        %swap3A_2084 = arith.index_cast %mul3A_2035 : i32 to index
        %swap3A_2085 = tpu.vector_load %arg35[%swap3A_2084] {strides = array<i32>} : memref<768xf32, #tpu.memory_space<vmem>>, vector<16xf32>,
        tpu.vector_store %arg35[%swap3A_2084], %gather3A_2083 {strides = array<i32>} : memref<768xf32, #tpu.memory_space<vmem>>, vector<16xf32>,
        %add3A_2086 = arith.constant 6 : i32
        %add3A_2087 = vector.broadcast %add3A_2086 : i32 to vector<16xi32>
        %add3A_2088 = arith.addi %mul3A_2039, %add3A_2087 : vector<16xi32>
        %gather3A_2089 = tpu.vector_load_idx %arg21[%add3A_2088] : memref<100000xf32, #tpu.memory_space<vmem>>[vector<16xi32>], vector<16xf32>,
        %swap3A_2090 = arith.index_cast %mul3A_2035 : i32 to index
        %swap3A_2091 = tpu.vector_load %arg36[%swap3A_2090] {strides = array<i32>} : memref<768xf32, #tpu.memory_space<vmem>>, vector<16xf32>,
        tpu.vector_store %arg36[%swap3A_2090], %gather3A_2089 {strides = array<i32>} : memref<768xf32, #tpu.memory_space<vmem>>, vector<16xf32>,
        %add3A_2092 = arith.constant 7 : i32
        %add3A_2093 = vector.broadcast %add3A_2092 : i32 to vector<16xi32>
        %add3A_2094 = arith.addi %mul3A_2039, %add3A_2093 : vector<16xi32>
        %gather3A_2095 = tpu.vector_load_idx %arg21[%add3A_2094] : memref<100000xf32, #tpu.memory_space<vmem>>[vector<16xi32>], vector<16xf32>,
        %swap3A_2096 = arith.index_cast %mul3A_2035 : i32 to index
        %swap3A_2097 = tpu.vector_load %arg37[%swap3A_2096] {strides = array<i32>} : memref<768xf32, #tpu.memory_space<vmem>>, vector<16xf32>,
        tpu.vector_store %arg37[%swap3A_2096], %gather3A_2095 {strides = array<i32>} : memref<768xf32, #tpu.memory_space<vmem>>, vector<16xf32>,
        %add3A_2098 = arith.constant 8 : i32
        %add3A_2099 = vector.broadcast %add3A_2098 : i32 to vector<16xi32>
        %add3A_2100 = arith.addi %mul3A_2039, %add3A_2099 : vector<16xi32>
        %gather3A_2101 = tpu.vector_load_idx %arg21[%add3A_2100] : memref<100000xf32, #tpu.memory_space<vmem>>[vector<16xi32>], vector<16xf32>,
        %swap3A_2102 = arith.index_cast %mul3A_2035 : i32 to index
        %swap3A_2103 = tpu.vector_load %arg38[%swap3A_2102] {strides = array<i32>} : memref<768xf32, #tpu.memory_space<vmem>>, vector<16xf32>,
        tpu.vector_store %arg38[%swap3A_2102], %gather3A_2101 {strides = array<i32>} : memref<768xf32, #tpu.memory_space<vmem>>, vector<16xf32>,
        %add3A_2104 = arith.constant 9 : i32
        %add3A_2105 = vector.broadcast %add3A_2104 : i32 to vector<16xi32>
        %add3A_2106 = arith.addi %mul3A_2039, %add3A_2105 : vector<16xi32>
        %gather3A_2107 = tpu.vector_load_idx %arg21[%add3A_2106] : memref<100000xf32, #tpu.memory_space<vmem>>[vector<16xi32>], vector<16xf32>,
        %swap3A_2108 = arith.index_cast %mul3A_2035 : i32 to index
        %swap3A_2109 = tpu.vector_load %arg39[%swap3A_2108] {strides = array<i32>} : memref<768xf32, #tpu.memory_space<vmem>>, vector<16xf32>,
        tpu.vector_store %arg39[%swap3A_2108], %gather3A_2107 {strides = array<i32>} : memref<768xf32, #tpu.memory_space<vmem>>, vector<16xf32>,
      }
      %scan3A_1874 = arith.constant 48 : i32
      %sub3A_1875 = arith.constant 1 : i32
      %sub3A_1876 = arith.subi %add3A_1700, %sub3A_1875 : i32
      %mul3A_1877 = arith.constant 6 : i32
      %mul3A_1878 = arith.muli %sub3A_1876, %mul3A_1877 : i32
      %sub3A_1879 = arith.constant 6 : i32
      %sub3A_1880 = arith.subi %add3A_4, %sub3A_1879 : i32
      %min3A_1881 = arith.minsi %mul3A_1878, %sub3A_1880 : i32
      %add3A_1882 = arith.addi %add3A_8, %min3A_1881 : i32
      %mul3A_1883 = arith.constant 128 : i32
      %mul3A_1884 = arith.muli %add3A_1882, %mul3A_1883 : i32
      %dma_start3A_1885 = tpu.memref_slice %arg8[%mul3A_1884] : memref<2000000xf32, #tpu.memory_space<hbm>> -> memref<768xf32, #tpu.memory_space<hbm>>
      %dma_start3A_1886 = tpu.memref_slice %arg8[%mul3A_1884] : memref<2000000xf32, #tpu.memory_space<hbm>> -> memref<768xf32, #tpu.memory_space<hbm>>
      tpu.enqueue_dma source(%arg27 : memref<768xf32, #tpu.memory_space<vmem>>) target(%dma_start3A_1886 : memref<768xf32, #tpu.memory_space<hbm>>) target_semaphore(%arg42 : memref<!tpu.dma_semaphore, #tpu.memory_space<semaphore_mem>>)
      %dma_start3A_1887 = tpu.memref_slice %arg9[%mul3A_1884] : memref<2000000xf32, #tpu.memory_space<hbm>> -> memref<768xf32, #tpu.memory_space<hbm>>
      %dma_start3A_1888 = tpu.memref_slice %arg9[%mul3A_1884] : memref<2000000xf32, #tpu.memory_space<hbm>> -> memref<768xf32, #tpu.memory_space<hbm>>
      tpu.enqueue_dma source(%arg28 : memref<768xf32, #tpu.memory_space<vmem>>) target(%dma_start3A_1888 : memref<768xf32, #tpu.memory_space<hbm>>) target_semaphore(%arg42 : memref<!tpu.dma_semaphore, #tpu.memory_space<semaphore_mem>>)
      %dma_start3A_1889 = tpu.memref_slice %arg10[%mul3A_1884] : memref<2000000xf32, #tpu.memory_space<hbm>> -> memref<768xf32, #tpu.memory_space<hbm>>
      %dma_start3A_1890 = tpu.memref_slice %arg10[%mul3A_1884] : memref<2000000xf32, #tpu.memory_space<hbm>> -> memref<768xf32, #tpu.memory_space<hbm>>
      tpu.enqueue_dma source(%arg29 : memref<768xf32, #tpu.memory_space<vmem>>) target(%dma_start3A_1890 : memref<768xf32, #tpu.memory_space<hbm>>) target_semaphore(%arg42 : memref<!tpu.dma_semaphore, #tpu.memory_space<semaphore_mem>>)
      %dma_start3A_1891 = tpu.memref_slice %arg11[%mul3A_1884] : memref<2000000xf32, #tpu.memory_space<hbm>> -> memref<768xf32, #tpu.memory_space<hbm>>
      %dma_start3A_1892 = tpu.memref_slice %arg11[%mul3A_1884] : memref<2000000xf32, #tpu.memory_space<hbm>> -> memref<768xf32, #tpu.memory_space<hbm>>
      tpu.enqueue_dma source(%arg30 : memref<768xf32, #tpu.memory_space<vmem>>) target(%dma_start3A_1892 : memref<768xf32, #tpu.memory_space<hbm>>) target_semaphore(%arg42 : memref<!tpu.dma_semaphore, #tpu.memory_space<semaphore_mem>>)
      %dma_start3A_1893 = tpu.memref_slice %arg12[%mul3A_1884] : memref<2000000xf32, #tpu.memory_space<hbm>> -> memref<768xf32, #tpu.memory_space<hbm>>
      %dma_start3A_1894 = tpu.memref_slice %arg12[%mul3A_1884] : memref<2000000xf32, #tpu.memory_space<hbm>> -> memref<768xf32, #tpu.memory_space<hbm>>
      tpu.enqueue_dma source(%arg31 : memref<768xf32, #tpu.memory_space<vmem>>) target(%dma_start3A_1894 : memref<768xf32, #tpu.memory_space<hbm>>) target_semaphore(%arg42 : memref<!tpu.dma_semaphore, #tpu.memory_space<semaphore_mem>>)
      %dma_start3A_1895 = tpu.memref_slice %arg13[%mul3A_1884] : memref<2000000xf32, #tpu.memory_space<hbm>> -> memref<768xf32, #tpu.memory_space<hbm>>
      %dma_start3A_1896 = tpu.memref_slice %arg13[%mul3A_1884] : memref<2000000xf32, #tpu.memory_space<hbm>> -> memref<768xf32, #tpu.memory_space<hbm>>
      tpu.enqueue_dma source(%arg32 : memref<768xf32, #tpu.memory_space<vmem>>) target(%dma_start3A_1896 : memref<768xf32, #tpu.memory_space<hbm>>) target_semaphore(%arg42 : memref<!tpu.dma_semaphore, #tpu.memory_space<semaphore_mem>>)
      %dma_start3A_1897 = tpu.memref_slice %arg14[%mul3A_1884] : memref<2000000xf32, #tpu.memory_space<hbm>> -> memref<768xf32, #tpu.memory_space<hbm>>
      %dma_start3A_1898 = tpu.memref_slice %arg14[%mul3A_1884] : memref<2000000xf32, #tpu.memory_space<hbm>> -> memref<768xf32, #tpu.memory_space<hbm>>
      tpu.enqueue_dma source(%arg33 : memref<768xf32, #tpu.memory_space<vmem>>) target(%dma_start3A_1898 : memref<768xf32, #tpu.memory_space<hbm>>) target_semaphore(%arg42 : memref<!tpu.dma_semaphore, #tpu.memory_space<semaphore_mem>>)
      %dma_start3A_1899 = tpu.memref_slice %arg15[%mul3A_1884] : memref<2000000xf32, #tpu.memory_space<hbm>> -> memref<768xf32, #tpu.memory_space<hbm>>
      %dma_start3A_1900 = tpu.memref_slice %arg15[%mul3A_1884] : memref<2000000xf32, #tpu.memory_space<hbm>> -> memref<768xf32, #tpu.memory_space<hbm>>
      tpu.enqueue_dma source(%arg34 : memref<768xf32, #tpu.memory_space<vmem>>) target(%dma_start3A_1900 : memref<768xf32, #tpu.memory_space<hbm>>) target_semaphore(%arg42 : memref<!tpu.dma_semaphore, #tpu.memory_space<semaphore_mem>>)
      %dma_start3A_1901 = tpu.memref_slice %arg16[%mul3A_1884] : memref<2000000xf32, #tpu.memory_space<hbm>> -> memref<768xf32, #tpu.memory_space<hbm>>
      %dma_start3A_1902 = tpu.memref_slice %arg16[%mul3A_1884] : memref<2000000xf32, #tpu.memory_space<hbm>> -> memref<768xf32, #tpu.memory_space<hbm>>
      tpu.enqueue_dma source(%arg35 : memref<768xf32, #tpu.memory_space<vmem>>) target(%dma_start3A_1902 : memref<768xf32, #tpu.memory_space<hbm>>) target_semaphore(%arg42 : memref<!tpu.dma_semaphore, #tpu.memory_space<semaphore_mem>>)
      %dma_start3A_1903 = tpu.memref_slice %arg17[%mul3A_1884] : memref<2000000xf32, #tpu.memory_space<hbm>> -> memref<768xf32, #tpu.memory_space<hbm>>
      %dma_start3A_1904 = tpu.memref_slice %arg17[%mul3A_1884] : memref<2000000xf32, #tpu.memory_space<hbm>> -> memref<768xf32, #tpu.memory_space<hbm>>
      tpu.enqueue_dma source(%arg36 : memref<768xf32, #tpu.memory_space<vmem>>) target(%dma_start3A_1904 : memref<768xf32, #tpu.memory_space<hbm>>) target_semaphore(%arg42 : memref<!tpu.dma_semaphore, #tpu.memory_space<semaphore_mem>>)
      %dma_start3A_1905 = tpu.memref_slice %arg18[%mul3A_1884] : memref<2000000xf32, #tpu.memory_space<hbm>> -> memref<768xf32, #tpu.memory_space<hbm>>
      %dma_start3A_1906 = tpu.memref_slice %arg18[%mul3A_1884] : memref<2000000xf32, #tpu.memory_space<hbm>> -> memref<768xf32, #tpu.memory_space<hbm>>
      tpu.enqueue_dma source(%arg37 : memref<768xf32, #tpu.memory_space<vmem>>) target(%dma_start3A_1906 : memref<768xf32, #tpu.memory_space<hbm>>) target_semaphore(%arg42 : memref<!tpu.dma_semaphore, #tpu.memory_space<semaphore_mem>>)
      %dma_start3A_1907 = tpu.memref_slice %arg19[%mul3A_1884] : memref<2000000xf32, #tpu.memory_space<hbm>> -> memref<768xf32, #tpu.memory_space<hbm>>
      %dma_start3A_1908 = tpu.memref_slice %arg19[%mul3A_1884] : memref<2000000xf32, #tpu.memory_space<hbm>> -> memref<768xf32, #tpu.memory_space<hbm>>
      tpu.enqueue_dma source(%arg38 : memref<768xf32, #tpu.memory_space<vmem>>) target(%dma_start3A_1908 : memref<768xf32, #tpu.memory_space<hbm>>) target_semaphore(%arg42 : memref<!tpu.dma_semaphore, #tpu.memory_space<semaphore_mem>>)
      %dma_start3A_1909 = tpu.memref_slice %arg20[%mul3A_1884] : memref<2000000xf32, #tpu.memory_space<hbm>> -> memref<768xf32, #tpu.memory_space<hbm>>
      %dma_start3A_1910 = tpu.memref_slice %arg20[%mul3A_1884] : memref<2000000xf32, #tpu.memory_space<hbm>> -> memref<768xf32, #tpu.memory_space<hbm>>
      tpu.enqueue_dma source(%arg39 : memref<768xf32, #tpu.memory_space<vmem>>) target(%dma_start3A_1910 : memref<768xf32, #tpu.memory_space<hbm>>) target_semaphore(%arg42 : memref<!tpu.dma_semaphore, #tpu.memory_space<semaphore_mem>>)
      %add3A_1911 = arith.constant 1 : i32
      %add3A_1912 = arith.addi %add3A_1700, %add3A_1911 : i32
      %mul3A_1913 = arith.constant 6 : i32
      %mul3A_1914 = arith.muli %add3A_1912, %mul3A_1913 : i32
      %sub3A_1915 = arith.constant 6 : i32
      %sub3A_1916 = arith.subi %add3A_4, %sub3A_1915 : i32
      %min3A_1917 = arith.minsi %mul3A_1914, %sub3A_1916 : i32
      %add3A_1918 = arith.addi %add3A_8, %min3A_1917 : i32
      %mul3A_1919 = arith.constant 128 : i32
      %mul3A_1920 = arith.muli %add3A_1918, %mul3A_1919 : i32
      %dma_start3A_1921 = tpu.memref_slice %arg3[%mul3A_1920] : memref<2000000xi32, #tpu.memory_space<hbm>> -> memref<768xi32, #tpu.memory_space<hbm>>
      %dma_start3A_1922 = tpu.memref_slice %arg3[%mul3A_1920] : memref<2000000xi32, #tpu.memory_space<hbm>> -> memref<768xi32, #tpu.memory_space<hbm>>
      tpu.enqueue_dma source(%dma_start3A_1922 : memref<768xi32, #tpu.memory_space<hbm>>) target(%arg22 : memref<768xi32, #tpu.memory_space<vmem>>) target_semaphore(%arg40 : memref<!tpu.dma_semaphore, #tpu.memory_space<semaphore_mem>>)
      %dma_start3A_1923 = tpu.memref_slice %arg2[%mul3A_1920] : memref<2000000xi32, #tpu.memory_space<hbm>> -> memref<768xi32, #tpu.memory_space<hbm>>
      %dma_start3A_1924 = tpu.memref_slice %arg2[%mul3A_1920] : memref<2000000xi32, #tpu.memory_space<hbm>> -> memref<768xi32, #tpu.memory_space<hbm>>
      tpu.enqueue_dma source(%dma_start3A_1924 : memref<768xi32, #tpu.memory_space<hbm>>) target(%arg23 : memref<768xi32, #tpu.memory_space<vmem>>) target_semaphore(%arg40 : memref<!tpu.dma_semaphore, #tpu.memory_space<semaphore_mem>>)
      %dma_wait3A_1925 = arith.constant 0 : i32
      %dma_wait3A_1926 = tpu.memref_slice %arg45[%dma_wait3A_1925] : memref<768xf32, #tpu.memory_space<vmem>> -> memref<128xf32, #tpu.memory_space<vmem>>
      %dma_wait3A_1927 = arith.constant 0 : i32
      %dma_wait3A_1928 = tpu.memref_slice %arg43[%dma_wait3A_1927] : memref<768xi32, #tpu.memory_space<vmem>> -> memref<128xi32, #tpu.memory_space<vmem>>
      %dma_wait3A_1929 = arith.constant 0 : i32
      %dma_wait3A_1930 = tpu.memref_slice %arg4[%dma_wait3A_1929] : memref<1000000xf32, #tpu.memory_space<hbm>> -> memref<1000000xf32, #tpu.memory_space<hbm>>
      tpu.wait_indirect_dma semaphore(%arg62 : memref<!tpu.dma_semaphore, #tpu.memory_space<semaphore_mem>>) src(%dma_wait3A_1930 : memref<1000000xf32, #tpu.memory_space<hbm>>) dst(%dma_wait3A_1926 : memref<128xf32, #tpu.memory_space<vmem>>)
      %dma_wait3A_1931 = arith.constant 0 : i32
      %dma_wait3A_1932 = tpu.memref_slice %arg46[%dma_wait3A_1931] : memref<768xf32, #tpu.memory_space<vmem>> -> memref<128xf32, #tpu.memory_space<vmem>>
      %dma_wait3A_1933 = arith.constant 0 : i32
      %dma_wait3A_1934 = tpu.memref_slice %arg43[%dma_wait3A_1933] : memref<768xi32, #tpu.memory_space<vmem>> -> memref<128xi32, #tpu.memory_space<vmem>>
      %dma_wait3A_1935 = arith.constant 0 : i32
      %dma_wait3A_1936 = tpu.memref_slice %arg5[%dma_wait3A_1935] : memref<1000000xf32, #tpu.memory_space<hbm>> -> memref<1000000xf32, #tpu.memory_space<hbm>>
      tpu.wait_indirect_dma semaphore(%arg62 : memref<!tpu.dma_semaphore, #tpu.memory_space<semaphore_mem>>) src(%dma_wait3A_1936 : memref<1000000xf32, #tpu.memory_space<hbm>>) dst(%dma_wait3A_1932 : memref<128xf32, #tpu.memory_space<vmem>>)
      %dma_wait3A_1937 = arith.constant 0 : i32
      %dma_wait3A_1938 = tpu.memref_slice %arg47[%dma_wait3A_1937] : memref<768xf32, #tpu.memory_space<vmem>> -> memref<128xf32, #tpu.memory_space<vmem>>
      %dma_wait3A_1939 = arith.constant 0 : i32
      %dma_wait3A_1940 = tpu.memref_slice %arg43[%dma_wait3A_1939] : memref<768xi32, #tpu.memory_space<vmem>> -> memref<128xi32, #tpu.memory_space<vmem>>
      %dma_wait3A_1941 = arith.constant 0 : i32
      %dma_wait3A_1942 = tpu.memref_slice %arg6[%dma_wait3A_1941] : memref<1000000xf32, #tpu.memory_space<hbm>> -> memref<1000000xf32, #tpu.memory_space<hbm>>
      tpu.wait_indirect_dma semaphore(%arg62 : memref<!tpu.dma_semaphore, #tpu.memory_space<semaphore_mem>>) src(%dma_wait3A_1942 : memref<1000000xf32, #tpu.memory_space<hbm>>) dst(%dma_wait3A_1938 : memref<128xf32, #tpu.memory_space<vmem>>)
      %dma_wait3A_1943 = arith.constant 128 : i32
      %dma_wait3A_1944 = tpu.memref_slice %arg45[%dma_wait3A_1943] : memref<768xf32, #tpu.memory_space<vmem>> -> memref<128xf32, #tpu.memory_space<vmem>>
      %dma_wait3A_1945 = arith.constant 128 : i32
      %dma_wait3A_1946 = tpu.memref_slice %arg43[%dma_wait3A_1945] : memref<768xi32, #tpu.memory_space<vmem>> -> memref<128xi32, #tpu.memory_space<vmem>>
      %dma_wait3A_1947 = arith.constant 0 : i32
      %dma_wait3A_1948 = tpu.memref_slice %arg4[%dma_wait3A_1947] : memref<1000000xf32, #tpu.memory_space<hbm>> -> memref<1000000xf32, #tpu.memory_space<hbm>>
      tpu.wait_indirect_dma semaphore(%arg62 : memref<!tpu.dma_semaphore, #tpu.memory_space<semaphore_mem>>) src(%dma_wait3A_1948 : memref<1000000xf32, #tpu.memory_space<hbm>>) dst(%dma_wait3A_1944 : memref<128xf32, #tpu.memory_space<vmem>>)
      %dma_wait3A_1949 = arith.constant 128 : i32
      %dma_wait3A_1950 = tpu.memref_slice %arg46[%dma_wait3A_1949] : memref<768xf32, #tpu.memory_space<vmem>> -> memref<128xf32, #tpu.memory_space<vmem>>
      %dma_wait3A_1951 = arith.constant 128 : i32
      %dma_wait3A_1952 = tpu.memref_slice %arg43[%dma_wait3A_1951] : memref<768xi32, #tpu.memory_space<vmem>> -> memref<128xi32, #tpu.memory_space<vmem>>
      %dma_wait3A_1953 = arith.constant 0 : i32
      %dma_wait3A_1954 = tpu.memref_slice %arg5[%dma_wait3A_1953] : memref<1000000xf32, #tpu.memory_space<hbm>> -> memref<1000000xf32, #tpu.memory_space<hbm>>
      tpu.wait_indirect_dma semaphore(%arg62 : memref<!tpu.dma_semaphore, #tpu.memory_space<semaphore_mem>>) src(%dma_wait3A_1954 : memref<1000000xf32, #tpu.memory_space<hbm>>) dst(%dma_wait3A_1950 : memref<128xf32, #tpu.memory_space<vmem>>)
      %dma_wait3A_1955 = arith.constant 128 : i32
      %dma_wait3A_1956 = tpu.memref_slice %arg47[%dma_wait3A_1955] : memref<768xf32, #tpu.memory_space<vmem>> -> memref<128xf32, #tpu.memory_space<vmem>>
      %dma_wait3A_1957 = arith.constant 128 : i32
      %dma_wait3A_1958 = tpu.memref_slice %arg43[%dma_wait3A_1957] : memref<768xi32, #tpu.memory_space<vmem>> -> memref<128xi32, #tpu.memory_space<vmem>>
      %dma_wait3A_1959 = arith.constant 0 : i32
      %dma_wait3A_1960 = tpu.memref_slice %arg6[%dma_wait3A_1959] : memref<1000000xf32, #tpu.memory_space<hbm>> -> memref<1000000xf32, #tpu.memory_space<hbm>>
      tpu.wait_indirect_dma semaphore(%arg62 : memref<!tpu.dma_semaphore, #tpu.memory_space<semaphore_mem>>) src(%dma_wait3A_1960 : memref<1000000xf32, #tpu.memory_space<hbm>>) dst(%dma_wait3A_1956 : memref<128xf32, #tpu.memory_space<vmem>>)
      %dma_wait3A_1961 = arith.constant 256 : i32
      %dma_wait3A_1962 = tpu.memref_slice %arg45[%dma_wait3A_1961] : memref<768xf32, #tpu.memory_space<vmem>> -> memref<128xf32, #tpu.memory_space<vmem>>
      %dma_wait3A_1963 = arith.constant 256 : i32
      %dma_wait3A_1964 = tpu.memref_slice %arg43[%dma_wait3A_1963] : memref<768xi32, #tpu.memory_space<vmem>> -> memref<128xi32, #tpu.memory_space<vmem>>
      %dma_wait3A_1965 = arith.constant 0 : i32
      %dma_wait3A_1966 = tpu.memref_slice %arg4[%dma_wait3A_1965] : memref<1000000xf32, #tpu.memory_space<hbm>> -> memref<1000000xf32, #tpu.memory_space<hbm>>
      tpu.wait_indirect_dma semaphore(%arg62 : memref<!tpu.dma_semaphore, #tpu.memory_space<semaphore_mem>>) src(%dma_wait3A_1966 : memref<1000000xf32, #tpu.memory_space<hbm>>) dst(%dma_wait3A_1962 : memref<128xf32, #tpu.memory_space<vmem>>)
      %dma_wait3A_1967 = arith.constant 256 : i32
      %dma_wait3A_1968 = tpu.memref_slice %arg46[%dma_wait3A_1967] : memref<768xf32, #tpu.memory_space<vmem>> -> memref<128xf32, #tpu.memory_space<vmem>>
      %dma_wait3A_1969 = arith.constant 256 : i32
      %dma_wait3A_1970 = tpu.memref_slice %arg43[%dma_wait3A_1969] : memref<768xi32, #tpu.memory_space<vmem>> -> memref<128xi32, #tpu.memory_space<vmem>>
      %dma_wait3A_1971 = arith.constant 0 : i32
      %dma_wait3A_1972 = tpu.memref_slice %arg5[%dma_wait3A_1971] : memref<1000000xf32, #tpu.memory_space<hbm>> -> memref<1000000xf32, #tpu.memory_space<hbm>>
      tpu.wait_indirect_dma semaphore(%arg62 : memref<!tpu.dma_semaphore, #tpu.memory_space<semaphore_mem>>) src(%dma_wait3A_1972 : memref<1000000xf32, #tpu.memory_space<hbm>>) dst(%dma_wait3A_1968 : memref<128xf32, #tpu.memory_space<vmem>>)
      %dma_wait3A_1973 = arith.constant 256 : i32
      %dma_wait3A_1974 = tpu.memref_slice %arg47[%dma_wait3A_1973] : memref<768xf32, #tpu.memory_space<vmem>> -> memref<128xf32, #tpu.memory_space<vmem>>
      %dma_wait3A_1975 = arith.constant 256 : i32
      %dma_wait3A_1976 = tpu.memref_slice %arg43[%dma_wait3A_1975] : memref<768xi32, #tpu.memory_space<vmem>> -> memref<128xi32, #tpu.memory_space<vmem>>
      %dma_wait3A_1977 = arith.constant 0 : i32
      %dma_wait3A_1978 = tpu.memref_slice %arg6[%dma_wait3A_1977] : memref<1000000xf32, #tpu.memory_space<hbm>> -> memref<1000000xf32, #tpu.memory_space<hbm>>
      tpu.wait_indirect_dma semaphore(%arg62 : memref<!tpu.dma_semaphore, #tpu.memory_space<semaphore_mem>>) src(%dma_wait3A_1978 : memref<1000000xf32, #tpu.memory_space<hbm>>) dst(%dma_wait3A_1974 : memref<128xf32, #tpu.memory_space<vmem>>)
      %dma_wait3A_1979 = arith.constant 384 : i32
      %dma_wait3A_1980 = tpu.memref_slice %arg45[%dma_wait3A_1979] : memref<768xf32, #tpu.memory_space<vmem>> -> memref<128xf32, #tpu.memory_space<vmem>>
      %dma_wait3A_1981 = arith.constant 384 : i32
      %dma_wait3A_1982 = tpu.memref_slice %arg43[%dma_wait3A_1981] : memref<768xi32, #tpu.memory_space<vmem>> -> memref<128xi32, #tpu.memory_space<vmem>>
      %dma_wait3A_1983 = arith.constant 0 : i32
      %dma_wait3A_1984 = tpu.memref_slice %arg4[%dma_wait3A_1983] : memref<1000000xf32, #tpu.memory_space<hbm>> -> memref<1000000xf32, #tpu.memory_space<hbm>>
      tpu.wait_indirect_dma semaphore(%arg62 : memref<!tpu.dma_semaphore, #tpu.memory_space<semaphore_mem>>) src(%dma_wait3A_1984 : memref<1000000xf32, #tpu.memory_space<hbm>>) dst(%dma_wait3A_1980 : memref<128xf32, #tpu.memory_space<vmem>>)
      %dma_wait3A_1985 = arith.constant 384 : i32
      %dma_wait3A_1986 = tpu.memref_slice %arg46[%dma_wait3A_1985] : memref<768xf32, #tpu.memory_space<vmem>> -> memref<128xf32, #tpu.memory_space<vmem>>
      %dma_wait3A_1987 = arith.constant 384 : i32
      %dma_wait3A_1988 = tpu.memref_slice %arg43[%dma_wait3A_1987] : memref<768xi32, #tpu.memory_space<vmem>> -> memref<128xi32, #tpu.memory_space<vmem>>
      %dma_wait3A_1989 = arith.constant 0 : i32
      %dma_wait3A_1990 = tpu.memref_slice %arg5[%dma_wait3A_1989] : memref<1000000xf32, #tpu.memory_space<hbm>> -> memref<1000000xf32, #tpu.memory_space<hbm>>
      tpu.wait_indirect_dma semaphore(%arg62 : memref<!tpu.dma_semaphore, #tpu.memory_space<semaphore_mem>>) src(%dma_wait3A_1990 : memref<1000000xf32, #tpu.memory_space<hbm>>) dst(%dma_wait3A_1986 : memref<128xf32, #tpu.memory_space<vmem>>)
      %dma_wait3A_1991 = arith.constant 384 : i32
      %dma_wait3A_1992 = tpu.memref_slice %arg47[%dma_wait3A_1991] : memref<768xf32, #tpu.memory_space<vmem>> -> memref<128xf32, #tpu.memory_space<vmem>>
      %dma_wait3A_1993 = arith.constant 384 : i32
      %dma_wait3A_1994 = tpu.memref_slice %arg43[%dma_wait3A_1993] : memref<768xi32, #tpu.memory_space<vmem>> -> memref<128xi32, #tpu.memory_space<vmem>>
      %dma_wait3A_1995 = arith.constant 0 : i32
      %dma_wait3A_1996 = tpu.memref_slice %arg6[%dma_wait3A_1995] : memref<1000000xf32, #tpu.memory_space<hbm>> -> memref<1000000xf32, #tpu.memory_space<hbm>>
      tpu.wait_indirect_dma semaphore(%arg62 : memref<!tpu.dma_semaphore, #tpu.memory_space<semaphore_mem>>) src(%dma_wait3A_1996 : memref<1000000xf32, #tpu.memory_space<hbm>>) dst(%dma_wait3A_1992 : memref<128xf32, #tpu.memory_space<vmem>>)
      %dma_wait3A_1997 = arith.constant 512 : i32
      %dma_wait3A_1998 = tpu.memref_slice %arg45[%dma_wait3A_1997] : memref<768xf32, #tpu.memory_space<vmem>> -> memref<128xf32, #tpu.memory_space<vmem>>
      %dma_wait3A_1999 = arith.constant 512 : i32
      %dma_wait3A_2000 = tpu.memref_slice %arg43[%dma_wait3A_1999] : memref<768xi32, #tpu.memory_space<vmem>> -> memref<128xi32, #tpu.memory_space<vmem>>
      %dma_wait3A_2001 = arith.constant 0 : i32
      %dma_wait3A_2002 = tpu.memref_slice %arg4[%dma_wait3A_2001] : memref<1000000xf32, #tpu.memory_space<hbm>> -> memref<1000000xf32, #tpu.memory_space<hbm>>
      tpu.wait_indirect_dma semaphore(%arg62 : memref<!tpu.dma_semaphore, #tpu.memory_space<semaphore_mem>>) src(%dma_wait3A_2002 : memref<1000000xf32, #tpu.memory_space<hbm>>) dst(%dma_wait3A_1998 : memref<128xf32, #tpu.memory_space<vmem>>)
      %dma_wait3A_2003 = arith.constant 512 : i32
      %dma_wait3A_2004 = tpu.memref_slice %arg46[%dma_wait3A_2003] : memref<768xf32, #tpu.memory_space<vmem>> -> memref<128xf32, #tpu.memory_space<vmem>>
      %dma_wait3A_2005 = arith.constant 512 : i32
      %dma_wait3A_2006 = tpu.memref_slice %arg43[%dma_wait3A_2005] : memref<768xi32, #tpu.memory_space<vmem>> -> memref<128xi32, #tpu.memory_space<vmem>>
      %dma_wait3A_2007 = arith.constant 0 : i32
      %dma_wait3A_2008 = tpu.memref_slice %arg5[%dma_wait3A_2007] : memref<1000000xf32, #tpu.memory_space<hbm>> -> memref<1000000xf32, #tpu.memory_space<hbm>>
      tpu.wait_indirect_dma semaphore(%arg62 : memref<!tpu.dma_semaphore, #tpu.memory_space<semaphore_mem>>) src(%dma_wait3A_2008 : memref<1000000xf32, #tpu.memory_space<hbm>>) dst(%dma_wait3A_2004 : memref<128xf32, #tpu.memory_space<vmem>>)
      %dma_wait3A_2009 = arith.constant 512 : i32
      %dma_wait3A_2010 = tpu.memref_slice %arg47[%dma_wait3A_2009] : memref<768xf32, #tpu.memory_space<vmem>> -> memref<128xf32, #tpu.memory_space<vmem>>
      %dma_wait3A_2011 = arith.constant 512 : i32
      %dma_wait3A_2012 = tpu.memref_slice %arg43[%dma_wait3A_2011] : memref<768xi32, #tpu.memory_space<vmem>> -> memref<128xi32, #tpu.memory_space<vmem>>
      %dma_wait3A_2013 = arith.constant 0 : i32
      %dma_wait3A_2014 = tpu.memref_slice %arg6[%dma_wait3A_2013] : memref<1000000xf32, #tpu.memory_space<hbm>> -> memref<1000000xf32, #tpu.memory_space<hbm>>
      tpu.wait_indirect_dma semaphore(%arg62 : memref<!tpu.dma_semaphore, #tpu.memory_space<semaphore_mem>>) src(%dma_wait3A_2014 : memref<1000000xf32, #tpu.memory_space<hbm>>) dst(%dma_wait3A_2010 : memref<128xf32, #tpu.memory_space<vmem>>)
      %dma_wait3A_2015 = arith.constant 640 : i32
      %dma_wait3A_2016 = tpu.memref_slice %arg45[%dma_wait3A_2015] : memref<768xf32, #tpu.memory_space<vmem>> -> memref<128xf32, #tpu.memory_space<vmem>>
      %dma_wait3A_2017 = arith.constant 640 : i32
      %dma_wait3A_2018 = tpu.memref_slice %arg43[%dma_wait3A_2017] : memref<768xi32, #tpu.memory_space<vmem>> -> memref<128xi32, #tpu.memory_space<vmem>>
      %dma_wait3A_2019 = arith.constant 0 : i32
      %dma_wait3A_2020 = tpu.memref_slice %arg4[%dma_wait3A_2019] : memref<1000000xf32, #tpu.memory_space<hbm>> -> memref<1000000xf32, #tpu.memory_space<hbm>>
      tpu.wait_indirect_dma semaphore(%arg62 : memref<!tpu.dma_semaphore, #tpu.memory_space<semaphore_mem>>) src(%dma_wait3A_2020 : memref<1000000xf32, #tpu.memory_space<hbm>>) dst(%dma_wait3A_2016 : memref<128xf32, #tpu.memory_space<vmem>>)
      %dma_wait3A_2021 = arith.constant 640 : i32
      %dma_wait3A_2022 = tpu.memref_slice %arg46[%dma_wait3A_2021] : memref<768xf32, #tpu.memory_space<vmem>> -> memref<128xf32, #tpu.memory_space<vmem>>
      %dma_wait3A_2023 = arith.constant 640 : i32
      %dma_wait3A_2024 = tpu.memref_slice %arg43[%dma_wait3A_2023] : memref<768xi32, #tpu.memory_space<vmem>> -> memref<128xi32, #tpu.memory_space<vmem>>
      %dma_wait3A_2025 = arith.constant 0 : i32
      %dma_wait3A_2026 = tpu.memref_slice %arg5[%dma_wait3A_2025] : memref<1000000xf32, #tpu.memory_space<hbm>> -> memref<1000000xf32, #tpu.memory_space<hbm>>
      tpu.wait_indirect_dma semaphore(%arg62 : memref<!tpu.dma_semaphore, #tpu.memory_space<semaphore_mem>>) src(%dma_wait3A_2026 : memref<1000000xf32, #tpu.memory_space<hbm>>) dst(%dma_wait3A_2022 : memref<128xf32, #tpu.memory_space<vmem>>)
      %dma_wait3A_2027 = arith.constant 640 : i32
      %dma_wait3A_2028 = tpu.memref_slice %arg47[%dma_wait3A_2027] : memref<768xf32, #tpu.memory_space<vmem>> -> memref<128xf32, #tpu.memory_space<vmem>>
      %dma_wait3A_2029 = arith.constant 640 : i32
      %dma_wait3A_2030 = tpu.memref_slice %arg43[%dma_wait3A_2029] : memref<768xi32, #tpu.memory_space<vmem>> -> memref<128xi32, #tpu.memory_space<vmem>>
      %dma_wait3A_2031 = arith.constant 0 : i32
      %dma_wait3A_2032 = tpu.memref_slice %arg6[%dma_wait3A_2031] : memref<1000000xf32, #tpu.memory_space<hbm>> -> memref<1000000xf32, #tpu.memory_space<hbm>>
      tpu.wait_indirect_dma semaphore(%arg62 : memref<!tpu.dma_semaphore, #tpu.memory_space<semaphore_mem>>) src(%dma_wait3A_2032 : memref<1000000xf32, #tpu.memory_space<hbm>>) dst(%dma_wait3A_2028 : memref<128xf32, #tpu.memory_space<vmem>>)
    }
    %scan3A_1158 = arith.constant 40 : i32
    %dma_wait3A_1159 = arith.constant 0 : i32
    %dma_wait3A_1160 = tpu.memref_slice %arg3[%dma_wait3A_1159] : memref<2000000xi32, #tpu.memory_space<hbm>> -> memref<768xi32, #tpu.memory_space<hbm>>
    %dma_wait3A_1161 = arith.constant 0 : i32
    %dma_wait3A_1162 = tpu.memref_slice %arg3[%dma_wait3A_1161] : memref<2000000xi32, #tpu.memory_space<hbm>> -> memref<768xi32, #tpu.memory_space<hbm>>
    tpu.wait_dma2 semaphore(%arg40 : memref<!tpu.dma_semaphore, #tpu.memory_space<semaphore_mem>>) src(%dma_wait3A_1162 : memref<768xi32, #tpu.memory_space<hbm>>) dst(%arg22 : memref<768xi32, #tpu.memory_space<vmem>>)
    %dma_wait3A_1163 = arith.constant 0 : i32
    %dma_wait3A_1164 = tpu.memref_slice %arg2[%dma_wait3A_1163] : memref<2000000xi32, #tpu.memory_space<hbm>> -> memref<768xi32, #tpu.memory_space<hbm>>
    %dma_wait3A_1165 = arith.constant 0 : i32
    %dma_wait3A_1166 = tpu.memref_slice %arg2[%dma_wait3A_1165] : memref<2000000xi32, #tpu.memory_space<hbm>> -> memref<768xi32, #tpu.memory_space<hbm>>
    tpu.wait_dma2 semaphore(%arg40 : memref<!tpu.dma_semaphore, #tpu.memory_space<semaphore_mem>>) src(%dma_wait3A_1166 : memref<768xi32, #tpu.memory_space<hbm>>) dst(%arg23 : memref<768xi32, #tpu.memory_space<vmem>>)
    %dma_wait3A_1167 = arith.constant 0 : i32
    %dma_wait3A_1168 = tpu.memref_slice %arg8[%dma_wait3A_1167] : memref<2000000xf32, #tpu.memory_space<hbm>> -> memref<768xf32, #tpu.memory_space<hbm>>
    %dma_wait3A_1169 = arith.constant 0 : i32
    %dma_wait3A_1170 = tpu.memref_slice %arg8[%dma_wait3A_1169] : memref<2000000xf32, #tpu.memory_space<hbm>> -> memref<768xf32, #tpu.memory_space<hbm>>
    tpu.wait_dma2 semaphore(%arg63 : memref<!tpu.dma_semaphore, #tpu.memory_space<semaphore_mem>>) src(%arg48 : memref<768xf32, #tpu.memory_space<vmem>>) dst(%dma_wait3A_1170 : memref<768xf32, #tpu.memory_space<hbm>>)
    %dma_wait3A_1171 = arith.constant 0 : i32
    %dma_wait3A_1172 = tpu.memref_slice %arg9[%dma_wait3A_1171] : memref<2000000xf32, #tpu.memory_space<hbm>> -> memref<768xf32, #tpu.memory_space<hbm>>
    %dma_wait3A_1173 = arith.constant 0 : i32
    %dma_wait3A_1174 = tpu.memref_slice %arg9[%dma_wait3A_1173] : memref<2000000xf32, #tpu.memory_space<hbm>> -> memref<768xf32, #tpu.memory_space<hbm>>
    tpu.wait_dma2 semaphore(%arg63 : memref<!tpu.dma_semaphore, #tpu.memory_space<semaphore_mem>>) src(%arg49 : memref<768xf32, #tpu.memory_space<vmem>>) dst(%dma_wait3A_1174 : memref<768xf32, #tpu.memory_space<hbm>>)
    %dma_wait3A_1175 = arith.constant 0 : i32
    %dma_wait3A_1176 = tpu.memref_slice %arg10[%dma_wait3A_1175] : memref<2000000xf32, #tpu.memory_space<hbm>> -> memref<768xf32, #tpu.memory_space<hbm>>
    %dma_wait3A_1177 = arith.constant 0 : i32
    %dma_wait3A_1178 = tpu.memref_slice %arg10[%dma_wait3A_1177] : memref<2000000xf32, #tpu.memory_space<hbm>> -> memref<768xf32, #tpu.memory_space<hbm>>
    tpu.wait_dma2 semaphore(%arg63 : memref<!tpu.dma_semaphore, #tpu.memory_space<semaphore_mem>>) src(%arg50 : memref<768xf32, #tpu.memory_space<vmem>>) dst(%dma_wait3A_1178 : memref<768xf32, #tpu.memory_space<hbm>>)
    %dma_wait3A_1179 = arith.constant 0 : i32
    %dma_wait3A_1180 = tpu.memref_slice %arg11[%dma_wait3A_1179] : memref<2000000xf32, #tpu.memory_space<hbm>> -> memref<768xf32, #tpu.memory_space<hbm>>
    %dma_wait3A_1181 = arith.constant 0 : i32
    %dma_wait3A_1182 = tpu.memref_slice %arg11[%dma_wait3A_1181] : memref<2000000xf32, #tpu.memory_space<hbm>> -> memref<768xf32, #tpu.memory_space<hbm>>
    tpu.wait_dma2 semaphore(%arg63 : memref<!tpu.dma_semaphore, #tpu.memory_space<semaphore_mem>>) src(%arg51 : memref<768xf32, #tpu.memory_space<vmem>>) dst(%dma_wait3A_1182 : memref<768xf32, #tpu.memory_space<hbm>>)
    %dma_wait3A_1183 = arith.constant 0 : i32
    %dma_wait3A_1184 = tpu.memref_slice %arg12[%dma_wait3A_1183] : memref<2000000xf32, #tpu.memory_space<hbm>> -> memref<768xf32, #tpu.memory_space<hbm>>
    %dma_wait3A_1185 = arith.constant 0 : i32
    %dma_wait3A_1186 = tpu.memref_slice %arg12[%dma_wait3A_1185] : memref<2000000xf32, #tpu.memory_space<hbm>> -> memref<768xf32, #tpu.memory_space<hbm>>
    tpu.wait_dma2 semaphore(%arg63 : memref<!tpu.dma_semaphore, #tpu.memory_space<semaphore_mem>>) src(%arg52 : memref<768xf32, #tpu.memory_space<vmem>>) dst(%dma_wait3A_1186 : memref<768xf32, #tpu.memory_space<hbm>>)
    %dma_wait3A_1187 = arith.constant 0 : i32
    %dma_wait3A_1188 = tpu.memref_slice %arg13[%dma_wait3A_1187] : memref<2000000xf32, #tpu.memory_space<hbm>> -> memref<768xf32, #tpu.memory_space<hbm>>
    %dma_wait3A_1189 = arith.constant 0 : i32
    %dma_wait3A_1190 = tpu.memref_slice %arg13[%dma_wait3A_1189] : memref<2000000xf32, #tpu.memory_space<hbm>> -> memref<768xf32, #tpu.memory_space<hbm>>
    tpu.wait_dma2 semaphore(%arg63 : memref<!tpu.dma_semaphore, #tpu.memory_space<semaphore_mem>>) src(%arg53 : memref<768xf32, #tpu.memory_space<vmem>>) dst(%dma_wait3A_1190 : memref<768xf32, #tpu.memory_space<hbm>>)
    %dma_wait3A_1191 = arith.constant 0 : i32
    %dma_wait3A_1192 = tpu.memref_slice %arg14[%dma_wait3A_1191] : memref<2000000xf32, #tpu.memory_space<hbm>> -> memref<768xf32, #tpu.memory_space<hbm>>
    %dma_wait3A_1193 = arith.constant 0 : i32
    %dma_wait3A_1194 = tpu.memref_slice %arg14[%dma_wait3A_1193] : memref<2000000xf32, #tpu.memory_space<hbm>> -> memref<768xf32, #tpu.memory_space<hbm>>
    tpu.wait_dma2 semaphore(%arg63 : memref<!tpu.dma_semaphore, #tpu.memory_space<semaphore_mem>>) src(%arg54 : memref<768xf32, #tpu.memory_space<vmem>>) dst(%dma_wait3A_1194 : memref<768xf32, #tpu.memory_space<hbm>>)
    %dma_wait3A_1195 = arith.constant 0 : i32
    %dma_wait3A_1196 = tpu.memref_slice %arg15[%dma_wait3A_1195] : memref<2000000xf32, #tpu.memory_space<hbm>> -> memref<768xf32, #tpu.memory_space<hbm>>
    %dma_wait3A_1197 = arith.constant 0 : i32
    %dma_wait3A_1198 = tpu.memref_slice %arg15[%dma_wait3A_1197] : memref<2000000xf32, #tpu.memory_space<hbm>> -> memref<768xf32, #tpu.memory_space<hbm>>
    tpu.wait_dma2 semaphore(%arg63 : memref<!tpu.dma_semaphore, #tpu.memory_space<semaphore_mem>>) src(%arg55 : memref<768xf32, #tpu.memory_space<vmem>>) dst(%dma_wait3A_1198 : memref<768xf32, #tpu.memory_space<hbm>>)
    %dma_wait3A_1199 = arith.constant 0 : i32
    %dma_wait3A_1200 = tpu.memref_slice %arg16[%dma_wait3A_1199] : memref<2000000xf32, #tpu.memory_space<hbm>> -> memref<768xf32, #tpu.memory_space<hbm>>
    %dma_wait3A_1201 = arith.constant 0 : i32
    %dma_wait3A_1202 = tpu.memref_slice %arg16[%dma_wait3A_1201] : memref<2000000xf32, #tpu.memory_space<hbm>> -> memref<768xf32, #tpu.memory_space<hbm>>
    tpu.wait_dma2 semaphore(%arg63 : memref<!tpu.dma_semaphore, #tpu.memory_space<semaphore_mem>>) src(%arg56 : memref<768xf32, #tpu.memory_space<vmem>>) dst(%dma_wait3A_1202 : memref<768xf32, #tpu.memory_space<hbm>>)
    %dma_wait3A_1203 = arith.constant 0 : i32
    %dma_wait3A_1204 = tpu.memref_slice %arg17[%dma_wait3A_1203] : memref<2000000xf32, #tpu.memory_space<hbm>> -> memref<768xf32, #tpu.memory_space<hbm>>
    %dma_wait3A_1205 = arith.constant 0 : i32
    %dma_wait3A_1206 = tpu.memref_slice %arg17[%dma_wait3A_1205] : memref<2000000xf32, #tpu.memory_space<hbm>> -> memref<768xf32, #tpu.memory_space<hbm>>
    tpu.wait_dma2 semaphore(%arg63 : memref<!tpu.dma_semaphore, #tpu.memory_space<semaphore_mem>>) src(%arg57 : memref<768xf32, #tpu.memory_space<vmem>>) dst(%dma_wait3A_1206 : memref<768xf32, #tpu.memory_space<hbm>>)
    %dma_wait3A_1207 = arith.constant 0 : i32
    %dma_wait3A_1208 = tpu.memref_slice %arg18[%dma_wait3A_1207] : memref<2000000xf32, #tpu.memory_space<hbm>> -> memref<768xf32, #tpu.memory_space<hbm>>
    %dma_wait3A_1209 = arith.constant 0 : i32
    %dma_wait3A_1210 = tpu.memref_slice %arg18[%dma_wait3A_1209] : memref<2000000xf32, #tpu.memory_space<hbm>> -> memref<768xf32, #tpu.memory_space<hbm>>
    tpu.wait_dma2 semaphore(%arg63 : memref<!tpu.dma_semaphore, #tpu.memory_space<semaphore_mem>>) src(%arg58 : memref<768xf32, #tpu.memory_space<vmem>>) dst(%dma_wait3A_1210 : memref<768xf32, #tpu.memory_space<hbm>>)
    %dma_wait3A_1211 = arith.constant 0 : i32
    %dma_wait3A_1212 = tpu.memref_slice %arg19[%dma_wait3A_1211] : memref<2000000xf32, #tpu.memory_space<hbm>> -> memref<768xf32, #tpu.memory_space<hbm>>
    %dma_wait3A_1213 = arith.constant 0 : i32
    %dma_wait3A_1214 = tpu.memref_slice %arg19[%dma_wait3A_1213] : memref<2000000xf32, #tpu.memory_space<hbm>> -> memref<768xf32, #tpu.memory_space<hbm>>
    tpu.wait_dma2 semaphore(%arg63 : memref<!tpu.dma_semaphore, #tpu.memory_space<semaphore_mem>>) src(%arg59 : memref<768xf32, #tpu.memory_space<vmem>>) dst(%dma_wait3A_1214 : memref<768xf32, #tpu.memory_space<hbm>>)
    %dma_wait3A_1215 = arith.constant 0 : i32
    %dma_wait3A_1216 = tpu.memref_slice %arg20[%dma_wait3A_1215] : memref<2000000xf32, #tpu.memory_space<hbm>> -> memref<768xf32, #tpu.memory_space<hbm>>
    %dma_wait3A_1217 = arith.constant 0 : i32
    %dma_wait3A_1218 = tpu.memref_slice %arg20[%dma_wait3A_1217] : memref<2000000xf32, #tpu.memory_space<hbm>> -> memref<768xf32, #tpu.memory_space<hbm>>
    tpu.wait_dma2 semaphore(%arg63 : memref<!tpu.dma_semaphore, #tpu.memory_space<semaphore_mem>>) src(%arg60 : memref<768xf32, #tpu.memory_space<vmem>>) dst(%dma_wait3A_1218 : memref<768xf32, #tpu.memory_space<hbm>>)
    %scan3A_1219 = arith.constant 0 : i32
    %scan3A_1220 = arith.constant 0 : i32
    %scan3A_1221 = arith.constant 48 : i32
    %scan3A_1222 = arith.addi %scan3A_1220, %scan3A_1221 : i32
    %scan3A_1223 = arith.constant 1 : i32
    scf.for %scan3A_1364 = %scan3A_1220 to %scan3A_1222 step %scan3A_1223  : i32 {
      %mul3A_1365 = arith.constant 16 : i32
      %mul3A_1366 = arith.muli %scan3A_1364, %mul3A_1365 : i32
      %get3A = arith.index_cast %mul3A_1366 : i32 to index
      %get3A_1367 = tpu.vector_load %arg44[%get3A] {strides = array<i32>} : memref<768xi32, #tpu.memory_space<vmem>>, vector<16xi32>,
      %mul3A_1368 = arith.constant 10 : i32
      %mul3A_1369 = vector.broadcast %mul3A_1368 : i32 to vector<16xi32>
      %mul3A_1370 = arith.muli %get3A_1367, %mul3A_1369 : vector<16xi32>
      %get3A_1371 = arith.index_cast %mul3A_1366 : i32 to index
      %get3A_1372 = tpu.vector_load %arg45[%get3A_1371] {strides = array<i32>} : memref<768xf32, #tpu.memory_space<vmem>>, vector<16xf32>,
      %swap3A = arith.index_cast %mul3A_1366 : i32 to index
      %swap3A_1373 = tpu.vector_load %arg48[%swap3A] {strides = array<i32>} : memref<768xf32, #tpu.memory_space<vmem>>, vector<16xf32>,
      tpu.vector_store %arg48[%swap3A], %get3A_1372 {strides = array<i32>} : memref<768xf32, #tpu.memory_space<vmem>>, vector<16xf32>,
      %get3A_1374 = arith.index_cast %mul3A_1366 : i32 to index
      %get3A_1375 = tpu.vector_load %arg46[%get3A_1374] {strides = array<i32>} : memref<768xf32, #tpu.memory_space<vmem>>, vector<16xf32>,
      %swap3A_1376 = arith.index_cast %mul3A_1366 : i32 to index
      %swap3A_1377 = tpu.vector_load %arg49[%swap3A_1376] {strides = array<i32>} : memref<768xf32, #tpu.memory_space<vmem>>, vector<16xf32>,
      tpu.vector_store %arg49[%swap3A_1376], %get3A_1375 {strides = array<i32>} : memref<768xf32, #tpu.memory_space<vmem>>, vector<16xf32>,
      %get3A_1378 = arith.index_cast %mul3A_1366 : i32 to index
      %get3A_1379 = tpu.vector_load %arg47[%get3A_1378] {strides = array<i32>} : memref<768xf32, #tpu.memory_space<vmem>>, vector<16xf32>,
      %swap3A_1380 = arith.index_cast %mul3A_1366 : i32 to index
      %swap3A_1381 = tpu.vector_load %arg50[%swap3A_1380] {strides = array<i32>} : memref<768xf32, #tpu.memory_space<vmem>>, vector<16xf32>,
      tpu.vector_store %arg50[%swap3A_1380], %get3A_1379 {strides = array<i32>} : memref<768xf32, #tpu.memory_space<vmem>>, vector<16xf32>,
      %add3A_1382 = arith.constant 0 : i32
      %add3A_1383 = vector.broadcast %add3A_1382 : i32 to vector<16xi32>
      %add3A_1384 = arith.addi %mul3A_1370, %add3A_1383 : vector<16xi32>
      %gather3A = tpu.vector_load_idx %arg21[%add3A_1384] : memref<100000xf32, #tpu.memory_space<vmem>>[vector<16xi32>], vector<16xf32>,
      %swap3A_1385 = arith.index_cast %mul3A_1366 : i32 to index
      %swap3A_1386 = tpu.vector_load %arg51[%swap3A_1385] {strides = array<i32>} : memref<768xf32, #tpu.memory_space<vmem>>, vector<16xf32>,
      tpu.vector_store %arg51[%swap3A_1385], %gather3A {strides = array<i32>} : memref<768xf32, #tpu.memory_space<vmem>>, vector<16xf32>,
      %add3A_1387 = arith.constant 1 : i32
      %add3A_1388 = vector.broadcast %add3A_1387 : i32 to vector<16xi32>
      %add3A_1389 = arith.addi %mul3A_1370, %add3A_1388 : vector<16xi32>
      %gather3A_1390 = tpu.vector_load_idx %arg21[%add3A_1389] : memref<100000xf32, #tpu.memory_space<vmem>>[vector<16xi32>], vector<16xf32>,
      %swap3A_1391 = arith.index_cast %mul3A_1366 : i32 to index
      %swap3A_1392 = tpu.vector_load %arg52[%swap3A_1391] {strides = array<i32>} : memref<768xf32, #tpu.memory_space<vmem>>, vector<16xf32>,
      tpu.vector_store %arg52[%swap3A_1391], %gather3A_1390 {strides = array<i32>} : memref<768xf32, #tpu.memory_space<vmem>>, vector<16xf32>,
      %add3A_1393 = arith.constant 2 : i32
      %add3A_1394 = vector.broadcast %add3A_1393 : i32 to vector<16xi32>
      %add3A_1395 = arith.addi %mul3A_1370, %add3A_1394 : vector<16xi32>
      %gather3A_1396 = tpu.vector_load_idx %arg21[%add3A_1395] : memref<100000xf32, #tpu.memory_space<vmem>>[vector<16xi32>], vector<16xf32>,
      %swap3A_1397 = arith.index_cast %mul3A_1366 : i32 to index
      %swap3A_1398 = tpu.vector_load %arg53[%swap3A_1397] {strides = array<i32>} : memref<768xf32, #tpu.memory_space<vmem>>, vector<16xf32>,
      tpu.vector_store %arg53[%swap3A_1397], %gather3A_1396 {strides = array<i32>} : memref<768xf32, #tpu.memory_space<vmem>>, vector<16xf32>,
      %add3A_1399 = arith.constant 3 : i32
      %add3A_1400 = vector.broadcast %add3A_1399 : i32 to vector<16xi32>
      %add3A_1401 = arith.addi %mul3A_1370, %add3A_1400 : vector<16xi32>
      %gather3A_1402 = tpu.vector_load_idx %arg21[%add3A_1401] : memref<100000xf32, #tpu.memory_space<vmem>>[vector<16xi32>], vector<16xf32>,
      %swap3A_1403 = arith.index_cast %mul3A_1366 : i32 to index
      %swap3A_1404 = tpu.vector_load %arg54[%swap3A_1403] {strides = array<i32>} : memref<768xf32, #tpu.memory_space<vmem>>, vector<16xf32>,
      tpu.vector_store %arg54[%swap3A_1403], %gather3A_1402 {strides = array<i32>} : memref<768xf32, #tpu.memory_space<vmem>>, vector<16xf32>,
      %add3A_1405 = arith.constant 4 : i32
      %add3A_1406 = vector.broadcast %add3A_1405 : i32 to vector<16xi32>
      %add3A_1407 = arith.addi %mul3A_1370, %add3A_1406 : vector<16xi32>
      %gather3A_1408 = tpu.vector_load_idx %arg21[%add3A_1407] : memref<100000xf32, #tpu.memory_space<vmem>>[vector<16xi32>], vector<16xf32>,
      %swap3A_1409 = arith.index_cast %mul3A_1366 : i32 to index
      %swap3A_1410 = tpu.vector_load %arg55[%swap3A_1409] {strides = array<i32>} : memref<768xf32, #tpu.memory_space<vmem>>, vector<16xf32>,
      tpu.vector_store %arg55[%swap3A_1409], %gather3A_1408 {strides = array<i32>} : memref<768xf32, #tpu.memory_space<vmem>>, vector<16xf32>,
      %add3A_1411 = arith.constant 5 : i32
      %add3A_1412 = vector.broadcast %add3A_1411 : i32 to vector<16xi32>
      %add3A_1413 = arith.addi %mul3A_1370, %add3A_1412 : vector<16xi32>
      %gather3A_1414 = tpu.vector_load_idx %arg21[%add3A_1413] : memref<100000xf32, #tpu.memory_space<vmem>>[vector<16xi32>], vector<16xf32>,
      %swap3A_1415 = arith.index_cast %mul3A_1366 : i32 to index
      %swap3A_1416 = tpu.vector_load %arg56[%swap3A_1415] {strides = array<i32>} : memref<768xf32, #tpu.memory_space<vmem>>, vector<16xf32>,
      tpu.vector_store %arg56[%swap3A_1415], %gather3A_1414 {strides = array<i32>} : memref<768xf32, #tpu.memory_space<vmem>>, vector<16xf32>,
      %add3A_1417 = arith.constant 6 : i32
      %add3A_1418 = vector.broadcast %add3A_1417 : i32 to vector<16xi32>
      %add3A_1419 = arith.addi %mul3A_1370, %add3A_1418 : vector<16xi32>
      %gather3A_1420 = tpu.vector_load_idx %arg21[%add3A_1419] : memref<100000xf32, #tpu.memory_space<vmem>>[vector<16xi32>], vector<16xf32>,
      %swap3A_1421 = arith.index_cast %mul3A_1366 : i32 to index
      %swap3A_1422 = tpu.vector_load %arg57[%swap3A_1421] {strides = array<i32>} : memref<768xf32, #tpu.memory_space<vmem>>, vector<16xf32>,
      tpu.vector_store %arg57[%swap3A_1421], %gather3A_1420 {strides = array<i32>} : memref<768xf32, #tpu.memory_space<vmem>>, vector<16xf32>,
      %add3A_1423 = arith.constant 7 : i32
      %add3A_1424 = vector.broadcast %add3A_1423 : i32 to vector<16xi32>
      %add3A_1425 = arith.addi %mul3A_1370, %add3A_1424 : vector<16xi32>
      %gather3A_1426 = tpu.vector_load_idx %arg21[%add3A_1425] : memref<100000xf32, #tpu.memory_space<vmem>>[vector<16xi32>], vector<16xf32>,
      %swap3A_1427 = arith.index_cast %mul3A_1366 : i32 to index
      %swap3A_1428 = tpu.vector_load %arg58[%swap3A_1427] {strides = array<i32>} : memref<768xf32, #tpu.memory_space<vmem>>, vector<16xf32>,
      tpu.vector_store %arg58[%swap3A_1427], %gather3A_1426 {strides = array<i32>} : memref<768xf32, #tpu.memory_space<vmem>>, vector<16xf32>,
      %add3A_1429 = arith.constant 8 : i32
      %add3A_1430 = vector.broadcast %add3A_1429 : i32 to vector<16xi32>
      %add3A_1431 = arith.addi %mul3A_1370, %add3A_1430 : vector<16xi32>
      %gather3A_1432 = tpu.vector_load_idx %arg21[%add3A_1431] : memref<100000xf32, #tpu.memory_space<vmem>>[vector<16xi32>], vector<16xf32>,
      %swap3A_1433 = arith.index_cast %mul3A_1366 : i32 to index
      %swap3A_1434 = tpu.vector_load %arg59[%swap3A_1433] {strides = array<i32>} : memref<768xf32, #tpu.memory_space<vmem>>, vector<16xf32>,
      tpu.vector_store %arg59[%swap3A_1433], %gather3A_1432 {strides = array<i32>} : memref<768xf32, #tpu.memory_space<vmem>>, vector<16xf32>,
      %add3A_1435 = arith.constant 9 : i32
      %add3A_1436 = vector.broadcast %add3A_1435 : i32 to vector<16xi32>
      %add3A_1437 = arith.addi %mul3A_1370, %add3A_1436 : vector<16xi32>
      %gather3A_1438 = tpu.vector_load_idx %arg21[%add3A_1437] : memref<100000xf32, #tpu.memory_space<vmem>>[vector<16xi32>], vector<16xf32>,
      %swap3A_1439 = arith.index_cast %mul3A_1366 : i32 to index
      %swap3A_1440 = tpu.vector_load %arg60[%swap3A_1439] {strides = array<i32>} : memref<768xf32, #tpu.memory_space<vmem>>, vector<16xf32>,
      tpu.vector_store %arg60[%swap3A_1439], %gather3A_1438 {strides = array<i32>} : memref<768xf32, #tpu.memory_space<vmem>>, vector<16xf32>,
    }
    %scan3A_1224 = arith.constant 48 : i32
    %mul3A_1225 = arith.constant 83 : i32
    %mul3A_1226 = arith.constant 6 : i32
    %mul3A_1227 = arith.muli %mul3A_1225, %mul3A_1226 : i32
    %sub3A_1228 = arith.constant 6 : i32
    %sub3A_1229 = arith.subi %add3A_4, %sub3A_1228 : i32
    %min3A_1230 = arith.minsi %mul3A_1227, %sub3A_1229 : i32
    %add3A_1231 = arith.addi %add3A_8, %min3A_1230 : i32
    %mul3A_1232 = arith.constant 128 : i32
    %mul3A_1233 = arith.muli %add3A_1231, %mul3A_1232 : i32
    %dma_start3A_1234 = tpu.memref_slice %arg8[%mul3A_1233] : memref<2000000xf32, #tpu.memory_space<hbm>> -> memref<768xf32, #tpu.memory_space<hbm>>
    %dma_start3A_1235 = tpu.memref_slice %arg8[%mul3A_1233] : memref<2000000xf32, #tpu.memory_space<hbm>> -> memref<768xf32, #tpu.memory_space<hbm>>
    tpu.enqueue_dma source(%arg48 : memref<768xf32, #tpu.memory_space<vmem>>) target(%dma_start3A_1235 : memref<768xf32, #tpu.memory_space<hbm>>) target_semaphore(%arg63 : memref<!tpu.dma_semaphore, #tpu.memory_space<semaphore_mem>>)
    %dma_start3A_1236 = tpu.memref_slice %arg9[%mul3A_1233] : memref<2000000xf32, #tpu.memory_space<hbm>> -> memref<768xf32, #tpu.memory_space<hbm>>
    %dma_start3A_1237 = tpu.memref_slice %arg9[%mul3A_1233] : memref<2000000xf32, #tpu.memory_space<hbm>> -> memref<768xf32, #tpu.memory_space<hbm>>
    tpu.enqueue_dma source(%arg49 : memref<768xf32, #tpu.memory_space<vmem>>) target(%dma_start3A_1237 : memref<768xf32, #tpu.memory_space<hbm>>) target_semaphore(%arg63 : memref<!tpu.dma_semaphore, #tpu.memory_space<semaphore_mem>>)
    %dma_start3A_1238 = tpu.memref_slice %arg10[%mul3A_1233] : memref<2000000xf32, #tpu.memory_space<hbm>> -> memref<768xf32, #tpu.memory_space<hbm>>
    %dma_start3A_1239 = tpu.memref_slice %arg10[%mul3A_1233] : memref<2000000xf32, #tpu.memory_space<hbm>> -> memref<768xf32, #tpu.memory_space<hbm>>
    tpu.enqueue_dma source(%arg50 : memref<768xf32, #tpu.memory_space<vmem>>) target(%dma_start3A_1239 : memref<768xf32, #tpu.memory_space<hbm>>) target_semaphore(%arg63 : memref<!tpu.dma_semaphore, #tpu.memory_space<semaphore_mem>>)
    %dma_start3A_1240 = tpu.memref_slice %arg11[%mul3A_1233] : memref<2000000xf32, #tpu.memory_space<hbm>> -> memref<768xf32, #tpu.memory_space<hbm>>
    %dma_start3A_1241 = tpu.memref_slice %arg11[%mul3A_1233] : memref<2000000xf32, #tpu.memory_space<hbm>> -> memref<768xf32, #tpu.memory_space<hbm>>
    tpu.enqueue_dma source(%arg51 : memref<768xf32, #tpu.memory_space<vmem>>) target(%dma_start3A_1241 : memref<768xf32, #tpu.memory_space<hbm>>) target_semaphore(%arg63 : memref<!tpu.dma_semaphore, #tpu.memory_space<semaphore_mem>>)
    %dma_start3A_1242 = tpu.memref_slice %arg12[%mul3A_1233] : memref<2000000xf32, #tpu.memory_space<hbm>> -> memref<768xf32, #tpu.memory_space<hbm>>
    %dma_start3A_1243 = tpu.memref_slice %arg12[%mul3A_1233] : memref<2000000xf32, #tpu.memory_space<hbm>> -> memref<768xf32, #tpu.memory_space<hbm>>
    tpu.enqueue_dma source(%arg52 : memref<768xf32, #tpu.memory_space<vmem>>) target(%dma_start3A_1243 : memref<768xf32, #tpu.memory_space<hbm>>) target_semaphore(%arg63 : memref<!tpu.dma_semaphore, #tpu.memory_space<semaphore_mem>>)
    %dma_start3A_1244 = tpu.memref_slice %arg13[%mul3A_1233] : memref<2000000xf32, #tpu.memory_space<hbm>> -> memref<768xf32, #tpu.memory_space<hbm>>
    %dma_start3A_1245 = tpu.memref_slice %arg13[%mul3A_1233] : memref<2000000xf32, #tpu.memory_space<hbm>> -> memref<768xf32, #tpu.memory_space<hbm>>
    tpu.enqueue_dma source(%arg53 : memref<768xf32, #tpu.memory_space<vmem>>) target(%dma_start3A_1245 : memref<768xf32, #tpu.memory_space<hbm>>) target_semaphore(%arg63 : memref<!tpu.dma_semaphore, #tpu.memory_space<semaphore_mem>>)
    %dma_start3A_1246 = tpu.memref_slice %arg14[%mul3A_1233] : memref<2000000xf32, #tpu.memory_space<hbm>> -> memref<768xf32, #tpu.memory_space<hbm>>
    %dma_start3A_1247 = tpu.memref_slice %arg14[%mul3A_1233] : memref<2000000xf32, #tpu.memory_space<hbm>> -> memref<768xf32, #tpu.memory_space<hbm>>
    tpu.enqueue_dma source(%arg54 : memref<768xf32, #tpu.memory_space<vmem>>) target(%dma_start3A_1247 : memref<768xf32, #tpu.memory_space<hbm>>) target_semaphore(%arg63 : memref<!tpu.dma_semaphore, #tpu.memory_space<semaphore_mem>>)
    %dma_start3A_1248 = tpu.memref_slice %arg15[%mul3A_1233] : memref<2000000xf32, #tpu.memory_space<hbm>> -> memref<768xf32, #tpu.memory_space<hbm>>
    %dma_start3A_1249 = tpu.memref_slice %arg15[%mul3A_1233] : memref<2000000xf32, #tpu.memory_space<hbm>> -> memref<768xf32, #tpu.memory_space<hbm>>
    tpu.enqueue_dma source(%arg55 : memref<768xf32, #tpu.memory_space<vmem>>) target(%dma_start3A_1249 : memref<768xf32, #tpu.memory_space<hbm>>) target_semaphore(%arg63 : memref<!tpu.dma_semaphore, #tpu.memory_space<semaphore_mem>>)
    %dma_start3A_1250 = tpu.memref_slice %arg16[%mul3A_1233] : memref<2000000xf32, #tpu.memory_space<hbm>> -> memref<768xf32, #tpu.memory_space<hbm>>
    %dma_start3A_1251 = tpu.memref_slice %arg16[%mul3A_1233] : memref<2000000xf32, #tpu.memory_space<hbm>> -> memref<768xf32, #tpu.memory_space<hbm>>
    tpu.enqueue_dma source(%arg56 : memref<768xf32, #tpu.memory_space<vmem>>) target(%dma_start3A_1251 : memref<768xf32, #tpu.memory_space<hbm>>) target_semaphore(%arg63 : memref<!tpu.dma_semaphore, #tpu.memory_space<semaphore_mem>>)
    %dma_start3A_1252 = tpu.memref_slice %arg17[%mul3A_1233] : memref<2000000xf32, #tpu.memory_space<hbm>> -> memref<768xf32, #tpu.memory_space<hbm>>
    %dma_start3A_1253 = tpu.memref_slice %arg17[%mul3A_1233] : memref<2000000xf32, #tpu.memory_space<hbm>> -> memref<768xf32, #tpu.memory_space<hbm>>
    tpu.enqueue_dma source(%arg57 : memref<768xf32, #tpu.memory_space<vmem>>) target(%dma_start3A_1253 : memref<768xf32, #tpu.memory_space<hbm>>) target_semaphore(%arg63 : memref<!tpu.dma_semaphore, #tpu.memory_space<semaphore_mem>>)
    %dma_start3A_1254 = tpu.memref_slice %arg18[%mul3A_1233] : memref<2000000xf32, #tpu.memory_space<hbm>> -> memref<768xf32, #tpu.memory_space<hbm>>
    %dma_start3A_1255 = tpu.memref_slice %arg18[%mul3A_1233] : memref<2000000xf32, #tpu.memory_space<hbm>> -> memref<768xf32, #tpu.memory_space<hbm>>
    tpu.enqueue_dma source(%arg58 : memref<768xf32, #tpu.memory_space<vmem>>) target(%dma_start3A_1255 : memref<768xf32, #tpu.memory_space<hbm>>) target_semaphore(%arg63 : memref<!tpu.dma_semaphore, #tpu.memory_space<semaphore_mem>>)
    %dma_start3A_1256 = tpu.memref_slice %arg19[%mul3A_1233] : memref<2000000xf32, #tpu.memory_space<hbm>> -> memref<768xf32, #tpu.memory_space<hbm>>
    %dma_start3A_1257 = tpu.memref_slice %arg19[%mul3A_1233] : memref<2000000xf32, #tpu.memory_space<hbm>> -> memref<768xf32, #tpu.memory_space<hbm>>
    tpu.enqueue_dma source(%arg59 : memref<768xf32, #tpu.memory_space<vmem>>) target(%dma_start3A_1257 : memref<768xf32, #tpu.memory_space<hbm>>) target_semaphore(%arg63 : memref<!tpu.dma_semaphore, #tpu.memory_space<semaphore_mem>>)
    %dma_start3A_1258 = tpu.memref_slice %arg20[%mul3A_1233] : memref<2000000xf32, #tpu.memory_space<hbm>> -> memref<768xf32, #tpu.memory_space<hbm>>
    %dma_start3A_1259 = tpu.memref_slice %arg20[%mul3A_1233] : memref<2000000xf32, #tpu.memory_space<hbm>> -> memref<768xf32, #tpu.memory_space<hbm>>
    tpu.enqueue_dma source(%arg60 : memref<768xf32, #tpu.memory_space<vmem>>) target(%dma_start3A_1259 : memref<768xf32, #tpu.memory_space<hbm>>) target_semaphore(%arg63 : memref<!tpu.dma_semaphore, #tpu.memory_space<semaphore_mem>>)
    %dma_wait3A_1260 = arith.constant 0 : i32
    %dma_wait3A_1261 = tpu.memref_slice %arg8[%dma_wait3A_1260] : memref<2000000xf32, #tpu.memory_space<hbm>> -> memref<768xf32, #tpu.memory_space<hbm>>
    %dma_wait3A_1262 = arith.constant 0 : i32
    %dma_wait3A_1263 = tpu.memref_slice %arg8[%dma_wait3A_1262] : memref<2000000xf32, #tpu.memory_space<hbm>> -> memref<768xf32, #tpu.memory_space<hbm>>
    tpu.wait_dma2 semaphore(%arg42 : memref<!tpu.dma_semaphore, #tpu.memory_space<semaphore_mem>>) src(%arg27 : memref<768xf32, #tpu.memory_space<vmem>>) dst(%dma_wait3A_1263 : memref<768xf32, #tpu.memory_space<hbm>>)
    %dma_wait3A_1264 = arith.constant 0 : i32
    %dma_wait3A_1265 = tpu.memref_slice %arg9[%dma_wait3A_1264] : memref<2000000xf32, #tpu.memory_space<hbm>> -> memref<768xf32, #tpu.memory_space<hbm>>
    %dma_wait3A_1266 = arith.constant 0 : i32
    %dma_wait3A_1267 = tpu.memref_slice %arg9[%dma_wait3A_1266] : memref<2000000xf32, #tpu.memory_space<hbm>> -> memref<768xf32, #tpu.memory_space<hbm>>
    tpu.wait_dma2 semaphore(%arg42 : memref<!tpu.dma_semaphore, #tpu.memory_space<semaphore_mem>>) src(%arg28 : memref<768xf32, #tpu.memory_space<vmem>>) dst(%dma_wait3A_1267 : memref<768xf32, #tpu.memory_space<hbm>>)
    %dma_wait3A_1268 = arith.constant 0 : i32
    %dma_wait3A_1269 = tpu.memref_slice %arg10[%dma_wait3A_1268] : memref<2000000xf32, #tpu.memory_space<hbm>> -> memref<768xf32, #tpu.memory_space<hbm>>
    %dma_wait3A_1270 = arith.constant 0 : i32
    %dma_wait3A_1271 = tpu.memref_slice %arg10[%dma_wait3A_1270] : memref<2000000xf32, #tpu.memory_space<hbm>> -> memref<768xf32, #tpu.memory_space<hbm>>
    tpu.wait_dma2 semaphore(%arg42 : memref<!tpu.dma_semaphore, #tpu.memory_space<semaphore_mem>>) src(%arg29 : memref<768xf32, #tpu.memory_space<vmem>>) dst(%dma_wait3A_1271 : memref<768xf32, #tpu.memory_space<hbm>>)
    %dma_wait3A_1272 = arith.constant 0 : i32
    %dma_wait3A_1273 = tpu.memref_slice %arg11[%dma_wait3A_1272] : memref<2000000xf32, #tpu.memory_space<hbm>> -> memref<768xf32, #tpu.memory_space<hbm>>
    %dma_wait3A_1274 = arith.constant 0 : i32
    %dma_wait3A_1275 = tpu.memref_slice %arg11[%dma_wait3A_1274] : memref<2000000xf32, #tpu.memory_space<hbm>> -> memref<768xf32, #tpu.memory_space<hbm>>
    tpu.wait_dma2 semaphore(%arg42 : memref<!tpu.dma_semaphore, #tpu.memory_space<semaphore_mem>>) src(%arg30 : memref<768xf32, #tpu.memory_space<vmem>>) dst(%dma_wait3A_1275 : memref<768xf32, #tpu.memory_space<hbm>>)
    %dma_wait3A_1276 = arith.constant 0 : i32
    %dma_wait3A_1277 = tpu.memref_slice %arg12[%dma_wait3A_1276] : memref<2000000xf32, #tpu.memory_space<hbm>> -> memref<768xf32, #tpu.memory_space<hbm>>
    %dma_wait3A_1278 = arith.constant 0 : i32
    %dma_wait3A_1279 = tpu.memref_slice %arg12[%dma_wait3A_1278] : memref<2000000xf32, #tpu.memory_space<hbm>> -> memref<768xf32, #tpu.memory_space<hbm>>
    tpu.wait_dma2 semaphore(%arg42 : memref<!tpu.dma_semaphore, #tpu.memory_space<semaphore_mem>>) src(%arg31 : memref<768xf32, #tpu.memory_space<vmem>>) dst(%dma_wait3A_1279 : memref<768xf32, #tpu.memory_space<hbm>>)
    %dma_wait3A_1280 = arith.constant 0 : i32
    %dma_wait3A_1281 = tpu.memref_slice %arg13[%dma_wait3A_1280] : memref<2000000xf32, #tpu.memory_space<hbm>> -> memref<768xf32, #tpu.memory_space<hbm>>
    %dma_wait3A_1282 = arith.constant 0 : i32
    %dma_wait3A_1283 = tpu.memref_slice %arg13[%dma_wait3A_1282] : memref<2000000xf32, #tpu.memory_space<hbm>> -> memref<768xf32, #tpu.memory_space<hbm>>
    tpu.wait_dma2 semaphore(%arg42 : memref<!tpu.dma_semaphore, #tpu.memory_space<semaphore_mem>>) src(%arg32 : memref<768xf32, #tpu.memory_space<vmem>>) dst(%dma_wait3A_1283 : memref<768xf32, #tpu.memory_space<hbm>>)
    %dma_wait3A_1284 = arith.constant 0 : i32
    %dma_wait3A_1285 = tpu.memref_slice %arg14[%dma_wait3A_1284] : memref<2000000xf32, #tpu.memory_space<hbm>> -> memref<768xf32, #tpu.memory_space<hbm>>
    %dma_wait3A_1286 = arith.constant 0 : i32
    %dma_wait3A_1287 = tpu.memref_slice %arg14[%dma_wait3A_1286] : memref<2000000xf32, #tpu.memory_space<hbm>> -> memref<768xf32, #tpu.memory_space<hbm>>
    tpu.wait_dma2 semaphore(%arg42 : memref<!tpu.dma_semaphore, #tpu.memory_space<semaphore_mem>>) src(%arg33 : memref<768xf32, #tpu.memory_space<vmem>>) dst(%dma_wait3A_1287 : memref<768xf32, #tpu.memory_space<hbm>>)
    %dma_wait3A_1288 = arith.constant 0 : i32
    %dma_wait3A_1289 = tpu.memref_slice %arg15[%dma_wait3A_1288] : memref<2000000xf32, #tpu.memory_space<hbm>> -> memref<768xf32, #tpu.memory_space<hbm>>
    %dma_wait3A_1290 = arith.constant 0 : i32
    %dma_wait3A_1291 = tpu.memref_slice %arg15[%dma_wait3A_1290] : memref<2000000xf32, #tpu.memory_space<hbm>> -> memref<768xf32, #tpu.memory_space<hbm>>
    tpu.wait_dma2 semaphore(%arg42 : memref<!tpu.dma_semaphore, #tpu.memory_space<semaphore_mem>>) src(%arg34 : memref<768xf32, #tpu.memory_space<vmem>>) dst(%dma_wait3A_1291 : memref<768xf32, #tpu.memory_space<hbm>>)
    %dma_wait3A_1292 = arith.constant 0 : i32
    %dma_wait3A_1293 = tpu.memref_slice %arg16[%dma_wait3A_1292] : memref<2000000xf32, #tpu.memory_space<hbm>> -> memref<768xf32, #tpu.memory_space<hbm>>
    %dma_wait3A_1294 = arith.constant 0 : i32
    %dma_wait3A_1295 = tpu.memref_slice %arg16[%dma_wait3A_1294] : memref<2000000xf32, #tpu.memory_space<hbm>> -> memref<768xf32, #tpu.memory_space<hbm>>
    tpu.wait_dma2 semaphore(%arg42 : memref<!tpu.dma_semaphore, #tpu.memory_space<semaphore_mem>>) src(%arg35 : memref<768xf32, #tpu.memory_space<vmem>>) dst(%dma_wait3A_1295 : memref<768xf32, #tpu.memory_space<hbm>>)
    %dma_wait3A_1296 = arith.constant 0 : i32
    %dma_wait3A_1297 = tpu.memref_slice %arg17[%dma_wait3A_1296] : memref<2000000xf32, #tpu.memory_space<hbm>> -> memref<768xf32, #tpu.memory_space<hbm>>
    %dma_wait3A_1298 = arith.constant 0 : i32
    %dma_wait3A_1299 = tpu.memref_slice %arg17[%dma_wait3A_1298] : memref<2000000xf32, #tpu.memory_space<hbm>> -> memref<768xf32, #tpu.memory_space<hbm>>
    tpu.wait_dma2 semaphore(%arg42 : memref<!tpu.dma_semaphore, #tpu.memory_space<semaphore_mem>>) src(%arg36 : memref<768xf32, #tpu.memory_space<vmem>>) dst(%dma_wait3A_1299 : memref<768xf32, #tpu.memory_space<hbm>>)
    %dma_wait3A_1300 = arith.constant 0 : i32
    %dma_wait3A_1301 = tpu.memref_slice %arg18[%dma_wait3A_1300] : memref<2000000xf32, #tpu.memory_space<hbm>> -> memref<768xf32, #tpu.memory_space<hbm>>
    %dma_wait3A_1302 = arith.constant 0 : i32
    %dma_wait3A_1303 = tpu.memref_slice %arg18[%dma_wait3A_1302] : memref<2000000xf32, #tpu.memory_space<hbm>> -> memref<768xf32, #tpu.memory_space<hbm>>
    tpu.wait_dma2 semaphore(%arg42 : memref<!tpu.dma_semaphore, #tpu.memory_space<semaphore_mem>>) src(%arg37 : memref<768xf32, #tpu.memory_space<vmem>>) dst(%dma_wait3A_1303 : memref<768xf32, #tpu.memory_space<hbm>>)
    %dma_wait3A_1304 = arith.constant 0 : i32
    %dma_wait3A_1305 = tpu.memref_slice %arg19[%dma_wait3A_1304] : memref<2000000xf32, #tpu.memory_space<hbm>> -> memref<768xf32, #tpu.memory_space<hbm>>
    %dma_wait3A_1306 = arith.constant 0 : i32
    %dma_wait3A_1307 = tpu.memref_slice %arg19[%dma_wait3A_1306] : memref<2000000xf32, #tpu.memory_space<hbm>> -> memref<768xf32, #tpu.memory_space<hbm>>
    tpu.wait_dma2 semaphore(%arg42 : memref<!tpu.dma_semaphore, #tpu.memory_space<semaphore_mem>>) src(%arg38 : memref<768xf32, #tpu.memory_space<vmem>>) dst(%dma_wait3A_1307 : memref<768xf32, #tpu.memory_space<hbm>>)
    %dma_wait3A_1308 = arith.constant 0 : i32
    %dma_wait3A_1309 = tpu.memref_slice %arg20[%dma_wait3A_1308] : memref<2000000xf32, #tpu.memory_space<hbm>> -> memref<768xf32, #tpu.memory_space<hbm>>
    %dma_wait3A_1310 = arith.constant 0 : i32
    %dma_wait3A_1311 = tpu.memref_slice %arg20[%dma_wait3A_1310] : memref<2000000xf32, #tpu.memory_space<hbm>> -> memref<768xf32, #tpu.memory_space<hbm>>
    tpu.wait_dma2 semaphore(%arg42 : memref<!tpu.dma_semaphore, #tpu.memory_space<semaphore_mem>>) src(%arg39 : memref<768xf32, #tpu.memory_space<vmem>>) dst(%dma_wait3A_1311 : memref<768xf32, #tpu.memory_space<hbm>>)
    %dma_wait3A_1312 = arith.constant 0 : i32
    %dma_wait3A_1313 = tpu.memref_slice %arg8[%dma_wait3A_1312] : memref<2000000xf32, #tpu.memory_space<hbm>> -> memref<768xf32, #tpu.memory_space<hbm>>
    %dma_wait3A_1314 = arith.constant 0 : i32
    %dma_wait3A_1315 = tpu.memref_slice %arg8[%dma_wait3A_1314] : memref<2000000xf32, #tpu.memory_space<hbm>> -> memref<768xf32, #tpu.memory_space<hbm>>
    tpu.wait_dma2 semaphore(%arg63 : memref<!tpu.dma_semaphore, #tpu.memory_space<semaphore_mem>>) src(%arg48 : memref<768xf32, #tpu.memory_space<vmem>>) dst(%dma_wait3A_1315 : memref<768xf32, #tpu.memory_space<hbm>>)
    %dma_wait3A_1316 = arith.constant 0 : i32
    %dma_wait3A_1317 = tpu.memref_slice %arg9[%dma_wait3A_1316] : memref<2000000xf32, #tpu.memory_space<hbm>> -> memref<768xf32, #tpu.memory_space<hbm>>
    %dma_wait3A_1318 = arith.constant 0 : i32
    %dma_wait3A_1319 = tpu.memref_slice %arg9[%dma_wait3A_1318] : memref<2000000xf32, #tpu.memory_space<hbm>> -> memref<768xf32, #tpu.memory_space<hbm>>
    tpu.wait_dma2 semaphore(%arg63 : memref<!tpu.dma_semaphore, #tpu.memory_space<semaphore_mem>>) src(%arg49 : memref<768xf32, #tpu.memory_space<vmem>>) dst(%dma_wait3A_1319 : memref<768xf32, #tpu.memory_space<hbm>>)
    %dma_wait3A_1320 = arith.constant 0 : i32
    %dma_wait3A_1321 = tpu.memref_slice %arg10[%dma_wait3A_1320] : memref<2000000xf32, #tpu.memory_space<hbm>> -> memref<768xf32, #tpu.memory_space<hbm>>
    %dma_wait3A_1322 = arith.constant 0 : i32
    %dma_wait3A_1323 = tpu.memref_slice %arg10[%dma_wait3A_1322] : memref<2000000xf32, #tpu.memory_space<hbm>> -> memref<768xf32, #tpu.memory_space<hbm>>
    tpu.wait_dma2 semaphore(%arg63 : memref<!tpu.dma_semaphore, #tpu.memory_space<semaphore_mem>>) src(%arg50 : memref<768xf32, #tpu.memory_space<vmem>>) dst(%dma_wait3A_1323 : memref<768xf32, #tpu.memory_space<hbm>>)
    %dma_wait3A_1324 = arith.constant 0 : i32
    %dma_wait3A_1325 = tpu.memref_slice %arg11[%dma_wait3A_1324] : memref<2000000xf32, #tpu.memory_space<hbm>> -> memref<768xf32, #tpu.memory_space<hbm>>
    %dma_wait3A_1326 = arith.constant 0 : i32
    %dma_wait3A_1327 = tpu.memref_slice %arg11[%dma_wait3A_1326] : memref<2000000xf32, #tpu.memory_space<hbm>> -> memref<768xf32, #tpu.memory_space<hbm>>
    tpu.wait_dma2 semaphore(%arg63 : memref<!tpu.dma_semaphore, #tpu.memory_space<semaphore_mem>>) src(%arg51 : memref<768xf32, #tpu.memory_space<vmem>>) dst(%dma_wait3A_1327 : memref<768xf32, #tpu.memory_space<hbm>>)
    %dma_wait3A_1328 = arith.constant 0 : i32
    %dma_wait3A_1329 = tpu.memref_slice %arg12[%dma_wait3A_1328] : memref<2000000xf32, #tpu.memory_space<hbm>> -> memref<768xf32, #tpu.memory_space<hbm>>
    %dma_wait3A_1330 = arith.constant 0 : i32
    %dma_wait3A_1331 = tpu.memref_slice %arg12[%dma_wait3A_1330] : memref<2000000xf32, #tpu.memory_space<hbm>> -> memref<768xf32, #tpu.memory_space<hbm>>
    tpu.wait_dma2 semaphore(%arg63 : memref<!tpu.dma_semaphore, #tpu.memory_space<semaphore_mem>>) src(%arg52 : memref<768xf32, #tpu.memory_space<vmem>>) dst(%dma_wait3A_1331 : memref<768xf32, #tpu.memory_space<hbm>>)
    %dma_wait3A_1332 = arith.constant 0 : i32
    %dma_wait3A_1333 = tpu.memref_slice %arg13[%dma_wait3A_1332] : memref<2000000xf32, #tpu.memory_space<hbm>> -> memref<768xf32, #tpu.memory_space<hbm>>
    %dma_wait3A_1334 = arith.constant 0 : i32
    %dma_wait3A_1335 = tpu.memref_slice %arg13[%dma_wait3A_1334] : memref<2000000xf32, #tpu.memory_space<hbm>> -> memref<768xf32, #tpu.memory_space<hbm>>
    tpu.wait_dma2 semaphore(%arg63 : memref<!tpu.dma_semaphore, #tpu.memory_space<semaphore_mem>>) src(%arg53 : memref<768xf32, #tpu.memory_space<vmem>>) dst(%dma_wait3A_1335 : memref<768xf32, #tpu.memory_space<hbm>>)
    %dma_wait3A_1336 = arith.constant 0 : i32
    %dma_wait3A_1337 = tpu.memref_slice %arg14[%dma_wait3A_1336] : memref<2000000xf32, #tpu.memory_space<hbm>> -> memref<768xf32, #tpu.memory_space<hbm>>
    %dma_wait3A_1338 = arith.constant 0 : i32
    %dma_wait3A_1339 = tpu.memref_slice %arg14[%dma_wait3A_1338] : memref<2000000xf32, #tpu.memory_space<hbm>> -> memref<768xf32, #tpu.memory_space<hbm>>
    tpu.wait_dma2 semaphore(%arg63 : memref<!tpu.dma_semaphore, #tpu.memory_space<semaphore_mem>>) src(%arg54 : memref<768xf32, #tpu.memory_space<vmem>>) dst(%dma_wait3A_1339 : memref<768xf32, #tpu.memory_space<hbm>>)
    %dma_wait3A_1340 = arith.constant 0 : i32
    %dma_wait3A_1341 = tpu.memref_slice %arg15[%dma_wait3A_1340] : memref<2000000xf32, #tpu.memory_space<hbm>> -> memref<768xf32, #tpu.memory_space<hbm>>
    %dma_wait3A_1342 = arith.constant 0 : i32
    %dma_wait3A_1343 = tpu.memref_slice %arg15[%dma_wait3A_1342] : memref<2000000xf32, #tpu.memory_space<hbm>> -> memref<768xf32, #tpu.memory_space<hbm>>
    tpu.wait_dma2 semaphore(%arg63 : memref<!tpu.dma_semaphore, #tpu.memory_space<semaphore_mem>>) src(%arg55 : memref<768xf32, #tpu.memory_space<vmem>>) dst(%dma_wait3A_1343 : memref<768xf32, #tpu.memory_space<hbm>>)
    %dma_wait3A_1344 = arith.constant 0 : i32
    %dma_wait3A_1345 = tpu.memref_slice %arg16[%dma_wait3A_1344] : memref<2000000xf32, #tpu.memory_space<hbm>> -> memref<768xf32, #tpu.memory_space<hbm>>
    %dma_wait3A_1346 = arith.constant 0 : i32
    %dma_wait3A_1347 = tpu.memref_slice %arg16[%dma_wait3A_1346] : memref<2000000xf32, #tpu.memory_space<hbm>> -> memref<768xf32, #tpu.memory_space<hbm>>
    tpu.wait_dma2 semaphore(%arg63 : memref<!tpu.dma_semaphore, #tpu.memory_space<semaphore_mem>>) src(%arg56 : memref<768xf32, #tpu.memory_space<vmem>>) dst(%dma_wait3A_1347 : memref<768xf32, #tpu.memory_space<hbm>>)
    %dma_wait3A_1348 = arith.constant 0 : i32
    %dma_wait3A_1349 = tpu.memref_slice %arg17[%dma_wait3A_1348] : memref<2000000xf32, #tpu.memory_space<hbm>> -> memref<768xf32, #tpu.memory_space<hbm>>
    %dma_wait3A_1350 = arith.constant 0 : i32
    %dma_wait3A_1351 = tpu.memref_slice %arg17[%dma_wait3A_1350] : memref<2000000xf32, #tpu.memory_space<hbm>> -> memref<768xf32, #tpu.memory_space<hbm>>
    tpu.wait_dma2 semaphore(%arg63 : memref<!tpu.dma_semaphore, #tpu.memory_space<semaphore_mem>>) src(%arg57 : memref<768xf32, #tpu.memory_space<vmem>>) dst(%dma_wait3A_1351 : memref<768xf32, #tpu.memory_space<hbm>>)
    %dma_wait3A_1352 = arith.constant 0 : i32
    %dma_wait3A_1353 = tpu.memref_slice %arg18[%dma_wait3A_1352] : memref<2000000xf32, #tpu.memory_space<hbm>> -> memref<768xf32, #tpu.memory_space<hbm>>
    %dma_wait3A_1354 = arith.constant 0 : i32
    %dma_wait3A_1355 = tpu.memref_slice %arg18[%dma_wait3A_1354] : memref<2000000xf32, #tpu.memory_space<hbm>> -> memref<768xf32, #tpu.memory_space<hbm>>
    tpu.wait_dma2 semaphore(%arg63 : memref<!tpu.dma_semaphore, #tpu.memory_space<semaphore_mem>>) src(%arg58 : memref<768xf32, #tpu.memory_space<vmem>>) dst(%dma_wait3A_1355 : memref<768xf32, #tpu.memory_space<hbm>>)
    %dma_wait3A_1356 = arith.constant 0 : i32
    %dma_wait3A_1357 = tpu.memref_slice %arg19[%dma_wait3A_1356] : memref<2000000xf32, #tpu.memory_space<hbm>> -> memref<768xf32, #tpu.memory_space<hbm>>
    %dma_wait3A_1358 = arith.constant 0 : i32
    %dma_wait3A_1359 = tpu.memref_slice %arg19[%dma_wait3A_1358] : memref<2000000xf32, #tpu.memory_space<hbm>> -> memref<768xf32, #tpu.memory_space<hbm>>
    tpu.wait_dma2 semaphore(%arg63 : memref<!tpu.dma_semaphore, #tpu.memory_space<semaphore_mem>>) src(%arg59 : memref<768xf32, #tpu.memory_space<vmem>>) dst(%dma_wait3A_1359 : memref<768xf32, #tpu.memory_space<hbm>>)
    %dma_wait3A_1360 = arith.constant 0 : i32
    %dma_wait3A_1361 = tpu.memref_slice %arg20[%dma_wait3A_1360] : memref<2000000xf32, #tpu.memory_space<hbm>> -> memref<768xf32, #tpu.memory_space<hbm>>
    %dma_wait3A_1362 = arith.constant 0 : i32
    %dma_wait3A_1363 = tpu.memref_slice %arg20[%dma_wait3A_1362] : memref<2000000xf32, #tpu.memory_space<hbm>> -> memref<768xf32, #tpu.memory_space<hbm>>
    tpu.wait_dma2 semaphore(%arg63 : memref<!tpu.dma_semaphore, #tpu.memory_space<semaphore_mem>>) src(%arg60 : memref<768xf32, #tpu.memory_space<vmem>>) dst(%dma_wait3A_1363 : memref<768xf32, #tpu.memory_space<hbm>>)
    return
  }
}

</mosaic_0001>

<sc_bundles>
// kernel: kernel.3.cloned.1.call-start
scs
__scs_entry_jumppad:
0x0: {  	(pc) =	sbr.rel $0x88, $3  }
0x1: {  	(tag) =	ssettag $0x0;
	lr =	simm.s32 $0x1  }
0x2: {  	[smem:$0x3F9C] =	sst lr;
	_ =	strace $0xD0000000  }
0x3: {  	_ = 	snop  }
0x4: {  	_ = 	snop  }
0x5: {  	_ = 	snop  }
0x6: {  	_ = 	snop  }
0x7: {  	_ = 	snop  }
__scs_overlays_trampoline_lowered:
0x8: {  	[smem:$0x3FAB] =	sst s0  }
0x9: {  	[smem:$0x3FAC] =	sst s1  }
0xa: {  	[smem:$0x3FAD] =	sst s2  }
0xb: {  	[smem:$0x3FAE] =	sst s3  }
0xc: {  	[smem:$0x3FAF] =	sst s4  }
0xd: {  	[smem:$0x3FB0] =	sst s5  }
0xe: {  	[smem:$0x3FB1] =	sst s6  }
0xf: {  	[smem:$0x3FB2] =	sst s7  }
0x10: {  	[smem:$0x3FB3] =	sst s8  }
0x11: {  	[smem:$0x3FB4] =	sst s9;
	s0 =	simm.s32 @!p0 $0x0  }
0x12: {  	s1 =	sld [smem:$0x3F9A];
	s0 =	simm.s32 @p0 $0x1  }
0x13: {  	[smem:$0x3FB5] =	sst s0;
	s0 =	simm.s32 @!p1 $0x0  }
0x14: {  	s2 =	sld [smem:$0x3F99];
	s0 =	simm.s32 @p1 $0x1  }
0x15: {  	[smem:$0x3FB6] =	sst s0;
	s0 =	simm.s32 @!p2 $0x0  }
0x16: {  	s3 =	sld [smem:$0x3FDB];
	s0 =	simm.s32 @p2 $0x1  }
0x17: {  	s4 =	simm.s32 $0x1BF5;
	[smem:$0x3FB8] =	sst s0  }
0x18: {  	s0 =	sld [smem:$0x3F9B];
	_ =	swait.ge [sflag:s4], $0x0  }
0x19: {  	s7 =	sld [smem:$0x3F9C]  }
0x1a: {  	s8 =	sadd.s32 $0xFFFFE003, lr  }
0x1b: {  	s9 =	sadd.s32 $0xFFFFFEF7, lr;
	s5 =	simm.s32 $0xFFFFFFFF;
	p2 =	slt.u32 s8, $0xFFFFF086  }
0x1c: {  	p1 =	slt.u32 s9, $0xF7A;
	s5 =	simm.s32 @!p2 $0x0  }
0x1d: {  	s5 =	simm.s32 @p1 $0x1;
	p0 =	seq.s32 s7, s2  }
0x1e: {  	s7 =	smul.u32 @!p0 $0xF7A, s2;
	p2 =	seq.s32 @!p0 s5, $0x0  }
0x1f: {  	s9 =	smul.u32 $0xF7A, s1;
	s8 =	simm.s32 @!p0 $0x1BF5;
	p2 =	por !p2, p0  }
0x20: {  	[sflag:s8] =	ssyncset.s32 @!p0 $0xFFFFF086;
	s6 =	sadd.s32 @!p0 s3, s7;
	s7 =	simm.s32 @!p0 $0x108  }
0x21: {  	s3 =	sadd.s32 s3, s9;
	s6 =	sadd.s32 @!p0 $0x88, s6;
	s7 =	simm.s32 @p2 $0x1082  }
0x22: {  	[simem:s7], [sflag:s8] =	dma.local @!p0 [hbm:s6], $0xF7A  }
0x23: {  	s9 =	sor.u32 $0xD0000000, s2;
	s6 =	simm.s32 $0x108;
	_ =	swait.ge @!p0 [sflag:s8], $0x0  }
0x24: {  	s3 =	sadd.s32 $0x88, s3;
	s6 =	simm.s32 @!p1 $0x1082;
	[sflag:s4] =	ssyncset.s32 $0xFFFFF086  }
0x25: {  	[simem:s6], [sflag:s4] =	dma.local [hbm:s3], $0xF7A  }
0x26: {  	[smem:$0x3F9C] =	sst s1;
	(tag) =	ssettag s2;
	_ =	strace s9  }
0x27: {  	s1 =	sld [smem:$0x3FAC]  }
0x28: {  	s2 =	sld [smem:$0x3FAD]  }
0x29: {  	s4 =	sld [smem:$0x3FAF]  }
0x2a: {  	p0 =	seq.s32 s5, $0x0;
	s5 =	sld [smem:$0x3FB0]  }
0x2b: {  	s6 =	sld [smem:$0x3FB1]  }
0x2c: {  	s7 =	sld [smem:$0x3FB2]  }
0x2d: {  	s3 =	simm.s32 $0x108;
	s8 =	sld [smem:$0x3FB3]  }
0x2e: {  	s3 =	simm.s32 @!p0 $0x1082;
	s9 =	sld [smem:$0x3FB4]  }
0x2f: {  	lr =	sadd.s32 s0, s3;
	s0 =	sld [smem:$0x3FAB]  }
0x30: {  	s3 =	sld [smem:$0x3FAE]  }
0x31: {  	[smem:$0x3FB7] =	sst s10  }
0x32: {  	s10 =	sld [smem:$0x3FB5];
	_ =	sdelay $0x3  }
0x33: {  	p0 =	seq.s32 s10, $0x1;
	s10 =	sld [smem:$0x3FB7];
	_ =	sdelay $0x3  }
0x34: {  	[smem:$0x3FB7] =	sst s10  }
0x35: {  	s10 =	sld [smem:$0x3FB6];
	_ =	sdelay $0x3  }
0x36: {  	p1 =	seq.s32 s10, $0x1;
	s10 =	sld [smem:$0x3FB7];
	_ =	sdelay $0x3  }
0x37: {  	[smem:$0x3FB7] =	sst s10  }
0x38: {  	s10 =	sld [smem:$0x3FB8]  }
0x39: {  	_ = 	snop;
	(pc) =	sbr.ind lr, $3  }
0x3a: {  	_ = 	snop  }
0x3b: {  	_ = 	snop  }
0x3c: {  	p2 =	seq.s32 s10, $0x1;
	s10 =	sld [smem:$0x3FB7]  }
0x3d: {  	_ =	shalt  }
0x3e: {  	_ =	shalt  }
0x3f: {  	_ =	shalt  }
0x40: {  	_ =	shalt  }
0x41: {  	_ =	shalt  }
0x42: {  	_ =	shalt  }
0x43: {  	_ =	shalt  }
0x44: {  	_ =	shalt  }
0x45: {  	_ =	shalt  }
0x46: {  	_ =	shalt  }
0x47: {  	_ =	shalt  }
0x48: {  	_ =	shalt  }
0x49: {  	_ =	shalt  }
0x4a: {  	_ =	shalt  }
0x4b: {  	_ =	shalt  }
0x4c: {  	_ =	shalt  }
0x4d: {  	_ =	shalt  }
0x4e: {  	_ =	shalt  }
0x4f: {  	_ =	shalt  }
0x50: {  	_ =	shalt  }
0x51: {  	_ =	shalt  }
0x52: {  	_ =	shalt  }
0x53: {  	_ =	shalt  }
0x54: {  	_ =	shalt  }
0x55: {  	_ =	shalt  }
0x56: {  	_ =	shalt  }
0x57: {  	_ =	shalt  }
0x58: {  	_ =	shalt  }
0x59: {  	_ =	shalt  }
0x5a: {  	_ =	shalt  }
0x5b: {  	_ =	shalt  }
0x5c: {  	_ =	shalt  }
0x5d: {  	_ =	shalt  }
0x5e: {  	_ =	shalt  }
0x5f: {  	_ =	shalt  }
0x60: {  	_ =	shalt  }
0x61: {  	_ =	shalt  }
0x62: {  	_ =	shalt  }
0x63: {  	_ =	shalt  }
0x64: {  	_ =	shalt  }
0x65: {  	_ =	shalt  }
0x66: {  	_ =	shalt  }
0x67: {  	_ =	shalt  }
0x68: {  	_ =	shalt  }
0x69: {  	_ =	shalt  }
0x6a: {  	_ =	shalt  }
0x6b: {  	_ =	shalt  }
0x6c: {  	_ =	shalt  }
0x6d: {  	_ =	shalt  }
0x6e: {  	_ =	shalt  }
0x6f: {  	_ =	shalt  }
0x70: {  	_ =	shalt  }
0x71: {  	_ =	shalt  }
0x72: {  	_ =	shalt  }
0x73: {  	_ =	shalt  }
0x74: {  	_ =	shalt  }
0x75: {  	_ =	shalt  }
0x76: {  	_ =	shalt  }
0x77: {  	_ =	shalt  }
0x78: {  	_ =	shalt  }
0x79: {  	_ =	shalt  }
0x7a: {  	_ =	shalt  }
0x7b: {  	_ =	shalt  }
0x7c: {  	_ =	shalt  }
0x7d: {  	_ =	shalt  }
0x7e: {  	_ =	shalt  }
0x7f: {  	_ =	shalt  }
0x80: {  	_ =	shalt  }
0x81: {  	_ =	shalt  }
0x82: {  	_ =	shalt  }
0x83: {  	_ =	shalt  }
0x84: {  	_ =	shalt  }
0x85: {  	_ =	shalt  }
0x86: {  	_ =	shalt  }
0x87: {  	_ =	shalt  }
.Lfunc_end0:
.L_simem_size_0:
called_computation_lowered:
.L_overlay_start_0:
0x88: {  	s2 =	sld [smem:$0x3FD9]  }
0x89: {  	s3 =	sld [smem:$0x3FFE];
	_ =	sdelay $0x1  }
0x8a: {  	s1 =	srdreg.scid  }
0x8b: {  	s0 =	sand.u32 $0x1, s1  }
0x8c: {  	s17 =	sshll.u32 s0, $0xA;
	s2 =	sadd.s32 s3, s2  }
0x8d: {  	s2 =	sadd.s32 s2, s17  }
0x8e: {  	[smem:$0x3FC3] =	sst s2  }
0x8f: {  	_ = 	snop  }
0x90: {  	s2 =	sld [smem:$0x3FC8]  }
0x91: {  	s18 =	sld [smem:$0x3FC7]  }
0x92: {  	s4 =	sld [smem:$0x3FD0];
	(tm) =	ssettm $0x1  }
0x93: {  	s5 =	sld [smem:$0x3FFB];
	_ =	sdelay $0x3  }
0x94: {  	_ =	strace s5  }
0x95: {  	s5 =	sld [smem:$0x3FFC];
	_ =	sdelay $0x3  }
0x96: {  	_ =	strace s5  }
0x97: {  	s5 =	sld [smem:$0x3FFD];
	_ =	sdelay $0x3  }
0x98: {  	_ =	strace s5  }
0x99: {  	_ =	strace $0x8FFFFFFF  }
0x9a: {  	s19 =	sld [smem:$0x3FDB];
	_ =	sdelay $0x1  }
0x9b: {  	s6 =	simm.s32 $_scs_section_size  }
0x9c: {  	s7 =	simm.s32 $_size__tile_overlayer_lowered;
	s8 =	simm.s32 $_tile_overlayer_lowered  }
0x9d: {  	s22 =	simm.s32 $0x1BFF;
	s21 =	sshll.u32 s8, $0x1;
	s5 =	sadd.s32 s6, s19  }
0x9e: {  	s9 =	simm.s32 $0x0;
	s20 =	sshll.u32 s7, $0x1;
	s7 =	sadd.s32 s21, s5  }
0x9f: {  	[timem:s9], [sflag:s22] =	dma.local [hbm:s7], s20  }
0xa0: {  	_ =	swait.ge [sflag:s22], s20  }
0xa1: {  	s6 =	ssub.s32 $0x0, s20;
	[sflag:s22] =	ssyncset.done $0x0  }
0xa2: {  	[sflag:s22] =	ssyncadd.s32 s6;
	_ =	sdelay $0x1  }
0xa3: {  	s23 =	simm.s32 $0x1B8B  }
0xa4: {  	_ =	swait.ge [sflag:s23], $0x1  }
0xa5: {  	[sflag:s23] =	ssyncset.done $0x0  }
0xa6: {  	s25 =	simm.s32 $0x1B8E;
	s24 =	sld [smem:$0x3FFE];
	[sflag:s23] =	ssyncadd.s32 $0xFFFFFFFF  }
0xa7: {  	s26 =	simm.s32 $execute0_lowered;
	[smem:$0x3FD2] =	sst s25  }
0xa8: {  	s7 =	sshll.u32 s26, $0x1;
	_ =	strace $0x80000046;
	[dreg:$0x1] =	wrdreg $0xFFFFFFFF  }
0xa9: {  	s28 =	simm.s32 $_size_execute0_lowered;
	s5 =	sadd.s32 s5, s7;
	[dreg:$0x0] =	wrdreg $0x0  }
0xaa: {  	s7 =	sshll.u32 s28, $0x1;
	[dreg:$0x2] =	wrdreg s5  }
0xab: {  	[dreg:$0x3] =	wrdreg s7  }
0xac: {  	[dreg:$0x4] =	wrdreg $0xC0  }
0xad: {  	_ =	task [dreg:s9], $0x5FFFF  }
0xae: {  	[dreg:$0x1] =	wrdreg $0xFFFFFFFF  }
0xaf: {  	[dreg:$0x0] =	wrdreg $0x60  }
0xb0: {  	[dreg:$0x2] =	wrdreg s2  }
0xb1: {  	[dreg:$0x3] =	wrdreg s18  }
0xb2: {  	[dreg:$0x4] =	wrdreg s24  }
0xb3: {  	[dreg:$0x5] =	wrdreg s4  }
0xb4: {  	[dreg:$0x6] =	wrdreg $0x9  }
0xb5: {  	_ =	task.clear_ibuf [dreg:s9], $0x7FFFF;
	_ =	strace $0x90000046  }
0xb6: {  	s29 =	simm.s32 $0x9;
	_ =	strace $0x80000048  }
0xb7: {  	_ =	swait.ge [sflag:s29], $0x1  }
0xb8: {  	[sflag:s29] =	ssyncadd.s32 $0xFFFFFFFF  }
0xb9: {  	_ =	strace $0x90000048  }
0xba: {  	_ =	sfence  }
0xbb: {  	s30 =	sld [smem:$0x0];
	_ =	sdelay $0x2  }
0xbc: {  	s31 =	sshll.u32 s1, $0xD;
	s1 =	sshrl.u32 s1, $0x2  }
0xbd: {  	s3 =	sand.u32 $0x4000, s31;
	s1 =	sadd.s32 s1, s30  }
0xbe: {  	s0 =	sor.u32 s3, s0;
	s1 =	sshll.u32 s1, $0x11  }
0xbf: {  	s0 =	sor.u32 s1, s0  }
0xc0: {  	s0 =	sadd.s32 $0x8F2B, s0  }
0xc1: {  	[sflag:s0] =	ssyncadd.remote.s32 $0x1  }
0xc2: {  	_ =	sfence.sel $0xFFFF  }
0xc3: {  	[dreg:$0x0] =	wrdreg $0xFFFFFFFF;
	(pc) =	sbr.abs _section_cstart, $3  }
0xc4: {  	[dreg:$0x1] =	wrdreg $0xFFFFFFFF  }
0xc5: {  	_ =	task.clear_ibuf [dreg:s9], $0x2FFFF;
	_ =	strace $0x9FFFFFFF  }
0xc6: {  	(tm) =	ssettm $0x7FFFFFFF  }
0xc7: {  	_ =	shalt  }
tec
execute0_lowered:
.L_overlay_start_1:
0x0: {  	(tag) =	ssettag $0x1  }
0x1: {  	s11 =	rddreg [dreg:$0x0]  }
0x2: {  	s14 =	rddreg [dreg:$0x1]  }
0x3: {  	s1 =	rddreg [dreg:$0x2]  }
0x4: {  	s13 =	rddreg [dreg:$0x3]  }
0x5: {  	s4 =	simm.s32 $0x0;
	s15 =	srdreg.scid;
	s2 =	stileid.u32  }
0x6: {  	[smem:$0x7FF] =	sst s4;
	s0 =	sadd.s32 $0x800, s1;
	s2 =	sshll.u32 s2, $0x1  }
0x7: {  	_ =	strace $0x80000047;
	[dreg:$0x5] =	wrdreg s0;
	s0 =	sand.u32 $0x1, s15  }
0x8: {  	s24 =	sadd.s32 $0x5F800, s1;
	s2 =	sor.u32 s0, s2  }
0x9: {  	s25 =	sadd.s32 $0x9CA00, s1;
	s26 =	sadd.s32 $0xD9C00, s1;
	s3 =	smul.u32 $0x1E8, s2  }
0xa: {  	[dreg:$0x6] =	wrdreg s24;
	s0 =	ssub.s32 $0x2, s0;
	s8 =	smin.u32 s2, $0x9  }
0xb: {  	[dreg:$0x7] =	wrdreg s25;
	s9 =	sshrl.u32 s0, $0x1;
	s20 =	sadd.s32 s8, s3  }
0xc: {  	[dreg:$0x8] =	wrdreg s26;
	s0 =	ssub.s32 s0, s9;
	s3 =	sshll.u32 s20, $0x4  }
0xd: {  	p0 =	slt.u32 s2, $0x9;
	s0 =	smax.u32 s0, $0x1;
	s2 =	sadd.s32 $0x60, s3  }
0xe: {  	[smem:$0x7FD] =	sst s0;
	s16 =	sadd.s32 s14, s2  }
0xf: {  	s18 =	sadd.s32 s11, s2;
	[dreg:$0x9] =	wrdreg s16  }
0x10: {  	s19 =	sadd.s32 s13, s2;
	[dreg:$0xa] =	wrdreg s18  }
0x11: {  	s21 =	sadd.s32 s24, s2;
	[dreg:$0xb] =	wrdreg s19  }
0x12: {  	s23 =	sadd.s32 s25, s2;
	[dreg:$0xc] =	wrdreg s21  }
0x13: {  	s28 =	sadd.s32 $0x116E00, s1;
	s15 =	sadd.s32 s26, s2;
	[dreg:$0xd] =	wrdreg s23  }
0x14: {  	s17 =	sadd.s32 $0x154000, s1;
	[dreg:$0xe] =	wrdreg s15;
	s16 =	sadd.s32 s28, s2  }
0x15: {  	s29 =	sadd.s32 $0x191200, s1;
	s18 =	sadd.s32 s17, s2;
	[dreg:$0xf] =	wrdreg s16  }
0x16: {  	s30 =	sadd.s32 $0x1CE400, s1;
	s19 =	sadd.s32 s29, s2;
	[dreg:$0x10] =	wrdreg s18  }
0x17: {  	s31 =	sadd.s32 $0x20B600, s1;
	s21 =	sadd.s32 s30, s2;
	[dreg:$0x11] =	wrdreg s19  }
0x18: {  	s12 =	sadd.s32 $0x248800, s1;
	s23 =	sadd.s32 s31, s2;
	[dreg:$0x12] =	wrdreg s21  }
0x19: {  	s10 =	sadd.s32 $0x285A00, s1;
	s15 =	sadd.s32 s12, s2;
	[dreg:$0x13] =	wrdreg s23  }
0x1a: {  	s8 =	sadd.s32 $0x2C2C00, s1;
	[dreg:$0x14] =	wrdreg s15;
	s16 =	sadd.s32 s10, s2  }
0x1b: {  	s9 =	sadd.s32 $0x2FFE00, s1;
	s18 =	sadd.s32 s8, s2;
	[dreg:$0x15] =	wrdreg s16  }
0x1c: {  	s5 =	sadd.s32 $0x40E00, s1;
	s19 =	sadd.s32 s9, s2;
	[dreg:$0x16] =	wrdreg s18  }
0x1d: {  	s21 =	sadd.s32 $0x120, s3;
	s2 =	sadd.s32 s25, s3;
	[dreg:$0x17] =	wrdreg s19  }
0x1e: {  	s6 =	sadd.s32 $0x22400, s1;
	s23 =	sadd.s32 s14, s21;
	[smem:$0x7E3] =	sst s2  }
0x1f: {  	s7 =	sadd.s32 $0x3A00, s1;
	s1 =	sadd.s32 s11, s21;
	[dreg:$0x18] =	wrdreg s23  }
0x20: {  	s2 =	sadd.s32 s12, s3;
	[dreg:$0x19] =	wrdreg s1;
	s1 =	sadd.s32 $0xC0, s3  }
0x21: {  	[smem:$0x7EA] =	sst s2;
	s15 =	sadd.s32 s14, s1  }
0x22: {  	s16 =	sadd.s32 s11, s1;
	[dreg:$0x1a] =	wrdreg s15  }
0x23: {  	s18 =	sadd.s32 s13, s1;
	[dreg:$0x1b] =	wrdreg s16  }
0x24: {  	s19 =	sadd.s32 s24, s1;
	[dreg:$0x1c] =	wrdreg s18  }
0x25: {  	s21 =	sadd.s32 s25, s1;
	[dreg:$0x1d] =	wrdreg s19  }
0x26: {  	s23 =	sadd.s32 s26, s1;
	[dreg:$0x1e] =	wrdreg s21  }
0x27: {  	[dreg:$0x1f] =	wrdreg s23;
	s15 =	sadd.s32 s28, s1  }
0x28: {  	s16 =	sadd.s32 s17, s1;
	[smem:$0x7D6] =	sst s15  }
0x29: {  	s18 =	sadd.s32 s29, s1;
	[smem:$0x7D7] =	sst s16  }
0x2a: {  	s19 =	sadd.s32 s30, s1;
	[smem:$0x7D8] =	sst s18  }
0x2b: {  	s21 =	sadd.s32 s31, s1;
	[smem:$0x7D9] =	sst s19  }
0x2c: {  	s23 =	sadd.s32 s12, s1;
	[smem:$0x7DA] =	sst s21  }
0x2d: {  	[smem:$0x7DB] =	sst s23;
	s15 =	sadd.s32 s10, s1  }
0x2e: {  	s16 =	sadd.s32 s8, s1;
	[smem:$0x7DC] =	sst s15  }
0x2f: {  	s1 =	sadd.s32 s9, s1;
	[smem:$0x7DD] =	sst s16  }
0x30: {  	s18 =	sadd.s32 s14, s3;
	[smem:$0x7DE] =	sst s1  }
0x31: {  	s19 =	sadd.s32 s11, s3;
	[smem:$0x7DF] =	sst s18  }
0x32: {  	s21 =	sadd.s32 s13, s3;
	[smem:$0x7E0] =	sst s19  }
0x33: {  	s23 =	sadd.s32 s24, s3;
	[smem:$0x7E1] =	sst s21  }
0x34: {  	[smem:$0x7E2] =	sst s23;
	s15 =	sadd.s32 s26, s3  }
0x35: {  	s16 =	sadd.s32 s28, s3;
	[smem:$0x7E4] =	sst s15  }
0x36: {  	s18 =	sadd.s32 s17, s3;
	[smem:$0x7E5] =	sst s16  }
0x37: {  	s19 =	sadd.s32 s29, s3;
	[smem:$0x7E6] =	sst s18  }
0x38: {  	s21 =	sadd.s32 s30, s3;
	[smem:$0x7E7] =	sst s19  }
0x39: {  	s22 =	simm.s32 $0x1E3;
	s23 =	sadd.s32 s31, s3;
	[smem:$0x7E8] =	sst s21  }
0x3a: {  	s22 =	simm.s32 @!p0 $0x1E2;
	[smem:$0x7E9] =	sst s23;
	s15 =	sadd.s32 s10, s3  }
0x3b: {  	s16 =	sadd.s32 s8, s3;
	s18 =	sadd.s32 s22, s20;
	[smem:$0x7EB] =	sst s15  }
0x3c: {  	s19 =	sadd.s32 s9, s3;
	s21 =	sadd.s32 $0x180, s3;
	[smem:$0x7EC] =	sst s16  }
0x3d: {  	[smem:$0x7ED] =	sst s19;
	s1 =	sshll.u32 s18, $0x4;
	s3 =	sadd.s32 s14, s21  }
0x3e: {  	s2 =	sadd.s32 s11, s21;
	[smem:$0x7EE] =	sst s3;
	s1 =	sand.u32 $0x1FFFFFF0, s1  }
0x3f: {  	[smem:$0x7EF] =	sst s2;
	s23 =	sadd.s32 s13, s1  }
0x40: {  	s3 =	sadd.s32 s24, s1;
	[smem:$0x7F0] =	sst s23  }
0x41: {  	s0 =	simm.s32 $0x80;
	s13 =	sadd.s32 s25, s1;
	[smem:$0x7F1] =	sst s3  }
0x42: {  	s16 =	smov.u32 s28;
	s14 =	sadd.s32 s26, s1;
	[smem:$0x7F2] =	sst s13  }
0x43: {  	s19 =	smov.u32 s17;
	s15 =	sadd.s32 s28, s1;
	[smem:$0x7F3] =	sst s14  }
0x44: {  	s2 =	simm.s32 $0x6;
	s17 =	sadd.s32 s17, s1;
	[smem:$0x7F4] =	sst s15  }
0x45: {  	s18 =	sadd.s32 s29, s1;
	s21 =	sadd.s32 s30, s1;
	[smem:$0x7F5] =	sst s17  }
0x46: {  	s24 =	sadd.s32 s12, s1;
	s25 =	sadd.s32 s10, s1;
	[smem:$0x7F6] =	sst s18  }
0x47: {  	s26 =	sadd.s32 s8, s1;
	s28 =	simm.s32 $0x3;
	[smem:$0x7F7] =	sst s21  }
0x48: {  	s17 =	smov.u32 s29;
	s18 =	smov.u32 s30;
	[smem:$0x7F9] =	sst s24  }
0x49: {  	s21 =	smov.u32 s31;
	s23 =	sadd.s32 s31, s1;
	[smem:$0x7FA] =	sst s25  }
0x4a: {  	s13 =	smov.u32 s10;
	s14 =	smov.u32 s8;
	[smem:$0x7FB] =	sst s26  }
0x4b: {  	s15 =	smov.u32 s9;
	s1 =	sadd.s32 s9, s1;
	s29 =	simm.s32 $0x18700  }
0x4c: {  	s31 =	simm.s32 $0x1;
	s26 =	simm.s32 $0x1BD00;
	s30 =	simm.s32 $0x2  }
0x4d: {  	s24 =	simm.s32 $0x5;
	s8 =	simm.s32 $0x0;
	[smem:$0x7F8] =	sst s23  }
0x4e: {  	s23 =	smov.u32 s12;
	[smem:$0x7FC] =	sst s1;
	s1 =	simm.s32 $0x4  }
.LBB2_1:
0x4f: {  	[smem:$0x7D5] =	sst s8  }
0x50: {  	s3 =	rddreg [dreg:$0x5];
	s25 =	simm.s32 $0x7  }
0x51: {  	[tilespmem:s4], [sflag:$0x7] =	stream.linear.gather [hbm4b:s3+s4], $0x18700, $0x38;
	[tilespmem:$0x1F300] =	vst v63  }
0x52: {  	_ =	swait.ge [sflag:s25], $0x18700  }
0x53: {  	s8 =	sld [smem:$0x7DF]  }
0x54: {  	[sflag:s25] =	ssyncset.done $0x0  }
0x55: {  	s9 =	sld [smem:$0x7E0];
	[sflag:s25] =	ssyncadd.s32 $0xFFFE7900  }
0x56: {  	[tilespmem:s29], [sflag:$0x1] =	stream.linear.gather [hbm4b:s8+s4], $0x300, $0x38;
	[tilespmem:$0x1F300] =	vst v63  }
0x57: {  	s10 =	simm.s32 $0x18A00  }
0x58: {  	[tilespmem:s10], [sflag:$0x1] =	stream.linear.gather [hbm4b:s9+s4], $0x300, $0x38;
	[tilespmem:$0x1F300] =	vst v63  }
0x59: {  	_ =	swait.ge [sflag:s31], $0x300  }
0x5a: {  	[sflag:s31] =	ssyncset.done $0x0  }
0x5b: {  	[sflag:s31] =	ssyncadd.s32 $0xFFFFFD00  }
0x5c: {  	_ =	swait.ge [sflag:s31], $0x300  }
0x5d: {  	[sflag:s31] =	ssyncset.done $0x0  }
0x5e: {  	s12 =	simm.s32 $0x18D00;
	[sflag:s31] =	ssyncadd.s32 $0xFFFFFD00  }
0x5f: {  	[tilespmem:s12], [sflag:$0x2] =	stream.indirect.gather [hbm4b:s5+s0], $0x1, s29, s0, $0xb8;
	[tilespmem:$0x1F300] =	vst v63  }
0x60: {  	s25 =	simm.s32 $0x19000  }
0x61: {  	[tilespmem:s25], [sflag:$0x2] =	stream.indirect.gather [hbm4b:s6+s0], $0x1, s29, s0, $0xb8;
	[tilespmem:$0x1F300] =	vst v63  }
0x62: {  	s8 =	simm.s32 $0x19300  }
0x63: {  	[tilespmem:s8], [sflag:$0x2] =	stream.indirect.gather [hbm4b:s7+s0], $0x1, s29, s0, $0xb8;
	[tilespmem:$0x1F300] =	vst v63  }
0x64: {  	s9 =	simm.s32 $0x18780;
	s10 =	simm.s32 $0x18D80  }
0x65: {  	[tilespmem:s10], [sflag:$0x2] =	stream.indirect.gather [hbm4b:s5+s0], $0x1, s9, s0, $0xb8;
	[tilespmem:$0x1F300] =	vst v63  }
0x66: {  	s12 =	simm.s32 $0x19080  }
0x67: {  	[tilespmem:s12], [sflag:$0x2] =	stream.indirect.gather [hbm4b:s6+s0], $0x1, s9, s0, $0xb8;
	[tilespmem:$0x1F300] =	vst v63  }
0x68: {  	s25 =	simm.s32 $0x19380  }
0x69: {  	[tilespmem:s25], [sflag:$0x2] =	stream.indirect.gather [hbm4b:s7+s0], $0x1, s9, s0, $0xb8;
	[tilespmem:$0x1F300] =	vst v63  }
0x6a: {  	s10 =	simm.s32 $0x18E00;
	s9 =	simm.s32 $0x18800  }
0x6b: {  	[tilespmem:s10], [sflag:$0x2] =	stream.indirect.gather [hbm4b:s5+s0], $0x1, s9, s0, $0xb8;
	[tilespmem:$0x1F300] =	vst v63  }
0x6c: {  	s12 =	simm.s32 $0x19100  }
0x6d: {  	[tilespmem:s12], [sflag:$0x2] =	stream.indirect.gather [hbm4b:s6+s0], $0x1, s9, s0, $0xb8;
	[tilespmem:$0x1F300] =	vst v63  }
0x6e: {  	s25 =	simm.s32 $0x19400  }
0x6f: {  	[tilespmem:s25], [sflag:$0x2] =	stream.indirect.gather [hbm4b:s7+s0], $0x1, s9, s0, $0xb8;
	[tilespmem:$0x1F300] =	vst v63  }
0x70: {  	s10 =	simm.s32 $0x18E80;
	s9 =	simm.s32 $0x18880  }
0x71: {  	[tilespmem:s10], [sflag:$0x2] =	stream.indirect.gather [hbm4b:s5+s0], $0x1, s9, s0, $0xb8;
	[tilespmem:$0x1F300] =	vst v63  }
0x72: {  	s12 =	simm.s32 $0x19180  }
0x73: {  	[tilespmem:s12], [sflag:$0x2] =	stream.indirect.gather [hbm4b:s6+s0], $0x1, s9, s0, $0xb8;
	[tilespmem:$0x1F300] =	vst v63  }
0x74: {  	s25 =	simm.s32 $0x19480  }
0x75: {  	[tilespmem:s25], [sflag:$0x2] =	stream.indirect.gather [hbm4b:s7+s0], $0x1, s9, s0, $0xb8;
	[tilespmem:$0x1F300] =	vst v63  }
0x76: {  	s10 =	simm.s32 $0x18F00;
	s9 =	simm.s32 $0x18900  }
0x77: {  	[tilespmem:s10], [sflag:$0x2] =	stream.indirect.gather [hbm4b:s5+s0], $0x1, s9, s0, $0xb8;
	[tilespmem:$0x1F300] =	vst v63  }
0x78: {  	s12 =	simm.s32 $0x19200  }
0x79: {  	[tilespmem:s12], [sflag:$0x2] =	stream.indirect.gather [hbm4b:s6+s0], $0x1, s9, s0, $0xb8;
	[tilespmem:$0x1F300] =	vst v63  }
0x7a: {  	s25 =	simm.s32 $0x19500  }
0x7b: {  	[tilespmem:s25], [sflag:$0x2] =	stream.indirect.gather [hbm4b:s7+s0], $0x1, s9, s0, $0xb8;
	[tilespmem:$0x1F300] =	vst v63  }
0x7c: {  	s10 =	simm.s32 $0x18F80;
	s9 =	simm.s32 $0x18980  }
0x7d: {  	[tilespmem:s10], [sflag:$0x2] =	stream.indirect.gather [hbm4b:s5+s0], $0x1, s9, s0, $0xb8;
	[tilespmem:$0x1F300] =	vst v63  }
0x7e: {  	s12 =	simm.s32 $0x19280  }
0x7f: {  	[tilespmem:s12], [sflag:$0x2] =	stream.indirect.gather [hbm4b:s6+s0], $0x1, s9, s0, $0xb8;
	[tilespmem:$0x1F300] =	vst v63  }
0x80: {  	s25 =	simm.s32 $0x19580  }
0x81: {  	[tilespmem:s25], [sflag:$0x2] =	stream.indirect.gather [hbm4b:s7+s0], $0x1, s9, s0, $0xb8;
	[tilespmem:$0x1F300] =	vst v63  }
0x82: {  	s8 =	rddreg [dreg:$0x9]  }
0x83: {  	[tilespmem:s26], [sflag:$0x4] =	stream.linear.gather [hbm4b:s8+s4], $0x300, $0x38;
	[tilespmem:$0x1F300] =	vst v63  }
0x84: {  	s10 =	simm.s32 $0x1C000;
	s9 =	rddreg [dreg:$0xa]  }
0x85: {  	[tilespmem:s10], [sflag:$0x4] =	stream.linear.gather [hbm4b:s9+s4], $0x300, $0x38;
	[tilespmem:$0x1F300] =	vst v63  }
0x86: {  	_ =	swait.ge [sflag:s30], $0x80  }
0x87: {  	[sflag:s30] =	ssyncset.done $0x0  }
0x88: {  	[sflag:s30] =	ssyncadd.s32 $0xFFFFFF80  }
0x89: {  	_ =	swait.ge [sflag:s30], $0x80  }
0x8a: {  	[sflag:s30] =	ssyncset.done $0x0  }
0x8b: {  	[sflag:s30] =	ssyncadd.s32 $0xFFFFFF80  }
0x8c: {  	_ =	swait.ge [sflag:s30], $0x80  }
0x8d: {  	[sflag:s30] =	ssyncset.done $0x0  }
0x8e: {  	[sflag:s30] =	ssyncadd.s32 $0xFFFFFF80  }
0x8f: {  	_ =	swait.ge [sflag:s30], $0x80  }
0x90: {  	[sflag:s30] =	ssyncset.done $0x0  }
0x91: {  	[sflag:s30] =	ssyncadd.s32 $0xFFFFFF80  }
0x92: {  	_ =	swait.ge [sflag:s30], $0x80  }
0x93: {  	[sflag:s30] =	ssyncset.done $0x0  }
0x94: {  	[sflag:s30] =	ssyncadd.s32 $0xFFFFFF80  }
0x95: {  	_ =	swait.ge [sflag:s30], $0x80  }
0x96: {  	[sflag:s30] =	ssyncset.done $0x0  }
0x97: {  	[sflag:s30] =	ssyncadd.s32 $0xFFFFFF80  }
0x98: {  	_ =	swait.ge [sflag:s30], $0x80  }
0x99: {  	[sflag:s30] =	ssyncset.done $0x0  }
0x9a: {  	[sflag:s30] =	ssyncadd.s32 $0xFFFFFF80  }
0x9b: {  	_ =	swait.ge [sflag:s30], $0x80  }
0x9c: {  	[sflag:s30] =	ssyncset.done $0x0  }
0x9d: {  	[sflag:s30] =	ssyncadd.s32 $0xFFFFFF80  }
0x9e: {  	_ =	swait.ge [sflag:s30], $0x80  }
0x9f: {  	[sflag:s30] =	ssyncset.done $0x0  }
0xa0: {  	[sflag:s30] =	ssyncadd.s32 $0xFFFFFF80  }
0xa1: {  	_ =	swait.ge [sflag:s30], $0x80  }
0xa2: {  	[sflag:s30] =	ssyncset.done $0x0  }
0xa3: {  	[sflag:s30] =	ssyncadd.s32 $0xFFFFFF80  }
0xa4: {  	_ =	swait.ge [sflag:s30], $0x80  }
0xa5: {  	[sflag:s30] =	ssyncset.done $0x0  }
0xa6: {  	[sflag:s30] =	ssyncadd.s32 $0xFFFFFF80  }
0xa7: {  	_ =	swait.ge [sflag:s30], $0x80  }
0xa8: {  	[sflag:s30] =	ssyncset.done $0x0  }
0xa9: {  	[sflag:s30] =	ssyncadd.s32 $0xFFFFFF80  }
0xaa: {  	_ =	swait.ge [sflag:s30], $0x80  }
0xab: {  	[sflag:s30] =	ssyncset.done $0x0  }
0xac: {  	[sflag:s30] =	ssyncadd.s32 $0xFFFFFF80  }
0xad: {  	_ =	swait.ge [sflag:s30], $0x80  }
0xae: {  	[sflag:s30] =	ssyncset.done $0x0  }
0xaf: {  	[sflag:s30] =	ssyncadd.s32 $0xFFFFFF80  }
0xb0: {  	_ =	swait.ge [sflag:s30], $0x80  }
0xb1: {  	[sflag:s30] =	ssyncset.done $0x0  }
0xb2: {  	[sflag:s30] =	ssyncadd.s32 $0xFFFFFF80  }
0xb3: {  	_ =	swait.ge [sflag:s30], $0x80  }
0xb4: {  	[sflag:s30] =	ssyncset.done $0x0  }
0xb5: {  	[sflag:s30] =	ssyncadd.s32 $0xFFFFFF80  }
0xb6: {  	_ =	swait.ge [sflag:s30], $0x80  }
0xb7: {  	[sflag:s30] =	ssyncset.done $0x0  }
0xb8: {  	[sflag:s30] =	ssyncadd.s32 $0xFFFFFF80  }
0xb9: {  	_ =	swait.ge [sflag:s30], $0x80  }
0xba: {  	[sflag:s30] =	ssyncset.done $0x0  }
0xbb: {  	[sflag:s30] =	ssyncadd.s32 $0xFFFFFF80  }
0xbc: {  	_ =	swait.ge [sflag:s1], $0x300  }
0xbd: {  	[sflag:s1] =	ssyncset.done $0x0  }
0xbe: {  	[sflag:s1] =	ssyncadd.s32 $0xFFFFFD00  }
0xbf: {  	_ =	swait.ge [sflag:s1], $0x300  }
0xc0: {  	[sflag:s1] =	ssyncset.done $0x0  }
0xc1: {  	s12 =	simm.s32 $0x1C300;
	[sflag:s1] =	ssyncadd.s32 $0xFFFFFD00  }
0xc2: {  	[tilespmem:s12], [sflag:$0x5] =	stream.indirect.gather [hbm4b:s5+s0], $0x1, s26, s0, $0xb8;
	[tilespmem:$0x1F300] =	vst v63  }
0xc3: {  	s25 =	simm.s32 $0x1C600  }
0xc4: {  	[tilespmem:s25], [sflag:$0x5] =	stream.indirect.gather [hbm4b:s6+s0], $0x1, s26, s0, $0xb8;
	[tilespmem:$0x1F300] =	vst v63  }
0xc5: {  	s8 =	simm.s32 $0x1C900  }
0xc6: {  	[tilespmem:s8], [sflag:$0x5] =	stream.indirect.gather [hbm4b:s7+s0], $0x1, s26, s0, $0xb8;
	[tilespmem:$0x1F300] =	vst v63  }
0xc7: {  	s9 =	simm.s32 $0x1BD80;
	s10 =	simm.s32 $0x1C380  }
0xc8: {  	[tilespmem:s10], [sflag:$0x5] =	stream.indirect.gather [hbm4b:s5+s0], $0x1, s9, s0, $0xb8;
	[tilespmem:$0x1F300] =	vst v63  }
0xc9: {  	s12 =	simm.s32 $0x1C680  }
0xca: {  	[tilespmem:s12], [sflag:$0x5] =	stream.indirect.gather [hbm4b:s6+s0], $0x1, s9, s0, $0xb8;
	[tilespmem:$0x1F300] =	vst v63  }
0xcb: {  	s25 =	simm.s32 $0x1C980  }
0xcc: {  	[tilespmem:s25], [sflag:$0x5] =	stream.indirect.gather [hbm4b:s7+s0], $0x1, s9, s0, $0xb8;
	[tilespmem:$0x1F300] =	vst v63  }
0xcd: {  	s10 =	simm.s32 $0x1C400;
	s9 =	simm.s32 $0x1BE00  }
0xce: {  	[tilespmem:s10], [sflag:$0x5] =	stream.indirect.gather [hbm4b:s5+s0], $0x1, s9, s0, $0xb8;
	[tilespmem:$0x1F300] =	vst v63  }
0xcf: {  	s12 =	simm.s32 $0x1C700  }
0xd0: {  	[tilespmem:s12], [sflag:$0x5] =	stream.indirect.gather [hbm4b:s6+s0], $0x1, s9, s0, $0xb8;
	[tilespmem:$0x1F300] =	vst v63  }
0xd1: {  	s25 =	simm.s32 $0x1CA00  }
0xd2: {  	[tilespmem:s25], [sflag:$0x5] =	stream.indirect.gather [hbm4b:s7+s0], $0x1, s9, s0, $0xb8;
	[tilespmem:$0x1F300] =	vst v63  }
0xd3: {  	s10 =	simm.s32 $0x1C480;
	s9 =	simm.s32 $0x1BE80  }
0xd4: {  	[tilespmem:s10], [sflag:$0x5] =	stream.indirect.gather [hbm4b:s5+s0], $0x1, s9, s0, $0xb8;
	[tilespmem:$0x1F300] =	vst v63  }
0xd5: {  	s12 =	simm.s32 $0x1C780  }
0xd6: {  	[tilespmem:s12], [sflag:$0x5] =	stream.indirect.gather [hbm4b:s6+s0], $0x1, s9, s0, $0xb8;
	[tilespmem:$0x1F300] =	vst v63  }
0xd7: {  	s25 =	simm.s32 $0x1CA80  }
0xd8: {  	[tilespmem:s25], [sflag:$0x5] =	stream.indirect.gather [hbm4b:s7+s0], $0x1, s9, s0, $0xb8;
	[tilespmem:$0x1F300] =	vst v63  }
0xd9: {  	s10 =	simm.s32 $0x1C500;
	s9 =	simm.s32 $0x1BF00  }
0xda: {  	[tilespmem:s10], [sflag:$0x5] =	stream.indirect.gather [hbm4b:s5+s0], $0x1, s9, s0, $0xb8;
	[tilespmem:$0x1F300] =	vst v63  }
0xdb: {  	s12 =	simm.s32 $0x1C800  }
0xdc: {  	[tilespmem:s12], [sflag:$0x5] =	stream.indirect.gather [hbm4b:s6+s0], $0x1, s9, s0, $0xb8;
	[tilespmem:$0x1F300] =	vst v63  }
0xdd: {  	s25 =	simm.s32 $0x1CB00  }
0xde: {  	[tilespmem:s25], [sflag:$0x5] =	stream.indirect.gather [hbm4b:s7+s0], $0x1, s9, s0, $0xb8;
	[tilespmem:$0x1F300] =	vst v63  }
0xdf: {  	s10 =	simm.s32 $0x1C580;
	s9 =	simm.s32 $0x1BF80  }
0xe0: {  	[tilespmem:s10], [sflag:$0x5] =	stream.indirect.gather [hbm4b:s5+s0], $0x1, s9, s0, $0xb8;
	[tilespmem:$0x1F300] =	vst v63  }
0xe1: {  	s12 =	simm.s32 $0x1C880  }
0xe2: {  	[tilespmem:s12], [sflag:$0x5] =	stream.indirect.gather [hbm4b:s6+s0], $0x1, s9, s0, $0xb8;
	[tilespmem:$0x1F300] =	vst v63  }
0xe3: {  	s3 =	simm.s32 $0x0;
	s25 =	simm.s32 $0x1CB80  }
0xe4: {  	[tilespmem:s25], [sflag:$0x5] =	stream.indirect.gather [hbm4b:s7+s0], $0x1, s9, s0, $0xb8;
	[tilespmem:$0x1F300] =	vst v63  }
0xe5: {  	v0 =	vld [tilespmem:s3+$0x18A00];
	_ =	sdelay $0x2  }
0xe6: {  	v1 =	vld [tilespmem:s3+$0x18D00]  }
0xe7: {  	v2 =	vld [tilespmem:s3+$0x19000]  }
0xe8: {  	v3 =	vld [tilespmem:s3+$0x19300];
	v0 =	vmul.u32 $0xA, v0;
	_ =	sdelay $0x2  }
0xe9: {  	[tilespmem:s3+$0x19600] =	vst v1  }
0xea: {  	[tilespmem:s3+$0x19900] =	vst v2  }
0xeb: {  	[tilespmem:s3+$0x19C00] =	vst v3  }
0xec: {  	v1 =	vld.idx.msk [tilespmem:v0+s4+$0x0], $0xffff  }
0xed: {  	v2 =	vor.u32 $0x1, v0;
	_ =	sdelay $0x3  }
0xee: {  	[tilespmem:s3+$0x19F00] =	vst v1  }
0xef: {  	v1 =	vld.idx.msk [tilespmem:v2+s4+$0x0], $0xffff  }
0xf0: {  	v2 =	vadd.s32 $0x2, v0;
	_ =	sdelay $0x3  }
0xf1: {  	[tilespmem:s3+$0x1A200] =	vst v1  }
0xf2: {  	v1 =	vld.idx.msk [tilespmem:v2+s4+$0x0], $0xffff  }
0xf3: {  	v2 =	vadd.s32 $0x3, v0;
	_ =	sdelay $0x3  }
0xf4: {  	[tilespmem:s3+$0x1A500] =	vst v1  }
0xf5: {  	v1 =	vld.idx.msk [tilespmem:v2+s4+$0x0], $0xffff  }
0xf6: {  	v2 =	vadd.s32 $0x4, v0;
	_ =	sdelay $0x3  }
0xf7: {  	[tilespmem:s3+$0x1A800] =	vst v1  }
0xf8: {  	v1 =	vld.idx.msk [tilespmem:v2+s4+$0x0], $0xffff  }
0xf9: {  	v2 =	vadd.s32 $0x5, v0;
	_ =	sdelay $0x3  }
0xfa: {  	[tilespmem:s3+$0x1AB00] =	vst v1  }
0xfb: {  	v1 =	vld.idx.msk [tilespmem:v2+s4+$0x0], $0xffff  }
0xfc: {  	v2 =	vadd.s32 $0x6, v0;
	_ =	sdelay $0x3  }
0xfd: {  	[tilespmem:s3+$0x1AE00] =	vst v1  }
0xfe: {  	v1 =	vld.idx.msk [tilespmem:v2+s4+$0x0], $0xffff  }
0xff: {  	v2 =	vadd.s32 $0x7, v0;
	_ =	sdelay $0x3  }
0x100: {  	[tilespmem:s3+$0x1B100] =	vst v1  }
0x101: {  	v1 =	vld.idx.msk [tilespmem:v2+s4+$0x0], $0xffff  }
0x102: {  	v2 =	vadd.s32 $0x8, v0;
	_ =	sdelay $0x3  }
0x103: {  	[tilespmem:s3+$0x1B400] =	vst v1  }
0x104: {  	s10 =	simm.s32 $0x10;
	v1 =	vld.idx.msk [tilespmem:v2+s4+$0x0], $0xffff  }
0x105: {  	v0 =	vadd.s32 $0x9, v0;
	v2 =	vld [tilespmem:s10+$0x18A00]  }
0x106: {  	v3 =	vld [tilespmem:s10+$0x18D00]  }
0x107: {  	v4 =	vld [tilespmem:s10+$0x19000]  }
0x108: {  	v5 =	vld [tilespmem:s10+$0x19300]  }
0x109: {  	[tilespmem:s3+$0x1B700] =	vst v1  }
0x10a: {  	v1 =	vld.idx.msk [tilespmem:v0+s4+$0x0], $0xffff;
	v0 =	vmul.u32 $0xA, v2  }
0x10b: {  	[tilespmem:s10+$0x19600] =	vst v3  }
0x10c: {  	[tilespmem:s10+$0x19900] =	vst v4  }
0x10d: {  	s8 =	simm.s32 $0x80;
	[tilespmem:s10+$0x19C00] =	vst v5  }
.LBB2_2:
0x10e: {  	_ = 	snop  }
0x10f: {  	p0 =	sne.s32 s8, $0xBC0;
	[tilespmem:s3+$0x1BA00] =	vst v1;
	s9 =	smov.u32 s8;
	s8 =	sadd.s32 $0x40, s8  }
0x110: {  	s3 =	smov.u32 s10;
	v1 =	vld.idx.msk [tilespmem:v0+s4+$0x0], $0xffff;
	_ =	sdelay $0x1  }
0x111: {  	v2 =	vor.u32 $0x1, v0;
	_ =	sdelay $0x3  }
0x112: {  	[tilespmem:s3+$0x19F00] =	vst v1  }
0x113: {  	v1 =	vld.idx.msk [tilespmem:v2+s4+$0x0], $0xffff;
	_ =	sdelay $0x1  }
0x114: {  	v2 =	vadd.s32 $0x2, v0;
	_ =	sdelay $0x3  }
0x115: {  	[tilespmem:s3+$0x1A200] =	vst v1  }
0x116: {  	v1 =	vld.idx.msk [tilespmem:v2+s4+$0x0], $0xffff;
	_ =	sdelay $0x1  }
0x117: {  	v2 =	vadd.s32 $0x3, v0;
	_ =	sdelay $0x3  }
0x118: {  	[tilespmem:s3+$0x1A500] =	vst v1  }
0x119: {  	v1 =	vld.idx.msk [tilespmem:v2+s4+$0x0], $0xffff;
	_ =	sdelay $0x1  }
0x11a: {  	v2 =	vadd.s32 $0x4, v0;
	_ =	sdelay $0x3  }
0x11b: {  	[tilespmem:s3+$0x1A800] =	vst v1  }
0x11c: {  	v1 =	vld.idx.msk [tilespmem:v2+s4+$0x0], $0xffff;
	_ =	sdelay $0x1  }
0x11d: {  	v2 =	vadd.s32 $0x5, v0;
	_ =	sdelay $0x3  }
0x11e: {  	[tilespmem:s3+$0x1AB00] =	vst v1  }
0x11f: {  	v1 =	vld.idx.msk [tilespmem:v2+s4+$0x0], $0xffff;
	_ =	sdelay $0x1  }
0x120: {  	v2 =	vadd.s32 $0x6, v0;
	_ =	sdelay $0x3  }
0x121: {  	[tilespmem:s3+$0x1AE00] =	vst v1  }
0x122: {  	v1 =	vld.idx.msk [tilespmem:v2+s4+$0x0], $0xffff;
	_ =	sdelay $0x1  }
0x123: {  	v2 =	vadd.s32 $0x7, v0;
	_ =	sdelay $0x3  }
0x124: {  	[tilespmem:s3+$0x1B100] =	vst v1  }
0x125: {  	v1 =	vld.idx.msk [tilespmem:v2+s4+$0x0], $0xffff;
	_ =	sdelay $0x1  }
0x126: {  	v2 =	vadd.s32 $0x8, v0;
	_ =	sdelay $0x3  }
0x127: {  	[tilespmem:s3+$0x1B400] =	vst v1  }
0x128: {  	v1 =	vld.idx.msk [tilespmem:v2+s4+$0x0], $0xffff;
	_ =	sdelay $0x1  }
0x129: {  	s10 =	sshra.s32 s9, $0x2;
	v0 =	vadd.s32 $0x9, v0  }
0x12a: {  	v2 =	vld [tilespmem:s10+$0x18A00]  }
0x12b: {  	v3 =	vld [tilespmem:s10+$0x18D00]  }
0x12c: {  	v4 =	vld [tilespmem:s10+$0x19000]  }
0x12d: {  	v5 =	vld [tilespmem:s10+$0x19300];
	[tilespmem:s3+$0x1B700] =	vst v1  }
.Ltmp0:
0x12e: {  	v1 =	vld.idx.msk [tilespmem:v0+s4+$0x0], $0xffff;
	(pc) =	sbr.rel @p0 .LBB2_2-.Ltmp0, $4  }
0x12f: {  	v0 =	vmul.u32 $0xA, v2  }
0x130: {  	[tilespmem:s10+$0x19600] =	vst v3  }
0x131: {  	[tilespmem:s10+$0x19900] =	vst v4  }
0x132: {  	[tilespmem:s10+$0x19C00] =	vst v5  }
0x133: {  	_ =	sdelay $0x2  }
0x134: {  	[tilespmem:s3+$0x1BA00] =	vst v1  }
0x135: {  	v1 =	vld.idx.msk [tilespmem:v0+s4+$0x0], $0xffff  }
0x136: {  	v2 =	vor.u32 $0x1, v0;
	_ =	sdelay $0x3  }
0x137: {  	[tilespmem:s10+$0x19F00] =	vst v1  }
0x138: {  	v1 =	vld.idx.msk [tilespmem:v2+s4+$0x0], $0xffff  }
0x139: {  	v2 =	vadd.s32 $0x2, v0;
	_ =	sdelay $0x3  }
0x13a: {  	[tilespmem:s10+$0x1A200] =	vst v1  }
0x13b: {  	v1 =	vld.idx.msk [tilespmem:v2+s4+$0x0], $0xffff  }
0x13c: {  	v2 =	vadd.s32 $0x3, v0;
	_ =	sdelay $0x3  }
0x13d: {  	[tilespmem:s10+$0x1A500] =	vst v1  }
0x13e: {  	v1 =	vld.idx.msk [tilespmem:v2+s4+$0x0], $0xffff  }
0x13f: {  	v2 =	vadd.s32 $0x4, v0;
	_ =	sdelay $0x3  }
0x140: {  	[tilespmem:s10+$0x1A800] =	vst v1  }
0x141: {  	v1 =	vld.idx.msk [tilespmem:v2+s4+$0x0], $0xffff  }
0x142: {  	v2 =	vadd.s32 $0x5, v0;
	_ =	sdelay $0x3  }
0x143: {  	[tilespmem:s10+$0x1AB00] =	vst v1  }
0x144: {  	v1 =	vld.idx.msk [tilespmem:v2+s4+$0x0], $0xffff  }
0x145: {  	v2 =	vadd.s32 $0x6, v0;
	_ =	sdelay $0x3  }
0x146: {  	[tilespmem:s10+$0x1AE00] =	vst v1  }
0x147: {  	v1 =	vld.idx.msk [tilespmem:v2+s4+$0x0], $0xffff  }
0x148: {  	v2 =	vadd.s32 $0x7, v0;
	_ =	sdelay $0x3  }
0x149: {  	[tilespmem:s10+$0x1B100] =	vst v1  }
0x14a: {  	v1 =	vld.idx.msk [tilespmem:v2+s4+$0x0], $0xffff  }
0x14b: {  	v2 =	vadd.s32 $0x8, v0;
	_ =	sdelay $0x3  }
0x14c: {  	[tilespmem:s10+$0x1B400] =	vst v1  }
0x14d: {  	v1 =	vld.idx.msk [tilespmem:v2+s4+$0x0], $0xffff  }
0x14e: {  	v0 =	vadd.s32 $0x9, v0;
	_ =	sdelay $0x3  }
0x14f: {  	[tilespmem:s10+$0x1B700] =	vst v1  }
0x150: {  	v0 =	vld.idx.msk [tilespmem:v0+s4+$0x0], $0xffff;
	_ =	sdelay $0x2  }
0x151: {  	s8 =	sld [smem:$0x7E1];
	_ =	sdelay $0x1  }
0x152: {  	s3 =	simm.s32 $0x0;
	s9 =	simm.s32 $0x19600;
	s12 =	sld [smem:$0x7E2];
	[tilespmem:s10+$0x1BA00] =	vst v0  }
0x153: {  	[hbm4b:s8+s3] =	stream.linear.scatter [tilespmem:s9], [sflag:$0x3], $0x300, $0x38;
	[tilespmem:$0x1F300] =	vst v63  }
0x154: {  	s25 =	simm.s32 $0x19900;
	s9 =	sld [smem:$0x7E3]  }
0x155: {  	[hbm4b:s12+s3] =	stream.linear.scatter [tilespmem:s25], [sflag:$0x3], $0x300, $0x38;
	[tilespmem:$0x1F300] =	vst v63  }
0x156: {  	s10 =	simm.s32 $0x19C00;
	s12 =	sld [smem:$0x7E4]  }
0x157: {  	[hbm4b:s9+s3] =	stream.linear.scatter [tilespmem:s10], [sflag:$0x3], $0x300, $0x38;
	[tilespmem:$0x1F300] =	vst v63  }
0x158: {  	s25 =	simm.s32 $0x19F00;
	s9 =	sld [smem:$0x7E5]  }
0x159: {  	[hbm4b:s12+s3] =	stream.linear.scatter [tilespmem:s25], [sflag:$0x3], $0x300, $0x38;
	[tilespmem:$0x1F300] =	vst v63  }
0x15a: {  	s10 =	simm.s32 $0x1A200;
	s12 =	sld [smem:$0x7E6]  }
0x15b: {  	[hbm4b:s9+s3] =	stream.linear.scatter [tilespmem:s10], [sflag:$0x3], $0x300, $0x38;
	[tilespmem:$0x1F300] =	vst v63  }
0x15c: {  	s25 =	simm.s32 $0x1A500;
	s9 =	sld [smem:$0x7E7]  }
0x15d: {  	[hbm4b:s12+s3] =	stream.linear.scatter [tilespmem:s25], [sflag:$0x3], $0x300, $0x38;
	[tilespmem:$0x1F300] =	vst v63  }
0x15e: {  	s10 =	simm.s32 $0x1A800;
	s12 =	sld [smem:$0x7E8]  }
0x15f: {  	[hbm4b:s9+s3] =	stream.linear.scatter [tilespmem:s10], [sflag:$0x3], $0x300, $0x38;
	[tilespmem:$0x1F300] =	vst v63  }
0x160: {  	s25 =	simm.s32 $0x1AB00;
	s9 =	sld [smem:$0x7E9]  }
0x161: {  	[hbm4b:s12+s3] =	stream.linear.scatter [tilespmem:s25], [sflag:$0x3], $0x300, $0x38;
	[tilespmem:$0x1F300] =	vst v63  }
0x162: {  	s10 =	simm.s32 $0x1AE00;
	s12 =	sld [smem:$0x7EA]  }
0x163: {  	[hbm4b:s9+s3] =	stream.linear.scatter [tilespmem:s10], [sflag:$0x3], $0x300, $0x38;
	[tilespmem:$0x1F300] =	vst v63  }
0x164: {  	s25 =	simm.s32 $0x1B100;
	s9 =	sld [smem:$0x7EB]  }
0x165: {  	[hbm4b:s12+s3] =	stream.linear.scatter [tilespmem:s25], [sflag:$0x3], $0x300, $0x38;
	[tilespmem:$0x1F300] =	vst v63  }
0x166: {  	s10 =	simm.s32 $0x1B400;
	s12 =	sld [smem:$0x7EC]  }
0x167: {  	[hbm4b:s9+s3] =	stream.linear.scatter [tilespmem:s10], [sflag:$0x3], $0x300, $0x38;
	[tilespmem:$0x1F300] =	vst v63  }
0x168: {  	s25 =	simm.s32 $0x1B700;
	s10 =	sld [smem:$0x7ED]  }
0x169: {  	[hbm4b:s12+s3] =	stream.linear.scatter [tilespmem:s25], [sflag:$0x3], $0x300, $0x38;
	[tilespmem:$0x1F300] =	vst v63  }
0x16a: {  	s12 =	simm.s32 $0x1BA00  }
0x16b: {  	[hbm4b:s10+s3] =	stream.linear.scatter [tilespmem:s12], [sflag:$0x3], $0x300, $0x38;
	[tilespmem:$0x1F300] =	vst v63  }
0x16c: {  	s25 =	rddreg [dreg:$0x1a]  }
0x16d: {  	[tilespmem:s29], [sflag:$0x1] =	stream.linear.gather [hbm4b:s25+s3], $0x300, $0x38;
	[tilespmem:$0x1F300] =	vst v63  }
0x16e: {  	s9 =	rddreg [dreg:$0x1b];
	s10 =	simm.s32 $0x18A00  }
0x16f: {  	[tilespmem:s10], [sflag:$0x1] =	stream.linear.gather [hbm4b:s9+s3], $0x300, $0x38;
	[tilespmem:$0x1F300] =	vst v63  }
0x170: {  	_ =	swait.ge [sflag:s24], $0x80  }
0x171: {  	[sflag:s24] =	ssyncset.done $0x0  }
0x172: {  	[sflag:s24] =	ssyncadd.s32 $0xFFFFFF80  }
0x173: {  	_ =	swait.ge [sflag:s24], $0x80  }
0x174: {  	[sflag:s24] =	ssyncset.done $0x0  }
0x175: {  	[sflag:s24] =	ssyncadd.s32 $0xFFFFFF80  }
0x176: {  	_ =	swait.ge [sflag:s24], $0x80  }
0x177: {  	[sflag:s24] =	ssyncset.done $0x0  }
0x178: {  	[sflag:s24] =	ssyncadd.s32 $0xFFFFFF80  }
0x179: {  	_ =	swait.ge [sflag:s24], $0x80  }
0x17a: {  	[sflag:s24] =	ssyncset.done $0x0  }
0x17b: {  	[sflag:s24] =	ssyncadd.s32 $0xFFFFFF80  }
0x17c: {  	_ =	swait.ge [sflag:s24], $0x80  }
0x17d: {  	[sflag:s24] =	ssyncset.done $0x0  }
0x17e: {  	[sflag:s24] =	ssyncadd.s32 $0xFFFFFF80  }
0x17f: {  	_ =	swait.ge [sflag:s24], $0x80  }
0x180: {  	[sflag:s24] =	ssyncset.done $0x0  }
0x181: {  	[sflag:s24] =	ssyncadd.s32 $0xFFFFFF80  }
0x182: {  	_ =	swait.ge [sflag:s24], $0x80  }
0x183: {  	[sflag:s24] =	ssyncset.done $0x0  }
0x184: {  	[sflag:s24] =	ssyncadd.s32 $0xFFFFFF80  }
0x185: {  	_ =	swait.ge [sflag:s24], $0x80  }
0x186: {  	[sflag:s24] =	ssyncset.done $0x0  }
0x187: {  	[sflag:s24] =	ssyncadd.s32 $0xFFFFFF80  }
0x188: {  	_ =	swait.ge [sflag:s24], $0x80  }
0x189: {  	[sflag:s24] =	ssyncset.done $0x0  }
0x18a: {  	[sflag:s24] =	ssyncadd.s32 $0xFFFFFF80  }
0x18b: {  	_ =	swait.ge [sflag:s24], $0x80  }
0x18c: {  	[sflag:s24] =	ssyncset.done $0x0  }
0x18d: {  	[sflag:s24] =	ssyncadd.s32 $0xFFFFFF80  }
0x18e: {  	_ =	swait.ge [sflag:s24], $0x80  }
0x18f: {  	[sflag:s24] =	ssyncset.done $0x0  }
0x190: {  	[sflag:s24] =	ssyncadd.s32 $0xFFFFFF80  }
0x191: {  	_ =	swait.ge [sflag:s24], $0x80  }
0x192: {  	[sflag:s24] =	ssyncset.done $0x0  }
0x193: {  	[sflag:s24] =	ssyncadd.s32 $0xFFFFFF80  }
0x194: {  	_ =	swait.ge [sflag:s24], $0x80  }
0x195: {  	[sflag:s24] =	ssyncset.done $0x0  }
0x196: {  	[sflag:s24] =	ssyncadd.s32 $0xFFFFFF80  }
0x197: {  	_ =	swait.ge [sflag:s24], $0x80  }
0x198: {  	[sflag:s24] =	ssyncset.done $0x0  }
0x199: {  	[sflag:s24] =	ssyncadd.s32 $0xFFFFFF80  }
0x19a: {  	_ =	swait.ge [sflag:s24], $0x80  }
0x19b: {  	[sflag:s24] =	ssyncset.done $0x0  }
0x19c: {  	[sflag:s24] =	ssyncadd.s32 $0xFFFFFF80  }
0x19d: {  	_ =	swait.ge [sflag:s24], $0x80  }
0x19e: {  	[sflag:s24] =	ssyncset.done $0x0  }
0x19f: {  	[sflag:s24] =	ssyncadd.s32 $0xFFFFFF80  }
0x1a0: {  	_ =	swait.ge [sflag:s24], $0x80  }
0x1a1: {  	[sflag:s24] =	ssyncset.done $0x0  }
0x1a2: {  	[sflag:s24] =	ssyncadd.s32 $0xFFFFFF80  }
0x1a3: {  	_ =	swait.ge [sflag:s24], $0x80  }
0x1a4: {  	[sflag:s24] =	ssyncset.done $0x0  }
0x1a5: {  	[sflag:s24] =	ssyncadd.s32 $0xFFFFFF80  }
0x1a6: {  	_ =	swait.ge [sflag:s31], $0x300  }
0x1a7: {  	[sflag:s31] =	ssyncset.done $0x0  }
0x1a8: {  	[sflag:s31] =	ssyncadd.s32 $0xFFFFFD00  }
0x1a9: {  	_ =	swait.ge [sflag:s31], $0x300  }
0x1aa: {  	[sflag:s31] =	ssyncset.done $0x0  }
0x1ab: {  	s12 =	simm.s32 $0x18D00;
	[sflag:s31] =	ssyncadd.s32 $0xFFFFFD00  }
0x1ac: {  	[tilespmem:s12], [sflag:$0x2] =	stream.indirect.gather [hbm4b:s5+s0], $0x1, s29, s0, $0xb8;
	[tilespmem:$0x1F300] =	vst v63  }
0x1ad: {  	s25 =	simm.s32 $0x19000  }
0x1ae: {  	[tilespmem:s25], [sflag:$0x2] =	stream.indirect.gather [hbm4b:s6+s0], $0x1, s29, s0, $0xb8;
	[tilespmem:$0x1F300] =	vst v63  }
0x1af: {  	s8 =	simm.s32 $0x19300  }
0x1b0: {  	[tilespmem:s8], [sflag:$0x2] =	stream.indirect.gather [hbm4b:s7+s0], $0x1, s29, s0, $0xb8;
	[tilespmem:$0x1F300] =	vst v63  }
0x1b1: {  	s9 =	simm.s32 $0x18780;
	s10 =	simm.s32 $0x18D80  }
0x1b2: {  	[tilespmem:s10], [sflag:$0x2] =	stream.indirect.gather [hbm4b:s5+s0], $0x1, s9, s0, $0xb8;
	[tilespmem:$0x1F300] =	vst v63  }
0x1b3: {  	s12 =	simm.s32 $0x19080  }
0x1b4: {  	[tilespmem:s12], [sflag:$0x2] =	stream.indirect.gather [hbm4b:s6+s0], $0x1, s9, s0, $0xb8;
	[tilespmem:$0x1F300] =	vst v63  }
0x1b5: {  	s25 =	simm.s32 $0x19380  }
0x1b6: {  	[tilespmem:s25], [sflag:$0x2] =	stream.indirect.gather [hbm4b:s7+s0], $0x1, s9, s0, $0xb8;
	[tilespmem:$0x1F300] =	vst v63  }
0x1b7: {  	s10 =	simm.s32 $0x18E00;
	s9 =	simm.s32 $0x18800  }
0x1b8: {  	[tilespmem:s10], [sflag:$0x2] =	stream.indirect.gather [hbm4b:s5+s0], $0x1, s9, s0, $0xb8;
	[tilespmem:$0x1F300] =	vst v63  }
0x1b9: {  	s12 =	simm.s32 $0x19100  }
0x1ba: {  	[tilespmem:s12], [sflag:$0x2] =	stream.indirect.gather [hbm4b:s6+s0], $0x1, s9, s0, $0xb8;
	[tilespmem:$0x1F300] =	vst v63  }
0x1bb: {  	s25 =	simm.s32 $0x19400  }
0x1bc: {  	[tilespmem:s25], [sflag:$0x2] =	stream.indirect.gather [hbm4b:s7+s0], $0x1, s9, s0, $0xb8;
	[tilespmem:$0x1F300] =	vst v63  }
0x1bd: {  	s10 =	simm.s32 $0x18E80;
	s9 =	simm.s32 $0x18880  }
0x1be: {  	[tilespmem:s10], [sflag:$0x2] =	stream.indirect.gather [hbm4b:s5+s0], $0x1, s9, s0, $0xb8;
	[tilespmem:$0x1F300] =	vst v63  }
0x1bf: {  	s12 =	simm.s32 $0x19180  }
0x1c0: {  	[tilespmem:s12], [sflag:$0x2] =	stream.indirect.gather [hbm4b:s6+s0], $0x1, s9, s0, $0xb8;
	[tilespmem:$0x1F300] =	vst v63  }
0x1c1: {  	s25 =	simm.s32 $0x19480  }
0x1c2: {  	[tilespmem:s25], [sflag:$0x2] =	stream.indirect.gather [hbm4b:s7+s0], $0x1, s9, s0, $0xb8;
	[tilespmem:$0x1F300] =	vst v63  }
0x1c3: {  	s10 =	simm.s32 $0x18F00;
	s9 =	simm.s32 $0x18900  }
0x1c4: {  	[tilespmem:s10], [sflag:$0x2] =	stream.indirect.gather [hbm4b:s5+s0], $0x1, s9, s0, $0xb8;
	[tilespmem:$0x1F300] =	vst v63  }
0x1c5: {  	s12 =	simm.s32 $0x19200  }
0x1c6: {  	[tilespmem:s12], [sflag:$0x2] =	stream.indirect.gather [hbm4b:s6+s0], $0x1, s9, s0, $0xb8;
	[tilespmem:$0x1F300] =	vst v63  }
0x1c7: {  	s25 =	simm.s32 $0x19500  }
0x1c8: {  	[tilespmem:s25], [sflag:$0x2] =	stream.indirect.gather [hbm4b:s7+s0], $0x1, s9, s0, $0xb8;
	[tilespmem:$0x1F300] =	vst v63  }
0x1c9: {  	s10 =	simm.s32 $0x18F80;
	s9 =	simm.s32 $0x18980  }
0x1ca: {  	[tilespmem:s10], [sflag:$0x2] =	stream.indirect.gather [hbm4b:s5+s0], $0x1, s9, s0, $0xb8;
	[tilespmem:$0x1F300] =	vst v63  }
0x1cb: {  	s12 =	simm.s32 $0x19280  }
0x1cc: {  	[tilespmem:s12], [sflag:$0x2] =	stream.indirect.gather [hbm4b:s6+s0], $0x1, s9, s0, $0xb8;
	[tilespmem:$0x1F300] =	vst v63  }
0x1cd: {  	s3 =	simm.s32 $0x0;
	s25 =	simm.s32 $0x19580  }
0x1ce: {  	[tilespmem:s25], [sflag:$0x2] =	stream.indirect.gather [hbm4b:s7+s0], $0x1, s9, s0, $0xb8;
	[tilespmem:$0x1F300] =	vst v63  }
0x1cf: {  	v0 =	vld [tilespmem:s3+$0x1C000];
	_ =	sdelay $0x2  }
0x1d0: {  	v1 =	vld [tilespmem:s3+$0x1C300]  }
0x1d1: {  	v2 =	vld [tilespmem:s3+$0x1C600]  }
0x1d2: {  	v3 =	vld [tilespmem:s3+$0x1C900];
	v0 =	vmul.u32 $0xA, v0;
	_ =	sdelay $0x2  }
0x1d3: {  	[tilespmem:s3+$0x1CC00] =	vst v1  }
0x1d4: {  	[tilespmem:s3+$0x1CF00] =	vst v2  }
0x1d5: {  	[tilespmem:s3+$0x1D200] =	vst v3  }
0x1d6: {  	v1 =	vld.idx.msk [tilespmem:v0+s4+$0x0], $0xffff  }
0x1d7: {  	v2 =	vor.u32 $0x1, v0;
	_ =	sdelay $0x3  }
0x1d8: {  	[tilespmem:s3+$0x1D500] =	vst v1  }
0x1d9: {  	v1 =	vld.idx.msk [tilespmem:v2+s4+$0x0], $0xffff  }
0x1da: {  	v2 =	vadd.s32 $0x2, v0;
	_ =	sdelay $0x3  }
0x1db: {  	[tilespmem:s3+$0x1D800] =	vst v1  }
0x1dc: {  	v1 =	vld.idx.msk [tilespmem:v2+s4+$0x0], $0xffff  }
0x1dd: {  	v2 =	vadd.s32 $0x3, v0;
	_ =	sdelay $0x3  }
0x1de: {  	[tilespmem:s3+$0x1DB00] =	vst v1  }
0x1df: {  	v1 =	vld.idx.msk [tilespmem:v2+s4+$0x0], $0xffff  }
0x1e0: {  	v2 =	vadd.s32 $0x4, v0;
	_ =	sdelay $0x3  }
0x1e1: {  	[tilespmem:s3+$0x1DE00] =	vst v1  }
0x1e2: {  	v1 =	vld.idx.msk [tilespmem:v2+s4+$0x0], $0xffff  }
0x1e3: {  	v2 =	vadd.s32 $0x5, v0;
	_ =	sdelay $0x3  }
0x1e4: {  	[tilespmem:s3+$0x1E100] =	vst v1  }
0x1e5: {  	v1 =	vld.idx.msk [tilespmem:v2+s4+$0x0], $0xffff  }
0x1e6: {  	v2 =	vadd.s32 $0x6, v0;
	_ =	sdelay $0x3  }
0x1e7: {  	[tilespmem:s3+$0x1E400] =	vst v1  }
0x1e8: {  	v1 =	vld.idx.msk [tilespmem:v2+s4+$0x0], $0xffff  }
0x1e9: {  	v2 =	vadd.s32 $0x7, v0;
	_ =	sdelay $0x3  }
0x1ea: {  	[tilespmem:s3+$0x1E700] =	vst v1  }
0x1eb: {  	v1 =	vld.idx.msk [tilespmem:v2+s4+$0x0], $0xffff  }
0x1ec: {  	v2 =	vadd.s32 $0x8, v0;
	_ =	sdelay $0x3  }
0x1ed: {  	[tilespmem:s3+$0x1EA00] =	vst v1  }
0x1ee: {  	s10 =	simm.s32 $0x10;
	v1 =	vld.idx.msk [tilespmem:v2+s4+$0x0], $0xffff  }
0x1ef: {  	v0 =	vadd.s32 $0x9, v0;
	v2 =	vld [tilespmem:s10+$0x1C000]  }
0x1f0: {  	v3 =	vld [tilespmem:s10+$0x1C300]  }
0x1f1: {  	v4 =	vld [tilespmem:s10+$0x1C600]  }
0x1f2: {  	v5 =	vld [tilespmem:s10+$0x1C900]  }
0x1f3: {  	[tilespmem:s3+$0x1ED00] =	vst v1  }
0x1f4: {  	v1 =	vld.idx.msk [tilespmem:v0+s4+$0x0], $0xffff;
	v0 =	vmul.u32 $0xA, v2  }
0x1f5: {  	[tilespmem:s10+$0x1CC00] =	vst v3  }
0x1f6: {  	[tilespmem:s10+$0x1CF00] =	vst v4  }
0x1f7: {  	s8 =	simm.s32 $0x80;
	[tilespmem:s10+$0x1D200] =	vst v5  }
.LBB2_4:
0x1f8: {  	_ = 	snop  }
0x1f9: {  	p0 =	sne.s32 s8, $0xBC0;
	[tilespmem:s3+$0x1F000] =	vst v1;
	s9 =	smov.u32 s8;
	s8 =	sadd.s32 $0x40, s8  }
0x1fa: {  	s3 =	smov.u32 s10;
	v1 =	vld.idx.msk [tilespmem:v0+s4+$0x0], $0xffff;
	_ =	sdelay $0x1  }
0x1fb: {  	v2 =	vor.u32 $0x1, v0;
	_ =	sdelay $0x3  }
0x1fc: {  	[tilespmem:s3+$0x1D500] =	vst v1  }
0x1fd: {  	v1 =	vld.idx.msk [tilespmem:v2+s4+$0x0], $0xffff;
	_ =	sdelay $0x1  }
0x1fe: {  	v2 =	vadd.s32 $0x2, v0;
	_ =	sdelay $0x3  }
0x1ff: {  	[tilespmem:s3+$0x1D800] =	vst v1  }
0x200: {  	v1 =	vld.idx.msk [tilespmem:v2+s4+$0x0], $0xffff;
	_ =	sdelay $0x1  }
0x201: {  	v2 =	vadd.s32 $0x3, v0;
	_ =	sdelay $0x3  }
0x202: {  	[tilespmem:s3+$0x1DB00] =	vst v1  }
0x203: {  	v1 =	vld.idx.msk [tilespmem:v2+s4+$0x0], $0xffff;
	_ =	sdelay $0x1  }
0x204: {  	v2 =	vadd.s32 $0x4, v0;
	_ =	sdelay $0x3  }
0x205: {  	[tilespmem:s3+$0x1DE00] =	vst v1  }
0x206: {  	v1 =	vld.idx.msk [tilespmem:v2+s4+$0x0], $0xffff;
	_ =	sdelay $0x1  }
0x207: {  	v2 =	vadd.s32 $0x5, v0;
	_ =	sdelay $0x3  }
0x208: {  	[tilespmem:s3+$0x1E100] =	vst v1  }
0x209: {  	v1 =	vld.idx.msk [tilespmem:v2+s4+$0x0], $0xffff;
	_ =	sdelay $0x1  }
0x20a: {  	v2 =	vadd.s32 $0x6, v0;
	_ =	sdelay $0x3  }
0x20b: {  	[tilespmem:s3+$0x1E400] =	vst v1  }
0x20c: {  	v1 =	vld.idx.msk [tilespmem:v2+s4+$0x0], $0xffff;
	_ =	sdelay $0x1  }
0x20d: {  	v2 =	vadd.s32 $0x7, v0;
	_ =	sdelay $0x3  }
0x20e: {  	[tilespmem:s3+$0x1E700] =	vst v1  }
0x20f: {  	v1 =	vld.idx.msk [tilespmem:v2+s4+$0x0], $0xffff;
	_ =	sdelay $0x1  }
0x210: {  	v2 =	vadd.s32 $0x8, v0;
	_ =	sdelay $0x3  }
0x211: {  	[tilespmem:s3+$0x1EA00] =	vst v1  }
0x212: {  	v1 =	vld.idx.msk [tilespmem:v2+s4+$0x0], $0xffff;
	_ =	sdelay $0x1  }
0x213: {  	s10 =	sshra.s32 s9, $0x2;
	v0 =	vadd.s32 $0x9, v0  }
0x214: {  	v2 =	vld [tilespmem:s10+$0x1C000]  }
0x215: {  	v3 =	vld [tilespmem:s10+$0x1C300]  }
0x216: {  	v4 =	vld [tilespmem:s10+$0x1C600]  }
0x217: {  	v5 =	vld [tilespmem:s10+$0x1C900];
	[tilespmem:s3+$0x1ED00] =	vst v1  }
.Ltmp1:
0x218: {  	v1 =	vld.idx.msk [tilespmem:v0+s4+$0x0], $0xffff;
	(pc) =	sbr.rel @p0 .LBB2_4-.Ltmp1, $4  }
0x219: {  	v0 =	vmul.u32 $0xA, v2  }
0x21a: {  	[tilespmem:s10+$0x1CC00] =	vst v3  }
0x21b: {  	[tilespmem:s10+$0x1CF00] =	vst v4  }
0x21c: {  	[tilespmem:s10+$0x1D200] =	vst v5  }
0x21d: {  	_ =	sdelay $0x2  }
0x21e: {  	[tilespmem:s3+$0x1F000] =	vst v1  }
0x21f: {  	v1 =	vld.idx.msk [tilespmem:v0+s4+$0x0], $0xffff  }
0x220: {  	v2 =	vor.u32 $0x1, v0;
	_ =	sdelay $0x3  }
0x221: {  	[tilespmem:s10+$0x1D500] =	vst v1  }
0x222: {  	v1 =	vld.idx.msk [tilespmem:v2+s4+$0x0], $0xffff  }
0x223: {  	v2 =	vadd.s32 $0x2, v0;
	_ =	sdelay $0x3  }
0x224: {  	[tilespmem:s10+$0x1D800] =	vst v1  }
0x225: {  	v1 =	vld.idx.msk [tilespmem:v2+s4+$0x0], $0xffff  }
0x226: {  	v2 =	vadd.s32 $0x3, v0;
	_ =	sdelay $0x3  }
0x227: {  	[tilespmem:s10+$0x1DB00] =	vst v1  }
0x228: {  	v1 =	vld.idx.msk [tilespmem:v2+s4+$0x0], $0xffff  }
0x229: {  	v2 =	vadd.s32 $0x4, v0;
	_ =	sdelay $0x3  }
0x22a: {  	[tilespmem:s10+$0x1DE00] =	vst v1  }
0x22b: {  	v1 =	vld.idx.msk [tilespmem:v2+s4+$0x0], $0xffff  }
0x22c: {  	v2 =	vadd.s32 $0x5, v0;
	_ =	sdelay $0x3  }
0x22d: {  	[tilespmem:s10+$0x1E100] =	vst v1  }
0x22e: {  	v1 =	vld.idx.msk [tilespmem:v2+s4+$0x0], $0xffff  }
0x22f: {  	v2 =	vadd.s32 $0x6, v0;
	_ =	sdelay $0x3  }
0x230: {  	[tilespmem:s10+$0x1E400] =	vst v1  }
0x231: {  	v1 =	vld.idx.msk [tilespmem:v2+s4+$0x0], $0xffff  }
0x232: {  	v2 =	vadd.s32 $0x7, v0;
	_ =	sdelay $0x3  }
0x233: {  	[tilespmem:s10+$0x1E700] =	vst v1  }
0x234: {  	v1 =	vld.idx.msk [tilespmem:v2+s4+$0x0], $0xffff  }
0x235: {  	v2 =	vadd.s32 $0x8, v0;
	_ =	sdelay $0x3  }
0x236: {  	[tilespmem:s10+$0x1EA00] =	vst v1  }
0x237: {  	v1 =	vld.idx.msk [tilespmem:v2+s4+$0x0], $0xffff  }
0x238: {  	v0 =	vadd.s32 $0x9, v0;
	_ =	sdelay $0x3  }
0x239: {  	[tilespmem:s10+$0x1ED00] =	vst v1  }
0x23a: {  	v0 =	vld.idx.msk [tilespmem:v0+s4+$0x0], $0xffff;
	_ =	sdelay $0x4  }
0x23b: {  	s3 =	simm.s32 $0x0;
	s8 =	rddreg [dreg:$0xb];
	s9 =	simm.s32 $0x1CC00;
	[tilespmem:s10+$0x1F000] =	vst v0  }
0x23c: {  	[hbm4b:s8+s3] =	stream.linear.scatter [tilespmem:s9], [sflag:$0x6], $0x300, $0x38;
	[tilespmem:$0x1F300] =	vst v63  }
0x23d: {  	s12 =	rddreg [dreg:$0xc];
	s25 =	simm.s32 $0x1CF00  }
0x23e: {  	[hbm4b:s12+s3] =	stream.linear.scatter [tilespmem:s25], [sflag:$0x6], $0x300, $0x38;
	[tilespmem:$0x1F300] =	vst v63  }
0x23f: {  	s10 =	simm.s32 $0x1D200;
	s9 =	rddreg [dreg:$0xd]  }
0x240: {  	[hbm4b:s9+s3] =	stream.linear.scatter [tilespmem:s10], [sflag:$0x6], $0x300, $0x38;
	[tilespmem:$0x1F300] =	vst v63  }
0x241: {  	s12 =	rddreg [dreg:$0xe];
	s25 =	simm.s32 $0x1D500  }
0x242: {  	[hbm4b:s12+s3] =	stream.linear.scatter [tilespmem:s25], [sflag:$0x6], $0x300, $0x38;
	[tilespmem:$0x1F300] =	vst v63  }
0x243: {  	s9 =	rddreg [dreg:$0xf];
	s10 =	simm.s32 $0x1D800  }
0x244: {  	[hbm4b:s9+s3] =	stream.linear.scatter [tilespmem:s10], [sflag:$0x6], $0x300, $0x38;
	[tilespmem:$0x1F300] =	vst v63  }
0x245: {  	s12 =	rddreg [dreg:$0x10];
	s25 =	simm.s32 $0x1DB00  }
0x246: {  	[hbm4b:s12+s3] =	stream.linear.scatter [tilespmem:s25], [sflag:$0x6], $0x300, $0x38;
	[tilespmem:$0x1F300] =	vst v63  }
0x247: {  	s9 =	rddreg [dreg:$0x11];
	s10 =	simm.s32 $0x1DE00  }
0x248: {  	[hbm4b:s9+s3] =	stream.linear.scatter [tilespmem:s10], [sflag:$0x6], $0x300, $0x38;
	[tilespmem:$0x1F300] =	vst v63  }
0x249: {  	s12 =	rddreg [dreg:$0x12];
	s25 =	simm.s32 $0x1E100  }
0x24a: {  	[hbm4b:s12+s3] =	stream.linear.scatter [tilespmem:s25], [sflag:$0x6], $0x300, $0x38;
	[tilespmem:$0x1F300] =	vst v63  }
0x24b: {  	s9 =	rddreg [dreg:$0x13];
	s10 =	simm.s32 $0x1E400  }
0x24c: {  	[hbm4b:s9+s3] =	stream.linear.scatter [tilespmem:s10], [sflag:$0x6], $0x300, $0x38;
	[tilespmem:$0x1F300] =	vst v63  }
0x24d: {  	s12 =	rddreg [dreg:$0x14];
	s25 =	simm.s32 $0x1E700  }
0x24e: {  	[hbm4b:s12+s3] =	stream.linear.scatter [tilespmem:s25], [sflag:$0x6], $0x300, $0x38;
	[tilespmem:$0x1F300] =	vst v63  }
0x24f: {  	s9 =	rddreg [dreg:$0x15];
	s10 =	simm.s32 $0x1EA00  }
0x250: {  	[hbm4b:s9+s3] =	stream.linear.scatter [tilespmem:s10], [sflag:$0x6], $0x300, $0x38;
	[tilespmem:$0x1F300] =	vst v63  }
0x251: {  	s12 =	rddreg [dreg:$0x16];
	s25 =	simm.s32 $0x1ED00  }
0x252: {  	[hbm4b:s12+s3] =	stream.linear.scatter [tilespmem:s25], [sflag:$0x6], $0x300, $0x38;
	[tilespmem:$0x1F300] =	vst v63  }
0x253: {  	s10 =	rddreg [dreg:$0x17];
	s12 =	simm.s32 $0x1F000  }
0x254: {  	[hbm4b:s10+s3] =	stream.linear.scatter [tilespmem:s12], [sflag:$0x6], $0x300, $0x38;
	[tilespmem:$0x1F300] =	vst v63  }
0x255: {  	s25 =	rddreg [dreg:$0x18]  }
0x256: {  	[tilespmem:s26], [sflag:$0x4] =	stream.linear.gather [hbm4b:s25+s3], $0x300, $0x38;
	[tilespmem:$0x1F300] =	vst v63  }
0x257: {  	s9 =	rddreg [dreg:$0x19];
	s10 =	simm.s32 $0x1C000  }
0x258: {  	[tilespmem:s10], [sflag:$0x4] =	stream.linear.gather [hbm4b:s9+s3], $0x300, $0x38;
	[tilespmem:$0x1F300] =	vst v63  }
0x259: {  	_ =	swait.ge [sflag:s30], $0x80  }
0x25a: {  	[sflag:s30] =	ssyncset.done $0x0  }
0x25b: {  	[sflag:s30] =	ssyncadd.s32 $0xFFFFFF80  }
0x25c: {  	_ =	swait.ge [sflag:s30], $0x80  }
0x25d: {  	[sflag:s30] =	ssyncset.done $0x0  }
0x25e: {  	[sflag:s30] =	ssyncadd.s32 $0xFFFFFF80  }
0x25f: {  	_ =	swait.ge [sflag:s30], $0x80  }
0x260: {  	[sflag:s30] =	ssyncset.done $0x0  }
0x261: {  	[sflag:s30] =	ssyncadd.s32 $0xFFFFFF80  }
0x262: {  	_ =	swait.ge [sflag:s30], $0x80  }
0x263: {  	[sflag:s30] =	ssyncset.done $0x0  }
0x264: {  	[sflag:s30] =	ssyncadd.s32 $0xFFFFFF80  }
0x265: {  	_ =	swait.ge [sflag:s30], $0x80  }
0x266: {  	[sflag:s30] =	ssyncset.done $0x0  }
0x267: {  	[sflag:s30] =	ssyncadd.s32 $0xFFFFFF80  }
0x268: {  	_ =	swait.ge [sflag:s30], $0x80  }
0x269: {  	[sflag:s30] =	ssyncset.done $0x0  }
0x26a: {  	[sflag:s30] =	ssyncadd.s32 $0xFFFFFF80  }
0x26b: {  	_ =	swait.ge [sflag:s30], $0x80  }
0x26c: {  	[sflag:s30] =	ssyncset.done $0x0  }
0x26d: {  	[sflag:s30] =	ssyncadd.s32 $0xFFFFFF80  }
0x26e: {  	_ =	swait.ge [sflag:s30], $0x80  }
0x26f: {  	[sflag:s30] =	ssyncset.done $0x0  }
0x270: {  	[sflag:s30] =	ssyncadd.s32 $0xFFFFFF80  }
0x271: {  	_ =	swait.ge [sflag:s30], $0x80  }
0x272: {  	[sflag:s30] =	ssyncset.done $0x0  }
0x273: {  	[sflag:s30] =	ssyncadd.s32 $0xFFFFFF80  }
0x274: {  	_ =	swait.ge [sflag:s30], $0x80  }
0x275: {  	[sflag:s30] =	ssyncset.done $0x0  }
0x276: {  	[sflag:s30] =	ssyncadd.s32 $0xFFFFFF80  }
0x277: {  	_ =	swait.ge [sflag:s30], $0x80  }
0x278: {  	[sflag:s30] =	ssyncset.done $0x0  }
0x279: {  	[sflag:s30] =	ssyncadd.s32 $0xFFFFFF80  }
0x27a: {  	_ =	swait.ge [sflag:s30], $0x80  }
0x27b: {  	[sflag:s30] =	ssyncset.done $0x0  }
0x27c: {  	[sflag:s30] =	ssyncadd.s32 $0xFFFFFF80  }
0x27d: {  	_ =	swait.ge [sflag:s30], $0x80  }
0x27e: {  	[sflag:s30] =	ssyncset.done $0x0  }
0x27f: {  	[sflag:s30] =	ssyncadd.s32 $0xFFFFFF80  }
0x280: {  	_ =	swait.ge [sflag:s30], $0x80  }
0x281: {  	[sflag:s30] =	ssyncset.done $0x0  }
0x282: {  	[sflag:s30] =	ssyncadd.s32 $0xFFFFFF80  }
0x283: {  	_ =	swait.ge [sflag:s30], $0x80  }
0x284: {  	[sflag:s30] =	ssyncset.done $0x0  }
0x285: {  	[sflag:s30] =	ssyncadd.s32 $0xFFFFFF80  }
0x286: {  	_ =	swait.ge [sflag:s30], $0x80  }
0x287: {  	[sflag:s30] =	ssyncset.done $0x0  }
0x288: {  	[sflag:s30] =	ssyncadd.s32 $0xFFFFFF80  }
0x289: {  	_ =	swait.ge [sflag:s30], $0x80  }
0x28a: {  	[sflag:s30] =	ssyncset.done $0x0  }
0x28b: {  	[sflag:s30] =	ssyncadd.s32 $0xFFFFFF80  }
0x28c: {  	_ =	swait.ge [sflag:s30], $0x80  }
0x28d: {  	[sflag:s30] =	ssyncset.done $0x0  }
0x28e: {  	[sflag:s30] =	ssyncadd.s32 $0xFFFFFF80  }
0x28f: {  	_ =	swait.ge [sflag:s1], $0x300  }
0x290: {  	[sflag:s1] =	ssyncset.done $0x0  }
0x291: {  	[sflag:s1] =	ssyncadd.s32 $0xFFFFFD00  }
0x292: {  	_ =	swait.ge [sflag:s1], $0x300  }
0x293: {  	[sflag:s1] =	ssyncset.done $0x0  }
0x294: {  	s12 =	simm.s32 $0x1C300;
	[sflag:s1] =	ssyncadd.s32 $0xFFFFFD00  }
0x295: {  	[tilespmem:s12], [sflag:$0x5] =	stream.indirect.gather [hbm4b:s5+s0], $0x1, s26, s0, $0xb8;
	[tilespmem:$0x1F300] =	vst v63  }
0x296: {  	s25 =	simm.s32 $0x1C600  }
0x297: {  	[tilespmem:s25], [sflag:$0x5] =	stream.indirect.gather [hbm4b:s6+s0], $0x1, s26, s0, $0xb8;
	[tilespmem:$0x1F300] =	vst v63  }
0x298: {  	s8 =	simm.s32 $0x1C900  }
0x299: {  	[tilespmem:s8], [sflag:$0x5] =	stream.indirect.gather [hbm4b:s7+s0], $0x1, s26, s0, $0xb8;
	[tilespmem:$0x1F300] =	vst v63  }
0x29a: {  	s9 =	simm.s32 $0x1BD80;
	s10 =	simm.s32 $0x1C380  }
0x29b: {  	[tilespmem:s10], [sflag:$0x5] =	stream.indirect.gather [hbm4b:s5+s0], $0x1, s9, s0, $0xb8;
	[tilespmem:$0x1F300] =	vst v63  }
0x29c: {  	s12 =	simm.s32 $0x1C680  }
0x29d: {  	[tilespmem:s12], [sflag:$0x5] =	stream.indirect.gather [hbm4b:s6+s0], $0x1, s9, s0, $0xb8;
	[tilespmem:$0x1F300] =	vst v63  }
0x29e: {  	s25 =	simm.s32 $0x1C980  }
0x29f: {  	[tilespmem:s25], [sflag:$0x5] =	stream.indirect.gather [hbm4b:s7+s0], $0x1, s9, s0, $0xb8;
	[tilespmem:$0x1F300] =	vst v63  }
0x2a0: {  	s10 =	simm.s32 $0x1C400;
	s9 =	simm.s32 $0x1BE00  }
0x2a1: {  	[tilespmem:s10], [sflag:$0x5] =	stream.indirect.gather [hbm4b:s5+s0], $0x1, s9, s0, $0xb8;
	[tilespmem:$0x1F300] =	vst v63  }
0x2a2: {  	s12 =	simm.s32 $0x1C700  }
0x2a3: {  	[tilespmem:s12], [sflag:$0x5] =	stream.indirect.gather [hbm4b:s6+s0], $0x1, s9, s0, $0xb8;
	[tilespmem:$0x1F300] =	vst v63  }
0x2a4: {  	s25 =	simm.s32 $0x1CA00  }
0x2a5: {  	[tilespmem:s25], [sflag:$0x5] =	stream.indirect.gather [hbm4b:s7+s0], $0x1, s9, s0, $0xb8;
	[tilespmem:$0x1F300] =	vst v63  }
0x2a6: {  	s10 =	simm.s32 $0x1C480;
	s9 =	simm.s32 $0x1BE80  }
0x2a7: {  	[tilespmem:s10], [sflag:$0x5] =	stream.indirect.gather [hbm4b:s5+s0], $0x1, s9, s0, $0xb8;
	[tilespmem:$0x1F300] =	vst v63  }
0x2a8: {  	s12 =	simm.s32 $0x1C780  }
0x2a9: {  	[tilespmem:s12], [sflag:$0x5] =	stream.indirect.gather [hbm4b:s6+s0], $0x1, s9, s0, $0xb8;
	[tilespmem:$0x1F300] =	vst v63  }
0x2aa: {  	s25 =	simm.s32 $0x1CA80  }
0x2ab: {  	[tilespmem:s25], [sflag:$0x5] =	stream.indirect.gather [hbm4b:s7+s0], $0x1, s9, s0, $0xb8;
	[tilespmem:$0x1F300] =	vst v63  }
0x2ac: {  	s10 =	simm.s32 $0x1C500;
	s9 =	simm.s32 $0x1BF00  }
0x2ad: {  	[tilespmem:s10], [sflag:$0x5] =	stream.indirect.gather [hbm4b:s5+s0], $0x1, s9, s0, $0xb8;
	[tilespmem:$0x1F300] =	vst v63  }
0x2ae: {  	s12 =	simm.s32 $0x1C800  }
0x2af: {  	[tilespmem:s12], [sflag:$0x5] =	stream.indirect.gather [hbm4b:s6+s0], $0x1, s9, s0, $0xb8;
	[tilespmem:$0x1F300] =	vst v63  }
0x2b0: {  	s25 =	simm.s32 $0x1CB00  }
0x2b1: {  	[tilespmem:s25], [sflag:$0x5] =	stream.indirect.gather [hbm4b:s7+s0], $0x1, s9, s0, $0xb8;
	[tilespmem:$0x1F300] =	vst v63  }
0x2b2: {  	s10 =	simm.s32 $0x1C580;
	s9 =	simm.s32 $0x1BF80  }
0x2b3: {  	[tilespmem:s10], [sflag:$0x5] =	stream.indirect.gather [hbm4b:s5+s0], $0x1, s9, s0, $0xb8;
	[tilespmem:$0x1F300] =	vst v63  }
0x2b4: {  	s12 =	simm.s32 $0x1C880  }
0x2b5: {  	[tilespmem:s12], [sflag:$0x5] =	stream.indirect.gather [hbm4b:s6+s0], $0x1, s9, s0, $0xb8;
	[tilespmem:$0x1F300] =	vst v63  }
0x2b6: {  	s25 =	simm.s32 $0x1CB80  }
0x2b7: {  	[tilespmem:s25], [sflag:$0x5] =	stream.indirect.gather [hbm4b:s7+s0], $0x1, s9, s0, $0xb8;
	[tilespmem:$0x1F300] =	vst v63  }
0x2b8: {  	_ =	swait.ge [sflag:s28], $0x300  }
0x2b9: {  	[sflag:s28] =	ssyncset.done $0x0  }
0x2ba: {  	[sflag:s28] =	ssyncadd.s32 $0xFFFFFD00  }
0x2bb: {  	_ =	swait.ge [sflag:s28], $0x300  }
0x2bc: {  	[sflag:s28] =	ssyncset.done $0x0  }
0x2bd: {  	[sflag:s28] =	ssyncadd.s32 $0xFFFFFD00  }
0x2be: {  	_ =	swait.ge [sflag:s28], $0x300  }
0x2bf: {  	[sflag:s28] =	ssyncset.done $0x0  }
0x2c0: {  	[sflag:s28] =	ssyncadd.s32 $0xFFFFFD00  }
0x2c1: {  	_ =	swait.ge [sflag:s28], $0x300  }
0x2c2: {  	[sflag:s28] =	ssyncset.done $0x0  }
0x2c3: {  	[sflag:s28] =	ssyncadd.s32 $0xFFFFFD00  }
0x2c4: {  	_ =	swait.ge [sflag:s28], $0x300  }
0x2c5: {  	[sflag:s28] =	ssyncset.done $0x0  }
0x2c6: {  	[sflag:s28] =	ssyncadd.s32 $0xFFFFFD00  }
0x2c7: {  	_ =	swait.ge [sflag:s28], $0x300  }
0x2c8: {  	[sflag:s28] =	ssyncset.done $0x0  }
0x2c9: {  	[sflag:s28] =	ssyncadd.s32 $0xFFFFFD00  }
0x2ca: {  	_ =	swait.ge [sflag:s28], $0x300  }
0x2cb: {  	[sflag:s28] =	ssyncset.done $0x0  }
0x2cc: {  	[sflag:s28] =	ssyncadd.s32 $0xFFFFFD00  }
0x2cd: {  	_ =	swait.ge [sflag:s28], $0x300  }
0x2ce: {  	[sflag:s28] =	ssyncset.done $0x0  }
0x2cf: {  	[sflag:s28] =	ssyncadd.s32 $0xFFFFFD00  }
0x2d0: {  	_ =	swait.ge [sflag:s28], $0x300  }
0x2d1: {  	[sflag:s28] =	ssyncset.done $0x0  }
0x2d2: {  	[sflag:s28] =	ssyncadd.s32 $0xFFFFFD00  }
0x2d3: {  	_ =	swait.ge [sflag:s28], $0x300  }
0x2d4: {  	[sflag:s28] =	ssyncset.done $0x0  }
0x2d5: {  	[sflag:s28] =	ssyncadd.s32 $0xFFFFFD00  }
0x2d6: {  	_ =	swait.ge [sflag:s28], $0x300  }
0x2d7: {  	[sflag:s28] =	ssyncset.done $0x0  }
0x2d8: {  	[sflag:s28] =	ssyncadd.s32 $0xFFFFFD00  }
0x2d9: {  	_ =	swait.ge [sflag:s28], $0x300  }
0x2da: {  	[sflag:s28] =	ssyncset.done $0x0  }
0x2db: {  	[sflag:s28] =	ssyncadd.s32 $0xFFFFFD00  }
0x2dc: {  	_ =	swait.ge [sflag:s28], $0x300  }
0x2dd: {  	[sflag:s28] =	ssyncset.done $0x0  }
0x2de: {  	s3 =	simm.s32 $0x0;
	[sflag:s28] =	ssyncadd.s32 $0xFFFFFD00  }
0x2df: {  	v0 =	vld [tilespmem:s3+$0x18A00];
	_ =	sdelay $0x2  }
0x2e0: {  	v1 =	vld [tilespmem:s3+$0x18D00]  }
0x2e1: {  	v2 =	vld [tilespmem:s3+$0x19000]  }
0x2e2: {  	v3 =	vld [tilespmem:s3+$0x19300];
	v0 =	vmul.u32 $0xA, v0;
	_ =	sdelay $0x2  }
0x2e3: {  	[tilespmem:s3+$0x19600] =	vst v1  }
0x2e4: {  	[tilespmem:s3+$0x19900] =	vst v2  }
0x2e5: {  	[tilespmem:s3+$0x19C00] =	vst v3  }
0x2e6: {  	v1 =	vld.idx.msk [tilespmem:v0+s4+$0x0], $0xffff  }
0x2e7: {  	v2 =	vor.u32 $0x1, v0;
	_ =	sdelay $0x3  }
0x2e8: {  	[tilespmem:s3+$0x19F00] =	vst v1  }
0x2e9: {  	v1 =	vld.idx.msk [tilespmem:v2+s4+$0x0], $0xffff  }
0x2ea: {  	v2 =	vadd.s32 $0x2, v0;
	_ =	sdelay $0x3  }
0x2eb: {  	[tilespmem:s3+$0x1A200] =	vst v1  }
0x2ec: {  	v1 =	vld.idx.msk [tilespmem:v2+s4+$0x0], $0xffff  }
0x2ed: {  	v2 =	vadd.s32 $0x3, v0;
	_ =	sdelay $0x3  }
0x2ee: {  	[tilespmem:s3+$0x1A500] =	vst v1  }
0x2ef: {  	v1 =	vld.idx.msk [tilespmem:v2+s4+$0x0], $0xffff  }
0x2f0: {  	v2 =	vadd.s32 $0x4, v0;
	_ =	sdelay $0x3  }
0x2f1: {  	[tilespmem:s3+$0x1A800] =	vst v1  }
0x2f2: {  	v1 =	vld.idx.msk [tilespmem:v2+s4+$0x0], $0xffff  }
0x2f3: {  	v2 =	vadd.s32 $0x5, v0;
	_ =	sdelay $0x3  }
0x2f4: {  	[tilespmem:s3+$0x1AB00] =	vst v1  }
0x2f5: {  	v1 =	vld.idx.msk [tilespmem:v2+s4+$0x0], $0xffff  }
0x2f6: {  	v2 =	vadd.s32 $0x6, v0;
	_ =	sdelay $0x3  }
0x2f7: {  	[tilespmem:s3+$0x1AE00] =	vst v1  }
0x2f8: {  	v1 =	vld.idx.msk [tilespmem:v2+s4+$0x0], $0xffff  }
0x2f9: {  	v2 =	vadd.s32 $0x7, v0;
	_ =	sdelay $0x3  }
0x2fa: {  	[tilespmem:s3+$0x1B100] =	vst v1  }
0x2fb: {  	v1 =	vld.idx.msk [tilespmem:v2+s4+$0x0], $0xffff  }
0x2fc: {  	v2 =	vadd.s32 $0x8, v0;
	_ =	sdelay $0x3  }
0x2fd: {  	[tilespmem:s3+$0x1B400] =	vst v1  }
0x2fe: {  	s10 =	simm.s32 $0x10;
	v1 =	vld.idx.msk [tilespmem:v2+s4+$0x0], $0xffff  }
0x2ff: {  	v0 =	vadd.s32 $0x9, v0;
	v2 =	vld [tilespmem:s10+$0x18A00]  }
0x300: {  	v3 =	vld [tilespmem:s10+$0x18D00]  }
0x301: {  	v4 =	vld [tilespmem:s10+$0x19000]  }
0x302: {  	v5 =	vld [tilespmem:s10+$0x19300]  }
0x303: {  	[tilespmem:s3+$0x1B700] =	vst v1  }
0x304: {  	v1 =	vld.idx.msk [tilespmem:v0+s4+$0x0], $0xffff;
	v0 =	vmul.u32 $0xA, v2  }
0x305: {  	[tilespmem:s10+$0x19600] =	vst v3  }
0x306: {  	[tilespmem:s10+$0x19900] =	vst v4  }
0x307: {  	s8 =	simm.s32 $0x80;
	[tilespmem:s10+$0x19C00] =	vst v5  }
.LBB2_6:
0x308: {  	_ = 	snop  }
0x309: {  	p0 =	sne.s32 s8, $0xBC0;
	[tilespmem:s3+$0x1BA00] =	vst v1;
	s9 =	smov.u32 s8;
	s8 =	sadd.s32 $0x40, s8  }
0x30a: {  	s3 =	smov.u32 s10;
	v1 =	vld.idx.msk [tilespmem:v0+s4+$0x0], $0xffff;
	_ =	sdelay $0x1  }
0x30b: {  	v2 =	vor.u32 $0x1, v0;
	_ =	sdelay $0x3  }
0x30c: {  	[tilespmem:s3+$0x19F00] =	vst v1  }
0x30d: {  	v1 =	vld.idx.msk [tilespmem:v2+s4+$0x0], $0xffff;
	_ =	sdelay $0x1  }
0x30e: {  	v2 =	vadd.s32 $0x2, v0;
	_ =	sdelay $0x3  }
0x30f: {  	[tilespmem:s3+$0x1A200] =	vst v1  }
0x310: {  	v1 =	vld.idx.msk [tilespmem:v2+s4+$0x0], $0xffff;
	_ =	sdelay $0x1  }
0x311: {  	v2 =	vadd.s32 $0x3, v0;
	_ =	sdelay $0x3  }
0x312: {  	[tilespmem:s3+$0x1A500] =	vst v1  }
0x313: {  	v1 =	vld.idx.msk [tilespmem:v2+s4+$0x0], $0xffff;
	_ =	sdelay $0x1  }
0x314: {  	v2 =	vadd.s32 $0x4, v0;
	_ =	sdelay $0x3  }
0x315: {  	[tilespmem:s3+$0x1A800] =	vst v1  }
0x316: {  	v1 =	vld.idx.msk [tilespmem:v2+s4+$0x0], $0xffff;
	_ =	sdelay $0x1  }
0x317: {  	v2 =	vadd.s32 $0x5, v0;
	_ =	sdelay $0x3  }
0x318: {  	[tilespmem:s3+$0x1AB00] =	vst v1  }
0x319: {  	v1 =	vld.idx.msk [tilespmem:v2+s4+$0x0], $0xffff;
	_ =	sdelay $0x1  }
0x31a: {  	v2 =	vadd.s32 $0x6, v0;
	_ =	sdelay $0x3  }
0x31b: {  	[tilespmem:s3+$0x1AE00] =	vst v1  }
0x31c: {  	v1 =	vld.idx.msk [tilespmem:v2+s4+$0x0], $0xffff;
	_ =	sdelay $0x1  }
0x31d: {  	v2 =	vadd.s32 $0x7, v0;
	_ =	sdelay $0x3  }
0x31e: {  	[tilespmem:s3+$0x1B100] =	vst v1  }
0x31f: {  	v1 =	vld.idx.msk [tilespmem:v2+s4+$0x0], $0xffff;
	_ =	sdelay $0x1  }
0x320: {  	v2 =	vadd.s32 $0x8, v0;
	_ =	sdelay $0x3  }
0x321: {  	[tilespmem:s3+$0x1B400] =	vst v1  }
0x322: {  	v1 =	vld.idx.msk [tilespmem:v2+s4+$0x0], $0xffff;
	_ =	sdelay $0x1  }
0x323: {  	s10 =	sshra.s32 s9, $0x2;
	v0 =	vadd.s32 $0x9, v0  }
0x324: {  	v2 =	vld [tilespmem:s10+$0x18A00]  }
0x325: {  	v3 =	vld [tilespmem:s10+$0x18D00]  }
0x326: {  	v4 =	vld [tilespmem:s10+$0x19000]  }
0x327: {  	v5 =	vld [tilespmem:s10+$0x19300];
	[tilespmem:s3+$0x1B700] =	vst v1  }
.Ltmp2:
0x328: {  	v1 =	vld.idx.msk [tilespmem:v0+s4+$0x0], $0xffff;
	(pc) =	sbr.rel @p0 .LBB2_6-.Ltmp2, $4  }
0x329: {  	v0 =	vmul.u32 $0xA, v2  }
0x32a: {  	[tilespmem:s10+$0x19600] =	vst v3  }
0x32b: {  	[tilespmem:s10+$0x19900] =	vst v4  }
0x32c: {  	[tilespmem:s10+$0x19C00] =	vst v5  }
0x32d: {  	_ =	sdelay $0x2  }
0x32e: {  	[tilespmem:s3+$0x1BA00] =	vst v1  }
0x32f: {  	v1 =	vld.idx.msk [tilespmem:v0+s4+$0x0], $0xffff  }
0x330: {  	v2 =	vor.u32 $0x1, v0;
	_ =	sdelay $0x3  }
0x331: {  	[tilespmem:s10+$0x19F00] =	vst v1  }
0x332: {  	v1 =	vld.idx.msk [tilespmem:v2+s4+$0x0], $0xffff  }
0x333: {  	v56 =	vadd.s32 $0x2, v0;
	_ =	sdelay $0x3  }
0x334: {  	[tilespmem:s10+$0x1A200] =	vst v1  }
0x335: {  	v1 =	vld.idx.msk [tilespmem:v56+s4+$0x0], $0xffff  }
0x336: {  	v57 =	vadd.s32 $0x3, v0;
	_ =	sdelay $0x3  }
0x337: {  	[tilespmem:s10+$0x1A500] =	vst v1  }
0x338: {  	v1 =	vld.idx.msk [tilespmem:v57+s4+$0x0], $0xffff  }
0x339: {  	v58 =	vadd.s32 $0x4, v0;
	_ =	sdelay $0x3  }
0x33a: {  	[tilespmem:s10+$0x1A800] =	vst v1  }
0x33b: {  	v1 =	vld.idx.msk [tilespmem:v58+s4+$0x0], $0xffff  }
0x33c: {  	v59 =	vadd.s32 $0x5, v0;
	_ =	sdelay $0x3  }
0x33d: {  	[tilespmem:s10+$0x1AB00] =	vst v1  }
0x33e: {  	v1 =	vld.idx.msk [tilespmem:v59+s4+$0x0], $0xffff  }
0x33f: {  	v60 =	vadd.s32 $0x6, v0;
	_ =	sdelay $0x3  }
0x340: {  	[tilespmem:s10+$0x1AE00] =	vst v1  }
0x341: {  	v1 =	vld.idx.msk [tilespmem:v60+s4+$0x0], $0xffff  }
0x342: {  	v61 =	vadd.s32 $0x7, v0;
	_ =	sdelay $0x3  }
0x343: {  	[tilespmem:s10+$0x1B100] =	vst v1  }
0x344: {  	v1 =	vld.idx.msk [tilespmem:v61+s4+$0x0], $0xffff  }
0x345: {  	v62 =	vadd.s32 $0x8, v0;
	_ =	sdelay $0x3  }
0x346: {  	[tilespmem:s10+$0x1B400] =	vst v1  }
0x347: {  	v1 =	vld.idx.msk [tilespmem:v62+s4+$0x0], $0xffff  }
0x348: {  	v63 =	vadd.s32 $0x9, v0;
	_ =	sdelay $0x3  }
0x349: {  	[tilespmem:s10+$0x1B700] =	vst v1  }
0x34a: {  	v0 =	vld.idx.msk [tilespmem:v63+s4+$0x0], $0xffff;
	_ =	sdelay $0x3  }
0x34b: {  	s12 =	rddreg [dreg:$0x1d]  }
0x34c: {  	s8 =	simm.s32 $0x19600;
	[tilespmem:s10+$0x1BA00] =	vst v0;
	s10 =	rddreg [dreg:$0x1c]  }
0x34d: {  	[hbm4b:s10+s4] =	stream.linear.scatter [tilespmem:s8], [sflag:$0x3], $0x300, $0x38;
	[tilespmem:$0x1F300] =	vst v63  }
0x34e: {  	s25 =	simm.s32 $0x19900;
	s9 =	rddreg [dreg:$0x1e]  }
0x34f: {  	[hbm4b:s12+s4] =	stream.linear.scatter [tilespmem:s25], [sflag:$0x3], $0x300, $0x38;
	[tilespmem:$0x1F300] =	vst v63  }
0x350: {  	s10 =	simm.s32 $0x19C00;
	s12 =	rddreg [dreg:$0x1f]  }
0x351: {  	[hbm4b:s9+s4] =	stream.linear.scatter [tilespmem:s10], [sflag:$0x3], $0x300, $0x38;
	[tilespmem:$0x1F300] =	vst v63  }
0x352: {  	s25 =	simm.s32 $0x19F00;
	s9 =	sld [smem:$0x7D6]  }
0x353: {  	[hbm4b:s12+s4] =	stream.linear.scatter [tilespmem:s25], [sflag:$0x3], $0x300, $0x38;
	[tilespmem:$0x1F300] =	vst v63  }
0x354: {  	s10 =	simm.s32 $0x1A200;
	s12 =	sld [smem:$0x7D7]  }
0x355: {  	[hbm4b:s9+s4] =	stream.linear.scatter [tilespmem:s10], [sflag:$0x3], $0x300, $0x38;
	[tilespmem:$0x1F300] =	vst v63  }
0x356: {  	s25 =	simm.s32 $0x1A500;
	s9 =	sld [smem:$0x7D8]  }
0x357: {  	[hbm4b:s12+s4] =	stream.linear.scatter [tilespmem:s25], [sflag:$0x3], $0x300, $0x38;
	[tilespmem:$0x1F300] =	vst v63  }
0x358: {  	s10 =	simm.s32 $0x1A800;
	s12 =	sld [smem:$0x7D9]  }
0x359: {  	[hbm4b:s9+s4] =	stream.linear.scatter [tilespmem:s10], [sflag:$0x3], $0x300, $0x38;
	[tilespmem:$0x1F300] =	vst v63  }
0x35a: {  	s25 =	simm.s32 $0x1AB00;
	s9 =	sld [smem:$0x7DA]  }
0x35b: {  	[hbm4b:s12+s4] =	stream.linear.scatter [tilespmem:s25], [sflag:$0x3], $0x300, $0x38;
	[tilespmem:$0x1F300] =	vst v63  }
0x35c: {  	s10 =	simm.s32 $0x1AE00;
	s12 =	sld [smem:$0x7DB]  }
0x35d: {  	[hbm4b:s9+s4] =	stream.linear.scatter [tilespmem:s10], [sflag:$0x3], $0x300, $0x38;
	[tilespmem:$0x1F300] =	vst v63  }
0x35e: {  	s25 =	simm.s32 $0x1B100;
	s9 =	sld [smem:$0x7DC]  }
0x35f: {  	[hbm4b:s12+s4] =	stream.linear.scatter [tilespmem:s25], [sflag:$0x3], $0x300, $0x38;
	[tilespmem:$0x1F300] =	vst v63  }
0x360: {  	s10 =	simm.s32 $0x1B400;
	s12 =	sld [smem:$0x7DD]  }
0x361: {  	[hbm4b:s9+s4] =	stream.linear.scatter [tilespmem:s10], [sflag:$0x3], $0x300, $0x38;
	[tilespmem:$0x1F300] =	vst v63  }
0x362: {  	s8 =	sld [smem:$0x7DE];
	s25 =	simm.s32 $0x1B700  }
0x363: {  	[hbm4b:s12+s4] =	stream.linear.scatter [tilespmem:s25], [sflag:$0x3], $0x300, $0x38;
	[tilespmem:$0x1F300] =	vst v63  }
0x364: {  	s9 =	simm.s32 $0x1BA00;
	s10 =	sld [smem:$0x7EE]  }
0x365: {  	[hbm4b:s8+s4] =	stream.linear.scatter [tilespmem:s9], [sflag:$0x3], $0x300, $0x38;
	[tilespmem:$0x1F300] =	vst v63  }
0x366: {  	s12 =	sld [smem:$0x7EF]  }
0x367: {  	[tilespmem:s29], [sflag:$0x1] =	stream.linear.gather [hbm4b:s10+s4], $0x300, $0x38;
	[tilespmem:$0x1F300] =	vst v63  }
0x368: {  	s25 =	simm.s32 $0x18A00  }
0x369: {  	[tilespmem:s25], [sflag:$0x1] =	stream.linear.gather [hbm4b:s12+s4], $0x300, $0x38;
	[tilespmem:$0x1F300] =	vst v63  }
0x36a: {  	_ =	swait.ge [sflag:s24], $0x80  }
0x36b: {  	[sflag:s24] =	ssyncset.done $0x0  }
0x36c: {  	[sflag:s24] =	ssyncadd.s32 $0xFFFFFF80  }
0x36d: {  	_ =	swait.ge [sflag:s24], $0x80  }
0x36e: {  	[sflag:s24] =	ssyncset.done $0x0  }
0x36f: {  	[sflag:s24] =	ssyncadd.s32 $0xFFFFFF80  }
0x370: {  	_ =	swait.ge [sflag:s24], $0x80  }
0x371: {  	[sflag:s24] =	ssyncset.done $0x0  }
0x372: {  	[sflag:s24] =	ssyncadd.s32 $0xFFFFFF80  }
0x373: {  	_ =	swait.ge [sflag:s24], $0x80  }
0x374: {  	[sflag:s24] =	ssyncset.done $0x0  }
0x375: {  	[sflag:s24] =	ssyncadd.s32 $0xFFFFFF80  }
0x376: {  	_ =	swait.ge [sflag:s24], $0x80  }
0x377: {  	[sflag:s24] =	ssyncset.done $0x0  }
0x378: {  	[sflag:s24] =	ssyncadd.s32 $0xFFFFFF80  }
0x379: {  	_ =	swait.ge [sflag:s24], $0x80  }
0x37a: {  	[sflag:s24] =	ssyncset.done $0x0  }
0x37b: {  	[sflag:s24] =	ssyncadd.s32 $0xFFFFFF80  }
0x37c: {  	_ =	swait.ge [sflag:s24], $0x80  }
0x37d: {  	[sflag:s24] =	ssyncset.done $0x0  }
0x37e: {  	[sflag:s24] =	ssyncadd.s32 $0xFFFFFF80  }
0x37f: {  	_ =	swait.ge [sflag:s24], $0x80  }
0x380: {  	[sflag:s24] =	ssyncset.done $0x0  }
0x381: {  	[sflag:s24] =	ssyncadd.s32 $0xFFFFFF80  }
0x382: {  	_ =	swait.ge [sflag:s24], $0x80  }
0x383: {  	[sflag:s24] =	ssyncset.done $0x0  }
0x384: {  	[sflag:s24] =	ssyncadd.s32 $0xFFFFFF80  }
0x385: {  	_ =	swait.ge [sflag:s24], $0x80  }
0x386: {  	[sflag:s24] =	ssyncset.done $0x0  }
0x387: {  	[sflag:s24] =	ssyncadd.s32 $0xFFFFFF80  }
0x388: {  	_ =	swait.ge [sflag:s24], $0x80  }
0x389: {  	[sflag:s24] =	ssyncset.done $0x0  }
0x38a: {  	[sflag:s24] =	ssyncadd.s32 $0xFFFFFF80  }
0x38b: {  	_ =	swait.ge [sflag:s24], $0x80  }
0x38c: {  	[sflag:s24] =	ssyncset.done $0x0  }
0x38d: {  	[sflag:s24] =	ssyncadd.s32 $0xFFFFFF80  }
0x38e: {  	_ =	swait.ge [sflag:s24], $0x80  }
0x38f: {  	[sflag:s24] =	ssyncset.done $0x0  }
0x390: {  	[sflag:s24] =	ssyncadd.s32 $0xFFFFFF80  }
0x391: {  	_ =	swait.ge [sflag:s24], $0x80  }
0x392: {  	[sflag:s24] =	ssyncset.done $0x0  }
0x393: {  	[sflag:s24] =	ssyncadd.s32 $0xFFFFFF80  }
0x394: {  	_ =	swait.ge [sflag:s24], $0x80  }
0x395: {  	[sflag:s24] =	ssyncset.done $0x0  }
0x396: {  	[sflag:s24] =	ssyncadd.s32 $0xFFFFFF80  }
0x397: {  	_ =	swait.ge [sflag:s24], $0x80  }
0x398: {  	[sflag:s24] =	ssyncset.done $0x0  }
0x399: {  	[sflag:s24] =	ssyncadd.s32 $0xFFFFFF80  }
0x39a: {  	_ =	swait.ge [sflag:s24], $0x80  }
0x39b: {  	[sflag:s24] =	ssyncset.done $0x0  }
0x39c: {  	[sflag:s24] =	ssyncadd.s32 $0xFFFFFF80  }
0x39d: {  	_ =	swait.ge [sflag:s24], $0x80  }
0x39e: {  	[sflag:s24] =	ssyncset.done $0x0  }
0x39f: {  	s3 =	simm.s32 $0x2;
	[sflag:s24] =	ssyncadd.s32 $0xFFFFFF80  }
.LBB2_8:
0x3a0: {  	_ =	swait.ge [sflag:s31], $0x300  }
0x3a1: {  	[sflag:s31] =	ssyncset.done $0x0  }
0x3a2: {  	[sflag:s31] =	ssyncadd.s32 $0xFFFFFD00  }
0x3a3: {  	_ =	swait.ge [sflag:s31], $0x300  }
0x3a4: {  	[sflag:s31] =	ssyncset.done $0x0  }
0x3a5: {  	s8 =	simm.s32 $0x18D00;
	[sflag:s31] =	ssyncadd.s32 $0xFFFFFD00  }
0x3a6: {  	[tilespmem:s8], [sflag:$0x2] =	stream.indirect.gather [hbm4b:s5+s0], $0x1, s29, s0, $0xb8;
	[tilespmem:$0x1F300] =	vst v63  }
0x3a7: {  	s25 =	simm.s32 $0x19000  }
0x3a8: {  	[tilespmem:s25], [sflag:$0x2] =	stream.indirect.gather [hbm4b:s6+s0], $0x1, s29, s0, $0xb8;
	[tilespmem:$0x1F300] =	vst v63  }
0x3a9: {  	s9 =	simm.s32 $0x19300  }
0x3aa: {  	[tilespmem:s9], [sflag:$0x2] =	stream.indirect.gather [hbm4b:s7+s0], $0x1, s29, s0, $0xb8;
	[tilespmem:$0x1F300] =	vst v63  }
0x3ab: {  	s10 =	simm.s32 $0x18780;
	s9 =	simm.s32 $0x18D80  }
0x3ac: {  	[tilespmem:s9], [sflag:$0x2] =	stream.indirect.gather [hbm4b:s5+s0], $0x1, s10, s0, $0xb8;
	[tilespmem:$0x1F300] =	vst v63  }
0x3ad: {  	s12 =	simm.s32 $0x19080  }
0x3ae: {  	[tilespmem:s12], [sflag:$0x2] =	stream.indirect.gather [hbm4b:s6+s0], $0x1, s10, s0, $0xb8;
	[tilespmem:$0x1F300] =	vst v63  }
0x3af: {  	s25 =	simm.s32 $0x19380  }
0x3b0: {  	[tilespmem:s25], [sflag:$0x2] =	stream.indirect.gather [hbm4b:s7+s0], $0x1, s10, s0, $0xb8;
	[tilespmem:$0x1F300] =	vst v63  }
0x3b1: {  	s8 =	simm.s32 $0x18800;
	s10 =	simm.s32 $0x18E00  }
0x3b2: {  	[tilespmem:s10], [sflag:$0x2] =	stream.indirect.gather [hbm4b:s5+s0], $0x1, s8, s0, $0xb8;
	[tilespmem:$0x1F300] =	vst v63  }
0x3b3: {  	s12 =	simm.s32 $0x19100  }
0x3b4: {  	[tilespmem:s12], [sflag:$0x2] =	stream.indirect.gather [hbm4b:s6+s0], $0x1, s8, s0, $0xb8;
	[tilespmem:$0x1F300] =	vst v63  }
0x3b5: {  	s25 =	simm.s32 $0x19400  }
0x3b6: {  	[tilespmem:s25], [sflag:$0x2] =	stream.indirect.gather [hbm4b:s7+s0], $0x1, s8, s0, $0xb8;
	[tilespmem:$0x1F300] =	vst v63  }
0x3b7: {  	s10 =	simm.s32 $0x18E80;
	s8 =	simm.s32 $0x18880  }
0x3b8: {  	[tilespmem:s10], [sflag:$0x2] =	stream.indirect.gather [hbm4b:s5+s0], $0x1, s8, s0, $0xb8;
	[tilespmem:$0x1F300] =	vst v63  }
0x3b9: {  	s12 =	simm.s32 $0x19180  }
0x3ba: {  	[tilespmem:s12], [sflag:$0x2] =	stream.indirect.gather [hbm4b:s6+s0], $0x1, s8, s0, $0xb8;
	[tilespmem:$0x1F300] =	vst v63  }
0x3bb: {  	s25 =	simm.s32 $0x19480  }
0x3bc: {  	[tilespmem:s25], [sflag:$0x2] =	stream.indirect.gather [hbm4b:s7+s0], $0x1, s8, s0, $0xb8;
	[tilespmem:$0x1F300] =	vst v63  }
0x3bd: {  	s10 =	simm.s32 $0x18F00;
	s8 =	simm.s32 $0x18900  }
0x3be: {  	[tilespmem:s10], [sflag:$0x2] =	stream.indirect.gather [hbm4b:s5+s0], $0x1, s8, s0, $0xb8;
	[tilespmem:$0x1F300] =	vst v63  }
0x3bf: {  	s12 =	simm.s32 $0x19200  }
0x3c0: {  	[tilespmem:s12], [sflag:$0x2] =	stream.indirect.gather [hbm4b:s6+s0], $0x1, s8, s0, $0xb8;
	[tilespmem:$0x1F300] =	vst v63  }
0x3c1: {  	s25 =	simm.s32 $0x19500  }
0x3c2: {  	[tilespmem:s25], [sflag:$0x2] =	stream.indirect.gather [hbm4b:s7+s0], $0x1, s8, s0, $0xb8;
	[tilespmem:$0x1F300] =	vst v63  }
0x3c3: {  	s10 =	simm.s32 $0x18F80;
	s8 =	simm.s32 $0x18980  }
0x3c4: {  	[tilespmem:s10], [sflag:$0x2] =	stream.indirect.gather [hbm4b:s5+s0], $0x1, s8, s0, $0xb8;
	[tilespmem:$0x1F300] =	vst v63  }
0x3c5: {  	s12 =	simm.s32 $0x19280  }
0x3c6: {  	[tilespmem:s12], [sflag:$0x2] =	stream.indirect.gather [hbm4b:s6+s0], $0x1, s8, s0, $0xb8;
	[tilespmem:$0x1F300] =	vst v63  }
0x3c7: {  	s25 =	simm.s32 $0x19580  }
0x3c8: {  	[tilespmem:s25], [sflag:$0x2] =	stream.indirect.gather [hbm4b:s7+s0], $0x1, s8, s0, $0xb8;
	[tilespmem:$0x1F300] =	vst v63  }
0x3c9: {  	_ =	swait.ge [sflag:s2], $0x300  }
0x3ca: {  	[sflag:s2] =	ssyncset.done $0x0  }
0x3cb: {  	[sflag:s2] =	ssyncadd.s32 $0xFFFFFD00  }
0x3cc: {  	_ =	swait.ge [sflag:s2], $0x300  }
0x3cd: {  	[sflag:s2] =	ssyncset.done $0x0  }
0x3ce: {  	[sflag:s2] =	ssyncadd.s32 $0xFFFFFD00  }
0x3cf: {  	_ =	swait.ge [sflag:s2], $0x300  }
0x3d0: {  	[sflag:s2] =	ssyncset.done $0x0  }
0x3d1: {  	[sflag:s2] =	ssyncadd.s32 $0xFFFFFD00  }
0x3d2: {  	_ =	swait.ge [sflag:s2], $0x300  }
0x3d3: {  	[sflag:s2] =	ssyncset.done $0x0  }
0x3d4: {  	[sflag:s2] =	ssyncadd.s32 $0xFFFFFD00  }
0x3d5: {  	_ =	swait.ge [sflag:s2], $0x300  }
0x3d6: {  	[sflag:s2] =	ssyncset.done $0x0  }
0x3d7: {  	[sflag:s2] =	ssyncadd.s32 $0xFFFFFD00  }
0x3d8: {  	_ =	swait.ge [sflag:s2], $0x300  }
0x3d9: {  	[sflag:s2] =	ssyncset.done $0x0  }
0x3da: {  	[sflag:s2] =	ssyncadd.s32 $0xFFFFFD00  }
0x3db: {  	_ =	swait.ge [sflag:s2], $0x300  }
0x3dc: {  	[sflag:s2] =	ssyncset.done $0x0  }
0x3dd: {  	[sflag:s2] =	ssyncadd.s32 $0xFFFFFD00  }
0x3de: {  	_ =	swait.ge [sflag:s2], $0x300  }
0x3df: {  	[sflag:s2] =	ssyncset.done $0x0  }
0x3e0: {  	[sflag:s2] =	ssyncadd.s32 $0xFFFFFD00  }
0x3e1: {  	_ =	swait.ge [sflag:s2], $0x300  }
0x3e2: {  	[sflag:s2] =	ssyncset.done $0x0  }
0x3e3: {  	[sflag:s2] =	ssyncadd.s32 $0xFFFFFD00  }
0x3e4: {  	_ =	swait.ge [sflag:s2], $0x300  }
0x3e5: {  	[sflag:s2] =	ssyncset.done $0x0  }
0x3e6: {  	[sflag:s2] =	ssyncadd.s32 $0xFFFFFD00  }
0x3e7: {  	_ =	swait.ge [sflag:s2], $0x300  }
0x3e8: {  	[sflag:s2] =	ssyncset.done $0x0  }
0x3e9: {  	[sflag:s2] =	ssyncadd.s32 $0xFFFFFD00  }
0x3ea: {  	_ =	swait.ge [sflag:s2], $0x300  }
0x3eb: {  	[sflag:s2] =	ssyncset.done $0x0  }
0x3ec: {  	[sflag:s2] =	ssyncadd.s32 $0xFFFFFD00  }
0x3ed: {  	_ =	swait.ge [sflag:s2], $0x300  }
0x3ee: {  	[sflag:s2] =	ssyncset.done $0x0  }
0x3ef: {  	s25 =	simm.s32 $0x0;
	[sflag:s2] =	ssyncadd.s32 $0xFFFFFD00  }
0x3f0: {  	v0 =	vld [tilespmem:s25+$0x1C000];
	_ =	sdelay $0x2  }
0x3f1: {  	v1 =	vld [tilespmem:s25+$0x1C300]  }
0x3f2: {  	v2 =	vld [tilespmem:s25+$0x1C600]  }
0x3f3: {  	v3 =	vld [tilespmem:s25+$0x1C900];
	v0 =	vmul.u32 $0xA, v0;
	_ =	sdelay $0x2  }
0x3f4: {  	[tilespmem:s25+$0x1CC00] =	vst v1  }
0x3f5: {  	[tilespmem:s25+$0x1CF00] =	vst v2  }
0x3f6: {  	[tilespmem:s25+$0x1D200] =	vst v3  }
0x3f7: {  	v1 =	vld.idx.msk [tilespmem:v0+s4+$0x0], $0xffff  }
0x3f8: {  	v2 =	vor.u32 $0x1, v0;
	_ =	sdelay $0x3  }
0x3f9: {  	[tilespmem:s25+$0x1D500] =	vst v1  }
0x3fa: {  	v1 =	vld.idx.msk [tilespmem:v2+s4+$0x0], $0xffff  }
0x3fb: {  	v2 =	vadd.s32 $0x2, v0;
	_ =	sdelay $0x3  }
0x3fc: {  	[tilespmem:s25+$0x1D800] =	vst v1  }
0x3fd: {  	v1 =	vld.idx.msk [tilespmem:v2+s4+$0x0], $0xffff  }
0x3fe: {  	v2 =	vadd.s32 $0x3, v0;
	_ =	sdelay $0x3  }
0x3ff: {  	[tilespmem:s25+$0x1DB00] =	vst v1  }
0x400: {  	v1 =	vld.idx.msk [tilespmem:v2+s4+$0x0], $0xffff  }
0x401: {  	v2 =	vadd.s32 $0x4, v0;
	_ =	sdelay $0x3  }
0x402: {  	[tilespmem:s25+$0x1DE00] =	vst v1  }
0x403: {  	v1 =	vld.idx.msk [tilespmem:v2+s4+$0x0], $0xffff  }
0x404: {  	v2 =	vadd.s32 $0x5, v0;
	_ =	sdelay $0x3  }
0x405: {  	[tilespmem:s25+$0x1E100] =	vst v1  }
0x406: {  	v1 =	vld.idx.msk [tilespmem:v2+s4+$0x0], $0xffff  }
0x407: {  	v2 =	vadd.s32 $0x6, v0;
	_ =	sdelay $0x3  }
0x408: {  	[tilespmem:s25+$0x1E400] =	vst v1  }
0x409: {  	v1 =	vld.idx.msk [tilespmem:v2+s4+$0x0], $0xffff  }
0x40a: {  	v2 =	vadd.s32 $0x7, v0;
	_ =	sdelay $0x3  }
0x40b: {  	[tilespmem:s25+$0x1E700] =	vst v1  }
0x40c: {  	v1 =	vld.idx.msk [tilespmem:v2+s4+$0x0], $0xffff  }
0x40d: {  	v2 =	vadd.s32 $0x8, v0;
	_ =	sdelay $0x3  }
0x40e: {  	[tilespmem:s25+$0x1EA00] =	vst v1  }
0x40f: {  	s10 =	simm.s32 $0x10;
	v1 =	vld.idx.msk [tilespmem:v2+s4+$0x0], $0xffff  }
0x410: {  	v0 =	vadd.s32 $0x9, v0;
	v2 =	vld [tilespmem:s10+$0x1C000]  }
0x411: {  	v3 =	vld [tilespmem:s10+$0x1C300]  }
0x412: {  	v4 =	vld [tilespmem:s10+$0x1C600]  }
0x413: {  	v5 =	vld [tilespmem:s10+$0x1C900]  }
0x414: {  	[tilespmem:s25+$0x1ED00] =	vst v1  }
0x415: {  	v1 =	vld.idx.msk [tilespmem:v0+s4+$0x0], $0xffff;
	v0 =	vmul.u32 $0xA, v2  }
0x416: {  	[tilespmem:s10+$0x1CC00] =	vst v3  }
0x417: {  	[tilespmem:s10+$0x1CF00] =	vst v4  }
0x418: {  	s8 =	simm.s32 $0x80;
	[tilespmem:s10+$0x1D200] =	vst v5  }
.LBB2_9:
0x419: {  	_ = 	snop  }
0x41a: {  	p0 =	sne.s32 s8, $0xBC0;
	[tilespmem:s25+$0x1F000] =	vst v1;
	s9 =	smov.u32 s8;
	s8 =	sadd.s32 $0x40, s8  }
0x41b: {  	s25 =	smov.u32 s10;
	v1 =	vld.idx.msk [tilespmem:v0+s4+$0x0], $0xffff;
	_ =	sdelay $0x1  }
0x41c: {  	v2 =	vor.u32 $0x1, v0;
	_ =	sdelay $0x3  }
0x41d: {  	[tilespmem:s25+$0x1D500] =	vst v1  }
0x41e: {  	v1 =	vld.idx.msk [tilespmem:v2+s4+$0x0], $0xffff;
	_ =	sdelay $0x1  }
0x41f: {  	v2 =	vadd.s32 $0x2, v0;
	_ =	sdelay $0x3  }
0x420: {  	[tilespmem:s25+$0x1D800] =	vst v1  }
0x421: {  	v1 =	vld.idx.msk [tilespmem:v2+s4+$0x0], $0xffff;
	_ =	sdelay $0x1  }
0x422: {  	v2 =	vadd.s32 $0x3, v0;
	_ =	sdelay $0x3  }
0x423: {  	[tilespmem:s25+$0x1DB00] =	vst v1  }
0x424: {  	v1 =	vld.idx.msk [tilespmem:v2+s4+$0x0], $0xffff;
	_ =	sdelay $0x1  }
0x425: {  	v2 =	vadd.s32 $0x4, v0;
	_ =	sdelay $0x3  }
0x426: {  	[tilespmem:s25+$0x1DE00] =	vst v1  }
0x427: {  	v1 =	vld.idx.msk [tilespmem:v2+s4+$0x0], $0xffff;
	_ =	sdelay $0x1  }
0x428: {  	v2 =	vadd.s32 $0x5, v0;
	_ =	sdelay $0x3  }
0x429: {  	[tilespmem:s25+$0x1E100] =	vst v1  }
0x42a: {  	v1 =	vld.idx.msk [tilespmem:v2+s4+$0x0], $0xffff;
	_ =	sdelay $0x1  }
0x42b: {  	v2 =	vadd.s32 $0x6, v0;
	_ =	sdelay $0x3  }
0x42c: {  	[tilespmem:s25+$0x1E400] =	vst v1  }
0x42d: {  	v1 =	vld.idx.msk [tilespmem:v2+s4+$0x0], $0xffff;
	_ =	sdelay $0x1  }
0x42e: {  	v2 =	vadd.s32 $0x7, v0;
	_ =	sdelay $0x3  }
0x42f: {  	[tilespmem:s25+$0x1E700] =	vst v1  }
0x430: {  	v1 =	vld.idx.msk [tilespmem:v2+s4+$0x0], $0xffff;
	_ =	sdelay $0x1  }
0x431: {  	v2 =	vadd.s32 $0x8, v0;
	_ =	sdelay $0x3  }
0x432: {  	[tilespmem:s25+$0x1EA00] =	vst v1  }
0x433: {  	v1 =	vld.idx.msk [tilespmem:v2+s4+$0x0], $0xffff;
	_ =	sdelay $0x1  }
0x434: {  	s10 =	sshra.s32 s9, $0x2;
	v0 =	vadd.s32 $0x9, v0  }
0x435: {  	v2 =	vld [tilespmem:s10+$0x1C000]  }
0x436: {  	v3 =	vld [tilespmem:s10+$0x1C300]  }
0x437: {  	v4 =	vld [tilespmem:s10+$0x1C600]  }
0x438: {  	v5 =	vld [tilespmem:s10+$0x1C900];
	[tilespmem:s25+$0x1ED00] =	vst v1  }
.Ltmp3:
0x439: {  	v1 =	vld.idx.msk [tilespmem:v0+s4+$0x0], $0xffff;
	(pc) =	sbr.rel @p0 .LBB2_9-.Ltmp3, $4  }
0x43a: {  	v0 =	vmul.u32 $0xA, v2  }
0x43b: {  	[tilespmem:s10+$0x1CC00] =	vst v3  }
0x43c: {  	[tilespmem:s10+$0x1CF00] =	vst v4  }
0x43d: {  	[tilespmem:s10+$0x1D200] =	vst v5  }
0x43e: {  	_ =	sdelay $0x2  }
0x43f: {  	[tilespmem:s25+$0x1F000] =	vst v1  }
0x440: {  	v1 =	vld.idx.msk [tilespmem:v0+s4+$0x0], $0xffff  }
0x441: {  	v2 =	vor.u32 $0x1, v0;
	_ =	sdelay $0x3  }
0x442: {  	[tilespmem:s10+$0x1D500] =	vst v1  }
0x443: {  	v1 =	vld.idx.msk [tilespmem:v2+s4+$0x0], $0xffff  }
0x444: {  	v2 =	vadd.s32 $0x2, v0;
	_ =	sdelay $0x3  }
0x445: {  	[tilespmem:s10+$0x1D800] =	vst v1  }
0x446: {  	v1 =	vld.idx.msk [tilespmem:v2+s4+$0x0], $0xffff  }
0x447: {  	v2 =	vadd.s32 $0x3, v0;
	_ =	sdelay $0x3  }
0x448: {  	[tilespmem:s10+$0x1DB00] =	vst v1  }
0x449: {  	v1 =	vld.idx.msk [tilespmem:v2+s4+$0x0], $0xffff  }
0x44a: {  	v2 =	vadd.s32 $0x4, v0;
	_ =	sdelay $0x3  }
0x44b: {  	[tilespmem:s10+$0x1DE00] =	vst v1  }
0x44c: {  	v1 =	vld.idx.msk [tilespmem:v2+s4+$0x0], $0xffff  }
0x44d: {  	v2 =	vadd.s32 $0x5, v0;
	_ =	sdelay $0x3  }
0x44e: {  	[tilespmem:s10+$0x1E100] =	vst v1  }
0x44f: {  	v1 =	vld.idx.msk [tilespmem:v2+s4+$0x0], $0xffff  }
0x450: {  	v2 =	vadd.s32 $0x6, v0;
	_ =	sdelay $0x3  }
0x451: {  	[tilespmem:s10+$0x1E400] =	vst v1  }
0x452: {  	v1 =	vld.idx.msk [tilespmem:v2+s4+$0x0], $0xffff  }
0x453: {  	v2 =	vadd.s32 $0x7, v0;
	_ =	sdelay $0x3  }
0x454: {  	[tilespmem:s10+$0x1E700] =	vst v1  }
0x455: {  	v1 =	vld.idx.msk [tilespmem:v2+s4+$0x0], $0xffff  }
0x456: {  	v2 =	vadd.s32 $0x8, v0;
	_ =	sdelay $0x3  }
0x457: {  	[tilespmem:s10+$0x1EA00] =	vst v1  }
0x458: {  	v1 =	vld.idx.msk [tilespmem:v2+s4+$0x0], $0xffff  }
0x459: {  	v0 =	vadd.s32 $0x9, v0;
	_ =	sdelay $0x2  }
0x45a: {  	s25 =	smul.u32 $0xC, s3  }
0x45b: {  	[tilespmem:s10+$0x1ED00] =	vst v1  }
0x45c: {  	s8 =	sadd.s32 $0xFFFFFFFA, s25;
	v0 =	vld.idx.msk [tilespmem:v0+s4+$0x0], $0xffff  }
0x45d: {  	s9 =	smov.u32 s22;
	p0 =	slt.s32 s8, s22  }
0x45e: {  	s9 =	smov.u32 @p0 s8  }
0x45f: {  	s8 =	sadd.s32 s20, s9  }
0x460: {  	s8 =	sshll.u32 s8, $0x4  }
0x461: {  	s8 =	sand.u32 $0x1FFFFFF0, s8;
	[tilespmem:s10+$0x1F000] =	vst v0;
	s10 =	rddreg [dreg:$0x3]  }
0x462: {  	s12 =	simm.s32 $0x1CC00;
	s9 =	sadd.s32 s10, s8;
	s10 =	simm.s32 $0x0  }
0x463: {  	[hbm4b:s9+s10] =	stream.linear.scatter [tilespmem:s12], [sflag:$0x6], $0x300, $0x38;
	[tilespmem:$0x1F300] =	vst v63  }
0x464: {  	s12 =	rddreg [dreg:$0x6]  }
0x465: {  	s9 =	sadd.s32 s12, s8;
	s12 =	simm.s32 $0x1CF00  }
0x466: {  	[hbm4b:s9+s10] =	stream.linear.scatter [tilespmem:s12], [sflag:$0x6], $0x300, $0x38;
	[tilespmem:$0x1F300] =	vst v63  }
0x467: {  	s12 =	rddreg [dreg:$0x7]  }
0x468: {  	s9 =	sadd.s32 s12, s8;
	s12 =	simm.s32 $0x1D200  }
0x469: {  	[hbm4b:s9+s10] =	stream.linear.scatter [tilespmem:s12], [sflag:$0x6], $0x300, $0x38;
	[tilespmem:$0x1F300] =	vst v63  }
0x46a: {  	s12 =	rddreg [dreg:$0x8]  }
0x46b: {  	s9 =	sadd.s32 s12, s8;
	s12 =	simm.s32 $0x1D500  }
0x46c: {  	[hbm4b:s9+s10] =	stream.linear.scatter [tilespmem:s12], [sflag:$0x6], $0x300, $0x38;
	[tilespmem:$0x1F300] =	vst v63  }
0x46d: {  	s9 =	sadd.s32 s16, s8;
	s12 =	simm.s32 $0x1D800  }
0x46e: {  	[hbm4b:s9+s10] =	stream.linear.scatter [tilespmem:s12], [sflag:$0x6], $0x300, $0x38;
	[tilespmem:$0x1F300] =	vst v63  }
0x46f: {  	s9 =	sadd.s32 s19, s8;
	s12 =	simm.s32 $0x1DB00  }
0x470: {  	[hbm4b:s9+s10] =	stream.linear.scatter [tilespmem:s12], [sflag:$0x6], $0x300, $0x38;
	[tilespmem:$0x1F300] =	vst v63  }
0x471: {  	s9 =	sadd.s32 s17, s8;
	s12 =	simm.s32 $0x1DE00  }
0x472: {  	[hbm4b:s9+s10] =	stream.linear.scatter [tilespmem:s12], [sflag:$0x6], $0x300, $0x38;
	[tilespmem:$0x1F300] =	vst v63  }
0x473: {  	s9 =	sadd.s32 s18, s8;
	s12 =	simm.s32 $0x1E100  }
0x474: {  	[hbm4b:s9+s10] =	stream.linear.scatter [tilespmem:s12], [sflag:$0x6], $0x300, $0x38;
	[tilespmem:$0x1F300] =	vst v63  }
0x475: {  	s9 =	sadd.s32 s21, s8;
	s12 =	simm.s32 $0x1E400  }
0x476: {  	[hbm4b:s9+s10] =	stream.linear.scatter [tilespmem:s12], [sflag:$0x6], $0x300, $0x38;
	[tilespmem:$0x1F300] =	vst v63  }
0x477: {  	s9 =	sadd.s32 s23, s8;
	s12 =	simm.s32 $0x1E700  }
0x478: {  	[hbm4b:s9+s10] =	stream.linear.scatter [tilespmem:s12], [sflag:$0x6], $0x300, $0x38;
	[tilespmem:$0x1F300] =	vst v63  }
0x479: {  	s9 =	sadd.s32 s13, s8;
	s12 =	simm.s32 $0x1EA00  }
0x47a: {  	[hbm4b:s9+s10] =	stream.linear.scatter [tilespmem:s12], [sflag:$0x6], $0x300, $0x38;
	[tilespmem:$0x1F300] =	vst v63  }
0x47b: {  	s9 =	sadd.s32 s14, s8;
	s12 =	simm.s32 $0x1ED00  }
0x47c: {  	[hbm4b:s9+s10] =	stream.linear.scatter [tilespmem:s12], [sflag:$0x6], $0x300, $0x38;
	[tilespmem:$0x1F300] =	vst v63  }
0x47d: {  	s8 =	sadd.s32 s15, s8;
	s12 =	simm.s32 $0x1F000  }
0x47e: {  	[hbm4b:s8+s10] =	stream.linear.scatter [tilespmem:s12], [sflag:$0x6], $0x300, $0x38;
	[tilespmem:$0x1F300] =	vst v63  }
0x47f: {  	s8 =	sadd.s32 $0x6, s25  }
0x480: {  	s9 =	smov.u32 s22;
	p0 =	slt.s32 s8, s22  }
0x481: {  	s9 =	smov.u32 @p0 s8  }
0x482: {  	s8 =	sadd.s32 s20, s9  }
0x483: {  	s8 =	sshll.u32 s8, $0x4  }
0x484: {  	s12 =	rddreg [dreg:$0x1];
	s8 =	sand.u32 $0x1FFFFFF0, s8  }
0x485: {  	s9 =	sadd.s32 s12, s8  }
0x486: {  	[tilespmem:s26], [sflag:$0x4] =	stream.linear.gather [hbm4b:s9+s10], $0x300, $0x38;
	[tilespmem:$0x1F300] =	vst v63  }
0x487: {  	s12 =	smov.u32 s11;
	s8 =	sadd.s32 s11, s8;
	s11 =	simm.s32 $0x1C000  }
0x488: {  	[tilespmem:s11], [sflag:$0x4] =	stream.linear.gather [hbm4b:s8+s10], $0x300, $0x38;
	[tilespmem:$0x1F300] =	vst v63  }
0x489: {  	_ =	swait.ge [sflag:s30], $0x80  }
0x48a: {  	[sflag:s30] =	ssyncset.done $0x0  }
0x48b: {  	[sflag:s30] =	ssyncadd.s32 $0xFFFFFF80  }
0x48c: {  	_ =	swait.ge [sflag:s30], $0x80  }
0x48d: {  	[sflag:s30] =	ssyncset.done $0x0  }
0x48e: {  	[sflag:s30] =	ssyncadd.s32 $0xFFFFFF80  }
0x48f: {  	_ =	swait.ge [sflag:s30], $0x80  }
0x490: {  	[sflag:s30] =	ssyncset.done $0x0  }
0x491: {  	[sflag:s30] =	ssyncadd.s32 $0xFFFFFF80  }
0x492: {  	_ =	swait.ge [sflag:s30], $0x80  }
0x493: {  	[sflag:s30] =	ssyncset.done $0x0  }
0x494: {  	[sflag:s30] =	ssyncadd.s32 $0xFFFFFF80  }
0x495: {  	_ =	swait.ge [sflag:s30], $0x80  }
0x496: {  	[sflag:s30] =	ssyncset.done $0x0  }
0x497: {  	[sflag:s30] =	ssyncadd.s32 $0xFFFFFF80  }
0x498: {  	_ =	swait.ge [sflag:s30], $0x80  }
0x499: {  	[sflag:s30] =	ssyncset.done $0x0  }
0x49a: {  	[sflag:s30] =	ssyncadd.s32 $0xFFFFFF80  }
0x49b: {  	_ =	swait.ge [sflag:s30], $0x80  }
0x49c: {  	[sflag:s30] =	ssyncset.done $0x0  }
0x49d: {  	[sflag:s30] =	ssyncadd.s32 $0xFFFFFF80  }
0x49e: {  	_ =	swait.ge [sflag:s30], $0x80  }
0x49f: {  	[sflag:s30] =	ssyncset.done $0x0  }
0x4a0: {  	[sflag:s30] =	ssyncadd.s32 $0xFFFFFF80  }
0x4a1: {  	_ =	swait.ge [sflag:s30], $0x80  }
0x4a2: {  	[sflag:s30] =	ssyncset.done $0x0  }
0x4a3: {  	[sflag:s30] =	ssyncadd.s32 $0xFFFFFF80  }
0x4a4: {  	_ =	swait.ge [sflag:s30], $0x80  }
0x4a5: {  	[sflag:s30] =	ssyncset.done $0x0  }
0x4a6: {  	[sflag:s30] =	ssyncadd.s32 $0xFFFFFF80  }
0x4a7: {  	_ =	swait.ge [sflag:s30], $0x80  }
0x4a8: {  	[sflag:s30] =	ssyncset.done $0x0  }
0x4a9: {  	[sflag:s30] =	ssyncadd.s32 $0xFFFFFF80  }
0x4aa: {  	_ =	swait.ge [sflag:s30], $0x80  }
0x4ab: {  	[sflag:s30] =	ssyncset.done $0x0  }
0x4ac: {  	[sflag:s30] =	ssyncadd.s32 $0xFFFFFF80  }
0x4ad: {  	_ =	swait.ge [sflag:s30], $0x80  }
0x4ae: {  	[sflag:s30] =	ssyncset.done $0x0  }
0x4af: {  	[sflag:s30] =	ssyncadd.s32 $0xFFFFFF80  }
0x4b0: {  	_ =	swait.ge [sflag:s30], $0x80  }
0x4b1: {  	[sflag:s30] =	ssyncset.done $0x0  }
0x4b2: {  	[sflag:s30] =	ssyncadd.s32 $0xFFFFFF80  }
0x4b3: {  	_ =	swait.ge [sflag:s30], $0x80  }
0x4b4: {  	[sflag:s30] =	ssyncset.done $0x0  }
0x4b5: {  	[sflag:s30] =	ssyncadd.s32 $0xFFFFFF80  }
0x4b6: {  	_ =	swait.ge [sflag:s30], $0x80  }
0x4b7: {  	[sflag:s30] =	ssyncset.done $0x0  }
0x4b8: {  	[sflag:s30] =	ssyncadd.s32 $0xFFFFFF80  }
0x4b9: {  	_ =	swait.ge [sflag:s30], $0x80  }
0x4ba: {  	[sflag:s30] =	ssyncset.done $0x0  }
0x4bb: {  	[sflag:s30] =	ssyncadd.s32 $0xFFFFFF80  }
0x4bc: {  	_ =	swait.ge [sflag:s30], $0x80  }
0x4bd: {  	[sflag:s30] =	ssyncset.done $0x0  }
0x4be: {  	[sflag:s30] =	ssyncadd.s32 $0xFFFFFF80  }
0x4bf: {  	_ =	swait.ge [sflag:s1], $0x300  }
0x4c0: {  	[sflag:s1] =	ssyncset.done $0x0  }
0x4c1: {  	[sflag:s1] =	ssyncadd.s32 $0xFFFFFD00  }
0x4c2: {  	_ =	swait.ge [sflag:s1], $0x300  }
0x4c3: {  	[sflag:s1] =	ssyncset.done $0x0  }
0x4c4: {  	s11 =	simm.s32 $0x1C300;
	[sflag:s1] =	ssyncadd.s32 $0xFFFFFD00  }
0x4c5: {  	[tilespmem:s11], [sflag:$0x5] =	stream.indirect.gather [hbm4b:s5+s0], $0x1, s26, s0, $0xb8;
	[tilespmem:$0x1F300] =	vst v63  }
0x4c6: {  	s9 =	simm.s32 $0x1C600  }
0x4c7: {  	[tilespmem:s9], [sflag:$0x5] =	stream.indirect.gather [hbm4b:s6+s0], $0x1, s26, s0, $0xb8;
	[tilespmem:$0x1F300] =	vst v63  }
0x4c8: {  	s10 =	simm.s32 $0x1C900  }
0x4c9: {  	[tilespmem:s10], [sflag:$0x5] =	stream.indirect.gather [hbm4b:s7+s0], $0x1, s26, s0, $0xb8;
	[tilespmem:$0x1F300] =	vst v63  }
0x4ca: {  	s8 =	simm.s32 $0x1BD80;
	s11 =	simm.s32 $0x1C380  }
0x4cb: {  	[tilespmem:s11], [sflag:$0x5] =	stream.indirect.gather [hbm4b:s5+s0], $0x1, s8, s0, $0xb8;
	[tilespmem:$0x1F300] =	vst v63  }
0x4cc: {  	s10 =	simm.s32 $0x1C680  }
0x4cd: {  	[tilespmem:s10], [sflag:$0x5] =	stream.indirect.gather [hbm4b:s6+s0], $0x1, s8, s0, $0xb8;
	[tilespmem:$0x1F300] =	vst v63  }
0x4ce: {  	s11 =	simm.s32 $0x1C980  }
0x4cf: {  	[tilespmem:s11], [sflag:$0x5] =	stream.indirect.gather [hbm4b:s7+s0], $0x1, s8, s0, $0xb8;
	[tilespmem:$0x1F300] =	vst v63  }
0x4d0: {  	s10 =	simm.s32 $0x1C400;
	s8 =	simm.s32 $0x1BE00  }
0x4d1: {  	[tilespmem:s10], [sflag:$0x5] =	stream.indirect.gather [hbm4b:s5+s0], $0x1, s8, s0, $0xb8;
	[tilespmem:$0x1F300] =	vst v63  }
0x4d2: {  	s11 =	simm.s32 $0x1C700  }
0x4d3: {  	[tilespmem:s11], [sflag:$0x5] =	stream.indirect.gather [hbm4b:s6+s0], $0x1, s8, s0, $0xb8;
	[tilespmem:$0x1F300] =	vst v63  }
0x4d4: {  	s10 =	simm.s32 $0x1CA00  }
0x4d5: {  	[tilespmem:s10], [sflag:$0x5] =	stream.indirect.gather [hbm4b:s7+s0], $0x1, s8, s0, $0xb8;
	[tilespmem:$0x1F300] =	vst v63  }
0x4d6: {  	s11 =	simm.s32 $0x1C480;
	s8 =	simm.s32 $0x1BE80  }
0x4d7: {  	[tilespmem:s11], [sflag:$0x5] =	stream.indirect.gather [hbm4b:s5+s0], $0x1, s8, s0, $0xb8;
	[tilespmem:$0x1F300] =	vst v63  }
0x4d8: {  	s10 =	simm.s32 $0x1C780  }
0x4d9: {  	[tilespmem:s10], [sflag:$0x5] =	stream.indirect.gather [hbm4b:s6+s0], $0x1, s8, s0, $0xb8;
	[tilespmem:$0x1F300] =	vst v63  }
0x4da: {  	s11 =	simm.s32 $0x1CA80  }
0x4db: {  	[tilespmem:s11], [sflag:$0x5] =	stream.indirect.gather [hbm4b:s7+s0], $0x1, s8, s0, $0xb8;
	[tilespmem:$0x1F300] =	vst v63  }
0x4dc: {  	s10 =	simm.s32 $0x1C500;
	s8 =	simm.s32 $0x1BF00  }
0x4dd: {  	[tilespmem:s10], [sflag:$0x5] =	stream.indirect.gather [hbm4b:s5+s0], $0x1, s8, s0, $0xb8;
	[tilespmem:$0x1F300] =	vst v63  }
0x4de: {  	s11 =	simm.s32 $0x1C800  }
0x4df: {  	[tilespmem:s11], [sflag:$0x5] =	stream.indirect.gather [hbm4b:s6+s0], $0x1, s8, s0, $0xb8;
	[tilespmem:$0x1F300] =	vst v63  }
0x4e0: {  	s10 =	simm.s32 $0x1CB00  }
0x4e1: {  	[tilespmem:s10], [sflag:$0x5] =	stream.indirect.gather [hbm4b:s7+s0], $0x1, s8, s0, $0xb8;
	[tilespmem:$0x1F300] =	vst v63  }
0x4e2: {  	s11 =	simm.s32 $0x1C580;
	s8 =	simm.s32 $0x1BF80  }
0x4e3: {  	[tilespmem:s11], [sflag:$0x5] =	stream.indirect.gather [hbm4b:s5+s0], $0x1, s8, s0, $0xb8;
	[tilespmem:$0x1F300] =	vst v63  }
0x4e4: {  	s10 =	simm.s32 $0x1C880  }
0x4e5: {  	[tilespmem:s10], [sflag:$0x5] =	stream.indirect.gather [hbm4b:s6+s0], $0x1, s8, s0, $0xb8;
	[tilespmem:$0x1F300] =	vst v63  }
0x4e6: {  	s11 =	simm.s32 $0x1CB80  }
0x4e7: {  	[tilespmem:s11], [sflag:$0x5] =	stream.indirect.gather [hbm4b:s7+s0], $0x1, s8, s0, $0xb8;
	[tilespmem:$0x1F300] =	vst v63  }
0x4e8: {  	_ =	swait.ge [sflag:s28], $0x300  }
0x4e9: {  	[sflag:s28] =	ssyncset.done $0x0  }
0x4ea: {  	[sflag:s28] =	ssyncadd.s32 $0xFFFFFD00  }
0x4eb: {  	_ =	swait.ge [sflag:s28], $0x300  }
0x4ec: {  	[sflag:s28] =	ssyncset.done $0x0  }
0x4ed: {  	[sflag:s28] =	ssyncadd.s32 $0xFFFFFD00  }
0x4ee: {  	_ =	swait.ge [sflag:s28], $0x300  }
0x4ef: {  	[sflag:s28] =	ssyncset.done $0x0  }
0x4f0: {  	[sflag:s28] =	ssyncadd.s32 $0xFFFFFD00  }
0x4f1: {  	_ =	swait.ge [sflag:s28], $0x300  }
0x4f2: {  	[sflag:s28] =	ssyncset.done $0x0  }
0x4f3: {  	[sflag:s28] =	ssyncadd.s32 $0xFFFFFD00  }
0x4f4: {  	_ =	swait.ge [sflag:s28], $0x300  }
0x4f5: {  	[sflag:s28] =	ssyncset.done $0x0  }
0x4f6: {  	[sflag:s28] =	ssyncadd.s32 $0xFFFFFD00  }
0x4f7: {  	_ =	swait.ge [sflag:s28], $0x300  }
0x4f8: {  	[sflag:s28] =	ssyncset.done $0x0  }
0x4f9: {  	[sflag:s28] =	ssyncadd.s32 $0xFFFFFD00  }
0x4fa: {  	_ =	swait.ge [sflag:s28], $0x300  }
0x4fb: {  	[sflag:s28] =	ssyncset.done $0x0  }
0x4fc: {  	[sflag:s28] =	ssyncadd.s32 $0xFFFFFD00  }
0x4fd: {  	_ =	swait.ge [sflag:s28], $0x300  }
0x4fe: {  	[sflag:s28] =	ssyncset.done $0x0  }
0x4ff: {  	[sflag:s28] =	ssyncadd.s32 $0xFFFFFD00  }
0x500: {  	_ =	swait.ge [sflag:s28], $0x300  }
0x501: {  	[sflag:s28] =	ssyncset.done $0x0  }
0x502: {  	[sflag:s28] =	ssyncadd.s32 $0xFFFFFD00  }
0x503: {  	_ =	swait.ge [sflag:s28], $0x300  }
0x504: {  	[sflag:s28] =	ssyncset.done $0x0  }
0x505: {  	[sflag:s28] =	ssyncadd.s32 $0xFFFFFD00  }
0x506: {  	_ =	swait.ge [sflag:s28], $0x300  }
0x507: {  	[sflag:s28] =	ssyncset.done $0x0  }
0x508: {  	[sflag:s28] =	ssyncadd.s32 $0xFFFFFD00  }
0x509: {  	_ =	swait.ge [sflag:s28], $0x300  }
0x50a: {  	[sflag:s28] =	ssyncset.done $0x0  }
0x50b: {  	[sflag:s28] =	ssyncadd.s32 $0xFFFFFD00  }
0x50c: {  	_ =	swait.ge [sflag:s28], $0x300  }
0x50d: {  	[sflag:s28] =	ssyncset.done $0x0  }
0x50e: {  	s8 =	simm.s32 $0x0;
	[sflag:s28] =	ssyncadd.s32 $0xFFFFFD00  }
0x50f: {  	v0 =	vld [tilespmem:s8+$0x18A00];
	_ =	sdelay $0x2  }
0x510: {  	v1 =	vld [tilespmem:s8+$0x18D00]  }
0x511: {  	v2 =	vld [tilespmem:s8+$0x19000]  }
0x512: {  	v3 =	vld [tilespmem:s8+$0x19300];
	v0 =	vmul.u32 $0xA, v0;
	_ =	sdelay $0x2  }
0x513: {  	[tilespmem:s8+$0x19600] =	vst v1  }
0x514: {  	[tilespmem:s8+$0x19900] =	vst v2  }
0x515: {  	[tilespmem:s8+$0x19C00] =	vst v3  }
0x516: {  	v1 =	vld.idx.msk [tilespmem:v0+s4+$0x0], $0xffff  }
0x517: {  	v2 =	vor.u32 $0x1, v0;
	_ =	sdelay $0x3  }
0x518: {  	[tilespmem:s8+$0x19F00] =	vst v1  }
0x519: {  	v1 =	vld.idx.msk [tilespmem:v2+s4+$0x0], $0xffff  }
0x51a: {  	v2 =	vadd.s32 $0x2, v0;
	_ =	sdelay $0x3  }
0x51b: {  	[tilespmem:s8+$0x1A200] =	vst v1  }
0x51c: {  	v1 =	vld.idx.msk [tilespmem:v2+s4+$0x0], $0xffff  }
0x51d: {  	v2 =	vadd.s32 $0x3, v0;
	_ =	sdelay $0x3  }
0x51e: {  	[tilespmem:s8+$0x1A500] =	vst v1  }
0x51f: {  	v1 =	vld.idx.msk [tilespmem:v2+s4+$0x0], $0xffff  }
0x520: {  	v2 =	vadd.s32 $0x4, v0;
	_ =	sdelay $0x3  }
0x521: {  	[tilespmem:s8+$0x1A800] =	vst v1  }
0x522: {  	v1 =	vld.idx.msk [tilespmem:v2+s4+$0x0], $0xffff  }
0x523: {  	v2 =	vadd.s32 $0x5, v0;
	_ =	sdelay $0x3  }
0x524: {  	[tilespmem:s8+$0x1AB00] =	vst v1  }
0x525: {  	v1 =	vld.idx.msk [tilespmem:v2+s4+$0x0], $0xffff  }
0x526: {  	v2 =	vadd.s32 $0x6, v0;
	_ =	sdelay $0x3  }
0x527: {  	[tilespmem:s8+$0x1AE00] =	vst v1  }
0x528: {  	v1 =	vld.idx.msk [tilespmem:v2+s4+$0x0], $0xffff  }
0x529: {  	v2 =	vadd.s32 $0x7, v0;
	_ =	sdelay $0x3  }
0x52a: {  	[tilespmem:s8+$0x1B100] =	vst v1  }
0x52b: {  	v1 =	vld.idx.msk [tilespmem:v2+s4+$0x0], $0xffff  }
0x52c: {  	v2 =	vadd.s32 $0x8, v0;
	_ =	sdelay $0x3  }
0x52d: {  	[tilespmem:s8+$0x1B400] =	vst v1  }
0x52e: {  	s11 =	simm.s32 $0x10;
	v1 =	vld.idx.msk [tilespmem:v2+s4+$0x0], $0xffff  }
0x52f: {  	v0 =	vadd.s32 $0x9, v0;
	v2 =	vld [tilespmem:s11+$0x18A00]  }
0x530: {  	v3 =	vld [tilespmem:s11+$0x18D00]  }
0x531: {  	v4 =	vld [tilespmem:s11+$0x19000]  }
0x532: {  	v5 =	vld [tilespmem:s11+$0x19300]  }
0x533: {  	[tilespmem:s8+$0x1B700] =	vst v1  }
0x534: {  	v1 =	vld.idx.msk [tilespmem:v0+s4+$0x0], $0xffff;
	v0 =	vmul.u32 $0xA, v2  }
0x535: {  	[tilespmem:s11+$0x19600] =	vst v3  }
0x536: {  	[tilespmem:s11+$0x19900] =	vst v4  }
0x537: {  	s9 =	simm.s32 $0x80;
	[tilespmem:s11+$0x19C00] =	vst v5  }
.LBB2_11:
0x538: {  	_ = 	snop  }
0x539: {  	p0 =	sne.s32 s9, $0xBC0;
	[tilespmem:s8+$0x1BA00] =	vst v1;
	s10 =	smov.u32 s9;
	s9 =	sadd.s32 $0x40, s9  }
0x53a: {  	s8 =	smov.u32 s11;
	v1 =	vld.idx.msk [tilespmem:v0+s4+$0x0], $0xffff;
	_ =	sdelay $0x1  }
0x53b: {  	v2 =	vor.u32 $0x1, v0;
	_ =	sdelay $0x3  }
0x53c: {  	[tilespmem:s8+$0x19F00] =	vst v1  }
0x53d: {  	v1 =	vld.idx.msk [tilespmem:v2+s4+$0x0], $0xffff;
	_ =	sdelay $0x1  }
0x53e: {  	v2 =	vadd.s32 $0x2, v0;
	_ =	sdelay $0x3  }
0x53f: {  	[tilespmem:s8+$0x1A200] =	vst v1  }
0x540: {  	v1 =	vld.idx.msk [tilespmem:v2+s4+$0x0], $0xffff;
	_ =	sdelay $0x1  }
0x541: {  	v2 =	vadd.s32 $0x3, v0;
	_ =	sdelay $0x3  }
0x542: {  	[tilespmem:s8+$0x1A500] =	vst v1  }
0x543: {  	v1 =	vld.idx.msk [tilespmem:v2+s4+$0x0], $0xffff;
	_ =	sdelay $0x1  }
0x544: {  	v2 =	vadd.s32 $0x4, v0;
	_ =	sdelay $0x3  }
0x545: {  	[tilespmem:s8+$0x1A800] =	vst v1  }
0x546: {  	v1 =	vld.idx.msk [tilespmem:v2+s4+$0x0], $0xffff;
	_ =	sdelay $0x1  }
0x547: {  	v2 =	vadd.s32 $0x5, v0;
	_ =	sdelay $0x3  }
0x548: {  	[tilespmem:s8+$0x1AB00] =	vst v1  }
0x549: {  	v1 =	vld.idx.msk [tilespmem:v2+s4+$0x0], $0xffff;
	_ =	sdelay $0x1  }
0x54a: {  	v2 =	vadd.s32 $0x6, v0;
	_ =	sdelay $0x3  }
0x54b: {  	[tilespmem:s8+$0x1AE00] =	vst v1  }
0x54c: {  	v1 =	vld.idx.msk [tilespmem:v2+s4+$0x0], $0xffff;
	_ =	sdelay $0x1  }
0x54d: {  	v2 =	vadd.s32 $0x7, v0;
	_ =	sdelay $0x3  }
0x54e: {  	[tilespmem:s8+$0x1B100] =	vst v1  }
0x54f: {  	v1 =	vld.idx.msk [tilespmem:v2+s4+$0x0], $0xffff;
	_ =	sdelay $0x1  }
0x550: {  	v2 =	vadd.s32 $0x8, v0;
	_ =	sdelay $0x3  }
0x551: {  	[tilespmem:s8+$0x1B400] =	vst v1  }
0x552: {  	v1 =	vld.idx.msk [tilespmem:v2+s4+$0x0], $0xffff;
	_ =	sdelay $0x1  }
0x553: {  	s11 =	sshra.s32 s10, $0x2;
	v0 =	vadd.s32 $0x9, v0  }
0x554: {  	v2 =	vld [tilespmem:s11+$0x18A00]  }
0x555: {  	v3 =	vld [tilespmem:s11+$0x18D00]  }
0x556: {  	v4 =	vld [tilespmem:s11+$0x19000]  }
0x557: {  	v5 =	vld [tilespmem:s11+$0x19300];
	[tilespmem:s8+$0x1B700] =	vst v1  }
.Ltmp4:
0x558: {  	v1 =	vld.idx.msk [tilespmem:v0+s4+$0x0], $0xffff;
	(pc) =	sbr.rel @p0 .LBB2_11-.Ltmp4, $4  }
0x559: {  	v0 =	vmul.u32 $0xA, v2  }
0x55a: {  	[tilespmem:s11+$0x19600] =	vst v3  }
0x55b: {  	[tilespmem:s11+$0x19900] =	vst v4  }
0x55c: {  	[tilespmem:s11+$0x19C00] =	vst v5  }
0x55d: {  	_ =	sdelay $0x2  }
0x55e: {  	[tilespmem:s8+$0x1BA00] =	vst v1  }
0x55f: {  	v1 =	vld.idx.msk [tilespmem:v0+s4+$0x0], $0xffff  }
0x560: {  	v2 =	vor.u32 $0x1, v0;
	_ =	sdelay $0x3  }
0x561: {  	[tilespmem:s11+$0x19F00] =	vst v1  }
0x562: {  	v1 =	vld.idx.msk [tilespmem:v2+s4+$0x0], $0xffff  }
0x563: {  	v56 =	vadd.s32 $0x2, v0;
	_ =	sdelay $0x3  }
0x564: {  	[tilespmem:s11+$0x1A200] =	vst v1  }
0x565: {  	v1 =	vld.idx.msk [tilespmem:v56+s4+$0x0], $0xffff  }
0x566: {  	v57 =	vadd.s32 $0x3, v0;
	_ =	sdelay $0x3  }
0x567: {  	[tilespmem:s11+$0x1A500] =	vst v1  }
0x568: {  	v1 =	vld.idx.msk [tilespmem:v57+s4+$0x0], $0xffff  }
0x569: {  	v58 =	vadd.s32 $0x4, v0;
	_ =	sdelay $0x3  }
0x56a: {  	[tilespmem:s11+$0x1A800] =	vst v1  }
0x56b: {  	v1 =	vld.idx.msk [tilespmem:v58+s4+$0x0], $0xffff  }
0x56c: {  	v59 =	vadd.s32 $0x5, v0;
	_ =	sdelay $0x3  }
0x56d: {  	[tilespmem:s11+$0x1AB00] =	vst v1  }
0x56e: {  	v1 =	vld.idx.msk [tilespmem:v59+s4+$0x0], $0xffff  }
0x56f: {  	v60 =	vadd.s32 $0x6, v0;
	_ =	sdelay $0x3  }
0x570: {  	[tilespmem:s11+$0x1AE00] =	vst v1  }
0x571: {  	v1 =	vld.idx.msk [tilespmem:v60+s4+$0x0], $0xffff  }
0x572: {  	v61 =	vadd.s32 $0x7, v0;
	_ =	sdelay $0x3  }
0x573: {  	[tilespmem:s11+$0x1B100] =	vst v1  }
0x574: {  	v1 =	vld.idx.msk [tilespmem:v61+s4+$0x0], $0xffff  }
0x575: {  	v62 =	vadd.s32 $0x8, v0;
	_ =	sdelay $0x3  }
0x576: {  	[tilespmem:s11+$0x1B400] =	vst v1  }
0x577: {  	v1 =	vld.idx.msk [tilespmem:v62+s4+$0x0], $0xffff  }
0x578: {  	v63 =	vadd.s32 $0x9, v0;
	_ =	sdelay $0x3  }
0x579: {  	[tilespmem:s11+$0x1B700] =	vst v1  }
0x57a: {  	p0 =	slt.s32 s25, s22;
	s8 =	smov.u32 s22;
	v0 =	vld.idx.msk [tilespmem:v63+s4+$0x0], $0xffff  }
0x57b: {  	s8 =	smov.u32 @p0 s25  }
0x57c: {  	s8 =	sadd.s32 s20, s8  }
0x57d: {  	s8 =	sshll.u32 s8, $0x4  }
0x57e: {  	s9 =	rddreg [dreg:$0x3];
	s8 =	sand.u32 $0x1FFFFFF0, s8  }
0x57f: {  	s10 =	simm.s32 $0x19600;
	s9 =	sadd.s32 s9, s8;
	[tilespmem:s11+$0x1BA00] =	vst v0  }
0x580: {  	[hbm4b:s9+s4] =	stream.linear.scatter [tilespmem:s10], [sflag:$0x3], $0x300, $0x38;
	[tilespmem:$0x1F300] =	vst v63  }
0x581: {  	s10 =	rddreg [dreg:$0x6]  }
0x582: {  	s11 =	simm.s32 $0x19900;
	s9 =	sadd.s32 s10, s8;
	s10 =	rddreg [dreg:$0x7]  }
0x583: {  	[hbm4b:s9+s4] =	stream.linear.scatter [tilespmem:s11], [sflag:$0x3], $0x300, $0x38;
	[tilespmem:$0x1F300] =	vst v63  }
0x584: {  	s9 =	sadd.s32 s10, s8;
	s11 =	simm.s32 $0x19C00;
	s10 =	rddreg [dreg:$0x8]  }
0x585: {  	[hbm4b:s9+s4] =	stream.linear.scatter [tilespmem:s11], [sflag:$0x3], $0x300, $0x38;
	[tilespmem:$0x1F300] =	vst v63  }
0x586: {  	s9 =	sadd.s32 s10, s8;
	s11 =	simm.s32 $0x19F00  }
0x587: {  	[hbm4b:s9+s4] =	stream.linear.scatter [tilespmem:s11], [sflag:$0x3], $0x300, $0x38;
	[tilespmem:$0x1F300] =	vst v63  }
0x588: {  	s10 =	sadd.s32 s16, s8;
	s11 =	simm.s32 $0x1A200  }
0x589: {  	[hbm4b:s10+s4] =	stream.linear.scatter [tilespmem:s11], [sflag:$0x3], $0x300, $0x38;
	[tilespmem:$0x1F300] =	vst v63  }
0x58a: {  	s10 =	sadd.s32 s19, s8;
	s11 =	simm.s32 $0x1A500  }
0x58b: {  	[hbm4b:s10+s4] =	stream.linear.scatter [tilespmem:s11], [sflag:$0x3], $0x300, $0x38;
	[tilespmem:$0x1F300] =	vst v63  }
0x58c: {  	s10 =	sadd.s32 s17, s8;
	s11 =	simm.s32 $0x1A800  }
0x58d: {  	[hbm4b:s10+s4] =	stream.linear.scatter [tilespmem:s11], [sflag:$0x3], $0x300, $0x38;
	[tilespmem:$0x1F300] =	vst v63  }
0x58e: {  	s10 =	sadd.s32 s18, s8;
	s11 =	simm.s32 $0x1AB00  }
0x58f: {  	[hbm4b:s10+s4] =	stream.linear.scatter [tilespmem:s11], [sflag:$0x3], $0x300, $0x38;
	[tilespmem:$0x1F300] =	vst v63  }
0x590: {  	s10 =	sadd.s32 s21, s8;
	s11 =	simm.s32 $0x1AE00  }
0x591: {  	[hbm4b:s10+s4] =	stream.linear.scatter [tilespmem:s11], [sflag:$0x3], $0x300, $0x38;
	[tilespmem:$0x1F300] =	vst v63  }
0x592: {  	s10 =	sadd.s32 s23, s8;
	s11 =	simm.s32 $0x1B100  }
0x593: {  	[hbm4b:s10+s4] =	stream.linear.scatter [tilespmem:s11], [sflag:$0x3], $0x300, $0x38;
	[tilespmem:$0x1F300] =	vst v63  }
0x594: {  	s10 =	sadd.s32 s13, s8;
	s11 =	simm.s32 $0x1B400  }
0x595: {  	[hbm4b:s10+s4] =	stream.linear.scatter [tilespmem:s11], [sflag:$0x3], $0x300, $0x38;
	[tilespmem:$0x1F300] =	vst v63  }
0x596: {  	s10 =	sadd.s32 s14, s8;
	s11 =	simm.s32 $0x1B700  }
0x597: {  	[hbm4b:s10+s4] =	stream.linear.scatter [tilespmem:s11], [sflag:$0x3], $0x300, $0x38;
	[tilespmem:$0x1F300] =	vst v63  }
0x598: {  	s8 =	sadd.s32 s15, s8;
	s10 =	simm.s32 $0x1BA00  }
0x599: {  	[hbm4b:s8+s4] =	stream.linear.scatter [tilespmem:s10], [sflag:$0x3], $0x300, $0x38;
	[tilespmem:$0x1F300] =	vst v63  }
0x59a: {  	s8 =	sadd.s32 $0xC, s25  }
0x59b: {  	s9 =	smov.u32 s22;
	p0 =	slt.s32 s8, s22  }
0x59c: {  	s9 =	smov.u32 @p0 s8  }
0x59d: {  	s8 =	sadd.s32 s20, s9  }
0x59e: {  	s8 =	sshll.u32 s8, $0x4  }
0x59f: {  	s11 =	rddreg [dreg:$0x1];
	s8 =	sand.u32 $0x1FFFFFF0, s8  }
0x5a0: {  	s9 =	sadd.s32 s11, s8  }
0x5a1: {  	[tilespmem:s29], [sflag:$0x1] =	stream.linear.gather [hbm4b:s9+s4], $0x300, $0x38;
	[tilespmem:$0x1F300] =	vst v63  }
0x5a2: {  	s25 =	simm.s32 $0x18A00;
	s8 =	sadd.s32 s12, s8  }
0x5a3: {  	[tilespmem:s25], [sflag:$0x1] =	stream.linear.gather [hbm4b:s8+s4], $0x300, $0x38;
	[tilespmem:$0x1F300] =	vst v63  }
0x5a4: {  	_ =	swait.ge [sflag:s24], $0x80  }
0x5a5: {  	[sflag:s24] =	ssyncset.done $0x0  }
0x5a6: {  	[sflag:s24] =	ssyncadd.s32 $0xFFFFFF80  }
0x5a7: {  	_ =	swait.ge [sflag:s24], $0x80  }
0x5a8: {  	[sflag:s24] =	ssyncset.done $0x0  }
0x5a9: {  	[sflag:s24] =	ssyncadd.s32 $0xFFFFFF80  }
0x5aa: {  	_ =	swait.ge [sflag:s24], $0x80  }
0x5ab: {  	[sflag:s24] =	ssyncset.done $0x0  }
0x5ac: {  	[sflag:s24] =	ssyncadd.s32 $0xFFFFFF80  }
0x5ad: {  	_ =	swait.ge [sflag:s24], $0x80  }
0x5ae: {  	[sflag:s24] =	ssyncset.done $0x0  }
0x5af: {  	[sflag:s24] =	ssyncadd.s32 $0xFFFFFF80  }
0x5b0: {  	_ =	swait.ge [sflag:s24], $0x80  }
0x5b1: {  	[sflag:s24] =	ssyncset.done $0x0  }
0x5b2: {  	[sflag:s24] =	ssyncadd.s32 $0xFFFFFF80  }
0x5b3: {  	_ =	swait.ge [sflag:s24], $0x80  }
0x5b4: {  	[sflag:s24] =	ssyncset.done $0x0  }
0x5b5: {  	[sflag:s24] =	ssyncadd.s32 $0xFFFFFF80  }
0x5b6: {  	_ =	swait.ge [sflag:s24], $0x80  }
0x5b7: {  	[sflag:s24] =	ssyncset.done $0x0  }
0x5b8: {  	[sflag:s24] =	ssyncadd.s32 $0xFFFFFF80  }
0x5b9: {  	_ =	swait.ge [sflag:s24], $0x80  }
0x5ba: {  	[sflag:s24] =	ssyncset.done $0x0  }
0x5bb: {  	[sflag:s24] =	ssyncadd.s32 $0xFFFFFF80  }
0x5bc: {  	_ =	swait.ge [sflag:s24], $0x80  }
0x5bd: {  	[sflag:s24] =	ssyncset.done $0x0  }
0x5be: {  	[sflag:s24] =	ssyncadd.s32 $0xFFFFFF80  }
0x5bf: {  	_ =	swait.ge [sflag:s24], $0x80  }
0x5c0: {  	[sflag:s24] =	ssyncset.done $0x0  }
0x5c1: {  	[sflag:s24] =	ssyncadd.s32 $0xFFFFFF80  }
0x5c2: {  	_ =	swait.ge [sflag:s24], $0x80  }
0x5c3: {  	[sflag:s24] =	ssyncset.done $0x0  }
0x5c4: {  	[sflag:s24] =	ssyncadd.s32 $0xFFFFFF80  }
0x5c5: {  	_ =	swait.ge [sflag:s24], $0x80  }
0x5c6: {  	[sflag:s24] =	ssyncset.done $0x0  }
0x5c7: {  	[sflag:s24] =	ssyncadd.s32 $0xFFFFFF80  }
0x5c8: {  	_ =	swait.ge [sflag:s24], $0x80  }
0x5c9: {  	[sflag:s24] =	ssyncset.done $0x0  }
0x5ca: {  	[sflag:s24] =	ssyncadd.s32 $0xFFFFFF80  }
0x5cb: {  	_ =	swait.ge [sflag:s24], $0x80  }
0x5cc: {  	[sflag:s24] =	ssyncset.done $0x0  }
0x5cd: {  	[sflag:s24] =	ssyncadd.s32 $0xFFFFFF80  }
0x5ce: {  	_ =	swait.ge [sflag:s24], $0x80  }
0x5cf: {  	[sflag:s24] =	ssyncset.done $0x0  }
0x5d0: {  	[sflag:s24] =	ssyncadd.s32 $0xFFFFFF80  }
0x5d1: {  	_ =	swait.ge [sflag:s24], $0x80  }
0x5d2: {  	[sflag:s24] =	ssyncset.done $0x0  }
0x5d3: {  	s3 =	sadd.s32 $0x1, s3;
	[sflag:s24] =	ssyncadd.s32 $0xFFFFFF80  }
0x5d4: {  	p0 =	sne.s32 s3, $0x2A;
	_ =	swait.ge [sflag:s24], $0x80  }
.Ltmp5:
0x5d5: {  	[sflag:s24] =	ssyncset.done $0x0;
	(pc) =	sbr.rel @p0 .LBB2_8-.Ltmp5, $4  }
0x5d6: {  	[sflag:s24] =	ssyncadd.s32 $0xFFFFFF80  }
0x5d7: {  	_ =	swait.ge [sflag:s24], $0x80  }
0x5d8: {  	[sflag:s24] =	ssyncset.done $0x0  }
0x5d9: {  	s11 =	smov.u32 s12;
	[sflag:s24] =	ssyncadd.s32 $0xFFFFFF80  }
0x5da: {  	_ =	swait.ge [sflag:s31], $0x300  }
0x5db: {  	[sflag:s31] =	ssyncset.done $0x0  }
0x5dc: {  	[sflag:s31] =	ssyncadd.s32 $0xFFFFFD00  }
0x5dd: {  	_ =	swait.ge [sflag:s31], $0x300  }
0x5de: {  	[sflag:s31] =	ssyncset.done $0x0  }
0x5df: {  	[sflag:s31] =	ssyncadd.s32 $0xFFFFFD00  }
0x5e0: {  	_ =	swait.ge [sflag:s2], $0x300  }
0x5e1: {  	[sflag:s2] =	ssyncset.done $0x0  }
0x5e2: {  	[sflag:s2] =	ssyncadd.s32 $0xFFFFFD00  }
0x5e3: {  	_ =	swait.ge [sflag:s2], $0x300  }
0x5e4: {  	[sflag:s2] =	ssyncset.done $0x0  }
0x5e5: {  	[sflag:s2] =	ssyncadd.s32 $0xFFFFFD00  }
0x5e6: {  	_ =	swait.ge [sflag:s2], $0x300  }
0x5e7: {  	[sflag:s2] =	ssyncset.done $0x0  }
0x5e8: {  	[sflag:s2] =	ssyncadd.s32 $0xFFFFFD00  }
0x5e9: {  	_ =	swait.ge [sflag:s2], $0x300  }
0x5ea: {  	[sflag:s2] =	ssyncset.done $0x0  }
0x5eb: {  	[sflag:s2] =	ssyncadd.s32 $0xFFFFFD00  }
0x5ec: {  	_ =	swait.ge [sflag:s2], $0x300  }
0x5ed: {  	[sflag:s2] =	ssyncset.done $0x0  }
0x5ee: {  	[sflag:s2] =	ssyncadd.s32 $0xFFFFFD00  }
0x5ef: {  	_ =	swait.ge [sflag:s2], $0x300  }
0x5f0: {  	[sflag:s2] =	ssyncset.done $0x0  }
0x5f1: {  	[sflag:s2] =	ssyncadd.s32 $0xFFFFFD00  }
0x5f2: {  	_ =	swait.ge [sflag:s2], $0x300  }
0x5f3: {  	[sflag:s2] =	ssyncset.done $0x0  }
0x5f4: {  	[sflag:s2] =	ssyncadd.s32 $0xFFFFFD00  }
0x5f5: {  	_ =	swait.ge [sflag:s2], $0x300  }
0x5f6: {  	[sflag:s2] =	ssyncset.done $0x0  }
0x5f7: {  	[sflag:s2] =	ssyncadd.s32 $0xFFFFFD00  }
0x5f8: {  	_ =	swait.ge [sflag:s2], $0x300  }
0x5f9: {  	[sflag:s2] =	ssyncset.done $0x0  }
0x5fa: {  	[sflag:s2] =	ssyncadd.s32 $0xFFFFFD00  }
0x5fb: {  	_ =	swait.ge [sflag:s2], $0x300  }
0x5fc: {  	[sflag:s2] =	ssyncset.done $0x0  }
0x5fd: {  	[sflag:s2] =	ssyncadd.s32 $0xFFFFFD00  }
0x5fe: {  	_ =	swait.ge [sflag:s2], $0x300  }
0x5ff: {  	[sflag:s2] =	ssyncset.done $0x0  }
0x600: {  	[sflag:s2] =	ssyncadd.s32 $0xFFFFFD00  }
0x601: {  	_ =	swait.ge [sflag:s2], $0x300  }
0x602: {  	[sflag:s2] =	ssyncset.done $0x0  }
0x603: {  	[sflag:s2] =	ssyncadd.s32 $0xFFFFFD00  }
0x604: {  	_ =	swait.ge [sflag:s2], $0x300  }
0x605: {  	[sflag:s2] =	ssyncset.done $0x0  }
0x606: {  	s3 =	simm.s32 $0x0;
	[sflag:s2] =	ssyncadd.s32 $0xFFFFFD00  }
0x607: {  	v0 =	vld [tilespmem:s3+$0x1C000];
	_ =	sdelay $0x2  }
0x608: {  	v1 =	vld [tilespmem:s3+$0x1C300]  }
0x609: {  	v2 =	vld [tilespmem:s3+$0x1C600]  }
0x60a: {  	v3 =	vld [tilespmem:s3+$0x1C900];
	v0 =	vmul.u32 $0xA, v0;
	_ =	sdelay $0x2  }
0x60b: {  	[tilespmem:s3+$0x1CC00] =	vst v1  }
0x60c: {  	[tilespmem:s3+$0x1CF00] =	vst v2  }
0x60d: {  	[tilespmem:s3+$0x1D200] =	vst v3  }
0x60e: {  	v1 =	vld.idx.msk [tilespmem:v0+s4+$0x0], $0xffff  }
0x60f: {  	v2 =	vor.u32 $0x1, v0;
	_ =	sdelay $0x3  }
0x610: {  	[tilespmem:s3+$0x1D500] =	vst v1  }
0x611: {  	v1 =	vld.idx.msk [tilespmem:v2+s4+$0x0], $0xffff  }
0x612: {  	v2 =	vadd.s32 $0x2, v0;
	_ =	sdelay $0x3  }
0x613: {  	[tilespmem:s3+$0x1D800] =	vst v1  }
0x614: {  	v1 =	vld.idx.msk [tilespmem:v2+s4+$0x0], $0xffff  }
0x615: {  	v2 =	vadd.s32 $0x3, v0;
	_ =	sdelay $0x3  }
0x616: {  	[tilespmem:s3+$0x1DB00] =	vst v1  }
0x617: {  	v1 =	vld.idx.msk [tilespmem:v2+s4+$0x0], $0xffff  }
0x618: {  	v2 =	vadd.s32 $0x4, v0;
	_ =	sdelay $0x3  }
0x619: {  	[tilespmem:s3+$0x1DE00] =	vst v1  }
0x61a: {  	v1 =	vld.idx.msk [tilespmem:v2+s4+$0x0], $0xffff  }
0x61b: {  	v2 =	vadd.s32 $0x5, v0;
	_ =	sdelay $0x3  }
0x61c: {  	[tilespmem:s3+$0x1E100] =	vst v1  }
0x61d: {  	v1 =	vld.idx.msk [tilespmem:v2+s4+$0x0], $0xffff  }
0x61e: {  	v2 =	vadd.s32 $0x6, v0;
	_ =	sdelay $0x3  }
0x61f: {  	[tilespmem:s3+$0x1E400] =	vst v1  }
0x620: {  	v1 =	vld.idx.msk [tilespmem:v2+s4+$0x0], $0xffff  }
0x621: {  	v2 =	vadd.s32 $0x7, v0;
	_ =	sdelay $0x3  }
0x622: {  	[tilespmem:s3+$0x1E700] =	vst v1  }
0x623: {  	v1 =	vld.idx.msk [tilespmem:v2+s4+$0x0], $0xffff  }
0x624: {  	v2 =	vadd.s32 $0x8, v0;
	_ =	sdelay $0x3  }
0x625: {  	[tilespmem:s3+$0x1EA00] =	vst v1  }
0x626: {  	s10 =	simm.s32 $0x10;
	v1 =	vld.idx.msk [tilespmem:v2+s4+$0x0], $0xffff  }
0x627: {  	v0 =	vadd.s32 $0x9, v0;
	v2 =	vld [tilespmem:s10+$0x1C000]  }
0x628: {  	v3 =	vld [tilespmem:s10+$0x1C300]  }
0x629: {  	v4 =	vld [tilespmem:s10+$0x1C600]  }
0x62a: {  	v5 =	vld [tilespmem:s10+$0x1C900]  }
0x62b: {  	[tilespmem:s3+$0x1ED00] =	vst v1  }
0x62c: {  	v1 =	vld.idx.msk [tilespmem:v0+s4+$0x0], $0xffff;
	v0 =	vmul.u32 $0xA, v2  }
0x62d: {  	[tilespmem:s10+$0x1CC00] =	vst v3  }
0x62e: {  	[tilespmem:s10+$0x1CF00] =	vst v4  }
0x62f: {  	s8 =	simm.s32 $0x80;
	[tilespmem:s10+$0x1D200] =	vst v5  }
.LBB2_14:
0x630: {  	_ = 	snop  }
0x631: {  	p0 =	sne.s32 s8, $0xBC0;
	[tilespmem:s3+$0x1F000] =	vst v1;
	s9 =	smov.u32 s8;
	s8 =	sadd.s32 $0x40, s8  }
0x632: {  	s3 =	smov.u32 s10;
	v1 =	vld.idx.msk [tilespmem:v0+s4+$0x0], $0xffff;
	_ =	sdelay $0x1  }
0x633: {  	v2 =	vor.u32 $0x1, v0;
	_ =	sdelay $0x3  }
0x634: {  	[tilespmem:s3+$0x1D500] =	vst v1  }
0x635: {  	v1 =	vld.idx.msk [tilespmem:v2+s4+$0x0], $0xffff;
	_ =	sdelay $0x1  }
0x636: {  	v2 =	vadd.s32 $0x2, v0;
	_ =	sdelay $0x3  }
0x637: {  	[tilespmem:s3+$0x1D800] =	vst v1  }
0x638: {  	v1 =	vld.idx.msk [tilespmem:v2+s4+$0x0], $0xffff;
	_ =	sdelay $0x1  }
0x639: {  	v2 =	vadd.s32 $0x3, v0;
	_ =	sdelay $0x3  }
0x63a: {  	[tilespmem:s3+$0x1DB00] =	vst v1  }
0x63b: {  	v1 =	vld.idx.msk [tilespmem:v2+s4+$0x0], $0xffff;
	_ =	sdelay $0x1  }
0x63c: {  	v2 =	vadd.s32 $0x4, v0;
	_ =	sdelay $0x3  }
0x63d: {  	[tilespmem:s3+$0x1DE00] =	vst v1  }
0x63e: {  	v1 =	vld.idx.msk [tilespmem:v2+s4+$0x0], $0xffff;
	_ =	sdelay $0x1  }
0x63f: {  	v2 =	vadd.s32 $0x5, v0;
	_ =	sdelay $0x3  }
0x640: {  	[tilespmem:s3+$0x1E100] =	vst v1  }
0x641: {  	v1 =	vld.idx.msk [tilespmem:v2+s4+$0x0], $0xffff;
	_ =	sdelay $0x1  }
0x642: {  	v2 =	vadd.s32 $0x6, v0;
	_ =	sdelay $0x3  }
0x643: {  	[tilespmem:s3+$0x1E400] =	vst v1  }
0x644: {  	v1 =	vld.idx.msk [tilespmem:v2+s4+$0x0], $0xffff;
	_ =	sdelay $0x1  }
0x645: {  	v2 =	vadd.s32 $0x7, v0;
	_ =	sdelay $0x3  }
0x646: {  	[tilespmem:s3+$0x1E700] =	vst v1  }
0x647: {  	v1 =	vld.idx.msk [tilespmem:v2+s4+$0x0], $0xffff;
	_ =	sdelay $0x1  }
0x648: {  	v2 =	vadd.s32 $0x8, v0;
	_ =	sdelay $0x3  }
0x649: {  	[tilespmem:s3+$0x1EA00] =	vst v1  }
0x64a: {  	v1 =	vld.idx.msk [tilespmem:v2+s4+$0x0], $0xffff;
	_ =	sdelay $0x1  }
0x64b: {  	s10 =	sshra.s32 s9, $0x2;
	v0 =	vadd.s32 $0x9, v0  }
0x64c: {  	v2 =	vld [tilespmem:s10+$0x1C000]  }
0x64d: {  	v3 =	vld [tilespmem:s10+$0x1C300]  }
0x64e: {  	v4 =	vld [tilespmem:s10+$0x1C600]  }
0x64f: {  	v5 =	vld [tilespmem:s10+$0x1C900];
	[tilespmem:s3+$0x1ED00] =	vst v1  }
.Ltmp6:
0x650: {  	v1 =	vld.idx.msk [tilespmem:v0+s4+$0x0], $0xffff;
	(pc) =	sbr.rel @p0 .LBB2_14-.Ltmp6, $4  }
0x651: {  	v0 =	vmul.u32 $0xA, v2  }
0x652: {  	[tilespmem:s10+$0x1CC00] =	vst v3  }
0x653: {  	[tilespmem:s10+$0x1CF00] =	vst v4  }
0x654: {  	[tilespmem:s10+$0x1D200] =	vst v5  }
0x655: {  	_ =	sdelay $0x2  }
0x656: {  	[tilespmem:s3+$0x1F000] =	vst v1  }
0x657: {  	v1 =	vld.idx.msk [tilespmem:v0+s4+$0x0], $0xffff  }
0x658: {  	v2 =	vor.u32 $0x1, v0;
	_ =	sdelay $0x3  }
0x659: {  	[tilespmem:s10+$0x1D500] =	vst v1  }
0x65a: {  	v1 =	vld.idx.msk [tilespmem:v2+s4+$0x0], $0xffff  }
0x65b: {  	v56 =	vadd.s32 $0x2, v0;
	_ =	sdelay $0x3  }
0x65c: {  	[tilespmem:s10+$0x1D800] =	vst v1  }
0x65d: {  	v1 =	vld.idx.msk [tilespmem:v56+s4+$0x0], $0xffff  }
0x65e: {  	v57 =	vadd.s32 $0x3, v0;
	_ =	sdelay $0x3  }
0x65f: {  	[tilespmem:s10+$0x1DB00] =	vst v1  }
0x660: {  	v1 =	vld.idx.msk [tilespmem:v57+s4+$0x0], $0xffff  }
0x661: {  	v58 =	vadd.s32 $0x4, v0;
	_ =	sdelay $0x3  }
0x662: {  	[tilespmem:s10+$0x1DE00] =	vst v1  }
0x663: {  	v1 =	vld.idx.msk [tilespmem:v58+s4+$0x0], $0xffff  }
0x664: {  	v59 =	vadd.s32 $0x5, v0;
	_ =	sdelay $0x3  }
0x665: {  	[tilespmem:s10+$0x1E100] =	vst v1  }
0x666: {  	v1 =	vld.idx.msk [tilespmem:v59+s4+$0x0], $0xffff  }
0x667: {  	v60 =	vadd.s32 $0x6, v0;
	_ =	sdelay $0x3  }
0x668: {  	[tilespmem:s10+$0x1E400] =	vst v1  }
0x669: {  	v1 =	vld.idx.msk [tilespmem:v60+s4+$0x0], $0xffff  }
0x66a: {  	v61 =	vadd.s32 $0x7, v0;
	_ =	sdelay $0x3  }
0x66b: {  	[tilespmem:s10+$0x1E700] =	vst v1  }
0x66c: {  	v1 =	vld.idx.msk [tilespmem:v61+s4+$0x0], $0xffff  }
0x66d: {  	v62 =	vadd.s32 $0x8, v0;
	_ =	sdelay $0x3  }
0x66e: {  	[tilespmem:s10+$0x1EA00] =	vst v1  }
0x66f: {  	v1 =	vld.idx.msk [tilespmem:v62+s4+$0x0], $0xffff  }
0x670: {  	v63 =	vadd.s32 $0x9, v0;
	_ =	sdelay $0x3  }
0x671: {  	[tilespmem:s10+$0x1ED00] =	vst v1  }
0x672: {  	v0 =	vld.idx.msk [tilespmem:v63+s4+$0x0], $0xffff;
	_ =	sdelay $0x4  }
0x673: {  	[tilespmem:s10+$0x1F000] =	vst v0;
	s10 =	sld [smem:$0x7F0];
	_ =	sdelay $0x1  }
0x674: {  	s8 =	simm.s32 $0x1CC00;
	s12 =	sld [smem:$0x7F1]  }
0x675: {  	[hbm4b:s10+s4] =	stream.linear.scatter [tilespmem:s8], [sflag:$0x6], $0x300, $0x38;
	[tilespmem:$0x1F300] =	vst v63  }
0x676: {  	s25 =	simm.s32 $0x1CF00;
	s9 =	sld [smem:$0x7F2]  }
0x677: {  	[hbm4b:s12+s4] =	stream.linear.scatter [tilespmem:s25], [sflag:$0x6], $0x300, $0x38;
	[tilespmem:$0x1F300] =	vst v63  }
0x678: {  	s10 =	simm.s32 $0x1D200;
	s12 =	sld [smem:$0x7F3]  }
0x679: {  	[hbm4b:s9+s4] =	stream.linear.scatter [tilespmem:s10], [sflag:$0x6], $0x300, $0x38;
	[tilespmem:$0x1F300] =	vst v63  }
0x67a: {  	s25 =	simm.s32 $0x1D500;
	s9 =	sld [smem:$0x7F4]  }
0x67b: {  	[hbm4b:s12+s4] =	stream.linear.scatter [tilespmem:s25], [sflag:$0x6], $0x300, $0x38;
	[tilespmem:$0x1F300] =	vst v63  }
0x67c: {  	s10 =	simm.s32 $0x1D800;
	s12 =	sld [smem:$0x7F5]  }
0x67d: {  	[hbm4b:s9+s4] =	stream.linear.scatter [tilespmem:s10], [sflag:$0x6], $0x300, $0x38;
	[tilespmem:$0x1F300] =	vst v63  }
0x67e: {  	s25 =	simm.s32 $0x1DB00;
	s9 =	sld [smem:$0x7F6]  }
0x67f: {  	[hbm4b:s12+s4] =	stream.linear.scatter [tilespmem:s25], [sflag:$0x6], $0x300, $0x38;
	[tilespmem:$0x1F300] =	vst v63  }
0x680: {  	s10 =	simm.s32 $0x1DE00;
	s12 =	sld [smem:$0x7F7]  }
0x681: {  	[hbm4b:s9+s4] =	stream.linear.scatter [tilespmem:s10], [sflag:$0x6], $0x300, $0x38;
	[tilespmem:$0x1F300] =	vst v63  }
0x682: {  	s25 =	simm.s32 $0x1E100;
	s9 =	sld [smem:$0x7F8]  }
0x683: {  	[hbm4b:s12+s4] =	stream.linear.scatter [tilespmem:s25], [sflag:$0x6], $0x300, $0x38;
	[tilespmem:$0x1F300] =	vst v63  }
0x684: {  	s10 =	simm.s32 $0x1E400;
	s12 =	sld [smem:$0x7F9]  }
0x685: {  	[hbm4b:s9+s4] =	stream.linear.scatter [tilespmem:s10], [sflag:$0x6], $0x300, $0x38;
	[tilespmem:$0x1F300] =	vst v63  }
0x686: {  	s25 =	simm.s32 $0x1E700;
	s9 =	sld [smem:$0x7FA]  }
0x687: {  	[hbm4b:s12+s4] =	stream.linear.scatter [tilespmem:s25], [sflag:$0x6], $0x300, $0x38;
	[tilespmem:$0x1F300] =	vst v63  }
0x688: {  	s10 =	simm.s32 $0x1EA00;
	s12 =	sld [smem:$0x7FB]  }
0x689: {  	[hbm4b:s9+s4] =	stream.linear.scatter [tilespmem:s10], [sflag:$0x6], $0x300, $0x38;
	[tilespmem:$0x1F300] =	vst v63  }
0x68a: {  	s25 =	simm.s32 $0x1ED00;
	s9 =	sld [smem:$0x7FC]  }
0x68b: {  	[hbm4b:s12+s4] =	stream.linear.scatter [tilespmem:s25], [sflag:$0x6], $0x300, $0x38;
	[tilespmem:$0x1F300] =	vst v63  }
0x68c: {  	s10 =	simm.s32 $0x1F000  }
0x68d: {  	[hbm4b:s9+s4] =	stream.linear.scatter [tilespmem:s10], [sflag:$0x6], $0x300, $0x38;
	[tilespmem:$0x1F300] =	vst v63  }
0x68e: {  	_ =	swait.ge [sflag:s28], $0x300  }
0x68f: {  	[sflag:s28] =	ssyncset.done $0x0  }
0x690: {  	[sflag:s28] =	ssyncadd.s32 $0xFFFFFD00  }
0x691: {  	_ =	swait.ge [sflag:s28], $0x300  }
0x692: {  	[sflag:s28] =	ssyncset.done $0x0  }
0x693: {  	[sflag:s28] =	ssyncadd.s32 $0xFFFFFD00  }
0x694: {  	_ =	swait.ge [sflag:s28], $0x300  }
0x695: {  	[sflag:s28] =	ssyncset.done $0x0  }
0x696: {  	[sflag:s28] =	ssyncadd.s32 $0xFFFFFD00  }
0x697: {  	_ =	swait.ge [sflag:s28], $0x300  }
0x698: {  	[sflag:s28] =	ssyncset.done $0x0  }
0x699: {  	[sflag:s28] =	ssyncadd.s32 $0xFFFFFD00  }
0x69a: {  	_ =	swait.ge [sflag:s28], $0x300  }
0x69b: {  	[sflag:s28] =	ssyncset.done $0x0  }
0x69c: {  	[sflag:s28] =	ssyncadd.s32 $0xFFFFFD00  }
0x69d: {  	_ =	swait.ge [sflag:s28], $0x300  }
0x69e: {  	[sflag:s28] =	ssyncset.done $0x0  }
0x69f: {  	[sflag:s28] =	ssyncadd.s32 $0xFFFFFD00  }
0x6a0: {  	_ =	swait.ge [sflag:s28], $0x300  }
0x6a1: {  	[sflag:s28] =	ssyncset.done $0x0  }
0x6a2: {  	[sflag:s28] =	ssyncadd.s32 $0xFFFFFD00  }
0x6a3: {  	_ =	swait.ge [sflag:s28], $0x300  }
0x6a4: {  	[sflag:s28] =	ssyncset.done $0x0  }
0x6a5: {  	[sflag:s28] =	ssyncadd.s32 $0xFFFFFD00  }
0x6a6: {  	_ =	swait.ge [sflag:s28], $0x300  }
0x6a7: {  	[sflag:s28] =	ssyncset.done $0x0  }
0x6a8: {  	[sflag:s28] =	ssyncadd.s32 $0xFFFFFD00  }
0x6a9: {  	_ =	swait.ge [sflag:s28], $0x300  }
0x6aa: {  	[sflag:s28] =	ssyncset.done $0x0  }
0x6ab: {  	[sflag:s28] =	ssyncadd.s32 $0xFFFFFD00  }
0x6ac: {  	_ =	swait.ge [sflag:s28], $0x300  }
0x6ad: {  	[sflag:s28] =	ssyncset.done $0x0  }
0x6ae: {  	[sflag:s28] =	ssyncadd.s32 $0xFFFFFD00  }
0x6af: {  	_ =	swait.ge [sflag:s28], $0x300  }
0x6b0: {  	[sflag:s28] =	ssyncset.done $0x0  }
0x6b1: {  	[sflag:s28] =	ssyncadd.s32 $0xFFFFFD00  }
0x6b2: {  	_ =	swait.ge [sflag:s28], $0x300  }
0x6b3: {  	[sflag:s28] =	ssyncset.done $0x0  }
0x6b4: {  	[sflag:s28] =	ssyncadd.s32 $0xFFFFFD00  }
0x6b5: {  	_ =	swait.ge [sflag:s2], $0x300  }
0x6b6: {  	[sflag:s2] =	ssyncset.done $0x0  }
0x6b7: {  	[sflag:s2] =	ssyncadd.s32 $0xFFFFFD00  }
0x6b8: {  	_ =	swait.ge [sflag:s2], $0x300  }
0x6b9: {  	[sflag:s2] =	ssyncset.done $0x0  }
0x6ba: {  	[sflag:s2] =	ssyncadd.s32 $0xFFFFFD00  }
0x6bb: {  	_ =	swait.ge [sflag:s2], $0x300  }
0x6bc: {  	[sflag:s2] =	ssyncset.done $0x0  }
0x6bd: {  	[sflag:s2] =	ssyncadd.s32 $0xFFFFFD00  }
0x6be: {  	_ =	swait.ge [sflag:s2], $0x300  }
0x6bf: {  	[sflag:s2] =	ssyncset.done $0x0  }
0x6c0: {  	[sflag:s2] =	ssyncadd.s32 $0xFFFFFD00  }
0x6c1: {  	_ =	swait.ge [sflag:s2], $0x300  }
0x6c2: {  	[sflag:s2] =	ssyncset.done $0x0  }
0x6c3: {  	[sflag:s2] =	ssyncadd.s32 $0xFFFFFD00  }
0x6c4: {  	_ =	swait.ge [sflag:s2], $0x300  }
0x6c5: {  	[sflag:s2] =	ssyncset.done $0x0  }
0x6c6: {  	[sflag:s2] =	ssyncadd.s32 $0xFFFFFD00  }
0x6c7: {  	_ =	swait.ge [sflag:s2], $0x300  }
0x6c8: {  	[sflag:s2] =	ssyncset.done $0x0  }
0x6c9: {  	[sflag:s2] =	ssyncadd.s32 $0xFFFFFD00  }
0x6ca: {  	_ =	swait.ge [sflag:s2], $0x300  }
0x6cb: {  	[sflag:s2] =	ssyncset.done $0x0  }
0x6cc: {  	[sflag:s2] =	ssyncadd.s32 $0xFFFFFD00  }
0x6cd: {  	_ =	swait.ge [sflag:s2], $0x300  }
0x6ce: {  	[sflag:s2] =	ssyncset.done $0x0  }
0x6cf: {  	[sflag:s2] =	ssyncadd.s32 $0xFFFFFD00  }
0x6d0: {  	_ =	swait.ge [sflag:s2], $0x300  }
0x6d1: {  	[sflag:s2] =	ssyncset.done $0x0  }
0x6d2: {  	[sflag:s2] =	ssyncadd.s32 $0xFFFFFD00  }
0x6d3: {  	_ =	swait.ge [sflag:s2], $0x300  }
0x6d4: {  	[sflag:s2] =	ssyncset.done $0x0  }
0x6d5: {  	[sflag:s2] =	ssyncadd.s32 $0xFFFFFD00  }
0x6d6: {  	_ =	swait.ge [sflag:s2], $0x300  }
0x6d7: {  	[sflag:s2] =	ssyncset.done $0x0  }
0x6d8: {  	[sflag:s2] =	ssyncadd.s32 $0xFFFFFD00  }
0x6d9: {  	_ =	swait.ge [sflag:s2], $0x300  }
0x6da: {  	s12 =	sld [smem:$0x7D5]  }
0x6db: {  	s25 =	sld [smem:$0x7FD];
	_ =	sdelay $0x1  }
0x6dc: {  	s8 =	sadd.s32 $0x1, s12  }
0x6dd: {  	p0 =	sne.s32 s8, s25  }
.Ltmp7:
0x6de: {  	_ = 	snop;
	(pc) =	sbr.rel @p0 .LBB2_1-.Ltmp7, $3  }
0x6df: {  	_ =	sdelay $0x1  }
0x6e0: {  	[sflag:s2] =	ssyncset.done $0x0  }
0x6e1: {  	[sflag:s2] =	ssyncadd.s32 $0xFFFFFD00  }
0x6e2: {  	_ =	sfence.sel $0x180000  }
0x6e3: {  	[bflag:$0x0] =	sbarrier.arrive $0xFFFF  }
0x6e4: {  	_ =	strace $0x90000047  }
0x6e5: {  	s0 =	stileid.u32;
	[bflag:$0x2] =	sbarrier.arrive $0xFFFF  }
0x6e6: {  	p0 =	sne.s32 s0, $0x0;
	s0 =	rddreg [dreg:$0x4]  }
0x6e7: {  	s0 =	sadd.s32 @!p0 $0x100000, s0  }
0x6e8: {  	[sflag:s0] =	ssyncadd.tile.s32 @!p0 $0x1;
	_ =	shalt  }
.Lfunc_end2:
_tile_overlayer_lowered:
.L_overlay_start_2:
0x6e9: {  	(tag) =	ssettag $0x2  }
0x6ea: {  	s0 =	rddreg [dreg:$0x0];
	s2 =	stileid.u32  }
0x6eb: {  	s1 =	rddreg [dreg:$0x1];
	p0 =	sne.s32 s2, $0x0  }
0x6ec: {  	s3 =	rddreg [dreg:$0x2];
	[bflag:$0x3] =	sbarrier.arrive $0xFFFF;
	s2 =	simm.s32 @!p0 $0x1C07  }
0x6ed: {  	[timem:s3], [sflag:s2] =	dma.local @!p0 [hbm:s0], s1  }
0x6ee: {  	s0 =	simm.s32 @!p0 $0x7  }
0x6ef: {  	_ =	swait.ge @!p0 [sflag:s0], s1  }
0x6f0: {  	s1 =	ssub.s32 @!p0 $0x0, s1;
	[sflag:s0] =	ssyncset.done @!p0 $0x0  }
0x6f1: {  	[sflag:s0] =	ssyncadd.s32 @!p0 s1  }
0x6f2: {  	[bflag:$0x3] =	sbarrier.arrive $0xFFFF  }
0x6f3: {  	_ =	shalt  }

</sc_bundles>
